<compile_context>
chip_gen: v7x
topology: tpu7x:2x2x1
jax: 0.10.2.dev20260603
libtpu: 0.0.44.dev20260713+nightly
codegen_flags: <defaults>
</compile_context>

<pallas_src>
import functools

import jax
import jax.numpy as jnp
from jax import lax
from jax.experimental import pallas as pl
from jax.experimental.pallas import tpu as pltpu
from jax.experimental.pallas import tpu_sc as plsc

B, A, NB, F, R = 4, 512, 32, 128, 20
CUTOFF = 5.0
BLK = 128
EB = A // BLK
CH = BLK * NB


def _silu(x):
    return x / (1.0 + jnp.exp(-x))


def _cutoff(D):
    x = D * (1.0 / CUTOFF)
    x2 = x * x
    x4 = x2 * x2
    x8 = x4 * x4
    x9 = x8 * x
    x10 = x9 * x
    x11 = x10 * x
    out = 1.0 - 55.0 * x9 + 99.0 * x10 - 45.0 * x11
    return out * (D < CUTOFF).astype(D.dtype)


def _mlp2(x, W1, b1, W2, b2):
    h = jnp.dot(x, W1, preferred_element_type=jnp.float32) + b1
    h = _silu(h)
    return jnp.dot(h, W2, preferred_element_type=jnp.float32) + b2


def _stage1_body(a_ref, qd_ref, ql_ref,
                 Wa1, ba1, Wa2, ba2,
                 Wq1, bq1, Wq2, bq2,
                 Wm1, bm1, Wm2, bm2,
                 We1, be1, We2, be2,
                 amsij_o, qdyn_o, qlat_o, egate_o):
    a = a_ref[...]
    amsij_o[...] = _mlp2(a, Wa1[...], ba1[...], Wa2[...], ba2[...])
    q = _mlp2(a, Wq1[...], bq1[...], Wq2[...], bq2[...])
    qm = _mlp2(a, Wm1[...], bm1[...], Wm2[...], bm2[...])
    qlat_o[...] = ql_ref[...] + q
    qdyn_o[...] = qd_ref[...] + q * qm
    egate_o[...] = _mlp2(a, We1[...], be1[...], We2[...], be2[...])


def _stage1(a2, qd2, ql2, p):
    n = a2.shape[0]
    f32 = jnp.float32
    outs = [
        jax.ShapeDtypeStruct((n, F), f32),
        jax.ShapeDtypeStruct((n, F), f32),
        jax.ShapeDtypeStruct((n, 1), f32),
        jax.ShapeDtypeStruct((n, F), f32),
    ]
    wa = p['a']
    wq = p['q']
    wm = p['qm']
    we = p['e']
    return pl.pallas_call(_stage1_body, out_shape=outs)(
        a2, qd2, ql2,
        wa[0], wa[1].reshape(1, F), wa[2], wa[3].reshape(1, F),
        wq[0], wq[1].reshape(1, F), wq[2], wq[3].reshape(1, 1),
        wm[0], wm[1].reshape(1, F), wm[2], wm[3].reshape(1, F),
        we[0], we[1].reshape(1, F), we[2], we[3].reshape(1, F),
    )


def _sc_gather2(table_a, table_b, idx):
    info = plsc.get_sparse_core_info()
    nw = info.num_cores * info.num_subcores
    m = idx.shape[0]
    per_w = m // nw
    chunk = 128
    nch = per_w // chunk
    f32 = jnp.float32

    @functools.partial(
        pl.kernel,
        out_type=[jax.ShapeDtypeStruct((m, F), f32),
                  jax.ShapeDtypeStruct((m, F), f32)],
        mesh=plsc.VectorSubcoreMesh(core_axis_name="c", subcore_axis_name="s"),
        scratch_types=[
            pltpu.VMEM((per_w,), jnp.int32),
            pltpu.VMEM((2, chunk, F), f32),
            pltpu.VMEM((2, chunk, F), f32),
            pltpu.SemaphoreType.DMA,
            pltpu.SemaphoreType.DMA,
            pltpu.SemaphoreType.DMA,
            pltpu.SemaphoreType.DMA,
        ],
    )
    def k(ta, tb, ix, out_a, out_b, idx_v, rows_a, rows_b, gsem, ssem,
          gsem2, ssem2):
        wid = lax.axis_index("s") * info.num_cores + lax.axis_index("c")
        base = wid * per_w
        pltpu.sync_copy(ix.at[pl.ds(base, per_w)], idx_v)
        gsems = (gsem, gsem2)
        ssems = (ssem, ssem2)
        scat = [None, None, None, None]
        for c in range(nch):
            s = c % 2
            if scat[2 * s] is not None:
                scat[2 * s].wait()
                scat[2 * s + 1].wait()
            isl = idx_v.at[pl.ds(c * chunk, chunk)]
            cp_a = pltpu.async_copy(ta.at[isl], rows_a.at[s], gsems[s])
            cp_b = pltpu.async_copy(tb.at[isl], rows_b.at[s], gsems[s])
            osl = pl.ds(base + c * chunk, chunk)
            cp_a.wait()
            scat[2 * s] = pltpu.async_copy(rows_a.at[s], out_a.at[osl],
                                           ssems[s])
            cp_b.wait()
            scat[2 * s + 1] = pltpu.async_copy(rows_b.at[s], out_b.at[osl],
                                               ssems[s])
        for cp in scat:
            cp.wait()

    return k(table_a, table_b, idx)


def _stage3_body(a_ref, qd_ref, eg_ref, ed_ref, ai_ref,
                 aj_ref, qj_ref, rbf_ref, d_ref,
                 bd_ref, bl_ref,
                 Wr, br, Wb1, bb1, Wb2, bb2, Wm1, bm1, Wm2, bm2,
                 aout_o, eout_o, bdyn_o, blat_o):
    d2t = d_ref[0]
    d2 = jnp.transpose(d2t, (1, 0))
    cut3 = _cutoff(d2)[:, :, None]
    dinv3 = jnp.where(d2 > 0.0, 1.0 / d2, 0.0)[:, :, None]
    rbftb = rbf_ref[0]
    rbfmT = jax.lax.dot_general(rbftb, Wr[...], (((0,), (0,)), ((), ())),
                                preferred_element_type=jnp.float32)
    rbfm3 = jnp.transpose(rbfmT, (1, 0, 2)) + br[...]
    ai3 = ai_ref[...].reshape(BLK, 1, F)
    msij3 = ai3 * aj_ref[...].reshape(BLK, NB, F) * (rbfm3 * cut3)
    msij = msij3.reshape(CH, F)
    h = _silu(jnp.dot(msij, Wb1[...], preferred_element_type=jnp.float32) + bb1[...])
    bij = jnp.dot(h, Wb2[...], preferred_element_type=jnp.float32) + bb2[...]
    h2 = _silu(jnp.dot(msij, Wm1[...], preferred_element_type=jnp.float32) + bm1[...])
    bm = jnp.dot(h2, Wm2[...], preferred_element_type=jnp.float32) + bm2[...]
    bnew3 = bd_ref[0] + (bij * bm).reshape(BLK, NB, F)
    bdyn_o[0] = bnew3
    blat_o[0] = bl_ref[0] + jnp.transpose(bij.reshape(BLK, NB), (1, 0))
    qi3 = qd_ref[...].reshape(BLK, 1, F)
    diff = qi3 * qj_ref[...].reshape(BLK, NB, F) - bnew3
    de = jnp.sum(diff * dinv3, axis=1)
    de = eg_ref[...] * de
    aout_o[0] = a_ref[0] + de
    eout_o[0] = ed_ref[0] + de


def _stage3(a3, qdyn2, egate2, edyn3, amsij2, aj2, qj2,
            rbf4, d3, bdyn4, blat3, p):
    f32 = jnp.float32
    atom3 = pl.BlockSpec((1, BLK, F), lambda b, i: (b, i, 0))
    atom2 = pl.BlockSpec((BLK, F), lambda b, i: (b * EB + i, 0))
    edge2 = pl.BlockSpec((CH, F), lambda b, i: (b * EB + i, 0))
    rbfs = pl.BlockSpec((1, R, NB, BLK), lambda b, i: (b, 0, 0, i))
    dns = pl.BlockSpec((1, NB, BLK), lambda b, i: (b, 0, i))
    bd4s = pl.BlockSpec((1, BLK, NB, F), lambda b, i: (b, i, 0, 0))

    def wspec(w):
        nd = len(w.shape)
        return pl.BlockSpec(w.shape, lambda b, i, _n=nd: (0,) * _n)

    wr, wb, wm = p['rbf'], p['b'], p['bm']
    weights = [wr[0], wr[1].reshape(1, F),
               wb[0], wb[1].reshape(1, F), wb[2], wb[3].reshape(1, 1),
               wm[0], wm[1].reshape(1, F), wm[2], wm[3].reshape(1, F)]
    outs = [
        jax.ShapeDtypeStruct((B, A, F), f32),
        jax.ShapeDtypeStruct((B, A, F), f32),
        jax.ShapeDtypeStruct((B, A, NB, F), f32),
        jax.ShapeDtypeStruct((B, NB, A), f32),
    ]
    return pl.pallas_call(
        _stage3_body,
        grid=(B, EB),
        in_specs=[atom3, atom2, atom2, atom3, atom2,
                  edge2, edge2, rbfs, dns,
                  bd4s, dns] + [wspec(w) for w in weights],
        out_specs=[atom3, atom3, bd4s, dns],
        out_shape=outs,
    )(a3, qdyn2, egate2, edyn3, amsij2, aj2, qj2,
      rbf4, d3, bdyn4, blat3, *weights)


def kernel(a, q_dynamics, b_dynamics, e_dynamics, q_latent, b_latent,
           rbf, D, N, NM, params):
    a2 = a.reshape(B * A, F)
    qd2 = q_dynamics.reshape(B * A, F)
    ql2 = q_latent.reshape(B * A, 1)

    amsij, qdyn_new, qlat_new, egate = _stage1(a2, qd2, ql2, params)

    idx = (N.astype(jnp.int32).reshape(B, A * NB)
           + (jnp.arange(B, dtype=jnp.int32) * A)[:, None]).reshape(B * A * NB)

    aj, qj = _sc_gather2(amsij, qdyn_new, idx)

    dT = D.transpose(0, 2, 1)

    aout, edyn_new, bdyn_new, blat_new = _stage3(
        a,
        qdyn_new,
        egate,
        e_dynamics,
        amsij,
        aj,
        qj,
        rbf.transpose(0, 3, 2, 1),
        dT,
        b_dynamics,
        b_latent.transpose(0, 2, 1),
        params,
    )

    return (aout,
            qdyn_new.reshape(B, A, F),
            bdyn_new,
            edyn_new,
            qlat_new.reshape(B, A, 1),
            blat_new.transpose(0, 2, 1))

# --- scband reference (transcript-rebuilt; emitter-appended) ---
"""Pipeline reference for scband-message-passing-180388627169 (READ-ONLY COPY).

The authoritative reference and input builder live on the scoring server;
editing this copy changes nothing except your own understanding.
"""

import jax, jax.numpy as jnp
import numpy as np

B, A, NB, F, R = 4, 512, 32, 128, 20
CUTOFF = 5.0
P = 9

def silu(x):
    return x * jax.nn.sigmoid(x)

def dense(x, W, b):
    return x @ W + b

def mlp2(x, p):
    return dense(silu(dense(x, p[0], p[1])), p[2], p[3])

def cutoff_fn(D):
    x = D / CUTOFF
    out = (1.0
           - ((P + 1.0) * (P + 2.0) / 2.0) * x ** P
           + P * (P + 2.0) * x ** (P + 1)
           - (P * (P + 1.0) / 2.0) * x ** (P + 2))
    return out * (D < CUTOFF).astype(D.dtype)

def make_params(key):
    ks = jax.random.split(key, 16)
    def w(k, i, o):
        return jax.random.normal(k, (i, o), jnp.float32) / np.sqrt(i)
    def pair(k1, k2, din, dmid, dout):
        return (w(k1, din, dmid), jnp.zeros((dmid,), jnp.float32),
                w(k2, dmid, dout), jnp.zeros((dout,), jnp.float32))
    return {
        'rbf': (w(ks[0], R, F), jnp.zeros((F,), jnp.float32)),
        'a':  pair(ks[1], ks[2], F, F, F),
        'q':  pair(ks[3], ks[4], F, F, 1),
        'qm': pair(ks[5], ks[6], F, F, F),
        'b':  pair(ks[7], ks[8], F, F, 1),
        'bm': pair(ks[9], ks[10], F, F, F),
        'e':  pair(ks[11], ks[12], F, F, F),
    }

def setup_inputs(seed: int = 0):
    key = jax.random.key(seed)
    ks = jax.random.split(key, 12)
    return {
        'a': jax.random.normal(ks[0], (B, A, F), jnp.float32),
        'q_dynamics': jax.random.normal(ks[1], (B, A, F), jnp.float32),
        'b_dynamics': jax.random.normal(ks[2], (B, A, NB, F), jnp.float32),
        'e_dynamics': jax.random.normal(ks[3], (B, A, F), jnp.float32),
        'q_latent': jnp.zeros((B, A, 1), jnp.float32),
        'b_latent': jnp.zeros((B, A, NB), jnp.float32),
        'rbf': jax.random.uniform(ks[4], (B, A, NB, R), jnp.float32),
        'D': jax.random.uniform(ks[5], (B, A, NB), jnp.float32),
        'N': jax.random.randint(ks[6], (B, A, NB), 0, A),
        'NM': jnp.ones((B, A, NB), jnp.float32),
        'params': make_params(ks[7]),
    }

def reference(a, q_dynamics, b_dynamics, e_dynamics, q_latent, b_latent, rbf, D, N, NM, params):
    b_size, a_size, n_size = N.shape
    nf = a.shape[-1]
    rbf_msij = dense(rbf, params['rbf'][0], params['rbf'][1])
    rbf_msij = rbf_msij * cutoff_fn(D)[..., None]
    a_msij = mlp2(a, params['a'])
    ai_msij = jnp.broadcast_to(a_msij[:, :, None, :], (b_size, a_size, n_size, nf))
    idx = N.reshape(b_size, a_size * n_size, 1)
    aj_msij = jnp.take_along_axis(a_msij, idx, axis=1).reshape(b_size, a_size, n_size, nf)
    msij = ai_msij * aj_msij * rbf_msij
    q = mlp2(a, params['q'])
    q_latent = q_latent + q
    q_dynamics = q_dynamics + q * mlp2(a, params['qm'])
    qi = jnp.broadcast_to(q_dynamics[:, :, None, :], (b_size, a_size, n_size, nf))
    qj = jnp.take_along_axis(q_dynamics, idx, axis=1).reshape(b_size, a_size, n_size, nf)
    qiqj = qi * qj
    bij = mlp2(msij, params['b'])
    b_latent = b_latent + jnp.squeeze(bij, -1)
    b_dynamics = b_dynamics + bij * mlp2(msij, params['bm'])
    D_inv = jnp.nan_to_num(jnp.reciprocal(D), posinf=0.0)[..., None]
    de_i = jnp.sum(D_inv * (qiqj - b_dynamics), axis=2)
    de_i = mlp2(a, params['e']) * de_i
    a_out = a + de_i
    e_dynamics = e_dynamics + de_i
    return (a_out, q_dynamics, b_dynamics, e_dynamics, q_latent, b_latent)

if __name__ == "__main__":
    import jax
    _d = setup_inputs()
    print(jax.jit(kernel)(*tuple(_d.values())))

</pallas_src>

<mosaic_0001>
#map = affine_map<(d0, d1) -> (0, 0)>
#map1 = affine_map<(d0, d1) -> (0)>
module attributes {stable_mosaic.version = 14 : i64} {
  func.func @k(%arg0: i32, %arg1: i32, %arg2: memref<2048x128xf32, #tpu.memory_space<hbm>>, %arg3: memref<2048x128xf32, #tpu.memory_space<hbm>>, %arg4: memref<65536xi32, #tpu.memory_space<hbm>>, %arg5: memref<65536x128xf32, #tpu.memory_space<hbm>>, %arg6: memref<65536x128xf32, #tpu.memory_space<hbm>>, %arg7: memref<2048xi32, #tpu.memory_space<vmem>>, %arg8: memref<2x128x128xf32, #tpu.memory_space<vmem>>, %arg9: memref<2x128x128xf32, #tpu.memory_space<vmem>>, %arg10: memref<!tpu.dma_semaphore, #tpu.memory_space<semaphore_mem>>, %arg11: memref<!tpu.dma_semaphore, #tpu.memory_space<semaphore_mem>>, %arg12: memref<!tpu.dma_semaphore, #tpu.memory_space<semaphore_mem>>, %arg13: memref<!tpu.dma_semaphore, #tpu.memory_space<semaphore_mem>>) attributes {dimension_semantics = [#tpu.dimension_semantics<core_parallel>, #tpu.dimension_semantics<subcore_parallel>], iteration_bounds = array<i64: 2, 16>, scalar_prefetch = 0 : i64, scratch_operands = 7 : i64, tpu.core_type = #tpu.core_type<sc_vector_subcore>, window_params = [{transform_indices = #map}, {transform_indices = #map}, {transform_indices = #map1}, {transform_indices = #map}, {transform_indices = #map}]} {
    %mul3A = arith.constant 2 : i32
    %mul3A_0 = arith.muli %arg1, %mul3A : i32
    %add3A = arith.addi %mul3A_0, %arg0 : i32
    %mul3A_1 = arith.constant 2048 : i32
    %mul3A_2 = arith.muli %add3A, %mul3A_1 : i32
    "tpu.region"() ({
      %run_scoped3A = tpu.sem_alloc : memref<!tpu.dma_semaphore, #tpu.memory_space<semaphore_mem>>
      %dma_start3A_1505 = tpu.memref_slice %arg4[%mul3A_2] : memref<65536xi32, #tpu.memory_space<hbm>> -> memref<2048xi32, #tpu.memory_space<hbm>>
      %dma_start3A_1506 = tpu.memref_slice %arg4[%mul3A_2] : memref<65536xi32, #tpu.memory_space<hbm>> -> memref<2048xi32, #tpu.memory_space<hbm>>
      tpu.enqueue_dma source(%dma_start3A_1506 : memref<2048xi32, #tpu.memory_space<hbm>>) target(%arg7 : memref<2048xi32, #tpu.memory_space<vmem>>) target_semaphore(%run_scoped3A : memref<!tpu.dma_semaphore, #tpu.memory_space<semaphore_mem>>)
      %dma_wait3A_1507 = tpu.memref_slice %arg4[%mul3A_2] : memref<65536xi32, #tpu.memory_space<hbm>> -> memref<2048xi32, #tpu.memory_space<hbm>>
      %dma_wait3A_1508 = tpu.memref_slice %arg4[%mul3A_2] : memref<65536xi32, #tpu.memory_space<hbm>> -> memref<2048xi32, #tpu.memory_space<hbm>>
      tpu.wait_dma2 semaphore(%run_scoped3A : memref<!tpu.dma_semaphore, #tpu.memory_space<semaphore_mem>>) src(%dma_wait3A_1508 : memref<2048xi32, #tpu.memory_space<hbm>>) dst(%arg7 : memref<2048xi32, #tpu.memory_space<vmem>>)
      tpu.yield
    }) : () -> ()
    %dma_start3A = arith.constant 0 : i32
    %dma_start3A_3 = arith.constant 0 : i32
    %dma_start3A_4 = arith.constant 0 : i32
    %dma_start3A_5 = tpu.memref_slice %arg8[%dma_start3A, %dma_start3A_3, %dma_start3A_4] : memref<2x128x128xf32, #tpu.memory_space<vmem>> -> memref<1x128x128xf32, #tpu.memory_space<vmem>>
    %dma_start3A_6 = tpu.memref_squeeze %dma_start3A_5 : memref<1x128x128xf32, #tpu.memory_space<vmem>> -> memref<128x128xf32, #tpu.memory_space<vmem>>
    %dma_start3A_7 = arith.constant 0 : i32
    %dma_start3A_8 = tpu.memref_slice %arg7[%dma_start3A_7] : memref<2048xi32, #tpu.memory_space<vmem>> -> memref<128xi32, #tpu.memory_space<vmem>>
    %dma_start3A_9 = arith.constant 0 : i32
    %dma_start3A_10 = arith.constant 0 : i32
    %dma_start3A_11 = tpu.memref_slice %arg2[%dma_start3A_9, %dma_start3A_10] : memref<2048x128xf32, #tpu.memory_space<hbm>> -> memref<2048x128xf32, #tpu.memory_space<hbm>>
    tpu.enqueue_indirect_dma source(%dma_start3A_11 : memref<2048x128xf32, #tpu.memory_space<hbm>>) target(%dma_start3A_6 : memref<128x128xf32, #tpu.memory_space<vmem>>) offsets(%dma_start3A_8 : memref<128xi32, #tpu.memory_space<vmem>>) semaphore(%arg10 : memref<!tpu.dma_semaphore, #tpu.memory_space<semaphore_mem>>)
    %dma_start3A_12 = arith.constant 0 : i32
    %dma_start3A_13 = arith.constant 0 : i32
    %dma_start3A_14 = arith.constant 0 : i32
    %dma_start3A_15 = tpu.memref_slice %arg9[%dma_start3A_12, %dma_start3A_13, %dma_start3A_14] : memref<2x128x128xf32, #tpu.memory_space<vmem>> -> memref<1x128x128xf32, #tpu.memory_space<vmem>>
    %dma_start3A_16 = tpu.memref_squeeze %dma_start3A_15 : memref<1x128x128xf32, #tpu.memory_space<vmem>> -> memref<128x128xf32, #tpu.memory_space<vmem>>
    %dma_start3A_17 = arith.constant 0 : i32
    %dma_start3A_18 = tpu.memref_slice %arg7[%dma_start3A_17] : memref<2048xi32, #tpu.memory_space<vmem>> -> memref<128xi32, #tpu.memory_space<vmem>>
    %dma_start3A_19 = arith.constant 0 : i32
    %dma_start3A_20 = arith.constant 0 : i32
    %dma_start3A_21 = tpu.memref_slice %arg3[%dma_start3A_19, %dma_start3A_20] : memref<2048x128xf32, #tpu.memory_space<hbm>> -> memref<2048x128xf32, #tpu.memory_space<hbm>>
    tpu.enqueue_indirect_dma source(%dma_start3A_21 : memref<2048x128xf32, #tpu.memory_space<hbm>>) target(%dma_start3A_16 : memref<128x128xf32, #tpu.memory_space<vmem>>) offsets(%dma_start3A_18 : memref<128xi32, #tpu.memory_space<vmem>>) semaphore(%arg10 : memref<!tpu.dma_semaphore, #tpu.memory_space<semaphore_mem>>)
    %add3A_22 = arith.constant 0 : i32
    %add3A_23 = arith.addi %mul3A_2, %add3A_22 : i32
    %dma_wait3A = arith.constant 0 : i32
    %dma_wait3A_24 = arith.constant 0 : i32
    %dma_wait3A_25 = arith.constant 0 : i32
    %dma_wait3A_26 = tpu.memref_slice %arg8[%dma_wait3A, %dma_wait3A_24, %dma_wait3A_25] : memref<2x128x128xf32, #tpu.memory_space<vmem>> -> memref<1x128x128xf32, #tpu.memory_space<vmem>>
    %dma_wait3A_27 = tpu.memref_squeeze %dma_wait3A_26 : memref<1x128x128xf32, #tpu.memory_space<vmem>> -> memref<128x128xf32, #tpu.memory_space<vmem>>
    %dma_wait3A_28 = arith.constant 0 : i32
    %dma_wait3A_29 = tpu.memref_slice %arg7[%dma_wait3A_28] : memref<2048xi32, #tpu.memory_space<vmem>> -> memref<128xi32, #tpu.memory_space<vmem>>
    %dma_wait3A_30 = arith.constant 0 : i32
    %dma_wait3A_31 = arith.constant 0 : i32
    %dma_wait3A_32 = tpu.memref_slice %arg2[%dma_wait3A_30, %dma_wait3A_31] : memref<2048x128xf32, #tpu.memory_space<hbm>> -> memref<2048x128xf32, #tpu.memory_space<hbm>>
    tpu.wait_indirect_dma semaphore(%arg10 : memref<!tpu.dma_semaphore, #tpu.memory_space<semaphore_mem>>) src(%dma_wait3A_32 : memref<2048x128xf32, #tpu.memory_space<hbm>>) dst(%dma_wait3A_27 : memref<128x128xf32, #tpu.memory_space<vmem>>)
    %dma_start3A_33 = arith.constant 0 : i32
    %dma_start3A_34 = arith.constant 0 : i32
    %dma_start3A_35 = arith.constant 0 : i32
    %dma_start3A_36 = tpu.memref_slice %arg8[%dma_start3A_33, %dma_start3A_34, %dma_start3A_35] : memref<2x128x128xf32, #tpu.memory_space<vmem>> -> memref<1x128x128xf32, #tpu.memory_space<vmem>>
    %dma_start3A_37 = tpu.memref_squeeze %dma_start3A_36 : memref<1x128x128xf32, #tpu.memory_space<vmem>> -> memref<128x128xf32, #tpu.memory_space<vmem>>
    %dma_start3A_38 = arith.constant 0 : i32
    %dma_start3A_39 = tpu.memref_slice %arg5[%add3A_23, %dma_start3A_38] : memref<65536x128xf32, #tpu.memory_space<hbm>> -> memref<128x128xf32, #tpu.memory_space<hbm>>
    %dma_start3A_40 = arith.constant 0 : i32
    %dma_start3A_41 = tpu.memref_slice %arg5[%add3A_23, %dma_start3A_40] : memref<65536x128xf32, #tpu.memory_space<hbm>> -> memref<128x128xf32, #tpu.memory_space<hbm>>
    %dma_start3A_42 = arith.constant 0 : i32
    %dma_start3A_43 = arith.constant 0 : i32
    %dma_start3A_44 = tpu.memref_slice %arg8[%dma_start3A_33, %dma_start3A_42, %dma_start3A_43] : memref<2x128x128xf32, #tpu.memory_space<vmem>> -> memref<1x128x128xf32, #tpu.memory_space<vmem>>
    %dma_start3A_45 = tpu.memref_squeeze %dma_start3A_44 : memref<1x128x128xf32, #tpu.memory_space<vmem>> -> memref<128x128xf32, #tpu.memory_space<vmem>>
    tpu.enqueue_dma source(%dma_start3A_45 : memref<128x128xf32, #tpu.memory_space<vmem>>) target(%dma_start3A_41 : memref<128x128xf32, #tpu.memory_space<hbm>>) target_semaphore(%arg11 : memref<!tpu.dma_semaphore, #tpu.memory_space<semaphore_mem>>)
    %dma_wait3A_46 = arith.constant 0 : i32
    %dma_wait3A_47 = arith.constant 0 : i32
    %dma_wait3A_48 = arith.constant 0 : i32
    %dma_wait3A_49 = tpu.memref_slice %arg9[%dma_wait3A_46, %dma_wait3A_47, %dma_wait3A_48] : memref<2x128x128xf32, #tpu.memory_space<vmem>> -> memref<1x128x128xf32, #tpu.memory_space<vmem>>
    %dma_wait3A_50 = tpu.memref_squeeze %dma_wait3A_49 : memref<1x128x128xf32, #tpu.memory_space<vmem>> -> memref<128x128xf32, #tpu.memory_space<vmem>>
    %dma_wait3A_51 = arith.constant 0 : i32
    %dma_wait3A_52 = tpu.memref_slice %arg7[%dma_wait3A_51] : memref<2048xi32, #tpu.memory_space<vmem>> -> memref<128xi32, #tpu.memory_space<vmem>>
    %dma_wait3A_53 = arith.constant 0 : i32
    %dma_wait3A_54 = arith.constant 0 : i32
    %dma_wait3A_55 = tpu.memref_slice %arg3[%dma_wait3A_53, %dma_wait3A_54] : memref<2048x128xf32, #tpu.memory_space<hbm>> -> memref<2048x128xf32, #tpu.memory_space<hbm>>
    tpu.wait_indirect_dma semaphore(%arg10 : memref<!tpu.dma_semaphore, #tpu.memory_space<semaphore_mem>>) src(%dma_wait3A_55 : memref<2048x128xf32, #tpu.memory_space<hbm>>) dst(%dma_wait3A_50 : memref<128x128xf32, #tpu.memory_space<vmem>>)
    %dma_start3A_56 = arith.constant 0 : i32
    %dma_start3A_57 = arith.constant 0 : i32
    %dma_start3A_58 = arith.constant 0 : i32
    %dma_start3A_59 = tpu.memref_slice %arg9[%dma_start3A_56, %dma_start3A_57, %dma_start3A_58] : memref<2x128x128xf32, #tpu.memory_space<vmem>> -> memref<1x128x128xf32, #tpu.memory_space<vmem>>
    %dma_start3A_60 = tpu.memref_squeeze %dma_start3A_59 : memref<1x128x128xf32, #tpu.memory_space<vmem>> -> memref<128x128xf32, #tpu.memory_space<vmem>>
    %dma_start3A_61 = arith.constant 0 : i32
    %dma_start3A_62 = tpu.memref_slice %arg6[%add3A_23, %dma_start3A_61] : memref<65536x128xf32, #tpu.memory_space<hbm>> -> memref<128x128xf32, #tpu.memory_space<hbm>>
    %dma_start3A_63 = arith.constant 0 : i32
    %dma_start3A_64 = tpu.memref_slice %arg6[%add3A_23, %dma_start3A_63] : memref<65536x128xf32, #tpu.memory_space<hbm>> -> memref<128x128xf32, #tpu.memory_space<hbm>>
    %dma_start3A_65 = arith.constant 0 : i32
    %dma_start3A_66 = arith.constant 0 : i32
    %dma_start3A_67 = tpu.memref_slice %arg9[%dma_start3A_56, %dma_start3A_65, %dma_start3A_66] : memref<2x128x128xf32, #tpu.memory_space<vmem>> -> memref<1x128x128xf32, #tpu.memory_space<vmem>>
    %dma_start3A_68 = tpu.memref_squeeze %dma_start3A_67 : memref<1x128x128xf32, #tpu.memory_space<vmem>> -> memref<128x128xf32, #tpu.memory_space<vmem>>
    tpu.enqueue_dma source(%dma_start3A_68 : memref<128x128xf32, #tpu.memory_space<vmem>>) target(%dma_start3A_64 : memref<128x128xf32, #tpu.memory_space<hbm>>) target_semaphore(%arg11 : memref<!tpu.dma_semaphore, #tpu.memory_space<semaphore_mem>>)
    %dma_start3A_69 = arith.constant 1 : i32
    %dma_start3A_70 = arith.constant 0 : i32
    %dma_start3A_71 = arith.constant 0 : i32
    %dma_start3A_72 = tpu.memref_slice %arg8[%dma_start3A_69, %dma_start3A_70, %dma_start3A_71] : memref<2x128x128xf32, #tpu.memory_space<vmem>> -> memref<1x128x128xf32, #tpu.memory_space<vmem>>
    %dma_start3A_73 = tpu.memref_squeeze %dma_start3A_72 : memref<1x128x128xf32, #tpu.memory_space<vmem>> -> memref<128x128xf32, #tpu.memory_space<vmem>>
    %dma_start3A_74 = arith.constant 128 : i32
    %dma_start3A_75 = tpu.memref_slice %arg7[%dma_start3A_74] : memref<2048xi32, #tpu.memory_space<vmem>> -> memref<128xi32, #tpu.memory_space<vmem>>
    %dma_start3A_76 = arith.constant 0 : i32
    %dma_start3A_77 = arith.constant 0 : i32
    %dma_start3A_78 = tpu.memref_slice %arg2[%dma_start3A_76, %dma_start3A_77] : memref<2048x128xf32, #tpu.memory_space<hbm>> -> memref<2048x128xf32, #tpu.memory_space<hbm>>
    tpu.enqueue_indirect_dma source(%dma_start3A_78 : memref<2048x128xf32, #tpu.memory_space<hbm>>) target(%dma_start3A_73 : memref<128x128xf32, #tpu.memory_space<vmem>>) offsets(%dma_start3A_75 : memref<128xi32, #tpu.memory_space<vmem>>) semaphore(%arg12 : memref<!tpu.dma_semaphore, #tpu.memory_space<semaphore_mem>>)
    %dma_start3A_79 = arith.constant 1 : i32
    %dma_start3A_80 = arith.constant 0 : i32
    %dma_start3A_81 = arith.constant 0 : i32
    %dma_start3A_82 = tpu.memref_slice %arg9[%dma_start3A_79, %dma_start3A_80, %dma_start3A_81] : memref<2x128x128xf32, #tpu.memory_space<vmem>> -> memref<1x128x128xf32, #tpu.memory_space<vmem>>
    %dma_start3A_83 = tpu.memref_squeeze %dma_start3A_82 : memref<1x128x128xf32, #tpu.memory_space<vmem>> -> memref<128x128xf32, #tpu.memory_space<vmem>>
    %dma_start3A_84 = arith.constant 128 : i32
    %dma_start3A_85 = tpu.memref_slice %arg7[%dma_start3A_84] : memref<2048xi32, #tpu.memory_space<vmem>> -> memref<128xi32, #tpu.memory_space<vmem>>
    %dma_start3A_86 = arith.constant 0 : i32
    %dma_start3A_87 = arith.constant 0 : i32
    %dma_start3A_88 = tpu.memref_slice %arg3[%dma_start3A_86, %dma_start3A_87] : memref<2048x128xf32, #tpu.memory_space<hbm>> -> memref<2048x128xf32, #tpu.memory_space<hbm>>
    tpu.enqueue_indirect_dma source(%dma_start3A_88 : memref<2048x128xf32, #tpu.memory_space<hbm>>) target(%dma_start3A_83 : memref<128x128xf32, #tpu.memory_space<vmem>>) offsets(%dma_start3A_85 : memref<128xi32, #tpu.memory_space<vmem>>) semaphore(%arg12 : memref<!tpu.dma_semaphore, #tpu.memory_space<semaphore_mem>>)
    %add3A_89 = arith.constant 128 : i32
    %add3A_90 = arith.addi %mul3A_2, %add3A_89 : i32
    %dma_wait3A_91 = arith.constant 1 : i32
    %dma_wait3A_92 = arith.constant 0 : i32
    %dma_wait3A_93 = arith.constant 0 : i32
    %dma_wait3A_94 = tpu.memref_slice %arg8[%dma_wait3A_91, %dma_wait3A_92, %dma_wait3A_93] : memref<2x128x128xf32, #tpu.memory_space<vmem>> -> memref<1x128x128xf32, #tpu.memory_space<vmem>>
    %dma_wait3A_95 = tpu.memref_squeeze %dma_wait3A_94 : memref<1x128x128xf32, #tpu.memory_space<vmem>> -> memref<128x128xf32, #tpu.memory_space<vmem>>
    %dma_wait3A_96 = arith.constant 128 : i32
    %dma_wait3A_97 = tpu.memref_slice %arg7[%dma_wait3A_96] : memref<2048xi32, #tpu.memory_space<vmem>> -> memref<128xi32, #tpu.memory_space<vmem>>
    %dma_wait3A_98 = arith.constant 0 : i32
    %dma_wait3A_99 = arith.constant 0 : i32
    %dma_wait3A_100 = tpu.memref_slice %arg2[%dma_wait3A_98, %dma_wait3A_99] : memref<2048x128xf32, #tpu.memory_space<hbm>> -> memref<2048x128xf32, #tpu.memory_space<hbm>>
    tpu.wait_indirect_dma semaphore(%arg12 : memref<!tpu.dma_semaphore, #tpu.memory_space<semaphore_mem>>) src(%dma_wait3A_100 : memref<2048x128xf32, #tpu.memory_space<hbm>>) dst(%dma_wait3A_95 : memref<128x128xf32, #tpu.memory_space<vmem>>)
    %dma_start3A_101 = arith.constant 1 : i32
    %dma_start3A_102 = arith.constant 0 : i32
    %dma_start3A_103 = arith.constant 0 : i32
    %dma_start3A_104 = tpu.memref_slice %arg8[%dma_start3A_101, %dma_start3A_102, %dma_start3A_103] : memref<2x128x128xf32, #tpu.memory_space<vmem>> -> memref<1x128x128xf32, #tpu.memory_space<vmem>>
    %dma_start3A_105 = tpu.memref_squeeze %dma_start3A_104 : memref<1x128x128xf32, #tpu.memory_space<vmem>> -> memref<128x128xf32, #tpu.memory_space<vmem>>
    %dma_start3A_106 = arith.constant 0 : i32
    %dma_start3A_107 = tpu.memref_slice %arg5[%add3A_90, %dma_start3A_106] : memref<65536x128xf32, #tpu.memory_space<hbm>> -> memref<128x128xf32, #tpu.memory_space<hbm>>
    %dma_start3A_108 = arith.constant 0 : i32
    %dma_start3A_109 = tpu.memref_slice %arg5[%add3A_90, %dma_start3A_108] : memref<65536x128xf32, #tpu.memory_space<hbm>> -> memref<128x128xf32, #tpu.memory_space<hbm>>
    %dma_start3A_110 = arith.constant 0 : i32
    %dma_start3A_111 = arith.constant 0 : i32
    %dma_start3A_112 = tpu.memref_slice %arg8[%dma_start3A_101, %dma_start3A_110, %dma_start3A_111] : memref<2x128x128xf32, #tpu.memory_space<vmem>> -> memref<1x128x128xf32, #tpu.memory_space<vmem>>
    %dma_start3A_113 = tpu.memref_squeeze %dma_start3A_112 : memref<1x128x128xf32, #tpu.memory_space<vmem>> -> memref<128x128xf32, #tpu.memory_space<vmem>>
    tpu.enqueue_dma source(%dma_start3A_113 : memref<128x128xf32, #tpu.memory_space<vmem>>) target(%dma_start3A_109 : memref<128x128xf32, #tpu.memory_space<hbm>>) target_semaphore(%arg13 : memref<!tpu.dma_semaphore, #tpu.memory_space<semaphore_mem>>)
    %dma_wait3A_114 = arith.constant 1 : i32
    %dma_wait3A_115 = arith.constant 0 : i32
    %dma_wait3A_116 = arith.constant 0 : i32
    %dma_wait3A_117 = tpu.memref_slice %arg9[%dma_wait3A_114, %dma_wait3A_115, %dma_wait3A_116] : memref<2x128x128xf32, #tpu.memory_space<vmem>> -> memref<1x128x128xf32, #tpu.memory_space<vmem>>
    %dma_wait3A_118 = tpu.memref_squeeze %dma_wait3A_117 : memref<1x128x128xf32, #tpu.memory_space<vmem>> -> memref<128x128xf32, #tpu.memory_space<vmem>>
    %dma_wait3A_119 = arith.constant 128 : i32
    %dma_wait3A_120 = tpu.memref_slice %arg7[%dma_wait3A_119] : memref<2048xi32, #tpu.memory_space<vmem>> -> memref<128xi32, #tpu.memory_space<vmem>>
    %dma_wait3A_121 = arith.constant 0 : i32
    %dma_wait3A_122 = arith.constant 0 : i32
    %dma_wait3A_123 = tpu.memref_slice %arg3[%dma_wait3A_121, %dma_wait3A_122] : memref<2048x128xf32, #tpu.memory_space<hbm>> -> memref<2048x128xf32, #tpu.memory_space<hbm>>
    tpu.wait_indirect_dma semaphore(%arg12 : memref<!tpu.dma_semaphore, #tpu.memory_space<semaphore_mem>>) src(%dma_wait3A_123 : memref<2048x128xf32, #tpu.memory_space<hbm>>) dst(%dma_wait3A_118 : memref<128x128xf32, #tpu.memory_space<vmem>>)
    %dma_start3A_124 = arith.constant 1 : i32
    %dma_start3A_125 = arith.constant 0 : i32
    %dma_start3A_126 = arith.constant 0 : i32
    %dma_start3A_127 = tpu.memref_slice %arg9[%dma_start3A_124, %dma_start3A_125, %dma_start3A_126] : memref<2x128x128xf32, #tpu.memory_space<vmem>> -> memref<1x128x128xf32, #tpu.memory_space<vmem>>
    %dma_start3A_128 = tpu.memref_squeeze %dma_start3A_127 : memref<1x128x128xf32, #tpu.memory_space<vmem>> -> memref<128x128xf32, #tpu.memory_space<vmem>>
    %dma_start3A_129 = arith.constant 0 : i32
    %dma_start3A_130 = tpu.memref_slice %arg6[%add3A_90, %dma_start3A_129] : memref<65536x128xf32, #tpu.memory_space<hbm>> -> memref<128x128xf32, #tpu.memory_space<hbm>>
    %dma_start3A_131 = arith.constant 0 : i32
    %dma_start3A_132 = tpu.memref_slice %arg6[%add3A_90, %dma_start3A_131] : memref<65536x128xf32, #tpu.memory_space<hbm>> -> memref<128x128xf32, #tpu.memory_space<hbm>>
    %dma_start3A_133 = arith.constant 0 : i32
    %dma_start3A_134 = arith.constant 0 : i32
    %dma_start3A_135 = tpu.memref_slice %arg9[%dma_start3A_124, %dma_start3A_133, %dma_start3A_134] : memref<2x128x128xf32, #tpu.memory_space<vmem>> -> memref<1x128x128xf32, #tpu.memory_space<vmem>>
    %dma_start3A_136 = tpu.memref_squeeze %dma_start3A_135 : memref<1x128x128xf32, #tpu.memory_space<vmem>> -> memref<128x128xf32, #tpu.memory_space<vmem>>
    tpu.enqueue_dma source(%dma_start3A_136 : memref<128x128xf32, #tpu.memory_space<vmem>>) target(%dma_start3A_132 : memref<128x128xf32, #tpu.memory_space<hbm>>) target_semaphore(%arg13 : memref<!tpu.dma_semaphore, #tpu.memory_space<semaphore_mem>>)
    %dma_wait3A_137 = arith.constant 0 : i32
    %dma_wait3A_138 = arith.constant 0 : i32
    %dma_wait3A_139 = arith.constant 0 : i32
    %dma_wait3A_140 = tpu.memref_slice %arg8[%dma_wait3A_137, %dma_wait3A_138, %dma_wait3A_139] : memref<2x128x128xf32, #tpu.memory_space<vmem>> -> memref<1x128x128xf32, #tpu.memory_space<vmem>>
    %dma_wait3A_141 = tpu.memref_squeeze %dma_wait3A_140 : memref<1x128x128xf32, #tpu.memory_space<vmem>> -> memref<128x128xf32, #tpu.memory_space<vmem>>
    %dma_wait3A_142 = arith.constant 0 : i32
    %dma_wait3A_143 = tpu.memref_slice %arg5[%add3A_23, %dma_wait3A_142] : memref<65536x128xf32, #tpu.memory_space<hbm>> -> memref<128x128xf32, #tpu.memory_space<hbm>>
    %dma_wait3A_144 = arith.constant 0 : i32
    %dma_wait3A_145 = tpu.memref_slice %arg5[%add3A_23, %dma_wait3A_144] : memref<65536x128xf32, #tpu.memory_space<hbm>> -> memref<128x128xf32, #tpu.memory_space<hbm>>
    %dma_wait3A_146 = arith.constant 0 : i32
    %dma_wait3A_147 = arith.constant 0 : i32
    %dma_wait3A_148 = tpu.memref_slice %arg8[%dma_wait3A_137, %dma_wait3A_146, %dma_wait3A_147] : memref<2x128x128xf32, #tpu.memory_space<vmem>> -> memref<1x128x128xf32, #tpu.memory_space<vmem>>
    %dma_wait3A_149 = tpu.memref_squeeze %dma_wait3A_148 : memref<1x128x128xf32, #tpu.memory_space<vmem>> -> memref<128x128xf32, #tpu.memory_space<vmem>>
    tpu.wait_dma2 semaphore(%arg11 : memref<!tpu.dma_semaphore, #tpu.memory_space<semaphore_mem>>) src(%dma_wait3A_149 : memref<128x128xf32, #tpu.memory_space<vmem>>) dst(%dma_wait3A_145 : memref<128x128xf32, #tpu.memory_space<hbm>>)
    %dma_wait3A_150 = arith.constant 0 : i32
    %dma_wait3A_151 = arith.constant 0 : i32
    %dma_wait3A_152 = arith.constant 0 : i32
    %dma_wait3A_153 = tpu.memref_slice %arg9[%dma_wait3A_150, %dma_wait3A_151, %dma_wait3A_152] : memref<2x128x128xf32, #tpu.memory_space<vmem>> -> memref<1x128x128xf32, #tpu.memory_space<vmem>>
    %dma_wait3A_154 = tpu.memref_squeeze %dma_wait3A_153 : memref<1x128x128xf32, #tpu.memory_space<vmem>> -> memref<128x128xf32, #tpu.memory_space<vmem>>
    %dma_wait3A_155 = arith.constant 0 : i32
    %dma_wait3A_156 = tpu.memref_slice %arg6[%add3A_23, %dma_wait3A_155] : memref<65536x128xf32, #tpu.memory_space<hbm>> -> memref<128x128xf32, #tpu.memory_space<hbm>>
    %dma_wait3A_157 = arith.constant 0 : i32
    %dma_wait3A_158 = tpu.memref_slice %arg6[%add3A_23, %dma_wait3A_157] : memref<65536x128xf32, #tpu.memory_space<hbm>> -> memref<128x128xf32, #tpu.memory_space<hbm>>
    %dma_wait3A_159 = arith.constant 0 : i32
    %dma_wait3A_160 = arith.constant 0 : i32
    %dma_wait3A_161 = tpu.memref_slice %arg9[%dma_wait3A_150, %dma_wait3A_159, %dma_wait3A_160] : memref<2x128x128xf32, #tpu.memory_space<vmem>> -> memref<1x128x128xf32, #tpu.memory_space<vmem>>
    %dma_wait3A_162 = tpu.memref_squeeze %dma_wait3A_161 : memref<1x128x128xf32, #tpu.memory_space<vmem>> -> memref<128x128xf32, #tpu.memory_space<vmem>>
    tpu.wait_dma2 semaphore(%arg11 : memref<!tpu.dma_semaphore, #tpu.memory_space<semaphore_mem>>) src(%dma_wait3A_162 : memref<128x128xf32, #tpu.memory_space<vmem>>) dst(%dma_wait3A_158 : memref<128x128xf32, #tpu.memory_space<hbm>>)
    %dma_start3A_163 = arith.constant 0 : i32
    %dma_start3A_164 = arith.constant 0 : i32
    %dma_start3A_165 = arith.constant 0 : i32
    %dma_start3A_166 = tpu.memref_slice %arg8[%dma_start3A_163, %dma_start3A_164, %dma_start3A_165] : memref<2x128x128xf32, #tpu.memory_space<vmem>> -> memref<1x128x128xf32, #tpu.memory_space<vmem>>
    %dma_start3A_167 = tpu.memref_squeeze %dma_start3A_166 : memref<1x128x128xf32, #tpu.memory_space<vmem>> -> memref<128x128xf32, #tpu.memory_space<vmem>>
    %dma_start3A_168 = arith.constant 256 : i32
    %dma_start3A_169 = tpu.memref_slice %arg7[%dma_start3A_168] : memref<2048xi32, #tpu.memory_space<vmem>> -> memref<128xi32, #tpu.memory_space<vmem>>
    %dma_start3A_170 = arith.constant 0 : i32
    %dma_start3A_171 = arith.constant 0 : i32
    %dma_start3A_172 = tpu.memref_slice %arg2[%dma_start3A_170, %dma_start3A_171] : memref<2048x128xf32, #tpu.memory_space<hbm>> -> memref<2048x128xf32, #tpu.memory_space<hbm>>
    tpu.enqueue_indirect_dma source(%dma_start3A_172 : memref<2048x128xf32, #tpu.memory_space<hbm>>) target(%dma_start3A_167 : memref<128x128xf32, #tpu.memory_space<vmem>>) offsets(%dma_start3A_169 : memref<128xi32, #tpu.memory_space<vmem>>) semaphore(%arg10 : memref<!tpu.dma_semaphore, #tpu.memory_space<semaphore_mem>>)
    %dma_start3A_173 = arith.constant 0 : i32
    %dma_start3A_174 = arith.constant 0 : i32
    %dma_start3A_175 = arith.constant 0 : i32
    %dma_start3A_176 = tpu.memref_slice %arg9[%dma_start3A_173, %dma_start3A_174, %dma_start3A_175] : memref<2x128x128xf32, #tpu.memory_space<vmem>> -> memref<1x128x128xf32, #tpu.memory_space<vmem>>
    %dma_start3A_177 = tpu.memref_squeeze %dma_start3A_176 : memref<1x128x128xf32, #tpu.memory_space<vmem>> -> memref<128x128xf32, #tpu.memory_space<vmem>>
    %dma_start3A_178 = arith.constant 256 : i32
    %dma_start3A_179 = tpu.memref_slice %arg7[%dma_start3A_178] : memref<2048xi32, #tpu.memory_space<vmem>> -> memref<128xi32, #tpu.memory_space<vmem>>
    %dma_start3A_180 = arith.constant 0 : i32
    %dma_start3A_181 = arith.constant 0 : i32
    %dma_start3A_182 = tpu.memref_slice %arg3[%dma_start3A_180, %dma_start3A_181] : memref<2048x128xf32, #tpu.memory_space<hbm>> -> memref<2048x128xf32, #tpu.memory_space<hbm>>
    tpu.enqueue_indirect_dma source(%dma_start3A_182 : memref<2048x128xf32, #tpu.memory_space<hbm>>) target(%dma_start3A_177 : memref<128x128xf32, #tpu.memory_space<vmem>>) offsets(%dma_start3A_179 : memref<128xi32, #tpu.memory_space<vmem>>) semaphore(%arg10 : memref<!tpu.dma_semaphore, #tpu.memory_space<semaphore_mem>>)
    %add3A_183 = arith.constant 256 : i32
    %add3A_184 = arith.addi %mul3A_2, %add3A_183 : i32
    %dma_wait3A_185 = arith.constant 0 : i32
    %dma_wait3A_186 = arith.constant 0 : i32
    %dma_wait3A_187 = arith.constant 0 : i32
    %dma_wait3A_188 = tpu.memref_slice %arg8[%dma_wait3A_185, %dma_wait3A_186, %dma_wait3A_187] : memref<2x128x128xf32, #tpu.memory_space<vmem>> -> memref<1x128x128xf32, #tpu.memory_space<vmem>>
    %dma_wait3A_189 = tpu.memref_squeeze %dma_wait3A_188 : memref<1x128x128xf32, #tpu.memory_space<vmem>> -> memref<128x128xf32, #tpu.memory_space<vmem>>
    %dma_wait3A_190 = arith.constant 256 : i32
    %dma_wait3A_191 = tpu.memref_slice %arg7[%dma_wait3A_190] : memref<2048xi32, #tpu.memory_space<vmem>> -> memref<128xi32, #tpu.memory_space<vmem>>
    %dma_wait3A_192 = arith.constant 0 : i32
    %dma_wait3A_193 = arith.constant 0 : i32
    %dma_wait3A_194 = tpu.memref_slice %arg2[%dma_wait3A_192, %dma_wait3A_193] : memref<2048x128xf32, #tpu.memory_space<hbm>> -> memref<2048x128xf32, #tpu.memory_space<hbm>>
    tpu.wait_indirect_dma semaphore(%arg10 : memref<!tpu.dma_semaphore, #tpu.memory_space<semaphore_mem>>) src(%dma_wait3A_194 : memref<2048x128xf32, #tpu.memory_space<hbm>>) dst(%dma_wait3A_189 : memref<128x128xf32, #tpu.memory_space<vmem>>)
    %dma_start3A_195 = arith.constant 0 : i32
    %dma_start3A_196 = arith.constant 0 : i32
    %dma_start3A_197 = arith.constant 0 : i32
    %dma_start3A_198 = tpu.memref_slice %arg8[%dma_start3A_195, %dma_start3A_196, %dma_start3A_197] : memref<2x128x128xf32, #tpu.memory_space<vmem>> -> memref<1x128x128xf32, #tpu.memory_space<vmem>>
    %dma_start3A_199 = tpu.memref_squeeze %dma_start3A_198 : memref<1x128x128xf32, #tpu.memory_space<vmem>> -> memref<128x128xf32, #tpu.memory_space<vmem>>
    %dma_start3A_200 = arith.constant 0 : i32
    %dma_start3A_201 = tpu.memref_slice %arg5[%add3A_184, %dma_start3A_200] : memref<65536x128xf32, #tpu.memory_space<hbm>> -> memref<128x128xf32, #tpu.memory_space<hbm>>
    %dma_start3A_202 = arith.constant 0 : i32
    %dma_start3A_203 = tpu.memref_slice %arg5[%add3A_184, %dma_start3A_202] : memref<65536x128xf32, #tpu.memory_space<hbm>> -> memref<128x128xf32, #tpu.memory_space<hbm>>
    %dma_start3A_204 = arith.constant 0 : i32
    %dma_start3A_205 = arith.constant 0 : i32
    %dma_start3A_206 = tpu.memref_slice %arg8[%dma_start3A_195, %dma_start3A_204, %dma_start3A_205] : memref<2x128x128xf32, #tpu.memory_space<vmem>> -> memref<1x128x128xf32, #tpu.memory_space<vmem>>
    %dma_start3A_207 = tpu.memref_squeeze %dma_start3A_206 : memref<1x128x128xf32, #tpu.memory_space<vmem>> -> memref<128x128xf32, #tpu.memory_space<vmem>>
    tpu.enqueue_dma source(%dma_start3A_207 : memref<128x128xf32, #tpu.memory_space<vmem>>) target(%dma_start3A_203 : memref<128x128xf32, #tpu.memory_space<hbm>>) target_semaphore(%arg11 : memref<!tpu.dma_semaphore, #tpu.memory_space<semaphore_mem>>)
    %dma_wait3A_208 = arith.constant 0 : i32
    %dma_wait3A_209 = arith.constant 0 : i32
    %dma_wait3A_210 = arith.constant 0 : i32
    %dma_wait3A_211 = tpu.memref_slice %arg9[%dma_wait3A_208, %dma_wait3A_209, %dma_wait3A_210] : memref<2x128x128xf32, #tpu.memory_space<vmem>> -> memref<1x128x128xf32, #tpu.memory_space<vmem>>
    %dma_wait3A_212 = tpu.memref_squeeze %dma_wait3A_211 : memref<1x128x128xf32, #tpu.memory_space<vmem>> -> memref<128x128xf32, #tpu.memory_space<vmem>>
    %dma_wait3A_213 = arith.constant 256 : i32
    %dma_wait3A_214 = tpu.memref_slice %arg7[%dma_wait3A_213] : memref<2048xi32, #tpu.memory_space<vmem>> -> memref<128xi32, #tpu.memory_space<vmem>>
    %dma_wait3A_215 = arith.constant 0 : i32
    %dma_wait3A_216 = arith.constant 0 : i32
    %dma_wait3A_217 = tpu.memref_slice %arg3[%dma_wait3A_215, %dma_wait3A_216] : memref<2048x128xf32, #tpu.memory_space<hbm>> -> memref<2048x128xf32, #tpu.memory_space<hbm>>
    tpu.wait_indirect_dma semaphore(%arg10 : memref<!tpu.dma_semaphore, #tpu.memory_space<semaphore_mem>>) src(%dma_wait3A_217 : memref<2048x128xf32, #tpu.memory_space<hbm>>) dst(%dma_wait3A_212 : memref<128x128xf32, #tpu.memory_space<vmem>>)
    %dma_start3A_218 = arith.constant 0 : i32
    %dma_start3A_219 = arith.constant 0 : i32
    %dma_start3A_220 = arith.constant 0 : i32
    %dma_start3A_221 = tpu.memref_slice %arg9[%dma_start3A_218, %dma_start3A_219, %dma_start3A_220] : memref<2x128x128xf32, #tpu.memory_space<vmem>> -> memref<1x128x128xf32, #tpu.memory_space<vmem>>
    %dma_start3A_222 = tpu.memref_squeeze %dma_start3A_221 : memref<1x128x128xf32, #tpu.memory_space<vmem>> -> memref<128x128xf32, #tpu.memory_space<vmem>>
    %dma_start3A_223 = arith.constant 0 : i32
    %dma_start3A_224 = tpu.memref_slice %arg6[%add3A_184, %dma_start3A_223] : memref<65536x128xf32, #tpu.memory_space<hbm>> -> memref<128x128xf32, #tpu.memory_space<hbm>>
    %dma_start3A_225 = arith.constant 0 : i32
    %dma_start3A_226 = tpu.memref_slice %arg6[%add3A_184, %dma_start3A_225] : memref<65536x128xf32, #tpu.memory_space<hbm>> -> memref<128x128xf32, #tpu.memory_space<hbm>>
    %dma_start3A_227 = arith.constant 0 : i32
    %dma_start3A_228 = arith.constant 0 : i32
    %dma_start3A_229 = tpu.memref_slice %arg9[%dma_start3A_218, %dma_start3A_227, %dma_start3A_228] : memref<2x128x128xf32, #tpu.memory_space<vmem>> -> memref<1x128x128xf32, #tpu.memory_space<vmem>>
    %dma_start3A_230 = tpu.memref_squeeze %dma_start3A_229 : memref<1x128x128xf32, #tpu.memory_space<vmem>> -> memref<128x128xf32, #tpu.memory_space<vmem>>
    tpu.enqueue_dma source(%dma_start3A_230 : memref<128x128xf32, #tpu.memory_space<vmem>>) target(%dma_start3A_226 : memref<128x128xf32, #tpu.memory_space<hbm>>) target_semaphore(%arg11 : memref<!tpu.dma_semaphore, #tpu.memory_space<semaphore_mem>>)
    %dma_wait3A_231 = arith.constant 1 : i32
    %dma_wait3A_232 = arith.constant 0 : i32
    %dma_wait3A_233 = arith.constant 0 : i32
    %dma_wait3A_234 = tpu.memref_slice %arg8[%dma_wait3A_231, %dma_wait3A_232, %dma_wait3A_233] : memref<2x128x128xf32, #tpu.memory_space<vmem>> -> memref<1x128x128xf32, #tpu.memory_space<vmem>>
    %dma_wait3A_235 = tpu.memref_squeeze %dma_wait3A_234 : memref<1x128x128xf32, #tpu.memory_space<vmem>> -> memref<128x128xf32, #tpu.memory_space<vmem>>
    %dma_wait3A_236 = arith.constant 0 : i32
    %dma_wait3A_237 = tpu.memref_slice %arg5[%add3A_90, %dma_wait3A_236] : memref<65536x128xf32, #tpu.memory_space<hbm>> -> memref<128x128xf32, #tpu.memory_space<hbm>>
    %dma_wait3A_238 = arith.constant 0 : i32
    %dma_wait3A_239 = tpu.memref_slice %arg5[%add3A_90, %dma_wait3A_238] : memref<65536x128xf32, #tpu.memory_space<hbm>> -> memref<128x128xf32, #tpu.memory_space<hbm>>
    %dma_wait3A_240 = arith.constant 0 : i32
    %dma_wait3A_241 = arith.constant 0 : i32
    %dma_wait3A_242 = tpu.memref_slice %arg8[%dma_wait3A_231, %dma_wait3A_240, %dma_wait3A_241] : memref<2x128x128xf32, #tpu.memory_space<vmem>> -> memref<1x128x128xf32, #tpu.memory_space<vmem>>
    %dma_wait3A_243 = tpu.memref_squeeze %dma_wait3A_242 : memref<1x128x128xf32, #tpu.memory_space<vmem>> -> memref<128x128xf32, #tpu.memory_space<vmem>>
    tpu.wait_dma2 semaphore(%arg13 : memref<!tpu.dma_semaphore, #tpu.memory_space<semaphore_mem>>) src(%dma_wait3A_243 : memref<128x128xf32, #tpu.memory_space<vmem>>) dst(%dma_wait3A_239 : memref<128x128xf32, #tpu.memory_space<hbm>>)
    %dma_wait3A_244 = arith.constant 1 : i32
    %dma_wait3A_245 = arith.constant 0 : i32
    %dma_wait3A_246 = arith.constant 0 : i32
    %dma_wait3A_247 = tpu.memref_slice %arg9[%dma_wait3A_244, %dma_wait3A_245, %dma_wait3A_246] : memref<2x128x128xf32, #tpu.memory_space<vmem>> -> memref<1x128x128xf32, #tpu.memory_space<vmem>>
    %dma_wait3A_248 = tpu.memref_squeeze %dma_wait3A_247 : memref<1x128x128xf32, #tpu.memory_space<vmem>> -> memref<128x128xf32, #tpu.memory_space<vmem>>
    %dma_wait3A_249 = arith.constant 0 : i32
    %dma_wait3A_250 = tpu.memref_slice %arg6[%add3A_90, %dma_wait3A_249] : memref<65536x128xf32, #tpu.memory_space<hbm>> -> memref<128x128xf32, #tpu.memory_space<hbm>>
    %dma_wait3A_251 = arith.constant 0 : i32
    %dma_wait3A_252 = tpu.memref_slice %arg6[%add3A_90, %dma_wait3A_251] : memref<65536x128xf32, #tpu.memory_space<hbm>> -> memref<128x128xf32, #tpu.memory_space<hbm>>
    %dma_wait3A_253 = arith.constant 0 : i32
    %dma_wait3A_254 = arith.constant 0 : i32
    %dma_wait3A_255 = tpu.memref_slice %arg9[%dma_wait3A_244, %dma_wait3A_253, %dma_wait3A_254] : memref<2x128x128xf32, #tpu.memory_space<vmem>> -> memref<1x128x128xf32, #tpu.memory_space<vmem>>
    %dma_wait3A_256 = tpu.memref_squeeze %dma_wait3A_255 : memref<1x128x128xf32, #tpu.memory_space<vmem>> -> memref<128x128xf32, #tpu.memory_space<vmem>>
    tpu.wait_dma2 semaphore(%arg13 : memref<!tpu.dma_semaphore, #tpu.memory_space<semaphore_mem>>) src(%dma_wait3A_256 : memref<128x128xf32, #tpu.memory_space<vmem>>) dst(%dma_wait3A_252 : memref<128x128xf32, #tpu.memory_space<hbm>>)
    %dma_start3A_257 = arith.constant 1 : i32
    %dma_start3A_258 = arith.constant 0 : i32
    %dma_start3A_259 = arith.constant 0 : i32
    %dma_start3A_260 = tpu.memref_slice %arg8[%dma_start3A_257, %dma_start3A_258, %dma_start3A_259] : memref<2x128x128xf32, #tpu.memory_space<vmem>> -> memref<1x128x128xf32, #tpu.memory_space<vmem>>
    %dma_start3A_261 = tpu.memref_squeeze %dma_start3A_260 : memref<1x128x128xf32, #tpu.memory_space<vmem>> -> memref<128x128xf32, #tpu.memory_space<vmem>>
    %dma_start3A_262 = arith.constant 384 : i32
    %dma_start3A_263 = tpu.memref_slice %arg7[%dma_start3A_262] : memref<2048xi32, #tpu.memory_space<vmem>> -> memref<128xi32, #tpu.memory_space<vmem>>
    %dma_start3A_264 = arith.constant 0 : i32
    %dma_start3A_265 = arith.constant 0 : i32
    %dma_start3A_266 = tpu.memref_slice %arg2[%dma_start3A_264, %dma_start3A_265] : memref<2048x128xf32, #tpu.memory_space<hbm>> -> memref<2048x128xf32, #tpu.memory_space<hbm>>
    tpu.enqueue_indirect_dma source(%dma_start3A_266 : memref<2048x128xf32, #tpu.memory_space<hbm>>) target(%dma_start3A_261 : memref<128x128xf32, #tpu.memory_space<vmem>>) offsets(%dma_start3A_263 : memref<128xi32, #tpu.memory_space<vmem>>) semaphore(%arg12 : memref<!tpu.dma_semaphore, #tpu.memory_space<semaphore_mem>>)
    %dma_start3A_267 = arith.constant 1 : i32
    %dma_start3A_268 = arith.constant 0 : i32
    %dma_start3A_269 = arith.constant 0 : i32
    %dma_start3A_270 = tpu.memref_slice %arg9[%dma_start3A_267, %dma_start3A_268, %dma_start3A_269] : memref<2x128x128xf32, #tpu.memory_space<vmem>> -> memref<1x128x128xf32, #tpu.memory_space<vmem>>
    %dma_start3A_271 = tpu.memref_squeeze %dma_start3A_270 : memref<1x128x128xf32, #tpu.memory_space<vmem>> -> memref<128x128xf32, #tpu.memory_space<vmem>>
    %dma_start3A_272 = arith.constant 384 : i32
    %dma_start3A_273 = tpu.memref_slice %arg7[%dma_start3A_272] : memref<2048xi32, #tpu.memory_space<vmem>> -> memref<128xi32, #tpu.memory_space<vmem>>
    %dma_start3A_274 = arith.constant 0 : i32
    %dma_start3A_275 = arith.constant 0 : i32
    %dma_start3A_276 = tpu.memref_slice %arg3[%dma_start3A_274, %dma_start3A_275] : memref<2048x128xf32, #tpu.memory_space<hbm>> -> memref<2048x128xf32, #tpu.memory_space<hbm>>
    tpu.enqueue_indirect_dma source(%dma_start3A_276 : memref<2048x128xf32, #tpu.memory_space<hbm>>) target(%dma_start3A_271 : memref<128x128xf32, #tpu.memory_space<vmem>>) offsets(%dma_start3A_273 : memref<128xi32, #tpu.memory_space<vmem>>) semaphore(%arg12 : memref<!tpu.dma_semaphore, #tpu.memory_space<semaphore_mem>>)
    %add3A_277 = arith.constant 384 : i32
    %add3A_278 = arith.addi %mul3A_2, %add3A_277 : i32
    %dma_wait3A_279 = arith.constant 1 : i32
    %dma_wait3A_280 = arith.constant 0 : i32
    %dma_wait3A_281 = arith.constant 0 : i32
    %dma_wait3A_282 = tpu.memref_slice %arg8[%dma_wait3A_279, %dma_wait3A_280, %dma_wait3A_281] : memref<2x128x128xf32, #tpu.memory_space<vmem>> -> memref<1x128x128xf32, #tpu.memory_space<vmem>>
    %dma_wait3A_283 = tpu.memref_squeeze %dma_wait3A_282 : memref<1x128x128xf32, #tpu.memory_space<vmem>> -> memref<128x128xf32, #tpu.memory_space<vmem>>
    %dma_wait3A_284 = arith.constant 384 : i32
    %dma_wait3A_285 = tpu.memref_slice %arg7[%dma_wait3A_284] : memref<2048xi32, #tpu.memory_space<vmem>> -> memref<128xi32, #tpu.memory_space<vmem>>
    %dma_wait3A_286 = arith.constant 0 : i32
    %dma_wait3A_287 = arith.constant 0 : i32
    %dma_wait3A_288 = tpu.memref_slice %arg2[%dma_wait3A_286, %dma_wait3A_287] : memref<2048x128xf32, #tpu.memory_space<hbm>> -> memref<2048x128xf32, #tpu.memory_space<hbm>>
    tpu.wait_indirect_dma semaphore(%arg12 : memref<!tpu.dma_semaphore, #tpu.memory_space<semaphore_mem>>) src(%dma_wait3A_288 : memref<2048x128xf32, #tpu.memory_space<hbm>>) dst(%dma_wait3A_283 : memref<128x128xf32, #tpu.memory_space<vmem>>)
    %dma_start3A_289 = arith.constant 1 : i32
    %dma_start3A_290 = arith.constant 0 : i32
    %dma_start3A_291 = arith.constant 0 : i32
    %dma_start3A_292 = tpu.memref_slice %arg8[%dma_start3A_289, %dma_start3A_290, %dma_start3A_291] : memref<2x128x128xf32, #tpu.memory_space<vmem>> -> memref<1x128x128xf32, #tpu.memory_space<vmem>>
    %dma_start3A_293 = tpu.memref_squeeze %dma_start3A_292 : memref<1x128x128xf32, #tpu.memory_space<vmem>> -> memref<128x128xf32, #tpu.memory_space<vmem>>
    %dma_start3A_294 = arith.constant 0 : i32
    %dma_start3A_295 = tpu.memref_slice %arg5[%add3A_278, %dma_start3A_294] : memref<65536x128xf32, #tpu.memory_space<hbm>> -> memref<128x128xf32, #tpu.memory_space<hbm>>
    %dma_start3A_296 = arith.constant 0 : i32
    %dma_start3A_297 = tpu.memref_slice %arg5[%add3A_278, %dma_start3A_296] : memref<65536x128xf32, #tpu.memory_space<hbm>> -> memref<128x128xf32, #tpu.memory_space<hbm>>
    %dma_start3A_298 = arith.constant 0 : i32
    %dma_start3A_299 = arith.constant 0 : i32
    %dma_start3A_300 = tpu.memref_slice %arg8[%dma_start3A_289, %dma_start3A_298, %dma_start3A_299] : memref<2x128x128xf32, #tpu.memory_space<vmem>> -> memref<1x128x128xf32, #tpu.memory_space<vmem>>
    %dma_start3A_301 = tpu.memref_squeeze %dma_start3A_300 : memref<1x128x128xf32, #tpu.memory_space<vmem>> -> memref<128x128xf32, #tpu.memory_space<vmem>>
    tpu.enqueue_dma source(%dma_start3A_301 : memref<128x128xf32, #tpu.memory_space<vmem>>) target(%dma_start3A_297 : memref<128x128xf32, #tpu.memory_space<hbm>>) target_semaphore(%arg13 : memref<!tpu.dma_semaphore, #tpu.memory_space<semaphore_mem>>)
    %dma_wait3A_302 = arith.constant 1 : i32
    %dma_wait3A_303 = arith.constant 0 : i32
    %dma_wait3A_304 = arith.constant 0 : i32
    %dma_wait3A_305 = tpu.memref_slice %arg9[%dma_wait3A_302, %dma_wait3A_303, %dma_wait3A_304] : memref<2x128x128xf32, #tpu.memory_space<vmem>> -> memref<1x128x128xf32, #tpu.memory_space<vmem>>
    %dma_wait3A_306 = tpu.memref_squeeze %dma_wait3A_305 : memref<1x128x128xf32, #tpu.memory_space<vmem>> -> memref<128x128xf32, #tpu.memory_space<vmem>>
    %dma_wait3A_307 = arith.constant 384 : i32
    %dma_wait3A_308 = tpu.memref_slice %arg7[%dma_wait3A_307] : memref<2048xi32, #tpu.memory_space<vmem>> -> memref<128xi32, #tpu.memory_space<vmem>>
    %dma_wait3A_309 = arith.constant 0 : i32
    %dma_wait3A_310 = arith.constant 0 : i32
    %dma_wait3A_311 = tpu.memref_slice %arg3[%dma_wait3A_309, %dma_wait3A_310] : memref<2048x128xf32, #tpu.memory_space<hbm>> -> memref<2048x128xf32, #tpu.memory_space<hbm>>
    tpu.wait_indirect_dma semaphore(%arg12 : memref<!tpu.dma_semaphore, #tpu.memory_space<semaphore_mem>>) src(%dma_wait3A_311 : memref<2048x128xf32, #tpu.memory_space<hbm>>) dst(%dma_wait3A_306 : memref<128x128xf32, #tpu.memory_space<vmem>>)
    %dma_start3A_312 = arith.constant 1 : i32
    %dma_start3A_313 = arith.constant 0 : i32
    %dma_start3A_314 = arith.constant 0 : i32
    %dma_start3A_315 = tpu.memref_slice %arg9[%dma_start3A_312, %dma_start3A_313, %dma_start3A_314] : memref<2x128x128xf32, #tpu.memory_space<vmem>> -> memref<1x128x128xf32, #tpu.memory_space<vmem>>
    %dma_start3A_316 = tpu.memref_squeeze %dma_start3A_315 : memref<1x128x128xf32, #tpu.memory_space<vmem>> -> memref<128x128xf32, #tpu.memory_space<vmem>>
    %dma_start3A_317 = arith.constant 0 : i32
    %dma_start3A_318 = tpu.memref_slice %arg6[%add3A_278, %dma_start3A_317] : memref<65536x128xf32, #tpu.memory_space<hbm>> -> memref<128x128xf32, #tpu.memory_space<hbm>>
    %dma_start3A_319 = arith.constant 0 : i32
    %dma_start3A_320 = tpu.memref_slice %arg6[%add3A_278, %dma_start3A_319] : memref<65536x128xf32, #tpu.memory_space<hbm>> -> memref<128x128xf32, #tpu.memory_space<hbm>>
    %dma_start3A_321 = arith.constant 0 : i32
    %dma_start3A_322 = arith.constant 0 : i32
    %dma_start3A_323 = tpu.memref_slice %arg9[%dma_start3A_312, %dma_start3A_321, %dma_start3A_322] : memref<2x128x128xf32, #tpu.memory_space<vmem>> -> memref<1x128x128xf32, #tpu.memory_space<vmem>>
    %dma_start3A_324 = tpu.memref_squeeze %dma_start3A_323 : memref<1x128x128xf32, #tpu.memory_space<vmem>> -> memref<128x128xf32, #tpu.memory_space<vmem>>
    tpu.enqueue_dma source(%dma_start3A_324 : memref<128x128xf32, #tpu.memory_space<vmem>>) target(%dma_start3A_320 : memref<128x128xf32, #tpu.memory_space<hbm>>) target_semaphore(%arg13 : memref<!tpu.dma_semaphore, #tpu.memory_space<semaphore_mem>>)
    %dma_wait3A_325 = arith.constant 0 : i32
    %dma_wait3A_326 = arith.constant 0 : i32
    %dma_wait3A_327 = arith.constant 0 : i32
    %dma_wait3A_328 = tpu.memref_slice %arg8[%dma_wait3A_325, %dma_wait3A_326, %dma_wait3A_327] : memref<2x128x128xf32, #tpu.memory_space<vmem>> -> memref<1x128x128xf32, #tpu.memory_space<vmem>>
    %dma_wait3A_329 = tpu.memref_squeeze %dma_wait3A_328 : memref<1x128x128xf32, #tpu.memory_space<vmem>> -> memref<128x128xf32, #tpu.memory_space<vmem>>
    %dma_wait3A_330 = arith.constant 0 : i32
    %dma_wait3A_331 = tpu.memref_slice %arg5[%add3A_184, %dma_wait3A_330] : memref<65536x128xf32, #tpu.memory_space<hbm>> -> memref<128x128xf32, #tpu.memory_space<hbm>>
    %dma_wait3A_332 = arith.constant 0 : i32
    %dma_wait3A_333 = tpu.memref_slice %arg5[%add3A_184, %dma_wait3A_332] : memref<65536x128xf32, #tpu.memory_space<hbm>> -> memref<128x128xf32, #tpu.memory_space<hbm>>
    %dma_wait3A_334 = arith.constant 0 : i32
    %dma_wait3A_335 = arith.constant 0 : i32
    %dma_wait3A_336 = tpu.memref_slice %arg8[%dma_wait3A_325, %dma_wait3A_334, %dma_wait3A_335] : memref<2x128x128xf32, #tpu.memory_space<vmem>> -> memref<1x128x128xf32, #tpu.memory_space<vmem>>
    %dma_wait3A_337 = tpu.memref_squeeze %dma_wait3A_336 : memref<1x128x128xf32, #tpu.memory_space<vmem>> -> memref<128x128xf32, #tpu.memory_space<vmem>>
    tpu.wait_dma2 semaphore(%arg11 : memref<!tpu.dma_semaphore, #tpu.memory_space<semaphore_mem>>) src(%dma_wait3A_337 : memref<128x128xf32, #tpu.memory_space<vmem>>) dst(%dma_wait3A_333 : memref<128x128xf32, #tpu.memory_space<hbm>>)
    %dma_wait3A_338 = arith.constant 0 : i32
    %dma_wait3A_339 = arith.constant 0 : i32
    %dma_wait3A_340 = arith.constant 0 : i32
    %dma_wait3A_341 = tpu.memref_slice %arg9[%dma_wait3A_338, %dma_wait3A_339, %dma_wait3A_340] : memref<2x128x128xf32, #tpu.memory_space<vmem>> -> memref<1x128x128xf32, #tpu.memory_space<vmem>>
    %dma_wait3A_342 = tpu.memref_squeeze %dma_wait3A_341 : memref<1x128x128xf32, #tpu.memory_space<vmem>> -> memref<128x128xf32, #tpu.memory_space<vmem>>
    %dma_wait3A_343 = arith.constant 0 : i32
    %dma_wait3A_344 = tpu.memref_slice %arg6[%add3A_184, %dma_wait3A_343] : memref<65536x128xf32, #tpu.memory_space<hbm>> -> memref<128x128xf32, #tpu.memory_space<hbm>>
    %dma_wait3A_345 = arith.constant 0 : i32
    %dma_wait3A_346 = tpu.memref_slice %arg6[%add3A_184, %dma_wait3A_345] : memref<65536x128xf32, #tpu.memory_space<hbm>> -> memref<128x128xf32, #tpu.memory_space<hbm>>
    %dma_wait3A_347 = arith.constant 0 : i32
    %dma_wait3A_348 = arith.constant 0 : i32
    %dma_wait3A_349 = tpu.memref_slice %arg9[%dma_wait3A_338, %dma_wait3A_347, %dma_wait3A_348] : memref<2x128x128xf32, #tpu.memory_space<vmem>> -> memref<1x128x128xf32, #tpu.memory_space<vmem>>
    %dma_wait3A_350 = tpu.memref_squeeze %dma_wait3A_349 : memref<1x128x128xf32, #tpu.memory_space<vmem>> -> memref<128x128xf32, #tpu.memory_space<vmem>>
    tpu.wait_dma2 semaphore(%arg11 : memref<!tpu.dma_semaphore, #tpu.memory_space<semaphore_mem>>) src(%dma_wait3A_350 : memref<128x128xf32, #tpu.memory_space<vmem>>) dst(%dma_wait3A_346 : memref<128x128xf32, #tpu.memory_space<hbm>>)
    %dma_start3A_351 = arith.constant 0 : i32
    %dma_start3A_352 = arith.constant 0 : i32
    %dma_start3A_353 = arith.constant 0 : i32
    %dma_start3A_354 = tpu.memref_slice %arg8[%dma_start3A_351, %dma_start3A_352, %dma_start3A_353] : memref<2x128x128xf32, #tpu.memory_space<vmem>> -> memref<1x128x128xf32, #tpu.memory_space<vmem>>
    %dma_start3A_355 = tpu.memref_squeeze %dma_start3A_354 : memref<1x128x128xf32, #tpu.memory_space<vmem>> -> memref<128x128xf32, #tpu.memory_space<vmem>>
    %dma_start3A_356 = arith.constant 512 : i32
    %dma_start3A_357 = tpu.memref_slice %arg7[%dma_start3A_356] : memref<2048xi32, #tpu.memory_space<vmem>> -> memref<128xi32, #tpu.memory_space<vmem>>
    %dma_start3A_358 = arith.constant 0 : i32
    %dma_start3A_359 = arith.constant 0 : i32
    %dma_start3A_360 = tpu.memref_slice %arg2[%dma_start3A_358, %dma_start3A_359] : memref<2048x128xf32, #tpu.memory_space<hbm>> -> memref<2048x128xf32, #tpu.memory_space<hbm>>
    tpu.enqueue_indirect_dma source(%dma_start3A_360 : memref<2048x128xf32, #tpu.memory_space<hbm>>) target(%dma_start3A_355 : memref<128x128xf32, #tpu.memory_space<vmem>>) offsets(%dma_start3A_357 : memref<128xi32, #tpu.memory_space<vmem>>) semaphore(%arg10 : memref<!tpu.dma_semaphore, #tpu.memory_space<semaphore_mem>>)
    %dma_start3A_361 = arith.constant 0 : i32
    %dma_start3A_362 = arith.constant 0 : i32
    %dma_start3A_363 = arith.constant 0 : i32
    %dma_start3A_364 = tpu.memref_slice %arg9[%dma_start3A_361, %dma_start3A_362, %dma_start3A_363] : memref<2x128x128xf32, #tpu.memory_space<vmem>> -> memref<1x128x128xf32, #tpu.memory_space<vmem>>
    %dma_start3A_365 = tpu.memref_squeeze %dma_start3A_364 : memref<1x128x128xf32, #tpu.memory_space<vmem>> -> memref<128x128xf32, #tpu.memory_space<vmem>>
    %dma_start3A_366 = arith.constant 512 : i32
    %dma_start3A_367 = tpu.memref_slice %arg7[%dma_start3A_366] : memref<2048xi32, #tpu.memory_space<vmem>> -> memref<128xi32, #tpu.memory_space<vmem>>
    %dma_start3A_368 = arith.constant 0 : i32
    %dma_start3A_369 = arith.constant 0 : i32
    %dma_start3A_370 = tpu.memref_slice %arg3[%dma_start3A_368, %dma_start3A_369] : memref<2048x128xf32, #tpu.memory_space<hbm>> -> memref<2048x128xf32, #tpu.memory_space<hbm>>
    tpu.enqueue_indirect_dma source(%dma_start3A_370 : memref<2048x128xf32, #tpu.memory_space<hbm>>) target(%dma_start3A_365 : memref<128x128xf32, #tpu.memory_space<vmem>>) offsets(%dma_start3A_367 : memref<128xi32, #tpu.memory_space<vmem>>) semaphore(%arg10 : memref<!tpu.dma_semaphore, #tpu.memory_space<semaphore_mem>>)
    %add3A_371 = arith.constant 512 : i32
    %add3A_372 = arith.addi %mul3A_2, %add3A_371 : i32
    %dma_wait3A_373 = arith.constant 0 : i32
    %dma_wait3A_374 = arith.constant 0 : i32
    %dma_wait3A_375 = arith.constant 0 : i32
    %dma_wait3A_376 = tpu.memref_slice %arg8[%dma_wait3A_373, %dma_wait3A_374, %dma_wait3A_375] : memref<2x128x128xf32, #tpu.memory_space<vmem>> -> memref<1x128x128xf32, #tpu.memory_space<vmem>>
    %dma_wait3A_377 = tpu.memref_squeeze %dma_wait3A_376 : memref<1x128x128xf32, #tpu.memory_space<vmem>> -> memref<128x128xf32, #tpu.memory_space<vmem>>
    %dma_wait3A_378 = arith.constant 512 : i32
    %dma_wait3A_379 = tpu.memref_slice %arg7[%dma_wait3A_378] : memref<2048xi32, #tpu.memory_space<vmem>> -> memref<128xi32, #tpu.memory_space<vmem>>
    %dma_wait3A_380 = arith.constant 0 : i32
    %dma_wait3A_381 = arith.constant 0 : i32
    %dma_wait3A_382 = tpu.memref_slice %arg2[%dma_wait3A_380, %dma_wait3A_381] : memref<2048x128xf32, #tpu.memory_space<hbm>> -> memref<2048x128xf32, #tpu.memory_space<hbm>>
    tpu.wait_indirect_dma semaphore(%arg10 : memref<!tpu.dma_semaphore, #tpu.memory_space<semaphore_mem>>) src(%dma_wait3A_382 : memref<2048x128xf32, #tpu.memory_space<hbm>>) dst(%dma_wait3A_377 : memref<128x128xf32, #tpu.memory_space<vmem>>)
    %dma_start3A_383 = arith.constant 0 : i32
    %dma_start3A_384 = arith.constant 0 : i32
    %dma_start3A_385 = arith.constant 0 : i32
    %dma_start3A_386 = tpu.memref_slice %arg8[%dma_start3A_383, %dma_start3A_384, %dma_start3A_385] : memref<2x128x128xf32, #tpu.memory_space<vmem>> -> memref<1x128x128xf32, #tpu.memory_space<vmem>>
    %dma_start3A_387 = tpu.memref_squeeze %dma_start3A_386 : memref<1x128x128xf32, #tpu.memory_space<vmem>> -> memref<128x128xf32, #tpu.memory_space<vmem>>
    %dma_start3A_388 = arith.constant 0 : i32
    %dma_start3A_389 = tpu.memref_slice %arg5[%add3A_372, %dma_start3A_388] : memref<65536x128xf32, #tpu.memory_space<hbm>> -> memref<128x128xf32, #tpu.memory_space<hbm>>
    %dma_start3A_390 = arith.constant 0 : i32
    %dma_start3A_391 = tpu.memref_slice %arg5[%add3A_372, %dma_start3A_390] : memref<65536x128xf32, #tpu.memory_space<hbm>> -> memref<128x128xf32, #tpu.memory_space<hbm>>
    %dma_start3A_392 = arith.constant 0 : i32
    %dma_start3A_393 = arith.constant 0 : i32
    %dma_start3A_394 = tpu.memref_slice %arg8[%dma_start3A_383, %dma_start3A_392, %dma_start3A_393] : memref<2x128x128xf32, #tpu.memory_space<vmem>> -> memref<1x128x128xf32, #tpu.memory_space<vmem>>
    %dma_start3A_395 = tpu.memref_squeeze %dma_start3A_394 : memref<1x128x128xf32, #tpu.memory_space<vmem>> -> memref<128x128xf32, #tpu.memory_space<vmem>>
    tpu.enqueue_dma source(%dma_start3A_395 : memref<128x128xf32, #tpu.memory_space<vmem>>) target(%dma_start3A_391 : memref<128x128xf32, #tpu.memory_space<hbm>>) target_semaphore(%arg11 : memref<!tpu.dma_semaphore, #tpu.memory_space<semaphore_mem>>)
    %dma_wait3A_396 = arith.constant 0 : i32
    %dma_wait3A_397 = arith.constant 0 : i32
    %dma_wait3A_398 = arith.constant 0 : i32
    %dma_wait3A_399 = tpu.memref_slice %arg9[%dma_wait3A_396, %dma_wait3A_397, %dma_wait3A_398] : memref<2x128x128xf32, #tpu.memory_space<vmem>> -> memref<1x128x128xf32, #tpu.memory_space<vmem>>
    %dma_wait3A_400 = tpu.memref_squeeze %dma_wait3A_399 : memref<1x128x128xf32, #tpu.memory_space<vmem>> -> memref<128x128xf32, #tpu.memory_space<vmem>>
    %dma_wait3A_401 = arith.constant 512 : i32
    %dma_wait3A_402 = tpu.memref_slice %arg7[%dma_wait3A_401] : memref<2048xi32, #tpu.memory_space<vmem>> -> memref<128xi32, #tpu.memory_space<vmem>>
    %dma_wait3A_403 = arith.constant 0 : i32
    %dma_wait3A_404 = arith.constant 0 : i32
    %dma_wait3A_405 = tpu.memref_slice %arg3[%dma_wait3A_403, %dma_wait3A_404] : memref<2048x128xf32, #tpu.memory_space<hbm>> -> memref<2048x128xf32, #tpu.memory_space<hbm>>
    tpu.wait_indirect_dma semaphore(%arg10 : memref<!tpu.dma_semaphore, #tpu.memory_space<semaphore_mem>>) src(%dma_wait3A_405 : memref<2048x128xf32, #tpu.memory_space<hbm>>) dst(%dma_wait3A_400 : memref<128x128xf32, #tpu.memory_space<vmem>>)
    %dma_start3A_406 = arith.constant 0 : i32
    %dma_start3A_407 = arith.constant 0 : i32
    %dma_start3A_408 = arith.constant 0 : i32
    %dma_start3A_409 = tpu.memref_slice %arg9[%dma_start3A_406, %dma_start3A_407, %dma_start3A_408] : memref<2x128x128xf32, #tpu.memory_space<vmem>> -> memref<1x128x128xf32, #tpu.memory_space<vmem>>
    %dma_start3A_410 = tpu.memref_squeeze %dma_start3A_409 : memref<1x128x128xf32, #tpu.memory_space<vmem>> -> memref<128x128xf32, #tpu.memory_space<vmem>>
    %dma_start3A_411 = arith.constant 0 : i32
    %dma_start3A_412 = tpu.memref_slice %arg6[%add3A_372, %dma_start3A_411] : memref<65536x128xf32, #tpu.memory_space<hbm>> -> memref<128x128xf32, #tpu.memory_space<hbm>>
    %dma_start3A_413 = arith.constant 0 : i32
    %dma_start3A_414 = tpu.memref_slice %arg6[%add3A_372, %dma_start3A_413] : memref<65536x128xf32, #tpu.memory_space<hbm>> -> memref<128x128xf32, #tpu.memory_space<hbm>>
    %dma_start3A_415 = arith.constant 0 : i32
    %dma_start3A_416 = arith.constant 0 : i32
    %dma_start3A_417 = tpu.memref_slice %arg9[%dma_start3A_406, %dma_start3A_415, %dma_start3A_416] : memref<2x128x128xf32, #tpu.memory_space<vmem>> -> memref<1x128x128xf32, #tpu.memory_space<vmem>>
    %dma_start3A_418 = tpu.memref_squeeze %dma_start3A_417 : memref<1x128x128xf32, #tpu.memory_space<vmem>> -> memref<128x128xf32, #tpu.memory_space<vmem>>
    tpu.enqueue_dma source(%dma_start3A_418 : memref<128x128xf32, #tpu.memory_space<vmem>>) target(%dma_start3A_414 : memref<128x128xf32, #tpu.memory_space<hbm>>) target_semaphore(%arg11 : memref<!tpu.dma_semaphore, #tpu.memory_space<semaphore_mem>>)
    %dma_wait3A_419 = arith.constant 1 : i32
    %dma_wait3A_420 = arith.constant 0 : i32
    %dma_wait3A_421 = arith.constant 0 : i32
    %dma_wait3A_422 = tpu.memref_slice %arg8[%dma_wait3A_419, %dma_wait3A_420, %dma_wait3A_421] : memref<2x128x128xf32, #tpu.memory_space<vmem>> -> memref<1x128x128xf32, #tpu.memory_space<vmem>>
    %dma_wait3A_423 = tpu.memref_squeeze %dma_wait3A_422 : memref<1x128x128xf32, #tpu.memory_space<vmem>> -> memref<128x128xf32, #tpu.memory_space<vmem>>
    %dma_wait3A_424 = arith.constant 0 : i32
    %dma_wait3A_425 = tpu.memref_slice %arg5[%add3A_278, %dma_wait3A_424] : memref<65536x128xf32, #tpu.memory_space<hbm>> -> memref<128x128xf32, #tpu.memory_space<hbm>>
    %dma_wait3A_426 = arith.constant 0 : i32
    %dma_wait3A_427 = tpu.memref_slice %arg5[%add3A_278, %dma_wait3A_426] : memref<65536x128xf32, #tpu.memory_space<hbm>> -> memref<128x128xf32, #tpu.memory_space<hbm>>
    %dma_wait3A_428 = arith.constant 0 : i32
    %dma_wait3A_429 = arith.constant 0 : i32
    %dma_wait3A_430 = tpu.memref_slice %arg8[%dma_wait3A_419, %dma_wait3A_428, %dma_wait3A_429] : memref<2x128x128xf32, #tpu.memory_space<vmem>> -> memref<1x128x128xf32, #tpu.memory_space<vmem>>
    %dma_wait3A_431 = tpu.memref_squeeze %dma_wait3A_430 : memref<1x128x128xf32, #tpu.memory_space<vmem>> -> memref<128x128xf32, #tpu.memory_space<vmem>>
    tpu.wait_dma2 semaphore(%arg13 : memref<!tpu.dma_semaphore, #tpu.memory_space<semaphore_mem>>) src(%dma_wait3A_431 : memref<128x128xf32, #tpu.memory_space<vmem>>) dst(%dma_wait3A_427 : memref<128x128xf32, #tpu.memory_space<hbm>>)
    %dma_wait3A_432 = arith.constant 1 : i32
    %dma_wait3A_433 = arith.constant 0 : i32
    %dma_wait3A_434 = arith.constant 0 : i32
    %dma_wait3A_435 = tpu.memref_slice %arg9[%dma_wait3A_432, %dma_wait3A_433, %dma_wait3A_434] : memref<2x128x128xf32, #tpu.memory_space<vmem>> -> memref<1x128x128xf32, #tpu.memory_space<vmem>>
    %dma_wait3A_436 = tpu.memref_squeeze %dma_wait3A_435 : memref<1x128x128xf32, #tpu.memory_space<vmem>> -> memref<128x128xf32, #tpu.memory_space<vmem>>
    %dma_wait3A_437 = arith.constant 0 : i32
    %dma_wait3A_438 = tpu.memref_slice %arg6[%add3A_278, %dma_wait3A_437] : memref<65536x128xf32, #tpu.memory_space<hbm>> -> memref<128x128xf32, #tpu.memory_space<hbm>>
    %dma_wait3A_439 = arith.constant 0 : i32
    %dma_wait3A_440 = tpu.memref_slice %arg6[%add3A_278, %dma_wait3A_439] : memref<65536x128xf32, #tpu.memory_space<hbm>> -> memref<128x128xf32, #tpu.memory_space<hbm>>
    %dma_wait3A_441 = arith.constant 0 : i32
    %dma_wait3A_442 = arith.constant 0 : i32
    %dma_wait3A_443 = tpu.memref_slice %arg9[%dma_wait3A_432, %dma_wait3A_441, %dma_wait3A_442] : memref<2x128x128xf32, #tpu.memory_space<vmem>> -> memref<1x128x128xf32, #tpu.memory_space<vmem>>
    %dma_wait3A_444 = tpu.memref_squeeze %dma_wait3A_443 : memref<1x128x128xf32, #tpu.memory_space<vmem>> -> memref<128x128xf32, #tpu.memory_space<vmem>>
    tpu.wait_dma2 semaphore(%arg13 : memref<!tpu.dma_semaphore, #tpu.memory_space<semaphore_mem>>) src(%dma_wait3A_444 : memref<128x128xf32, #tpu.memory_space<vmem>>) dst(%dma_wait3A_440 : memref<128x128xf32, #tpu.memory_space<hbm>>)
    %dma_start3A_445 = arith.constant 1 : i32
    %dma_start3A_446 = arith.constant 0 : i32
    %dma_start3A_447 = arith.constant 0 : i32
    %dma_start3A_448 = tpu.memref_slice %arg8[%dma_start3A_445, %dma_start3A_446, %dma_start3A_447] : memref<2x128x128xf32, #tpu.memory_space<vmem>> -> memref<1x128x128xf32, #tpu.memory_space<vmem>>
    %dma_start3A_449 = tpu.memref_squeeze %dma_start3A_448 : memref<1x128x128xf32, #tpu.memory_space<vmem>> -> memref<128x128xf32, #tpu.memory_space<vmem>>
    %dma_start3A_450 = arith.constant 640 : i32
    %dma_start3A_451 = tpu.memref_slice %arg7[%dma_start3A_450] : memref<2048xi32, #tpu.memory_space<vmem>> -> memref<128xi32, #tpu.memory_space<vmem>>
    %dma_start3A_452 = arith.constant 0 : i32
    %dma_start3A_453 = arith.constant 0 : i32
    %dma_start3A_454 = tpu.memref_slice %arg2[%dma_start3A_452, %dma_start3A_453] : memref<2048x128xf32, #tpu.memory_space<hbm>> -> memref<2048x128xf32, #tpu.memory_space<hbm>>
    tpu.enqueue_indirect_dma source(%dma_start3A_454 : memref<2048x128xf32, #tpu.memory_space<hbm>>) target(%dma_start3A_449 : memref<128x128xf32, #tpu.memory_space<vmem>>) offsets(%dma_start3A_451 : memref<128xi32, #tpu.memory_space<vmem>>) semaphore(%arg12 : memref<!tpu.dma_semaphore, #tpu.memory_space<semaphore_mem>>)
    %dma_start3A_455 = arith.constant 1 : i32
    %dma_start3A_456 = arith.constant 0 : i32
    %dma_start3A_457 = arith.constant 0 : i32
    %dma_start3A_458 = tpu.memref_slice %arg9[%dma_start3A_455, %dma_start3A_456, %dma_start3A_457] : memref<2x128x128xf32, #tpu.memory_space<vmem>> -> memref<1x128x128xf32, #tpu.memory_space<vmem>>
    %dma_start3A_459 = tpu.memref_squeeze %dma_start3A_458 : memref<1x128x128xf32, #tpu.memory_space<vmem>> -> memref<128x128xf32, #tpu.memory_space<vmem>>
    %dma_start3A_460 = arith.constant 640 : i32
    %dma_start3A_461 = tpu.memref_slice %arg7[%dma_start3A_460] : memref<2048xi32, #tpu.memory_space<vmem>> -> memref<128xi32, #tpu.memory_space<vmem>>
    %dma_start3A_462 = arith.constant 0 : i32
    %dma_start3A_463 = arith.constant 0 : i32
    %dma_start3A_464 = tpu.memref_slice %arg3[%dma_start3A_462, %dma_start3A_463] : memref<2048x128xf32, #tpu.memory_space<hbm>> -> memref<2048x128xf32, #tpu.memory_space<hbm>>
    tpu.enqueue_indirect_dma source(%dma_start3A_464 : memref<2048x128xf32, #tpu.memory_space<hbm>>) target(%dma_start3A_459 : memref<128x128xf32, #tpu.memory_space<vmem>>) offsets(%dma_start3A_461 : memref<128xi32, #tpu.memory_space<vmem>>) semaphore(%arg12 : memref<!tpu.dma_semaphore, #tpu.memory_space<semaphore_mem>>)
    %add3A_465 = arith.constant 640 : i32
    %add3A_466 = arith.addi %mul3A_2, %add3A_465 : i32
    %dma_wait3A_467 = arith.constant 1 : i32
    %dma_wait3A_468 = arith.constant 0 : i32
    %dma_wait3A_469 = arith.constant 0 : i32
    %dma_wait3A_470 = tpu.memref_slice %arg8[%dma_wait3A_467, %dma_wait3A_468, %dma_wait3A_469] : memref<2x128x128xf32, #tpu.memory_space<vmem>> -> memref<1x128x128xf32, #tpu.memory_space<vmem>>
    %dma_wait3A_471 = tpu.memref_squeeze %dma_wait3A_470 : memref<1x128x128xf32, #tpu.memory_space<vmem>> -> memref<128x128xf32, #tpu.memory_space<vmem>>
    %dma_wait3A_472 = arith.constant 640 : i32
    %dma_wait3A_473 = tpu.memref_slice %arg7[%dma_wait3A_472] : memref<2048xi32, #tpu.memory_space<vmem>> -> memref<128xi32, #tpu.memory_space<vmem>>
    %dma_wait3A_474 = arith.constant 0 : i32
    %dma_wait3A_475 = arith.constant 0 : i32
    %dma_wait3A_476 = tpu.memref_slice %arg2[%dma_wait3A_474, %dma_wait3A_475] : memref<2048x128xf32, #tpu.memory_space<hbm>> -> memref<2048x128xf32, #tpu.memory_space<hbm>>
    tpu.wait_indirect_dma semaphore(%arg12 : memref<!tpu.dma_semaphore, #tpu.memory_space<semaphore_mem>>) src(%dma_wait3A_476 : memref<2048x128xf32, #tpu.memory_space<hbm>>) dst(%dma_wait3A_471 : memref<128x128xf32, #tpu.memory_space<vmem>>)
    %dma_start3A_477 = arith.constant 1 : i32
    %dma_start3A_478 = arith.constant 0 : i32
    %dma_start3A_479 = arith.constant 0 : i32
    %dma_start3A_480 = tpu.memref_slice %arg8[%dma_start3A_477, %dma_start3A_478, %dma_start3A_479] : memref<2x128x128xf32, #tpu.memory_space<vmem>> -> memref<1x128x128xf32, #tpu.memory_space<vmem>>
    %dma_start3A_481 = tpu.memref_squeeze %dma_start3A_480 : memref<1x128x128xf32, #tpu.memory_space<vmem>> -> memref<128x128xf32, #tpu.memory_space<vmem>>
    %dma_start3A_482 = arith.constant 0 : i32
    %dma_start3A_483 = tpu.memref_slice %arg5[%add3A_466, %dma_start3A_482] : memref<65536x128xf32, #tpu.memory_space<hbm>> -> memref<128x128xf32, #tpu.memory_space<hbm>>
    %dma_start3A_484 = arith.constant 0 : i32
    %dma_start3A_485 = tpu.memref_slice %arg5[%add3A_466, %dma_start3A_484] : memref<65536x128xf32, #tpu.memory_space<hbm>> -> memref<128x128xf32, #tpu.memory_space<hbm>>
    %dma_start3A_486 = arith.constant 0 : i32
    %dma_start3A_487 = arith.constant 0 : i32
    %dma_start3A_488 = tpu.memref_slice %arg8[%dma_start3A_477, %dma_start3A_486, %dma_start3A_487] : memref<2x128x128xf32, #tpu.memory_space<vmem>> -> memref<1x128x128xf32, #tpu.memory_space<vmem>>
    %dma_start3A_489 = tpu.memref_squeeze %dma_start3A_488 : memref<1x128x128xf32, #tpu.memory_space<vmem>> -> memref<128x128xf32, #tpu.memory_space<vmem>>
    tpu.enqueue_dma source(%dma_start3A_489 : memref<128x128xf32, #tpu.memory_space<vmem>>) target(%dma_start3A_485 : memref<128x128xf32, #tpu.memory_space<hbm>>) target_semaphore(%arg13 : memref<!tpu.dma_semaphore, #tpu.memory_space<semaphore_mem>>)
    %dma_wait3A_490 = arith.constant 1 : i32
    %dma_wait3A_491 = arith.constant 0 : i32
    %dma_wait3A_492 = arith.constant 0 : i32
    %dma_wait3A_493 = tpu.memref_slice %arg9[%dma_wait3A_490, %dma_wait3A_491, %dma_wait3A_492] : memref<2x128x128xf32, #tpu.memory_space<vmem>> -> memref<1x128x128xf32, #tpu.memory_space<vmem>>
    %dma_wait3A_494 = tpu.memref_squeeze %dma_wait3A_493 : memref<1x128x128xf32, #tpu.memory_space<vmem>> -> memref<128x128xf32, #tpu.memory_space<vmem>>
    %dma_wait3A_495 = arith.constant 640 : i32
    %dma_wait3A_496 = tpu.memref_slice %arg7[%dma_wait3A_495] : memref<2048xi32, #tpu.memory_space<vmem>> -> memref<128xi32, #tpu.memory_space<vmem>>
    %dma_wait3A_497 = arith.constant 0 : i32
    %dma_wait3A_498 = arith.constant 0 : i32
    %dma_wait3A_499 = tpu.memref_slice %arg3[%dma_wait3A_497, %dma_wait3A_498] : memref<2048x128xf32, #tpu.memory_space<hbm>> -> memref<2048x128xf32, #tpu.memory_space<hbm>>
    tpu.wait_indirect_dma semaphore(%arg12 : memref<!tpu.dma_semaphore, #tpu.memory_space<semaphore_mem>>) src(%dma_wait3A_499 : memref<2048x128xf32, #tpu.memory_space<hbm>>) dst(%dma_wait3A_494 : memref<128x128xf32, #tpu.memory_space<vmem>>)
    %dma_start3A_500 = arith.constant 1 : i32
    %dma_start3A_501 = arith.constant 0 : i32
    %dma_start3A_502 = arith.constant 0 : i32
    %dma_start3A_503 = tpu.memref_slice %arg9[%dma_start3A_500, %dma_start3A_501, %dma_start3A_502] : memref<2x128x128xf32, #tpu.memory_space<vmem>> -> memref<1x128x128xf32, #tpu.memory_space<vmem>>
    %dma_start3A_504 = tpu.memref_squeeze %dma_start3A_503 : memref<1x128x128xf32, #tpu.memory_space<vmem>> -> memref<128x128xf32, #tpu.memory_space<vmem>>
    %dma_start3A_505 = arith.constant 0 : i32
    %dma_start3A_506 = tpu.memref_slice %arg6[%add3A_466, %dma_start3A_505] : memref<65536x128xf32, #tpu.memory_space<hbm>> -> memref<128x128xf32, #tpu.memory_space<hbm>>
    %dma_start3A_507 = arith.constant 0 : i32
    %dma_start3A_508 = tpu.memref_slice %arg6[%add3A_466, %dma_start3A_507] : memref<65536x128xf32, #tpu.memory_space<hbm>> -> memref<128x128xf32, #tpu.memory_space<hbm>>
    %dma_start3A_509 = arith.constant 0 : i32
    %dma_start3A_510 = arith.constant 0 : i32
    %dma_start3A_511 = tpu.memref_slice %arg9[%dma_start3A_500, %dma_start3A_509, %dma_start3A_510] : memref<2x128x128xf32, #tpu.memory_space<vmem>> -> memref<1x128x128xf32, #tpu.memory_space<vmem>>
    %dma_start3A_512 = tpu.memref_squeeze %dma_start3A_511 : memref<1x128x128xf32, #tpu.memory_space<vmem>> -> memref<128x128xf32, #tpu.memory_space<vmem>>
    tpu.enqueue_dma source(%dma_start3A_512 : memref<128x128xf32, #tpu.memory_space<vmem>>) target(%dma_start3A_508 : memref<128x128xf32, #tpu.memory_space<hbm>>) target_semaphore(%arg13 : memref<!tpu.dma_semaphore, #tpu.memory_space<semaphore_mem>>)
    %dma_wait3A_513 = arith.constant 0 : i32
    %dma_wait3A_514 = arith.constant 0 : i32
    %dma_wait3A_515 = arith.constant 0 : i32
    %dma_wait3A_516 = tpu.memref_slice %arg8[%dma_wait3A_513, %dma_wait3A_514, %dma_wait3A_515] : memref<2x128x128xf32, #tpu.memory_space<vmem>> -> memref<1x128x128xf32, #tpu.memory_space<vmem>>
    %dma_wait3A_517 = tpu.memref_squeeze %dma_wait3A_516 : memref<1x128x128xf32, #tpu.memory_space<vmem>> -> memref<128x128xf32, #tpu.memory_space<vmem>>
    %dma_wait3A_518 = arith.constant 0 : i32
    %dma_wait3A_519 = tpu.memref_slice %arg5[%add3A_372, %dma_wait3A_518] : memref<65536x128xf32, #tpu.memory_space<hbm>> -> memref<128x128xf32, #tpu.memory_space<hbm>>
    %dma_wait3A_520 = arith.constant 0 : i32
    %dma_wait3A_521 = tpu.memref_slice %arg5[%add3A_372, %dma_wait3A_520] : memref<65536x128xf32, #tpu.memory_space<hbm>> -> memref<128x128xf32, #tpu.memory_space<hbm>>
    %dma_wait3A_522 = arith.constant 0 : i32
    %dma_wait3A_523 = arith.constant 0 : i32
    %dma_wait3A_524 = tpu.memref_slice %arg8[%dma_wait3A_513, %dma_wait3A_522, %dma_wait3A_523] : memref<2x128x128xf32, #tpu.memory_space<vmem>> -> memref<1x128x128xf32, #tpu.memory_space<vmem>>
    %dma_wait3A_525 = tpu.memref_squeeze %dma_wait3A_524 : memref<1x128x128xf32, #tpu.memory_space<vmem>> -> memref<128x128xf32, #tpu.memory_space<vmem>>
    tpu.wait_dma2 semaphore(%arg11 : memref<!tpu.dma_semaphore, #tpu.memory_space<semaphore_mem>>) src(%dma_wait3A_525 : memref<128x128xf32, #tpu.memory_space<vmem>>) dst(%dma_wait3A_521 : memref<128x128xf32, #tpu.memory_space<hbm>>)
    %dma_wait3A_526 = arith.constant 0 : i32
    %dma_wait3A_527 = arith.constant 0 : i32
    %dma_wait3A_528 = arith.constant 0 : i32
    %dma_wait3A_529 = tpu.memref_slice %arg9[%dma_wait3A_526, %dma_wait3A_527, %dma_wait3A_528] : memref<2x128x128xf32, #tpu.memory_space<vmem>> -> memref<1x128x128xf32, #tpu.memory_space<vmem>>
    %dma_wait3A_530 = tpu.memref_squeeze %dma_wait3A_529 : memref<1x128x128xf32, #tpu.memory_space<vmem>> -> memref<128x128xf32, #tpu.memory_space<vmem>>
    %dma_wait3A_531 = arith.constant 0 : i32
    %dma_wait3A_532 = tpu.memref_slice %arg6[%add3A_372, %dma_wait3A_531] : memref<65536x128xf32, #tpu.memory_space<hbm>> -> memref<128x128xf32, #tpu.memory_space<hbm>>
    %dma_wait3A_533 = arith.constant 0 : i32
    %dma_wait3A_534 = tpu.memref_slice %arg6[%add3A_372, %dma_wait3A_533] : memref<65536x128xf32, #tpu.memory_space<hbm>> -> memref<128x128xf32, #tpu.memory_space<hbm>>
    %dma_wait3A_535 = arith.constant 0 : i32
    %dma_wait3A_536 = arith.constant 0 : i32
    %dma_wait3A_537 = tpu.memref_slice %arg9[%dma_wait3A_526, %dma_wait3A_535, %dma_wait3A_536] : memref<2x128x128xf32, #tpu.memory_space<vmem>> -> memref<1x128x128xf32, #tpu.memory_space<vmem>>
    %dma_wait3A_538 = tpu.memref_squeeze %dma_wait3A_537 : memref<1x128x128xf32, #tpu.memory_space<vmem>> -> memref<128x128xf32, #tpu.memory_space<vmem>>
    tpu.wait_dma2 semaphore(%arg11 : memref<!tpu.dma_semaphore, #tpu.memory_space<semaphore_mem>>) src(%dma_wait3A_538 : memref<128x128xf32, #tpu.memory_space<vmem>>) dst(%dma_wait3A_534 : memref<128x128xf32, #tpu.memory_space<hbm>>)
    %dma_start3A_539 = arith.constant 0 : i32
    %dma_start3A_540 = arith.constant 0 : i32
    %dma_start3A_541 = arith.constant 0 : i32
    %dma_start3A_542 = tpu.memref_slice %arg8[%dma_start3A_539, %dma_start3A_540, %dma_start3A_541] : memref<2x128x128xf32, #tpu.memory_space<vmem>> -> memref<1x128x128xf32, #tpu.memory_space<vmem>>
    %dma_start3A_543 = tpu.memref_squeeze %dma_start3A_542 : memref<1x128x128xf32, #tpu.memory_space<vmem>> -> memref<128x128xf32, #tpu.memory_space<vmem>>
    %dma_start3A_544 = arith.constant 768 : i32
    %dma_start3A_545 = tpu.memref_slice %arg7[%dma_start3A_544] : memref<2048xi32, #tpu.memory_space<vmem>> -> memref<128xi32, #tpu.memory_space<vmem>>
    %dma_start3A_546 = arith.constant 0 : i32
    %dma_start3A_547 = arith.constant 0 : i32
    %dma_start3A_548 = tpu.memref_slice %arg2[%dma_start3A_546, %dma_start3A_547] : memref<2048x128xf32, #tpu.memory_space<hbm>> -> memref<2048x128xf32, #tpu.memory_space<hbm>>
    tpu.enqueue_indirect_dma source(%dma_start3A_548 : memref<2048x128xf32, #tpu.memory_space<hbm>>) target(%dma_start3A_543 : memref<128x128xf32, #tpu.memory_space<vmem>>) offsets(%dma_start3A_545 : memref<128xi32, #tpu.memory_space<vmem>>) semaphore(%arg10 : memref<!tpu.dma_semaphore, #tpu.memory_space<semaphore_mem>>)
    %dma_start3A_549 = arith.constant 0 : i32
    %dma_start3A_550 = arith.constant 0 : i32
    %dma_start3A_551 = arith.constant 0 : i32
    %dma_start3A_552 = tpu.memref_slice %arg9[%dma_start3A_549, %dma_start3A_550, %dma_start3A_551] : memref<2x128x128xf32, #tpu.memory_space<vmem>> -> memref<1x128x128xf32, #tpu.memory_space<vmem>>
    %dma_start3A_553 = tpu.memref_squeeze %dma_start3A_552 : memref<1x128x128xf32, #tpu.memory_space<vmem>> -> memref<128x128xf32, #tpu.memory_space<vmem>>
    %dma_start3A_554 = arith.constant 768 : i32
    %dma_start3A_555 = tpu.memref_slice %arg7[%dma_start3A_554] : memref<2048xi32, #tpu.memory_space<vmem>> -> memref<128xi32, #tpu.memory_space<vmem>>
    %dma_start3A_556 = arith.constant 0 : i32
    %dma_start3A_557 = arith.constant 0 : i32
    %dma_start3A_558 = tpu.memref_slice %arg3[%dma_start3A_556, %dma_start3A_557] : memref<2048x128xf32, #tpu.memory_space<hbm>> -> memref<2048x128xf32, #tpu.memory_space<hbm>>
    tpu.enqueue_indirect_dma source(%dma_start3A_558 : memref<2048x128xf32, #tpu.memory_space<hbm>>) target(%dma_start3A_553 : memref<128x128xf32, #tpu.memory_space<vmem>>) offsets(%dma_start3A_555 : memref<128xi32, #tpu.memory_space<vmem>>) semaphore(%arg10 : memref<!tpu.dma_semaphore, #tpu.memory_space<semaphore_mem>>)
    %add3A_559 = arith.constant 768 : i32
    %add3A_560 = arith.addi %mul3A_2, %add3A_559 : i32
    %dma_wait3A_561 = arith.constant 0 : i32
    %dma_wait3A_562 = arith.constant 0 : i32
    %dma_wait3A_563 = arith.constant 0 : i32
    %dma_wait3A_564 = tpu.memref_slice %arg8[%dma_wait3A_561, %dma_wait3A_562, %dma_wait3A_563] : memref<2x128x128xf32, #tpu.memory_space<vmem>> -> memref<1x128x128xf32, #tpu.memory_space<vmem>>
    %dma_wait3A_565 = tpu.memref_squeeze %dma_wait3A_564 : memref<1x128x128xf32, #tpu.memory_space<vmem>> -> memref<128x128xf32, #tpu.memory_space<vmem>>
    %dma_wait3A_566 = arith.constant 768 : i32
    %dma_wait3A_567 = tpu.memref_slice %arg7[%dma_wait3A_566] : memref<2048xi32, #tpu.memory_space<vmem>> -> memref<128xi32, #tpu.memory_space<vmem>>
    %dma_wait3A_568 = arith.constant 0 : i32
    %dma_wait3A_569 = arith.constant 0 : i32
    %dma_wait3A_570 = tpu.memref_slice %arg2[%dma_wait3A_568, %dma_wait3A_569] : memref<2048x128xf32, #tpu.memory_space<hbm>> -> memref<2048x128xf32, #tpu.memory_space<hbm>>
    tpu.wait_indirect_dma semaphore(%arg10 : memref<!tpu.dma_semaphore, #tpu.memory_space<semaphore_mem>>) src(%dma_wait3A_570 : memref<2048x128xf32, #tpu.memory_space<hbm>>) dst(%dma_wait3A_565 : memref<128x128xf32, #tpu.memory_space<vmem>>)
    %dma_start3A_571 = arith.constant 0 : i32
    %dma_start3A_572 = arith.constant 0 : i32
    %dma_start3A_573 = arith.constant 0 : i32
    %dma_start3A_574 = tpu.memref_slice %arg8[%dma_start3A_571, %dma_start3A_572, %dma_start3A_573] : memref<2x128x128xf32, #tpu.memory_space<vmem>> -> memref<1x128x128xf32, #tpu.memory_space<vmem>>
    %dma_start3A_575 = tpu.memref_squeeze %dma_start3A_574 : memref<1x128x128xf32, #tpu.memory_space<vmem>> -> memref<128x128xf32, #tpu.memory_space<vmem>>
    %dma_start3A_576 = arith.constant 0 : i32
    %dma_start3A_577 = tpu.memref_slice %arg5[%add3A_560, %dma_start3A_576] : memref<65536x128xf32, #tpu.memory_space<hbm>> -> memref<128x128xf32, #tpu.memory_space<hbm>>
    %dma_start3A_578 = arith.constant 0 : i32
    %dma_start3A_579 = tpu.memref_slice %arg5[%add3A_560, %dma_start3A_578] : memref<65536x128xf32, #tpu.memory_space<hbm>> -> memref<128x128xf32, #tpu.memory_space<hbm>>
    %dma_start3A_580 = arith.constant 0 : i32
    %dma_start3A_581 = arith.constant 0 : i32
    %dma_start3A_582 = tpu.memref_slice %arg8[%dma_start3A_571, %dma_start3A_580, %dma_start3A_581] : memref<2x128x128xf32, #tpu.memory_space<vmem>> -> memref<1x128x128xf32, #tpu.memory_space<vmem>>
    %dma_start3A_583 = tpu.memref_squeeze %dma_start3A_582 : memref<1x128x128xf32, #tpu.memory_space<vmem>> -> memref<128x128xf32, #tpu.memory_space<vmem>>
    tpu.enqueue_dma source(%dma_start3A_583 : memref<128x128xf32, #tpu.memory_space<vmem>>) target(%dma_start3A_579 : memref<128x128xf32, #tpu.memory_space<hbm>>) target_semaphore(%arg11 : memref<!tpu.dma_semaphore, #tpu.memory_space<semaphore_mem>>)
    %dma_wait3A_584 = arith.constant 0 : i32
    %dma_wait3A_585 = arith.constant 0 : i32
    %dma_wait3A_586 = arith.constant 0 : i32
    %dma_wait3A_587 = tpu.memref_slice %arg9[%dma_wait3A_584, %dma_wait3A_585, %dma_wait3A_586] : memref<2x128x128xf32, #tpu.memory_space<vmem>> -> memref<1x128x128xf32, #tpu.memory_space<vmem>>
    %dma_wait3A_588 = tpu.memref_squeeze %dma_wait3A_587 : memref<1x128x128xf32, #tpu.memory_space<vmem>> -> memref<128x128xf32, #tpu.memory_space<vmem>>
    %dma_wait3A_589 = arith.constant 768 : i32
    %dma_wait3A_590 = tpu.memref_slice %arg7[%dma_wait3A_589] : memref<2048xi32, #tpu.memory_space<vmem>> -> memref<128xi32, #tpu.memory_space<vmem>>
    %dma_wait3A_591 = arith.constant 0 : i32
    %dma_wait3A_592 = arith.constant 0 : i32
    %dma_wait3A_593 = tpu.memref_slice %arg3[%dma_wait3A_591, %dma_wait3A_592] : memref<2048x128xf32, #tpu.memory_space<hbm>> -> memref<2048x128xf32, #tpu.memory_space<hbm>>
    tpu.wait_indirect_dma semaphore(%arg10 : memref<!tpu.dma_semaphore, #tpu.memory_space<semaphore_mem>>) src(%dma_wait3A_593 : memref<2048x128xf32, #tpu.memory_space<hbm>>) dst(%dma_wait3A_588 : memref<128x128xf32, #tpu.memory_space<vmem>>)
    %dma_start3A_594 = arith.constant 0 : i32
    %dma_start3A_595 = arith.constant 0 : i32
    %dma_start3A_596 = arith.constant 0 : i32
    %dma_start3A_597 = tpu.memref_slice %arg9[%dma_start3A_594, %dma_start3A_595, %dma_start3A_596] : memref<2x128x128xf32, #tpu.memory_space<vmem>> -> memref<1x128x128xf32, #tpu.memory_space<vmem>>
    %dma_start3A_598 = tpu.memref_squeeze %dma_start3A_597 : memref<1x128x128xf32, #tpu.memory_space<vmem>> -> memref<128x128xf32, #tpu.memory_space<vmem>>
    %dma_start3A_599 = arith.constant 0 : i32
    %dma_start3A_600 = tpu.memref_slice %arg6[%add3A_560, %dma_start3A_599] : memref<65536x128xf32, #tpu.memory_space<hbm>> -> memref<128x128xf32, #tpu.memory_space<hbm>>
    %dma_start3A_601 = arith.constant 0 : i32
    %dma_start3A_602 = tpu.memref_slice %arg6[%add3A_560, %dma_start3A_601] : memref<65536x128xf32, #tpu.memory_space<hbm>> -> memref<128x128xf32, #tpu.memory_space<hbm>>
    %dma_start3A_603 = arith.constant 0 : i32
    %dma_start3A_604 = arith.constant 0 : i32
    %dma_start3A_605 = tpu.memref_slice %arg9[%dma_start3A_594, %dma_start3A_603, %dma_start3A_604] : memref<2x128x128xf32, #tpu.memory_space<vmem>> -> memref<1x128x128xf32, #tpu.memory_space<vmem>>
    %dma_start3A_606 = tpu.memref_squeeze %dma_start3A_605 : memref<1x128x128xf32, #tpu.memory_space<vmem>> -> memref<128x128xf32, #tpu.memory_space<vmem>>
    tpu.enqueue_dma source(%dma_start3A_606 : memref<128x128xf32, #tpu.memory_space<vmem>>) target(%dma_start3A_602 : memref<128x128xf32, #tpu.memory_space<hbm>>) target_semaphore(%arg11 : memref<!tpu.dma_semaphore, #tpu.memory_space<semaphore_mem>>)
    %dma_wait3A_607 = arith.constant 1 : i32
    %dma_wait3A_608 = arith.constant 0 : i32
    %dma_wait3A_609 = arith.constant 0 : i32
    %dma_wait3A_610 = tpu.memref_slice %arg8[%dma_wait3A_607, %dma_wait3A_608, %dma_wait3A_609] : memref<2x128x128xf32, #tpu.memory_space<vmem>> -> memref<1x128x128xf32, #tpu.memory_space<vmem>>
    %dma_wait3A_611 = tpu.memref_squeeze %dma_wait3A_610 : memref<1x128x128xf32, #tpu.memory_space<vmem>> -> memref<128x128xf32, #tpu.memory_space<vmem>>
    %dma_wait3A_612 = arith.constant 0 : i32
    %dma_wait3A_613 = tpu.memref_slice %arg5[%add3A_466, %dma_wait3A_612] : memref<65536x128xf32, #tpu.memory_space<hbm>> -> memref<128x128xf32, #tpu.memory_space<hbm>>
    %dma_wait3A_614 = arith.constant 0 : i32
    %dma_wait3A_615 = tpu.memref_slice %arg5[%add3A_466, %dma_wait3A_614] : memref<65536x128xf32, #tpu.memory_space<hbm>> -> memref<128x128xf32, #tpu.memory_space<hbm>>
    %dma_wait3A_616 = arith.constant 0 : i32
    %dma_wait3A_617 = arith.constant 0 : i32
    %dma_wait3A_618 = tpu.memref_slice %arg8[%dma_wait3A_607, %dma_wait3A_616, %dma_wait3A_617] : memref<2x128x128xf32, #tpu.memory_space<vmem>> -> memref<1x128x128xf32, #tpu.memory_space<vmem>>
    %dma_wait3A_619 = tpu.memref_squeeze %dma_wait3A_618 : memref<1x128x128xf32, #tpu.memory_space<vmem>> -> memref<128x128xf32, #tpu.memory_space<vmem>>
    tpu.wait_dma2 semaphore(%arg13 : memref<!tpu.dma_semaphore, #tpu.memory_space<semaphore_mem>>) src(%dma_wait3A_619 : memref<128x128xf32, #tpu.memory_space<vmem>>) dst(%dma_wait3A_615 : memref<128x128xf32, #tpu.memory_space<hbm>>)
    %dma_wait3A_620 = arith.constant 1 : i32
    %dma_wait3A_621 = arith.constant 0 : i32
    %dma_wait3A_622 = arith.constant 0 : i32
    %dma_wait3A_623 = tpu.memref_slice %arg9[%dma_wait3A_620, %dma_wait3A_621, %dma_wait3A_622] : memref<2x128x128xf32, #tpu.memory_space<vmem>> -> memref<1x128x128xf32, #tpu.memory_space<vmem>>
    %dma_wait3A_624 = tpu.memref_squeeze %dma_wait3A_623 : memref<1x128x128xf32, #tpu.memory_space<vmem>> -> memref<128x128xf32, #tpu.memory_space<vmem>>
    %dma_wait3A_625 = arith.constant 0 : i32
    %dma_wait3A_626 = tpu.memref_slice %arg6[%add3A_466, %dma_wait3A_625] : memref<65536x128xf32, #tpu.memory_space<hbm>> -> memref<128x128xf32, #tpu.memory_space<hbm>>
    %dma_wait3A_627 = arith.constant 0 : i32
    %dma_wait3A_628 = tpu.memref_slice %arg6[%add3A_466, %dma_wait3A_627] : memref<65536x128xf32, #tpu.memory_space<hbm>> -> memref<128x128xf32, #tpu.memory_space<hbm>>
    %dma_wait3A_629 = arith.constant 0 : i32
    %dma_wait3A_630 = arith.constant 0 : i32
    %dma_wait3A_631 = tpu.memref_slice %arg9[%dma_wait3A_620, %dma_wait3A_629, %dma_wait3A_630] : memref<2x128x128xf32, #tpu.memory_space<vmem>> -> memref<1x128x128xf32, #tpu.memory_space<vmem>>
    %dma_wait3A_632 = tpu.memref_squeeze %dma_wait3A_631 : memref<1x128x128xf32, #tpu.memory_space<vmem>> -> memref<128x128xf32, #tpu.memory_space<vmem>>
    tpu.wait_dma2 semaphore(%arg13 : memref<!tpu.dma_semaphore, #tpu.memory_space<semaphore_mem>>) src(%dma_wait3A_632 : memref<128x128xf32, #tpu.memory_space<vmem>>) dst(%dma_wait3A_628 : memref<128x128xf32, #tpu.memory_space<hbm>>)
    %dma_start3A_633 = arith.constant 1 : i32
    %dma_start3A_634 = arith.constant 0 : i32
    %dma_start3A_635 = arith.constant 0 : i32
    %dma_start3A_636 = tpu.memref_slice %arg8[%dma_start3A_633, %dma_start3A_634, %dma_start3A_635] : memref<2x128x128xf32, #tpu.memory_space<vmem>> -> memref<1x128x128xf32, #tpu.memory_space<vmem>>
    %dma_start3A_637 = tpu.memref_squeeze %dma_start3A_636 : memref<1x128x128xf32, #tpu.memory_space<vmem>> -> memref<128x128xf32, #tpu.memory_space<vmem>>
    %dma_start3A_638 = arith.constant 896 : i32
    %dma_start3A_639 = tpu.memref_slice %arg7[%dma_start3A_638] : memref<2048xi32, #tpu.memory_space<vmem>> -> memref<128xi32, #tpu.memory_space<vmem>>
    %dma_start3A_640 = arith.constant 0 : i32
    %dma_start3A_641 = arith.constant 0 : i32
    %dma_start3A_642 = tpu.memref_slice %arg2[%dma_start3A_640, %dma_start3A_641] : memref<2048x128xf32, #tpu.memory_space<hbm>> -> memref<2048x128xf32, #tpu.memory_space<hbm>>
    tpu.enqueue_indirect_dma source(%dma_start3A_642 : memref<2048x128xf32, #tpu.memory_space<hbm>>) target(%dma_start3A_637 : memref<128x128xf32, #tpu.memory_space<vmem>>) offsets(%dma_start3A_639 : memref<128xi32, #tpu.memory_space<vmem>>) semaphore(%arg12 : memref<!tpu.dma_semaphore, #tpu.memory_space<semaphore_mem>>)
    %dma_start3A_643 = arith.constant 1 : i32
    %dma_start3A_644 = arith.constant 0 : i32
    %dma_start3A_645 = arith.constant 0 : i32
    %dma_start3A_646 = tpu.memref_slice %arg9[%dma_start3A_643, %dma_start3A_644, %dma_start3A_645] : memref<2x128x128xf32, #tpu.memory_space<vmem>> -> memref<1x128x128xf32, #tpu.memory_space<vmem>>
    %dma_start3A_647 = tpu.memref_squeeze %dma_start3A_646 : memref<1x128x128xf32, #tpu.memory_space<vmem>> -> memref<128x128xf32, #tpu.memory_space<vmem>>
    %dma_start3A_648 = arith.constant 896 : i32
    %dma_start3A_649 = tpu.memref_slice %arg7[%dma_start3A_648] : memref<2048xi32, #tpu.memory_space<vmem>> -> memref<128xi32, #tpu.memory_space<vmem>>
    %dma_start3A_650 = arith.constant 0 : i32
    %dma_start3A_651 = arith.constant 0 : i32
    %dma_start3A_652 = tpu.memref_slice %arg3[%dma_start3A_650, %dma_start3A_651] : memref<2048x128xf32, #tpu.memory_space<hbm>> -> memref<2048x128xf32, #tpu.memory_space<hbm>>
    tpu.enqueue_indirect_dma source(%dma_start3A_652 : memref<2048x128xf32, #tpu.memory_space<hbm>>) target(%dma_start3A_647 : memref<128x128xf32, #tpu.memory_space<vmem>>) offsets(%dma_start3A_649 : memref<128xi32, #tpu.memory_space<vmem>>) semaphore(%arg12 : memref<!tpu.dma_semaphore, #tpu.memory_space<semaphore_mem>>)
    %add3A_653 = arith.constant 896 : i32
    %add3A_654 = arith.addi %mul3A_2, %add3A_653 : i32
    %dma_wait3A_655 = arith.constant 1 : i32
    %dma_wait3A_656 = arith.constant 0 : i32
    %dma_wait3A_657 = arith.constant 0 : i32
    %dma_wait3A_658 = tpu.memref_slice %arg8[%dma_wait3A_655, %dma_wait3A_656, %dma_wait3A_657] : memref<2x128x128xf32, #tpu.memory_space<vmem>> -> memref<1x128x128xf32, #tpu.memory_space<vmem>>
    %dma_wait3A_659 = tpu.memref_squeeze %dma_wait3A_658 : memref<1x128x128xf32, #tpu.memory_space<vmem>> -> memref<128x128xf32, #tpu.memory_space<vmem>>
    %dma_wait3A_660 = arith.constant 896 : i32
    %dma_wait3A_661 = tpu.memref_slice %arg7[%dma_wait3A_660] : memref<2048xi32, #tpu.memory_space<vmem>> -> memref<128xi32, #tpu.memory_space<vmem>>
    %dma_wait3A_662 = arith.constant 0 : i32
    %dma_wait3A_663 = arith.constant 0 : i32
    %dma_wait3A_664 = tpu.memref_slice %arg2[%dma_wait3A_662, %dma_wait3A_663] : memref<2048x128xf32, #tpu.memory_space<hbm>> -> memref<2048x128xf32, #tpu.memory_space<hbm>>
    tpu.wait_indirect_dma semaphore(%arg12 : memref<!tpu.dma_semaphore, #tpu.memory_space<semaphore_mem>>) src(%dma_wait3A_664 : memref<2048x128xf32, #tpu.memory_space<hbm>>) dst(%dma_wait3A_659 : memref<128x128xf32, #tpu.memory_space<vmem>>)
    %dma_start3A_665 = arith.constant 1 : i32
    %dma_start3A_666 = arith.constant 0 : i32
    %dma_start3A_667 = arith.constant 0 : i32
    %dma_start3A_668 = tpu.memref_slice %arg8[%dma_start3A_665, %dma_start3A_666, %dma_start3A_667] : memref<2x128x128xf32, #tpu.memory_space<vmem>> -> memref<1x128x128xf32, #tpu.memory_space<vmem>>
    %dma_start3A_669 = tpu.memref_squeeze %dma_start3A_668 : memref<1x128x128xf32, #tpu.memory_space<vmem>> -> memref<128x128xf32, #tpu.memory_space<vmem>>
    %dma_start3A_670 = arith.constant 0 : i32
    %dma_start3A_671 = tpu.memref_slice %arg5[%add3A_654, %dma_start3A_670] : memref<65536x128xf32, #tpu.memory_space<hbm>> -> memref<128x128xf32, #tpu.memory_space<hbm>>
    %dma_start3A_672 = arith.constant 0 : i32
    %dma_start3A_673 = tpu.memref_slice %arg5[%add3A_654, %dma_start3A_672] : memref<65536x128xf32, #tpu.memory_space<hbm>> -> memref<128x128xf32, #tpu.memory_space<hbm>>
    %dma_start3A_674 = arith.constant 0 : i32
    %dma_start3A_675 = arith.constant 0 : i32
    %dma_start3A_676 = tpu.memref_slice %arg8[%dma_start3A_665, %dma_start3A_674, %dma_start3A_675] : memref<2x128x128xf32, #tpu.memory_space<vmem>> -> memref<1x128x128xf32, #tpu.memory_space<vmem>>
    %dma_start3A_677 = tpu.memref_squeeze %dma_start3A_676 : memref<1x128x128xf32, #tpu.memory_space<vmem>> -> memref<128x128xf32, #tpu.memory_space<vmem>>
    tpu.enqueue_dma source(%dma_start3A_677 : memref<128x128xf32, #tpu.memory_space<vmem>>) target(%dma_start3A_673 : memref<128x128xf32, #tpu.memory_space<hbm>>) target_semaphore(%arg13 : memref<!tpu.dma_semaphore, #tpu.memory_space<semaphore_mem>>)
    %dma_wait3A_678 = arith.constant 1 : i32
    %dma_wait3A_679 = arith.constant 0 : i32
    %dma_wait3A_680 = arith.constant 0 : i32
    %dma_wait3A_681 = tpu.memref_slice %arg9[%dma_wait3A_678, %dma_wait3A_679, %dma_wait3A_680] : memref<2x128x128xf32, #tpu.memory_space<vmem>> -> memref<1x128x128xf32, #tpu.memory_space<vmem>>
    %dma_wait3A_682 = tpu.memref_squeeze %dma_wait3A_681 : memref<1x128x128xf32, #tpu.memory_space<vmem>> -> memref<128x128xf32, #tpu.memory_space<vmem>>
    %dma_wait3A_683 = arith.constant 896 : i32
    %dma_wait3A_684 = tpu.memref_slice %arg7[%dma_wait3A_683] : memref<2048xi32, #tpu.memory_space<vmem>> -> memref<128xi32, #tpu.memory_space<vmem>>
    %dma_wait3A_685 = arith.constant 0 : i32
    %dma_wait3A_686 = arith.constant 0 : i32
    %dma_wait3A_687 = tpu.memref_slice %arg3[%dma_wait3A_685, %dma_wait3A_686] : memref<2048x128xf32, #tpu.memory_space<hbm>> -> memref<2048x128xf32, #tpu.memory_space<hbm>>
    tpu.wait_indirect_dma semaphore(%arg12 : memref<!tpu.dma_semaphore, #tpu.memory_space<semaphore_mem>>) src(%dma_wait3A_687 : memref<2048x128xf32, #tpu.memory_space<hbm>>) dst(%dma_wait3A_682 : memref<128x128xf32, #tpu.memory_space<vmem>>)
    %dma_start3A_688 = arith.constant 1 : i32
    %dma_start3A_689 = arith.constant 0 : i32
    %dma_start3A_690 = arith.constant 0 : i32
    %dma_start3A_691 = tpu.memref_slice %arg9[%dma_start3A_688, %dma_start3A_689, %dma_start3A_690] : memref<2x128x128xf32, #tpu.memory_space<vmem>> -> memref<1x128x128xf32, #tpu.memory_space<vmem>>
    %dma_start3A_692 = tpu.memref_squeeze %dma_start3A_691 : memref<1x128x128xf32, #tpu.memory_space<vmem>> -> memref<128x128xf32, #tpu.memory_space<vmem>>
    %dma_start3A_693 = arith.constant 0 : i32
    %dma_start3A_694 = tpu.memref_slice %arg6[%add3A_654, %dma_start3A_693] : memref<65536x128xf32, #tpu.memory_space<hbm>> -> memref<128x128xf32, #tpu.memory_space<hbm>>
    %dma_start3A_695 = arith.constant 0 : i32
    %dma_start3A_696 = tpu.memref_slice %arg6[%add3A_654, %dma_start3A_695] : memref<65536x128xf32, #tpu.memory_space<hbm>> -> memref<128x128xf32, #tpu.memory_space<hbm>>
    %dma_start3A_697 = arith.constant 0 : i32
    %dma_start3A_698 = arith.constant 0 : i32
    %dma_start3A_699 = tpu.memref_slice %arg9[%dma_start3A_688, %dma_start3A_697, %dma_start3A_698] : memref<2x128x128xf32, #tpu.memory_space<vmem>> -> memref<1x128x128xf32, #tpu.memory_space<vmem>>
    %dma_start3A_700 = tpu.memref_squeeze %dma_start3A_699 : memref<1x128x128xf32, #tpu.memory_space<vmem>> -> memref<128x128xf32, #tpu.memory_space<vmem>>
    tpu.enqueue_dma source(%dma_start3A_700 : memref<128x128xf32, #tpu.memory_space<vmem>>) target(%dma_start3A_696 : memref<128x128xf32, #tpu.memory_space<hbm>>) target_semaphore(%arg13 : memref<!tpu.dma_semaphore, #tpu.memory_space<semaphore_mem>>)
    %dma_wait3A_701 = arith.constant 0 : i32
    %dma_wait3A_702 = arith.constant 0 : i32
    %dma_wait3A_703 = arith.constant 0 : i32
    %dma_wait3A_704 = tpu.memref_slice %arg8[%dma_wait3A_701, %dma_wait3A_702, %dma_wait3A_703] : memref<2x128x128xf32, #tpu.memory_space<vmem>> -> memref<1x128x128xf32, #tpu.memory_space<vmem>>
    %dma_wait3A_705 = tpu.memref_squeeze %dma_wait3A_704 : memref<1x128x128xf32, #tpu.memory_space<vmem>> -> memref<128x128xf32, #tpu.memory_space<vmem>>
    %dma_wait3A_706 = arith.constant 0 : i32
    %dma_wait3A_707 = tpu.memref_slice %arg5[%add3A_560, %dma_wait3A_706] : memref<65536x128xf32, #tpu.memory_space<hbm>> -> memref<128x128xf32, #tpu.memory_space<hbm>>
    %dma_wait3A_708 = arith.constant 0 : i32
    %dma_wait3A_709 = tpu.memref_slice %arg5[%add3A_560, %dma_wait3A_708] : memref<65536x128xf32, #tpu.memory_space<hbm>> -> memref<128x128xf32, #tpu.memory_space<hbm>>
    %dma_wait3A_710 = arith.constant 0 : i32
    %dma_wait3A_711 = arith.constant 0 : i32
    %dma_wait3A_712 = tpu.memref_slice %arg8[%dma_wait3A_701, %dma_wait3A_710, %dma_wait3A_711] : memref<2x128x128xf32, #tpu.memory_space<vmem>> -> memref<1x128x128xf32, #tpu.memory_space<vmem>>
    %dma_wait3A_713 = tpu.memref_squeeze %dma_wait3A_712 : memref<1x128x128xf32, #tpu.memory_space<vmem>> -> memref<128x128xf32, #tpu.memory_space<vmem>>
    tpu.wait_dma2 semaphore(%arg11 : memref<!tpu.dma_semaphore, #tpu.memory_space<semaphore_mem>>) src(%dma_wait3A_713 : memref<128x128xf32, #tpu.memory_space<vmem>>) dst(%dma_wait3A_709 : memref<128x128xf32, #tpu.memory_space<hbm>>)
    %dma_wait3A_714 = arith.constant 0 : i32
    %dma_wait3A_715 = arith.constant 0 : i32
    %dma_wait3A_716 = arith.constant 0 : i32
    %dma_wait3A_717 = tpu.memref_slice %arg9[%dma_wait3A_714, %dma_wait3A_715, %dma_wait3A_716] : memref<2x128x128xf32, #tpu.memory_space<vmem>> -> memref<1x128x128xf32, #tpu.memory_space<vmem>>
    %dma_wait3A_718 = tpu.memref_squeeze %dma_wait3A_717 : memref<1x128x128xf32, #tpu.memory_space<vmem>> -> memref<128x128xf32, #tpu.memory_space<vmem>>
    %dma_wait3A_719 = arith.constant 0 : i32
    %dma_wait3A_720 = tpu.memref_slice %arg6[%add3A_560, %dma_wait3A_719] : memref<65536x128xf32, #tpu.memory_space<hbm>> -> memref<128x128xf32, #tpu.memory_space<hbm>>
    %dma_wait3A_721 = arith.constant 0 : i32
    %dma_wait3A_722 = tpu.memref_slice %arg6[%add3A_560, %dma_wait3A_721] : memref<65536x128xf32, #tpu.memory_space<hbm>> -> memref<128x128xf32, #tpu.memory_space<hbm>>
    %dma_wait3A_723 = arith.constant 0 : i32
    %dma_wait3A_724 = arith.constant 0 : i32
    %dma_wait3A_725 = tpu.memref_slice %arg9[%dma_wait3A_714, %dma_wait3A_723, %dma_wait3A_724] : memref<2x128x128xf32, #tpu.memory_space<vmem>> -> memref<1x128x128xf32, #tpu.memory_space<vmem>>
    %dma_wait3A_726 = tpu.memref_squeeze %dma_wait3A_725 : memref<1x128x128xf32, #tpu.memory_space<vmem>> -> memref<128x128xf32, #tpu.memory_space<vmem>>
    tpu.wait_dma2 semaphore(%arg11 : memref<!tpu.dma_semaphore, #tpu.memory_space<semaphore_mem>>) src(%dma_wait3A_726 : memref<128x128xf32, #tpu.memory_space<vmem>>) dst(%dma_wait3A_722 : memref<128x128xf32, #tpu.memory_space<hbm>>)
    %dma_start3A_727 = arith.constant 0 : i32
    %dma_start3A_728 = arith.constant 0 : i32
    %dma_start3A_729 = arith.constant 0 : i32
    %dma_start3A_730 = tpu.memref_slice %arg8[%dma_start3A_727, %dma_start3A_728, %dma_start3A_729] : memref<2x128x128xf32, #tpu.memory_space<vmem>> -> memref<1x128x128xf32, #tpu.memory_space<vmem>>
    %dma_start3A_731 = tpu.memref_squeeze %dma_start3A_730 : memref<1x128x128xf32, #tpu.memory_space<vmem>> -> memref<128x128xf32, #tpu.memory_space<vmem>>
    %dma_start3A_732 = arith.constant 1024 : i32
    %dma_start3A_733 = tpu.memref_slice %arg7[%dma_start3A_732] : memref<2048xi32, #tpu.memory_space<vmem>> -> memref<128xi32, #tpu.memory_space<vmem>>
    %dma_start3A_734 = arith.constant 0 : i32
    %dma_start3A_735 = arith.constant 0 : i32
    %dma_start3A_736 = tpu.memref_slice %arg2[%dma_start3A_734, %dma_start3A_735] : memref<2048x128xf32, #tpu.memory_space<hbm>> -> memref<2048x128xf32, #tpu.memory_space<hbm>>
    tpu.enqueue_indirect_dma source(%dma_start3A_736 : memref<2048x128xf32, #tpu.memory_space<hbm>>) target(%dma_start3A_731 : memref<128x128xf32, #tpu.memory_space<vmem>>) offsets(%dma_start3A_733 : memref<128xi32, #tpu.memory_space<vmem>>) semaphore(%arg10 : memref<!tpu.dma_semaphore, #tpu.memory_space<semaphore_mem>>)
    %dma_start3A_737 = arith.constant 0 : i32
    %dma_start3A_738 = arith.constant 0 : i32
    %dma_start3A_739 = arith.constant 0 : i32
    %dma_start3A_740 = tpu.memref_slice %arg9[%dma_start3A_737, %dma_start3A_738, %dma_start3A_739] : memref<2x128x128xf32, #tpu.memory_space<vmem>> -> memref<1x128x128xf32, #tpu.memory_space<vmem>>
    %dma_start3A_741 = tpu.memref_squeeze %dma_start3A_740 : memref<1x128x128xf32, #tpu.memory_space<vmem>> -> memref<128x128xf32, #tpu.memory_space<vmem>>
    %dma_start3A_742 = arith.constant 1024 : i32
    %dma_start3A_743 = tpu.memref_slice %arg7[%dma_start3A_742] : memref<2048xi32, #tpu.memory_space<vmem>> -> memref<128xi32, #tpu.memory_space<vmem>>
    %dma_start3A_744 = arith.constant 0 : i32
    %dma_start3A_745 = arith.constant 0 : i32
    %dma_start3A_746 = tpu.memref_slice %arg3[%dma_start3A_744, %dma_start3A_745] : memref<2048x128xf32, #tpu.memory_space<hbm>> -> memref<2048x128xf32, #tpu.memory_space<hbm>>
    tpu.enqueue_indirect_dma source(%dma_start3A_746 : memref<2048x128xf32, #tpu.memory_space<hbm>>) target(%dma_start3A_741 : memref<128x128xf32, #tpu.memory_space<vmem>>) offsets(%dma_start3A_743 : memref<128xi32, #tpu.memory_space<vmem>>) semaphore(%arg10 : memref<!tpu.dma_semaphore, #tpu.memory_space<semaphore_mem>>)
    %add3A_747 = arith.constant 1024 : i32
    %add3A_748 = arith.addi %mul3A_2, %add3A_747 : i32
    %dma_wait3A_749 = arith.constant 0 : i32
    %dma_wait3A_750 = arith.constant 0 : i32
    %dma_wait3A_751 = arith.constant 0 : i32
    %dma_wait3A_752 = tpu.memref_slice %arg8[%dma_wait3A_749, %dma_wait3A_750, %dma_wait3A_751] : memref<2x128x128xf32, #tpu.memory_space<vmem>> -> memref<1x128x128xf32, #tpu.memory_space<vmem>>
    %dma_wait3A_753 = tpu.memref_squeeze %dma_wait3A_752 : memref<1x128x128xf32, #tpu.memory_space<vmem>> -> memref<128x128xf32, #tpu.memory_space<vmem>>
    %dma_wait3A_754 = arith.constant 1024 : i32
    %dma_wait3A_755 = tpu.memref_slice %arg7[%dma_wait3A_754] : memref<2048xi32, #tpu.memory_space<vmem>> -> memref<128xi32, #tpu.memory_space<vmem>>
    %dma_wait3A_756 = arith.constant 0 : i32
    %dma_wait3A_757 = arith.constant 0 : i32
    %dma_wait3A_758 = tpu.memref_slice %arg2[%dma_wait3A_756, %dma_wait3A_757] : memref<2048x128xf32, #tpu.memory_space<hbm>> -> memref<2048x128xf32, #tpu.memory_space<hbm>>
    tpu.wait_indirect_dma semaphore(%arg10 : memref<!tpu.dma_semaphore, #tpu.memory_space<semaphore_mem>>) src(%dma_wait3A_758 : memref<2048x128xf32, #tpu.memory_space<hbm>>) dst(%dma_wait3A_753 : memref<128x128xf32, #tpu.memory_space<vmem>>)
    %dma_start3A_759 = arith.constant 0 : i32
    %dma_start3A_760 = arith.constant 0 : i32
    %dma_start3A_761 = arith.constant 0 : i32
    %dma_start3A_762 = tpu.memref_slice %arg8[%dma_start3A_759, %dma_start3A_760, %dma_start3A_761] : memref<2x128x128xf32, #tpu.memory_space<vmem>> -> memref<1x128x128xf32, #tpu.memory_space<vmem>>
    %dma_start3A_763 = tpu.memref_squeeze %dma_start3A_762 : memref<1x128x128xf32, #tpu.memory_space<vmem>> -> memref<128x128xf32, #tpu.memory_space<vmem>>
    %dma_start3A_764 = arith.constant 0 : i32
    %dma_start3A_765 = tpu.memref_slice %arg5[%add3A_748, %dma_start3A_764] : memref<65536x128xf32, #tpu.memory_space<hbm>> -> memref<128x128xf32, #tpu.memory_space<hbm>>
    %dma_start3A_766 = arith.constant 0 : i32
    %dma_start3A_767 = tpu.memref_slice %arg5[%add3A_748, %dma_start3A_766] : memref<65536x128xf32, #tpu.memory_space<hbm>> -> memref<128x128xf32, #tpu.memory_space<hbm>>
    %dma_start3A_768 = arith.constant 0 : i32
    %dma_start3A_769 = arith.constant 0 : i32
    %dma_start3A_770 = tpu.memref_slice %arg8[%dma_start3A_759, %dma_start3A_768, %dma_start3A_769] : memref<2x128x128xf32, #tpu.memory_space<vmem>> -> memref<1x128x128xf32, #tpu.memory_space<vmem>>
    %dma_start3A_771 = tpu.memref_squeeze %dma_start3A_770 : memref<1x128x128xf32, #tpu.memory_space<vmem>> -> memref<128x128xf32, #tpu.memory_space<vmem>>
    tpu.enqueue_dma source(%dma_start3A_771 : memref<128x128xf32, #tpu.memory_space<vmem>>) target(%dma_start3A_767 : memref<128x128xf32, #tpu.memory_space<hbm>>) target_semaphore(%arg11 : memref<!tpu.dma_semaphore, #tpu.memory_space<semaphore_mem>>)
    %dma_wait3A_772 = arith.constant 0 : i32
    %dma_wait3A_773 = arith.constant 0 : i32
    %dma_wait3A_774 = arith.constant 0 : i32
    %dma_wait3A_775 = tpu.memref_slice %arg9[%dma_wait3A_772, %dma_wait3A_773, %dma_wait3A_774] : memref<2x128x128xf32, #tpu.memory_space<vmem>> -> memref<1x128x128xf32, #tpu.memory_space<vmem>>
    %dma_wait3A_776 = tpu.memref_squeeze %dma_wait3A_775 : memref<1x128x128xf32, #tpu.memory_space<vmem>> -> memref<128x128xf32, #tpu.memory_space<vmem>>
    %dma_wait3A_777 = arith.constant 1024 : i32
    %dma_wait3A_778 = tpu.memref_slice %arg7[%dma_wait3A_777] : memref<2048xi32, #tpu.memory_space<vmem>> -> memref<128xi32, #tpu.memory_space<vmem>>
    %dma_wait3A_779 = arith.constant 0 : i32
    %dma_wait3A_780 = arith.constant 0 : i32
    %dma_wait3A_781 = tpu.memref_slice %arg3[%dma_wait3A_779, %dma_wait3A_780] : memref<2048x128xf32, #tpu.memory_space<hbm>> -> memref<2048x128xf32, #tpu.memory_space<hbm>>
    tpu.wait_indirect_dma semaphore(%arg10 : memref<!tpu.dma_semaphore, #tpu.memory_space<semaphore_mem>>) src(%dma_wait3A_781 : memref<2048x128xf32, #tpu.memory_space<hbm>>) dst(%dma_wait3A_776 : memref<128x128xf32, #tpu.memory_space<vmem>>)
    %dma_start3A_782 = arith.constant 0 : i32
    %dma_start3A_783 = arith.constant 0 : i32
    %dma_start3A_784 = arith.constant 0 : i32
    %dma_start3A_785 = tpu.memref_slice %arg9[%dma_start3A_782, %dma_start3A_783, %dma_start3A_784] : memref<2x128x128xf32, #tpu.memory_space<vmem>> -> memref<1x128x128xf32, #tpu.memory_space<vmem>>
    %dma_start3A_786 = tpu.memref_squeeze %dma_start3A_785 : memref<1x128x128xf32, #tpu.memory_space<vmem>> -> memref<128x128xf32, #tpu.memory_space<vmem>>
    %dma_start3A_787 = arith.constant 0 : i32
    %dma_start3A_788 = tpu.memref_slice %arg6[%add3A_748, %dma_start3A_787] : memref<65536x128xf32, #tpu.memory_space<hbm>> -> memref<128x128xf32, #tpu.memory_space<hbm>>
    %dma_start3A_789 = arith.constant 0 : i32
    %dma_start3A_790 = tpu.memref_slice %arg6[%add3A_748, %dma_start3A_789] : memref<65536x128xf32, #tpu.memory_space<hbm>> -> memref<128x128xf32, #tpu.memory_space<hbm>>
    %dma_start3A_791 = arith.constant 0 : i32
    %dma_start3A_792 = arith.constant 0 : i32
    %dma_start3A_793 = tpu.memref_slice %arg9[%dma_start3A_782, %dma_start3A_791, %dma_start3A_792] : memref<2x128x128xf32, #tpu.memory_space<vmem>> -> memref<1x128x128xf32, #tpu.memory_space<vmem>>
    %dma_start3A_794 = tpu.memref_squeeze %dma_start3A_793 : memref<1x128x128xf32, #tpu.memory_space<vmem>> -> memref<128x128xf32, #tpu.memory_space<vmem>>
    tpu.enqueue_dma source(%dma_start3A_794 : memref<128x128xf32, #tpu.memory_space<vmem>>) target(%dma_start3A_790 : memref<128x128xf32, #tpu.memory_space<hbm>>) target_semaphore(%arg11 : memref<!tpu.dma_semaphore, #tpu.memory_space<semaphore_mem>>)
    %dma_wait3A_795 = arith.constant 1 : i32
    %dma_wait3A_796 = arith.constant 0 : i32
    %dma_wait3A_797 = arith.constant 0 : i32
    %dma_wait3A_798 = tpu.memref_slice %arg8[%dma_wait3A_795, %dma_wait3A_796, %dma_wait3A_797] : memref<2x128x128xf32, #tpu.memory_space<vmem>> -> memref<1x128x128xf32, #tpu.memory_space<vmem>>
    %dma_wait3A_799 = tpu.memref_squeeze %dma_wait3A_798 : memref<1x128x128xf32, #tpu.memory_space<vmem>> -> memref<128x128xf32, #tpu.memory_space<vmem>>
    %dma_wait3A_800 = arith.constant 0 : i32
    %dma_wait3A_801 = tpu.memref_slice %arg5[%add3A_654, %dma_wait3A_800] : memref<65536x128xf32, #tpu.memory_space<hbm>> -> memref<128x128xf32, #tpu.memory_space<hbm>>
    %dma_wait3A_802 = arith.constant 0 : i32
    %dma_wait3A_803 = tpu.memref_slice %arg5[%add3A_654, %dma_wait3A_802] : memref<65536x128xf32, #tpu.memory_space<hbm>> -> memref<128x128xf32, #tpu.memory_space<hbm>>
    %dma_wait3A_804 = arith.constant 0 : i32
    %dma_wait3A_805 = arith.constant 0 : i32
    %dma_wait3A_806 = tpu.memref_slice %arg8[%dma_wait3A_795, %dma_wait3A_804, %dma_wait3A_805] : memref<2x128x128xf32, #tpu.memory_space<vmem>> -> memref<1x128x128xf32, #tpu.memory_space<vmem>>
    %dma_wait3A_807 = tpu.memref_squeeze %dma_wait3A_806 : memref<1x128x128xf32, #tpu.memory_space<vmem>> -> memref<128x128xf32, #tpu.memory_space<vmem>>
    tpu.wait_dma2 semaphore(%arg13 : memref<!tpu.dma_semaphore, #tpu.memory_space<semaphore_mem>>) src(%dma_wait3A_807 : memref<128x128xf32, #tpu.memory_space<vmem>>) dst(%dma_wait3A_803 : memref<128x128xf32, #tpu.memory_space<hbm>>)
    %dma_wait3A_808 = arith.constant 1 : i32
    %dma_wait3A_809 = arith.constant 0 : i32
    %dma_wait3A_810 = arith.constant 0 : i32
    %dma_wait3A_811 = tpu.memref_slice %arg9[%dma_wait3A_808, %dma_wait3A_809, %dma_wait3A_810] : memref<2x128x128xf32, #tpu.memory_space<vmem>> -> memref<1x128x128xf32, #tpu.memory_space<vmem>>
    %dma_wait3A_812 = tpu.memref_squeeze %dma_wait3A_811 : memref<1x128x128xf32, #tpu.memory_space<vmem>> -> memref<128x128xf32, #tpu.memory_space<vmem>>
    %dma_wait3A_813 = arith.constant 0 : i32
    %dma_wait3A_814 = tpu.memref_slice %arg6[%add3A_654, %dma_wait3A_813] : memref<65536x128xf32, #tpu.memory_space<hbm>> -> memref<128x128xf32, #tpu.memory_space<hbm>>
    %dma_wait3A_815 = arith.constant 0 : i32
    %dma_wait3A_816 = tpu.memref_slice %arg6[%add3A_654, %dma_wait3A_815] : memref<65536x128xf32, #tpu.memory_space<hbm>> -> memref<128x128xf32, #tpu.memory_space<hbm>>
    %dma_wait3A_817 = arith.constant 0 : i32
    %dma_wait3A_818 = arith.constant 0 : i32
    %dma_wait3A_819 = tpu.memref_slice %arg9[%dma_wait3A_808, %dma_wait3A_817, %dma_wait3A_818] : memref<2x128x128xf32, #tpu.memory_space<vmem>> -> memref<1x128x128xf32, #tpu.memory_space<vmem>>
    %dma_wait3A_820 = tpu.memref_squeeze %dma_wait3A_819 : memref<1x128x128xf32, #tpu.memory_space<vmem>> -> memref<128x128xf32, #tpu.memory_space<vmem>>
    tpu.wait_dma2 semaphore(%arg13 : memref<!tpu.dma_semaphore, #tpu.memory_space<semaphore_mem>>) src(%dma_wait3A_820 : memref<128x128xf32, #tpu.memory_space<vmem>>) dst(%dma_wait3A_816 : memref<128x128xf32, #tpu.memory_space<hbm>>)
    %dma_start3A_821 = arith.constant 1 : i32
    %dma_start3A_822 = arith.constant 0 : i32
    %dma_start3A_823 = arith.constant 0 : i32
    %dma_start3A_824 = tpu.memref_slice %arg8[%dma_start3A_821, %dma_start3A_822, %dma_start3A_823] : memref<2x128x128xf32, #tpu.memory_space<vmem>> -> memref<1x128x128xf32, #tpu.memory_space<vmem>>
    %dma_start3A_825 = tpu.memref_squeeze %dma_start3A_824 : memref<1x128x128xf32, #tpu.memory_space<vmem>> -> memref<128x128xf32, #tpu.memory_space<vmem>>
    %dma_start3A_826 = arith.constant 1152 : i32
    %dma_start3A_827 = tpu.memref_slice %arg7[%dma_start3A_826] : memref<2048xi32, #tpu.memory_space<vmem>> -> memref<128xi32, #tpu.memory_space<vmem>>
    %dma_start3A_828 = arith.constant 0 : i32
    %dma_start3A_829 = arith.constant 0 : i32
    %dma_start3A_830 = tpu.memref_slice %arg2[%dma_start3A_828, %dma_start3A_829] : memref<2048x128xf32, #tpu.memory_space<hbm>> -> memref<2048x128xf32, #tpu.memory_space<hbm>>
    tpu.enqueue_indirect_dma source(%dma_start3A_830 : memref<2048x128xf32, #tpu.memory_space<hbm>>) target(%dma_start3A_825 : memref<128x128xf32, #tpu.memory_space<vmem>>) offsets(%dma_start3A_827 : memref<128xi32, #tpu.memory_space<vmem>>) semaphore(%arg12 : memref<!tpu.dma_semaphore, #tpu.memory_space<semaphore_mem>>)
    %dma_start3A_831 = arith.constant 1 : i32
    %dma_start3A_832 = arith.constant 0 : i32
    %dma_start3A_833 = arith.constant 0 : i32
    %dma_start3A_834 = tpu.memref_slice %arg9[%dma_start3A_831, %dma_start3A_832, %dma_start3A_833] : memref<2x128x128xf32, #tpu.memory_space<vmem>> -> memref<1x128x128xf32, #tpu.memory_space<vmem>>
    %dma_start3A_835 = tpu.memref_squeeze %dma_start3A_834 : memref<1x128x128xf32, #tpu.memory_space<vmem>> -> memref<128x128xf32, #tpu.memory_space<vmem>>
    %dma_start3A_836 = arith.constant 1152 : i32
    %dma_start3A_837 = tpu.memref_slice %arg7[%dma_start3A_836] : memref<2048xi32, #tpu.memory_space<vmem>> -> memref<128xi32, #tpu.memory_space<vmem>>
    %dma_start3A_838 = arith.constant 0 : i32
    %dma_start3A_839 = arith.constant 0 : i32
    %dma_start3A_840 = tpu.memref_slice %arg3[%dma_start3A_838, %dma_start3A_839] : memref<2048x128xf32, #tpu.memory_space<hbm>> -> memref<2048x128xf32, #tpu.memory_space<hbm>>
    tpu.enqueue_indirect_dma source(%dma_start3A_840 : memref<2048x128xf32, #tpu.memory_space<hbm>>) target(%dma_start3A_835 : memref<128x128xf32, #tpu.memory_space<vmem>>) offsets(%dma_start3A_837 : memref<128xi32, #tpu.memory_space<vmem>>) semaphore(%arg12 : memref<!tpu.dma_semaphore, #tpu.memory_space<semaphore_mem>>)
    %add3A_841 = arith.constant 1152 : i32
    %add3A_842 = arith.addi %mul3A_2, %add3A_841 : i32
    %dma_wait3A_843 = arith.constant 1 : i32
    %dma_wait3A_844 = arith.constant 0 : i32
    %dma_wait3A_845 = arith.constant 0 : i32
    %dma_wait3A_846 = tpu.memref_slice %arg8[%dma_wait3A_843, %dma_wait3A_844, %dma_wait3A_845] : memref<2x128x128xf32, #tpu.memory_space<vmem>> -> memref<1x128x128xf32, #tpu.memory_space<vmem>>
    %dma_wait3A_847 = tpu.memref_squeeze %dma_wait3A_846 : memref<1x128x128xf32, #tpu.memory_space<vmem>> -> memref<128x128xf32, #tpu.memory_space<vmem>>
    %dma_wait3A_848 = arith.constant 1152 : i32
    %dma_wait3A_849 = tpu.memref_slice %arg7[%dma_wait3A_848] : memref<2048xi32, #tpu.memory_space<vmem>> -> memref<128xi32, #tpu.memory_space<vmem>>
    %dma_wait3A_850 = arith.constant 0 : i32
    %dma_wait3A_851 = arith.constant 0 : i32
    %dma_wait3A_852 = tpu.memref_slice %arg2[%dma_wait3A_850, %dma_wait3A_851] : memref<2048x128xf32, #tpu.memory_space<hbm>> -> memref<2048x128xf32, #tpu.memory_space<hbm>>
    tpu.wait_indirect_dma semaphore(%arg12 : memref<!tpu.dma_semaphore, #tpu.memory_space<semaphore_mem>>) src(%dma_wait3A_852 : memref<2048x128xf32, #tpu.memory_space<hbm>>) dst(%dma_wait3A_847 : memref<128x128xf32, #tpu.memory_space<vmem>>)
    %dma_start3A_853 = arith.constant 1 : i32
    %dma_start3A_854 = arith.constant 0 : i32
    %dma_start3A_855 = arith.constant 0 : i32
    %dma_start3A_856 = tpu.memref_slice %arg8[%dma_start3A_853, %dma_start3A_854, %dma_start3A_855] : memref<2x128x128xf32, #tpu.memory_space<vmem>> -> memref<1x128x128xf32, #tpu.memory_space<vmem>>
    %dma_start3A_857 = tpu.memref_squeeze %dma_start3A_856 : memref<1x128x128xf32, #tpu.memory_space<vmem>> -> memref<128x128xf32, #tpu.memory_space<vmem>>
    %dma_start3A_858 = arith.constant 0 : i32
    %dma_start3A_859 = tpu.memref_slice %arg5[%add3A_842, %dma_start3A_858] : memref<65536x128xf32, #tpu.memory_space<hbm>> -> memref<128x128xf32, #tpu.memory_space<hbm>>
    %dma_start3A_860 = arith.constant 0 : i32
    %dma_start3A_861 = tpu.memref_slice %arg5[%add3A_842, %dma_start3A_860] : memref<65536x128xf32, #tpu.memory_space<hbm>> -> memref<128x128xf32, #tpu.memory_space<hbm>>
    %dma_start3A_862 = arith.constant 0 : i32
    %dma_start3A_863 = arith.constant 0 : i32
    %dma_start3A_864 = tpu.memref_slice %arg8[%dma_start3A_853, %dma_start3A_862, %dma_start3A_863] : memref<2x128x128xf32, #tpu.memory_space<vmem>> -> memref<1x128x128xf32, #tpu.memory_space<vmem>>
    %dma_start3A_865 = tpu.memref_squeeze %dma_start3A_864 : memref<1x128x128xf32, #tpu.memory_space<vmem>> -> memref<128x128xf32, #tpu.memory_space<vmem>>
    tpu.enqueue_dma source(%dma_start3A_865 : memref<128x128xf32, #tpu.memory_space<vmem>>) target(%dma_start3A_861 : memref<128x128xf32, #tpu.memory_space<hbm>>) target_semaphore(%arg13 : memref<!tpu.dma_semaphore, #tpu.memory_space<semaphore_mem>>)
    %dma_wait3A_866 = arith.constant 1 : i32
    %dma_wait3A_867 = arith.constant 0 : i32
    %dma_wait3A_868 = arith.constant 0 : i32
    %dma_wait3A_869 = tpu.memref_slice %arg9[%dma_wait3A_866, %dma_wait3A_867, %dma_wait3A_868] : memref<2x128x128xf32, #tpu.memory_space<vmem>> -> memref<1x128x128xf32, #tpu.memory_space<vmem>>
    %dma_wait3A_870 = tpu.memref_squeeze %dma_wait3A_869 : memref<1x128x128xf32, #tpu.memory_space<vmem>> -> memref<128x128xf32, #tpu.memory_space<vmem>>
    %dma_wait3A_871 = arith.constant 1152 : i32
    %dma_wait3A_872 = tpu.memref_slice %arg7[%dma_wait3A_871] : memref<2048xi32, #tpu.memory_space<vmem>> -> memref<128xi32, #tpu.memory_space<vmem>>
    %dma_wait3A_873 = arith.constant 0 : i32
    %dma_wait3A_874 = arith.constant 0 : i32
    %dma_wait3A_875 = tpu.memref_slice %arg3[%dma_wait3A_873, %dma_wait3A_874] : memref<2048x128xf32, #tpu.memory_space<hbm>> -> memref<2048x128xf32, #tpu.memory_space<hbm>>
    tpu.wait_indirect_dma semaphore(%arg12 : memref<!tpu.dma_semaphore, #tpu.memory_space<semaphore_mem>>) src(%dma_wait3A_875 : memref<2048x128xf32, #tpu.memory_space<hbm>>) dst(%dma_wait3A_870 : memref<128x128xf32, #tpu.memory_space<vmem>>)
    %dma_start3A_876 = arith.constant 1 : i32
    %dma_start3A_877 = arith.constant 0 : i32
    %dma_start3A_878 = arith.constant 0 : i32
    %dma_start3A_879 = tpu.memref_slice %arg9[%dma_start3A_876, %dma_start3A_877, %dma_start3A_878] : memref<2x128x128xf32, #tpu.memory_space<vmem>> -> memref<1x128x128xf32, #tpu.memory_space<vmem>>
    %dma_start3A_880 = tpu.memref_squeeze %dma_start3A_879 : memref<1x128x128xf32, #tpu.memory_space<vmem>> -> memref<128x128xf32, #tpu.memory_space<vmem>>
    %dma_start3A_881 = arith.constant 0 : i32
    %dma_start3A_882 = tpu.memref_slice %arg6[%add3A_842, %dma_start3A_881] : memref<65536x128xf32, #tpu.memory_space<hbm>> -> memref<128x128xf32, #tpu.memory_space<hbm>>
    %dma_start3A_883 = arith.constant 0 : i32
    %dma_start3A_884 = tpu.memref_slice %arg6[%add3A_842, %dma_start3A_883] : memref<65536x128xf32, #tpu.memory_space<hbm>> -> memref<128x128xf32, #tpu.memory_space<hbm>>
    %dma_start3A_885 = arith.constant 0 : i32
    %dma_start3A_886 = arith.constant 0 : i32
    %dma_start3A_887 = tpu.memref_slice %arg9[%dma_start3A_876, %dma_start3A_885, %dma_start3A_886] : memref<2x128x128xf32, #tpu.memory_space<vmem>> -> memref<1x128x128xf32, #tpu.memory_space<vmem>>
    %dma_start3A_888 = tpu.memref_squeeze %dma_start3A_887 : memref<1x128x128xf32, #tpu.memory_space<vmem>> -> memref<128x128xf32, #tpu.memory_space<vmem>>
    tpu.enqueue_dma source(%dma_start3A_888 : memref<128x128xf32, #tpu.memory_space<vmem>>) target(%dma_start3A_884 : memref<128x128xf32, #tpu.memory_space<hbm>>) target_semaphore(%arg13 : memref<!tpu.dma_semaphore, #tpu.memory_space<semaphore_mem>>)
    %dma_wait3A_889 = arith.constant 0 : i32
    %dma_wait3A_890 = arith.constant 0 : i32
    %dma_wait3A_891 = arith.constant 0 : i32
    %dma_wait3A_892 = tpu.memref_slice %arg8[%dma_wait3A_889, %dma_wait3A_890, %dma_wait3A_891] : memref<2x128x128xf32, #tpu.memory_space<vmem>> -> memref<1x128x128xf32, #tpu.memory_space<vmem>>
    %dma_wait3A_893 = tpu.memref_squeeze %dma_wait3A_892 : memref<1x128x128xf32, #tpu.memory_space<vmem>> -> memref<128x128xf32, #tpu.memory_space<vmem>>
    %dma_wait3A_894 = arith.constant 0 : i32
    %dma_wait3A_895 = tpu.memref_slice %arg5[%add3A_748, %dma_wait3A_894] : memref<65536x128xf32, #tpu.memory_space<hbm>> -> memref<128x128xf32, #tpu.memory_space<hbm>>
    %dma_wait3A_896 = arith.constant 0 : i32
    %dma_wait3A_897 = tpu.memref_slice %arg5[%add3A_748, %dma_wait3A_896] : memref<65536x128xf32, #tpu.memory_space<hbm>> -> memref<128x128xf32, #tpu.memory_space<hbm>>
    %dma_wait3A_898 = arith.constant 0 : i32
    %dma_wait3A_899 = arith.constant 0 : i32
    %dma_wait3A_900 = tpu.memref_slice %arg8[%dma_wait3A_889, %dma_wait3A_898, %dma_wait3A_899] : memref<2x128x128xf32, #tpu.memory_space<vmem>> -> memref<1x128x128xf32, #tpu.memory_space<vmem>>
    %dma_wait3A_901 = tpu.memref_squeeze %dma_wait3A_900 : memref<1x128x128xf32, #tpu.memory_space<vmem>> -> memref<128x128xf32, #tpu.memory_space<vmem>>
    tpu.wait_dma2 semaphore(%arg11 : memref<!tpu.dma_semaphore, #tpu.memory_space<semaphore_mem>>) src(%dma_wait3A_901 : memref<128x128xf32, #tpu.memory_space<vmem>>) dst(%dma_wait3A_897 : memref<128x128xf32, #tpu.memory_space<hbm>>)
    %dma_wait3A_902 = arith.constant 0 : i32
    %dma_wait3A_903 = arith.constant 0 : i32
    %dma_wait3A_904 = arith.constant 0 : i32
    %dma_wait3A_905 = tpu.memref_slice %arg9[%dma_wait3A_902, %dma_wait3A_903, %dma_wait3A_904] : memref<2x128x128xf32, #tpu.memory_space<vmem>> -> memref<1x128x128xf32, #tpu.memory_space<vmem>>
    %dma_wait3A_906 = tpu.memref_squeeze %dma_wait3A_905 : memref<1x128x128xf32, #tpu.memory_space<vmem>> -> memref<128x128xf32, #tpu.memory_space<vmem>>
    %dma_wait3A_907 = arith.constant 0 : i32
    %dma_wait3A_908 = tpu.memref_slice %arg6[%add3A_748, %dma_wait3A_907] : memref<65536x128xf32, #tpu.memory_space<hbm>> -> memref<128x128xf32, #tpu.memory_space<hbm>>
    %dma_wait3A_909 = arith.constant 0 : i32
    %dma_wait3A_910 = tpu.memref_slice %arg6[%add3A_748, %dma_wait3A_909] : memref<65536x128xf32, #tpu.memory_space<hbm>> -> memref<128x128xf32, #tpu.memory_space<hbm>>
    %dma_wait3A_911 = arith.constant 0 : i32
    %dma_wait3A_912 = arith.constant 0 : i32
    %dma_wait3A_913 = tpu.memref_slice %arg9[%dma_wait3A_902, %dma_wait3A_911, %dma_wait3A_912] : memref<2x128x128xf32, #tpu.memory_space<vmem>> -> memref<1x128x128xf32, #tpu.memory_space<vmem>>
    %dma_wait3A_914 = tpu.memref_squeeze %dma_wait3A_913 : memref<1x128x128xf32, #tpu.memory_space<vmem>> -> memref<128x128xf32, #tpu.memory_space<vmem>>
    tpu.wait_dma2 semaphore(%arg11 : memref<!tpu.dma_semaphore, #tpu.memory_space<semaphore_mem>>) src(%dma_wait3A_914 : memref<128x128xf32, #tpu.memory_space<vmem>>) dst(%dma_wait3A_910 : memref<128x128xf32, #tpu.memory_space<hbm>>)
    %dma_start3A_915 = arith.constant 0 : i32
    %dma_start3A_916 = arith.constant 0 : i32
    %dma_start3A_917 = arith.constant 0 : i32
    %dma_start3A_918 = tpu.memref_slice %arg8[%dma_start3A_915, %dma_start3A_916, %dma_start3A_917] : memref<2x128x128xf32, #tpu.memory_space<vmem>> -> memref<1x128x128xf32, #tpu.memory_space<vmem>>
    %dma_start3A_919 = tpu.memref_squeeze %dma_start3A_918 : memref<1x128x128xf32, #tpu.memory_space<vmem>> -> memref<128x128xf32, #tpu.memory_space<vmem>>
    %dma_start3A_920 = arith.constant 1280 : i32
    %dma_start3A_921 = tpu.memref_slice %arg7[%dma_start3A_920] : memref<2048xi32, #tpu.memory_space<vmem>> -> memref<128xi32, #tpu.memory_space<vmem>>
    %dma_start3A_922 = arith.constant 0 : i32
    %dma_start3A_923 = arith.constant 0 : i32
    %dma_start3A_924 = tpu.memref_slice %arg2[%dma_start3A_922, %dma_start3A_923] : memref<2048x128xf32, #tpu.memory_space<hbm>> -> memref<2048x128xf32, #tpu.memory_space<hbm>>
    tpu.enqueue_indirect_dma source(%dma_start3A_924 : memref<2048x128xf32, #tpu.memory_space<hbm>>) target(%dma_start3A_919 : memref<128x128xf32, #tpu.memory_space<vmem>>) offsets(%dma_start3A_921 : memref<128xi32, #tpu.memory_space<vmem>>) semaphore(%arg10 : memref<!tpu.dma_semaphore, #tpu.memory_space<semaphore_mem>>)
    %dma_start3A_925 = arith.constant 0 : i32
    %dma_start3A_926 = arith.constant 0 : i32
    %dma_start3A_927 = arith.constant 0 : i32
    %dma_start3A_928 = tpu.memref_slice %arg9[%dma_start3A_925, %dma_start3A_926, %dma_start3A_927] : memref<2x128x128xf32, #tpu.memory_space<vmem>> -> memref<1x128x128xf32, #tpu.memory_space<vmem>>
    %dma_start3A_929 = tpu.memref_squeeze %dma_start3A_928 : memref<1x128x128xf32, #tpu.memory_space<vmem>> -> memref<128x128xf32, #tpu.memory_space<vmem>>
    %dma_start3A_930 = arith.constant 1280 : i32
    %dma_start3A_931 = tpu.memref_slice %arg7[%dma_start3A_930] : memref<2048xi32, #tpu.memory_space<vmem>> -> memref<128xi32, #tpu.memory_space<vmem>>
    %dma_start3A_932 = arith.constant 0 : i32
    %dma_start3A_933 = arith.constant 0 : i32
    %dma_start3A_934 = tpu.memref_slice %arg3[%dma_start3A_932, %dma_start3A_933] : memref<2048x128xf32, #tpu.memory_space<hbm>> -> memref<2048x128xf32, #tpu.memory_space<hbm>>
    tpu.enqueue_indirect_dma source(%dma_start3A_934 : memref<2048x128xf32, #tpu.memory_space<hbm>>) target(%dma_start3A_929 : memref<128x128xf32, #tpu.memory_space<vmem>>) offsets(%dma_start3A_931 : memref<128xi32, #tpu.memory_space<vmem>>) semaphore(%arg10 : memref<!tpu.dma_semaphore, #tpu.memory_space<semaphore_mem>>)
    %add3A_935 = arith.constant 1280 : i32
    %add3A_936 = arith.addi %mul3A_2, %add3A_935 : i32
    %dma_wait3A_937 = arith.constant 0 : i32
    %dma_wait3A_938 = arith.constant 0 : i32
    %dma_wait3A_939 = arith.constant 0 : i32
    %dma_wait3A_940 = tpu.memref_slice %arg8[%dma_wait3A_937, %dma_wait3A_938, %dma_wait3A_939] : memref<2x128x128xf32, #tpu.memory_space<vmem>> -> memref<1x128x128xf32, #tpu.memory_space<vmem>>
    %dma_wait3A_941 = tpu.memref_squeeze %dma_wait3A_940 : memref<1x128x128xf32, #tpu.memory_space<vmem>> -> memref<128x128xf32, #tpu.memory_space<vmem>>
    %dma_wait3A_942 = arith.constant 1280 : i32
    %dma_wait3A_943 = tpu.memref_slice %arg7[%dma_wait3A_942] : memref<2048xi32, #tpu.memory_space<vmem>> -> memref<128xi32, #tpu.memory_space<vmem>>
    %dma_wait3A_944 = arith.constant 0 : i32
    %dma_wait3A_945 = arith.constant 0 : i32
    %dma_wait3A_946 = tpu.memref_slice %arg2[%dma_wait3A_944, %dma_wait3A_945] : memref<2048x128xf32, #tpu.memory_space<hbm>> -> memref<2048x128xf32, #tpu.memory_space<hbm>>
    tpu.wait_indirect_dma semaphore(%arg10 : memref<!tpu.dma_semaphore, #tpu.memory_space<semaphore_mem>>) src(%dma_wait3A_946 : memref<2048x128xf32, #tpu.memory_space<hbm>>) dst(%dma_wait3A_941 : memref<128x128xf32, #tpu.memory_space<vmem>>)
    %dma_start3A_947 = arith.constant 0 : i32
    %dma_start3A_948 = arith.constant 0 : i32
    %dma_start3A_949 = arith.constant 0 : i32
    %dma_start3A_950 = tpu.memref_slice %arg8[%dma_start3A_947, %dma_start3A_948, %dma_start3A_949] : memref<2x128x128xf32, #tpu.memory_space<vmem>> -> memref<1x128x128xf32, #tpu.memory_space<vmem>>
    %dma_start3A_951 = tpu.memref_squeeze %dma_start3A_950 : memref<1x128x128xf32, #tpu.memory_space<vmem>> -> memref<128x128xf32, #tpu.memory_space<vmem>>
    %dma_start3A_952 = arith.constant 0 : i32
    %dma_start3A_953 = tpu.memref_slice %arg5[%add3A_936, %dma_start3A_952] : memref<65536x128xf32, #tpu.memory_space<hbm>> -> memref<128x128xf32, #tpu.memory_space<hbm>>
    %dma_start3A_954 = arith.constant 0 : i32
    %dma_start3A_955 = tpu.memref_slice %arg5[%add3A_936, %dma_start3A_954] : memref<65536x128xf32, #tpu.memory_space<hbm>> -> memref<128x128xf32, #tpu.memory_space<hbm>>
    %dma_start3A_956 = arith.constant 0 : i32
    %dma_start3A_957 = arith.constant 0 : i32
    %dma_start3A_958 = tpu.memref_slice %arg8[%dma_start3A_947, %dma_start3A_956, %dma_start3A_957] : memref<2x128x128xf32, #tpu.memory_space<vmem>> -> memref<1x128x128xf32, #tpu.memory_space<vmem>>
    %dma_start3A_959 = tpu.memref_squeeze %dma_start3A_958 : memref<1x128x128xf32, #tpu.memory_space<vmem>> -> memref<128x128xf32, #tpu.memory_space<vmem>>
    tpu.enqueue_dma source(%dma_start3A_959 : memref<128x128xf32, #tpu.memory_space<vmem>>) target(%dma_start3A_955 : memref<128x128xf32, #tpu.memory_space<hbm>>) target_semaphore(%arg11 : memref<!tpu.dma_semaphore, #tpu.memory_space<semaphore_mem>>)
    %dma_wait3A_960 = arith.constant 0 : i32
    %dma_wait3A_961 = arith.constant 0 : i32
    %dma_wait3A_962 = arith.constant 0 : i32
    %dma_wait3A_963 = tpu.memref_slice %arg9[%dma_wait3A_960, %dma_wait3A_961, %dma_wait3A_962] : memref<2x128x128xf32, #tpu.memory_space<vmem>> -> memref<1x128x128xf32, #tpu.memory_space<vmem>>
    %dma_wait3A_964 = tpu.memref_squeeze %dma_wait3A_963 : memref<1x128x128xf32, #tpu.memory_space<vmem>> -> memref<128x128xf32, #tpu.memory_space<vmem>>
    %dma_wait3A_965 = arith.constant 1280 : i32
    %dma_wait3A_966 = tpu.memref_slice %arg7[%dma_wait3A_965] : memref<2048xi32, #tpu.memory_space<vmem>> -> memref<128xi32, #tpu.memory_space<vmem>>
    %dma_wait3A_967 = arith.constant 0 : i32
    %dma_wait3A_968 = arith.constant 0 : i32
    %dma_wait3A_969 = tpu.memref_slice %arg3[%dma_wait3A_967, %dma_wait3A_968] : memref<2048x128xf32, #tpu.memory_space<hbm>> -> memref<2048x128xf32, #tpu.memory_space<hbm>>
    tpu.wait_indirect_dma semaphore(%arg10 : memref<!tpu.dma_semaphore, #tpu.memory_space<semaphore_mem>>) src(%dma_wait3A_969 : memref<2048x128xf32, #tpu.memory_space<hbm>>) dst(%dma_wait3A_964 : memref<128x128xf32, #tpu.memory_space<vmem>>)
    %dma_start3A_970 = arith.constant 0 : i32
    %dma_start3A_971 = arith.constant 0 : i32
    %dma_start3A_972 = arith.constant 0 : i32
    %dma_start3A_973 = tpu.memref_slice %arg9[%dma_start3A_970, %dma_start3A_971, %dma_start3A_972] : memref<2x128x128xf32, #tpu.memory_space<vmem>> -> memref<1x128x128xf32, #tpu.memory_space<vmem>>
    %dma_start3A_974 = tpu.memref_squeeze %dma_start3A_973 : memref<1x128x128xf32, #tpu.memory_space<vmem>> -> memref<128x128xf32, #tpu.memory_space<vmem>>
    %dma_start3A_975 = arith.constant 0 : i32
    %dma_start3A_976 = tpu.memref_slice %arg6[%add3A_936, %dma_start3A_975] : memref<65536x128xf32, #tpu.memory_space<hbm>> -> memref<128x128xf32, #tpu.memory_space<hbm>>
    %dma_start3A_977 = arith.constant 0 : i32
    %dma_start3A_978 = tpu.memref_slice %arg6[%add3A_936, %dma_start3A_977] : memref<65536x128xf32, #tpu.memory_space<hbm>> -> memref<128x128xf32, #tpu.memory_space<hbm>>
    %dma_start3A_979 = arith.constant 0 : i32
    %dma_start3A_980 = arith.constant 0 : i32
    %dma_start3A_981 = tpu.memref_slice %arg9[%dma_start3A_970, %dma_start3A_979, %dma_start3A_980] : memref<2x128x128xf32, #tpu.memory_space<vmem>> -> memref<1x128x128xf32, #tpu.memory_space<vmem>>
    %dma_start3A_982 = tpu.memref_squeeze %dma_start3A_981 : memref<1x128x128xf32, #tpu.memory_space<vmem>> -> memref<128x128xf32, #tpu.memory_space<vmem>>
    tpu.enqueue_dma source(%dma_start3A_982 : memref<128x128xf32, #tpu.memory_space<vmem>>) target(%dma_start3A_978 : memref<128x128xf32, #tpu.memory_space<hbm>>) target_semaphore(%arg11 : memref<!tpu.dma_semaphore, #tpu.memory_space<semaphore_mem>>)
    %dma_wait3A_983 = arith.constant 1 : i32
    %dma_wait3A_984 = arith.constant 0 : i32
    %dma_wait3A_985 = arith.constant 0 : i32
    %dma_wait3A_986 = tpu.memref_slice %arg8[%dma_wait3A_983, %dma_wait3A_984, %dma_wait3A_985] : memref<2x128x128xf32, #tpu.memory_space<vmem>> -> memref<1x128x128xf32, #tpu.memory_space<vmem>>
    %dma_wait3A_987 = tpu.memref_squeeze %dma_wait3A_986 : memref<1x128x128xf32, #tpu.memory_space<vmem>> -> memref<128x128xf32, #tpu.memory_space<vmem>>
    %dma_wait3A_988 = arith.constant 0 : i32
    %dma_wait3A_989 = tpu.memref_slice %arg5[%add3A_842, %dma_wait3A_988] : memref<65536x128xf32, #tpu.memory_space<hbm>> -> memref<128x128xf32, #tpu.memory_space<hbm>>
    %dma_wait3A_990 = arith.constant 0 : i32
    %dma_wait3A_991 = tpu.memref_slice %arg5[%add3A_842, %dma_wait3A_990] : memref<65536x128xf32, #tpu.memory_space<hbm>> -> memref<128x128xf32, #tpu.memory_space<hbm>>
    %dma_wait3A_992 = arith.constant 0 : i32
    %dma_wait3A_993 = arith.constant 0 : i32
    %dma_wait3A_994 = tpu.memref_slice %arg8[%dma_wait3A_983, %dma_wait3A_992, %dma_wait3A_993] : memref<2x128x128xf32, #tpu.memory_space<vmem>> -> memref<1x128x128xf32, #tpu.memory_space<vmem>>
    %dma_wait3A_995 = tpu.memref_squeeze %dma_wait3A_994 : memref<1x128x128xf32, #tpu.memory_space<vmem>> -> memref<128x128xf32, #tpu.memory_space<vmem>>
    tpu.wait_dma2 semaphore(%arg13 : memref<!tpu.dma_semaphore, #tpu.memory_space<semaphore_mem>>) src(%dma_wait3A_995 : memref<128x128xf32, #tpu.memory_space<vmem>>) dst(%dma_wait3A_991 : memref<128x128xf32, #tpu.memory_space<hbm>>)
    %dma_wait3A_996 = arith.constant 1 : i32
    %dma_wait3A_997 = arith.constant 0 : i32
    %dma_wait3A_998 = arith.constant 0 : i32
    %dma_wait3A_999 = tpu.memref_slice %arg9[%dma_wait3A_996, %dma_wait3A_997, %dma_wait3A_998] : memref<2x128x128xf32, #tpu.memory_space<vmem>> -> memref<1x128x128xf32, #tpu.memory_space<vmem>>
    %dma_wait3A_1000 = tpu.memref_squeeze %dma_wait3A_999 : memref<1x128x128xf32, #tpu.memory_space<vmem>> -> memref<128x128xf32, #tpu.memory_space<vmem>>
    %dma_wait3A_1001 = arith.constant 0 : i32
    %dma_wait3A_1002 = tpu.memref_slice %arg6[%add3A_842, %dma_wait3A_1001] : memref<65536x128xf32, #tpu.memory_space<hbm>> -> memref<128x128xf32, #tpu.memory_space<hbm>>
    %dma_wait3A_1003 = arith.constant 0 : i32
    %dma_wait3A_1004 = tpu.memref_slice %arg6[%add3A_842, %dma_wait3A_1003] : memref<65536x128xf32, #tpu.memory_space<hbm>> -> memref<128x128xf32, #tpu.memory_space<hbm>>
    %dma_wait3A_1005 = arith.constant 0 : i32
    %dma_wait3A_1006 = arith.constant 0 : i32
    %dma_wait3A_1007 = tpu.memref_slice %arg9[%dma_wait3A_996, %dma_wait3A_1005, %dma_wait3A_1006] : memref<2x128x128xf32, #tpu.memory_space<vmem>> -> memref<1x128x128xf32, #tpu.memory_space<vmem>>
    %dma_wait3A_1008 = tpu.memref_squeeze %dma_wait3A_1007 : memref<1x128x128xf32, #tpu.memory_space<vmem>> -> memref<128x128xf32, #tpu.memory_space<vmem>>
    tpu.wait_dma2 semaphore(%arg13 : memref<!tpu.dma_semaphore, #tpu.memory_space<semaphore_mem>>) src(%dma_wait3A_1008 : memref<128x128xf32, #tpu.memory_space<vmem>>) dst(%dma_wait3A_1004 : memref<128x128xf32, #tpu.memory_space<hbm>>)
    %dma_start3A_1009 = arith.constant 1 : i32
    %dma_start3A_1010 = arith.constant 0 : i32
    %dma_start3A_1011 = arith.constant 0 : i32
    %dma_start3A_1012 = tpu.memref_slice %arg8[%dma_start3A_1009, %dma_start3A_1010, %dma_start3A_1011] : memref<2x128x128xf32, #tpu.memory_space<vmem>> -> memref<1x128x128xf32, #tpu.memory_space<vmem>>
    %dma_start3A_1013 = tpu.memref_squeeze %dma_start3A_1012 : memref<1x128x128xf32, #tpu.memory_space<vmem>> -> memref<128x128xf32, #tpu.memory_space<vmem>>
    %dma_start3A_1014 = arith.constant 1408 : i32
    %dma_start3A_1015 = tpu.memref_slice %arg7[%dma_start3A_1014] : memref<2048xi32, #tpu.memory_space<vmem>> -> memref<128xi32, #tpu.memory_space<vmem>>
    %dma_start3A_1016 = arith.constant 0 : i32
    %dma_start3A_1017 = arith.constant 0 : i32
    %dma_start3A_1018 = tpu.memref_slice %arg2[%dma_start3A_1016, %dma_start3A_1017] : memref<2048x128xf32, #tpu.memory_space<hbm>> -> memref<2048x128xf32, #tpu.memory_space<hbm>>
    tpu.enqueue_indirect_dma source(%dma_start3A_1018 : memref<2048x128xf32, #tpu.memory_space<hbm>>) target(%dma_start3A_1013 : memref<128x128xf32, #tpu.memory_space<vmem>>) offsets(%dma_start3A_1015 : memref<128xi32, #tpu.memory_space<vmem>>) semaphore(%arg12 : memref<!tpu.dma_semaphore, #tpu.memory_space<semaphore_mem>>)
    %dma_start3A_1019 = arith.constant 1 : i32
    %dma_start3A_1020 = arith.constant 0 : i32
    %dma_start3A_1021 = arith.constant 0 : i32
    %dma_start3A_1022 = tpu.memref_slice %arg9[%dma_start3A_1019, %dma_start3A_1020, %dma_start3A_1021] : memref<2x128x128xf32, #tpu.memory_space<vmem>> -> memref<1x128x128xf32, #tpu.memory_space<vmem>>
    %dma_start3A_1023 = tpu.memref_squeeze %dma_start3A_1022 : memref<1x128x128xf32, #tpu.memory_space<vmem>> -> memref<128x128xf32, #tpu.memory_space<vmem>>
    %dma_start3A_1024 = arith.constant 1408 : i32
    %dma_start3A_1025 = tpu.memref_slice %arg7[%dma_start3A_1024] : memref<2048xi32, #tpu.memory_space<vmem>> -> memref<128xi32, #tpu.memory_space<vmem>>
    %dma_start3A_1026 = arith.constant 0 : i32
    %dma_start3A_1027 = arith.constant 0 : i32
    %dma_start3A_1028 = tpu.memref_slice %arg3[%dma_start3A_1026, %dma_start3A_1027] : memref<2048x128xf32, #tpu.memory_space<hbm>> -> memref<2048x128xf32, #tpu.memory_space<hbm>>
    tpu.enqueue_indirect_dma source(%dma_start3A_1028 : memref<2048x128xf32, #tpu.memory_space<hbm>>) target(%dma_start3A_1023 : memref<128x128xf32, #tpu.memory_space<vmem>>) offsets(%dma_start3A_1025 : memref<128xi32, #tpu.memory_space<vmem>>) semaphore(%arg12 : memref<!tpu.dma_semaphore, #tpu.memory_space<semaphore_mem>>)
    %add3A_1029 = arith.constant 1408 : i32
    %add3A_1030 = arith.addi %mul3A_2, %add3A_1029 : i32
    %dma_wait3A_1031 = arith.constant 1 : i32
    %dma_wait3A_1032 = arith.constant 0 : i32
    %dma_wait3A_1033 = arith.constant 0 : i32
    %dma_wait3A_1034 = tpu.memref_slice %arg8[%dma_wait3A_1031, %dma_wait3A_1032, %dma_wait3A_1033] : memref<2x128x128xf32, #tpu.memory_space<vmem>> -> memref<1x128x128xf32, #tpu.memory_space<vmem>>
    %dma_wait3A_1035 = tpu.memref_squeeze %dma_wait3A_1034 : memref<1x128x128xf32, #tpu.memory_space<vmem>> -> memref<128x128xf32, #tpu.memory_space<vmem>>
    %dma_wait3A_1036 = arith.constant 1408 : i32
    %dma_wait3A_1037 = tpu.memref_slice %arg7[%dma_wait3A_1036] : memref<2048xi32, #tpu.memory_space<vmem>> -> memref<128xi32, #tpu.memory_space<vmem>>
    %dma_wait3A_1038 = arith.constant 0 : i32
    %dma_wait3A_1039 = arith.constant 0 : i32
    %dma_wait3A_1040 = tpu.memref_slice %arg2[%dma_wait3A_1038, %dma_wait3A_1039] : memref<2048x128xf32, #tpu.memory_space<hbm>> -> memref<2048x128xf32, #tpu.memory_space<hbm>>
    tpu.wait_indirect_dma semaphore(%arg12 : memref<!tpu.dma_semaphore, #tpu.memory_space<semaphore_mem>>) src(%dma_wait3A_1040 : memref<2048x128xf32, #tpu.memory_space<hbm>>) dst(%dma_wait3A_1035 : memref<128x128xf32, #tpu.memory_space<vmem>>)
    %dma_start3A_1041 = arith.constant 1 : i32
    %dma_start3A_1042 = arith.constant 0 : i32
    %dma_start3A_1043 = arith.constant 0 : i32
    %dma_start3A_1044 = tpu.memref_slice %arg8[%dma_start3A_1041, %dma_start3A_1042, %dma_start3A_1043] : memref<2x128x128xf32, #tpu.memory_space<vmem>> -> memref<1x128x128xf32, #tpu.memory_space<vmem>>
    %dma_start3A_1045 = tpu.memref_squeeze %dma_start3A_1044 : memref<1x128x128xf32, #tpu.memory_space<vmem>> -> memref<128x128xf32, #tpu.memory_space<vmem>>
    %dma_start3A_1046 = arith.constant 0 : i32
    %dma_start3A_1047 = tpu.memref_slice %arg5[%add3A_1030, %dma_start3A_1046] : memref<65536x128xf32, #tpu.memory_space<hbm>> -> memref<128x128xf32, #tpu.memory_space<hbm>>
    %dma_start3A_1048 = arith.constant 0 : i32
    %dma_start3A_1049 = tpu.memref_slice %arg5[%add3A_1030, %dma_start3A_1048] : memref<65536x128xf32, #tpu.memory_space<hbm>> -> memref<128x128xf32, #tpu.memory_space<hbm>>
    %dma_start3A_1050 = arith.constant 0 : i32
    %dma_start3A_1051 = arith.constant 0 : i32
    %dma_start3A_1052 = tpu.memref_slice %arg8[%dma_start3A_1041, %dma_start3A_1050, %dma_start3A_1051] : memref<2x128x128xf32, #tpu.memory_space<vmem>> -> memref<1x128x128xf32, #tpu.memory_space<vmem>>
    %dma_start3A_1053 = tpu.memref_squeeze %dma_start3A_1052 : memref<1x128x128xf32, #tpu.memory_space<vmem>> -> memref<128x128xf32, #tpu.memory_space<vmem>>
    tpu.enqueue_dma source(%dma_start3A_1053 : memref<128x128xf32, #tpu.memory_space<vmem>>) target(%dma_start3A_1049 : memref<128x128xf32, #tpu.memory_space<hbm>>) target_semaphore(%arg13 : memref<!tpu.dma_semaphore, #tpu.memory_space<semaphore_mem>>)
    %dma_wait3A_1054 = arith.constant 1 : i32
    %dma_wait3A_1055 = arith.constant 0 : i32
    %dma_wait3A_1056 = arith.constant 0 : i32
    %dma_wait3A_1057 = tpu.memref_slice %arg9[%dma_wait3A_1054, %dma_wait3A_1055, %dma_wait3A_1056] : memref<2x128x128xf32, #tpu.memory_space<vmem>> -> memref<1x128x128xf32, #tpu.memory_space<vmem>>
    %dma_wait3A_1058 = tpu.memref_squeeze %dma_wait3A_1057 : memref<1x128x128xf32, #tpu.memory_space<vmem>> -> memref<128x128xf32, #tpu.memory_space<vmem>>
    %dma_wait3A_1059 = arith.constant 1408 : i32
    %dma_wait3A_1060 = tpu.memref_slice %arg7[%dma_wait3A_1059] : memref<2048xi32, #tpu.memory_space<vmem>> -> memref<128xi32, #tpu.memory_space<vmem>>
    %dma_wait3A_1061 = arith.constant 0 : i32
    %dma_wait3A_1062 = arith.constant 0 : i32
    %dma_wait3A_1063 = tpu.memref_slice %arg3[%dma_wait3A_1061, %dma_wait3A_1062] : memref<2048x128xf32, #tpu.memory_space<hbm>> -> memref<2048x128xf32, #tpu.memory_space<hbm>>
    tpu.wait_indirect_dma semaphore(%arg12 : memref<!tpu.dma_semaphore, #tpu.memory_space<semaphore_mem>>) src(%dma_wait3A_1063 : memref<2048x128xf32, #tpu.memory_space<hbm>>) dst(%dma_wait3A_1058 : memref<128x128xf32, #tpu.memory_space<vmem>>)
    %dma_start3A_1064 = arith.constant 1 : i32
    %dma_start3A_1065 = arith.constant 0 : i32
    %dma_start3A_1066 = arith.constant 0 : i32
    %dma_start3A_1067 = tpu.memref_slice %arg9[%dma_start3A_1064, %dma_start3A_1065, %dma_start3A_1066] : memref<2x128x128xf32, #tpu.memory_space<vmem>> -> memref<1x128x128xf32, #tpu.memory_space<vmem>>
    %dma_start3A_1068 = tpu.memref_squeeze %dma_start3A_1067 : memref<1x128x128xf32, #tpu.memory_space<vmem>> -> memref<128x128xf32, #tpu.memory_space<vmem>>
    %dma_start3A_1069 = arith.constant 0 : i32
    %dma_start3A_1070 = tpu.memref_slice %arg6[%add3A_1030, %dma_start3A_1069] : memref<65536x128xf32, #tpu.memory_space<hbm>> -> memref<128x128xf32, #tpu.memory_space<hbm>>
    %dma_start3A_1071 = arith.constant 0 : i32
    %dma_start3A_1072 = tpu.memref_slice %arg6[%add3A_1030, %dma_start3A_1071] : memref<65536x128xf32, #tpu.memory_space<hbm>> -> memref<128x128xf32, #tpu.memory_space<hbm>>
    %dma_start3A_1073 = arith.constant 0 : i32
    %dma_start3A_1074 = arith.constant 0 : i32
    %dma_start3A_1075 = tpu.memref_slice %arg9[%dma_start3A_1064, %dma_start3A_1073, %dma_start3A_1074] : memref<2x128x128xf32, #tpu.memory_space<vmem>> -> memref<1x128x128xf32, #tpu.memory_space<vmem>>
    %dma_start3A_1076 = tpu.memref_squeeze %dma_start3A_1075 : memref<1x128x128xf32, #tpu.memory_space<vmem>> -> memref<128x128xf32, #tpu.memory_space<vmem>>
    tpu.enqueue_dma source(%dma_start3A_1076 : memref<128x128xf32, #tpu.memory_space<vmem>>) target(%dma_start3A_1072 : memref<128x128xf32, #tpu.memory_space<hbm>>) target_semaphore(%arg13 : memref<!tpu.dma_semaphore, #tpu.memory_space<semaphore_mem>>)
    %dma_wait3A_1077 = arith.constant 0 : i32
    %dma_wait3A_1078 = arith.constant 0 : i32
    %dma_wait3A_1079 = arith.constant 0 : i32
    %dma_wait3A_1080 = tpu.memref_slice %arg8[%dma_wait3A_1077, %dma_wait3A_1078, %dma_wait3A_1079] : memref<2x128x128xf32, #tpu.memory_space<vmem>> -> memref<1x128x128xf32, #tpu.memory_space<vmem>>
    %dma_wait3A_1081 = tpu.memref_squeeze %dma_wait3A_1080 : memref<1x128x128xf32, #tpu.memory_space<vmem>> -> memref<128x128xf32, #tpu.memory_space<vmem>>
    %dma_wait3A_1082 = arith.constant 0 : i32
    %dma_wait3A_1083 = tpu.memref_slice %arg5[%add3A_936, %dma_wait3A_1082] : memref<65536x128xf32, #tpu.memory_space<hbm>> -> memref<128x128xf32, #tpu.memory_space<hbm>>
    %dma_wait3A_1084 = arith.constant 0 : i32
    %dma_wait3A_1085 = tpu.memref_slice %arg5[%add3A_936, %dma_wait3A_1084] : memref<65536x128xf32, #tpu.memory_space<hbm>> -> memref<128x128xf32, #tpu.memory_space<hbm>>
    %dma_wait3A_1086 = arith.constant 0 : i32
    %dma_wait3A_1087 = arith.constant 0 : i32
    %dma_wait3A_1088 = tpu.memref_slice %arg8[%dma_wait3A_1077, %dma_wait3A_1086, %dma_wait3A_1087] : memref<2x128x128xf32, #tpu.memory_space<vmem>> -> memref<1x128x128xf32, #tpu.memory_space<vmem>>
    %dma_wait3A_1089 = tpu.memref_squeeze %dma_wait3A_1088 : memref<1x128x128xf32, #tpu.memory_space<vmem>> -> memref<128x128xf32, #tpu.memory_space<vmem>>
    tpu.wait_dma2 semaphore(%arg11 : memref<!tpu.dma_semaphore, #tpu.memory_space<semaphore_mem>>) src(%dma_wait3A_1089 : memref<128x128xf32, #tpu.memory_space<vmem>>) dst(%dma_wait3A_1085 : memref<128x128xf32, #tpu.memory_space<hbm>>)
    %dma_wait3A_1090 = arith.constant 0 : i32
    %dma_wait3A_1091 = arith.constant 0 : i32
    %dma_wait3A_1092 = arith.constant 0 : i32
    %dma_wait3A_1093 = tpu.memref_slice %arg9[%dma_wait3A_1090, %dma_wait3A_1091, %dma_wait3A_1092] : memref<2x128x128xf32, #tpu.memory_space<vmem>> -> memref<1x128x128xf32, #tpu.memory_space<vmem>>
    %dma_wait3A_1094 = tpu.memref_squeeze %dma_wait3A_1093 : memref<1x128x128xf32, #tpu.memory_space<vmem>> -> memref<128x128xf32, #tpu.memory_space<vmem>>
    %dma_wait3A_1095 = arith.constant 0 : i32
    %dma_wait3A_1096 = tpu.memref_slice %arg6[%add3A_936, %dma_wait3A_1095] : memref<65536x128xf32, #tpu.memory_space<hbm>> -> memref<128x128xf32, #tpu.memory_space<hbm>>
    %dma_wait3A_1097 = arith.constant 0 : i32
    %dma_wait3A_1098 = tpu.memref_slice %arg6[%add3A_936, %dma_wait3A_1097] : memref<65536x128xf32, #tpu.memory_space<hbm>> -> memref<128x128xf32, #tpu.memory_space<hbm>>
    %dma_wait3A_1099 = arith.constant 0 : i32
    %dma_wait3A_1100 = arith.constant 0 : i32
    %dma_wait3A_1101 = tpu.memref_slice %arg9[%dma_wait3A_1090, %dma_wait3A_1099, %dma_wait3A_1100] : memref<2x128x128xf32, #tpu.memory_space<vmem>> -> memref<1x128x128xf32, #tpu.memory_space<vmem>>
    %dma_wait3A_1102 = tpu.memref_squeeze %dma_wait3A_1101 : memref<1x128x128xf32, #tpu.memory_space<vmem>> -> memref<128x128xf32, #tpu.memory_space<vmem>>
    tpu.wait_dma2 semaphore(%arg11 : memref<!tpu.dma_semaphore, #tpu.memory_space<semaphore_mem>>) src(%dma_wait3A_1102 : memref<128x128xf32, #tpu.memory_space<vmem>>) dst(%dma_wait3A_1098 : memref<128x128xf32, #tpu.memory_space<hbm>>)
    %dma_start3A_1103 = arith.constant 0 : i32
    %dma_start3A_1104 = arith.constant 0 : i32
    %dma_start3A_1105 = arith.constant 0 : i32
    %dma_start3A_1106 = tpu.memref_slice %arg8[%dma_start3A_1103, %dma_start3A_1104, %dma_start3A_1105] : memref<2x128x128xf32, #tpu.memory_space<vmem>> -> memref<1x128x128xf32, #tpu.memory_space<vmem>>
    %dma_start3A_1107 = tpu.memref_squeeze %dma_start3A_1106 : memref<1x128x128xf32, #tpu.memory_space<vmem>> -> memref<128x128xf32, #tpu.memory_space<vmem>>
    %dma_start3A_1108 = arith.constant 1536 : i32
    %dma_start3A_1109 = tpu.memref_slice %arg7[%dma_start3A_1108] : memref<2048xi32, #tpu.memory_space<vmem>> -> memref<128xi32, #tpu.memory_space<vmem>>
    %dma_start3A_1110 = arith.constant 0 : i32
    %dma_start3A_1111 = arith.constant 0 : i32
    %dma_start3A_1112 = tpu.memref_slice %arg2[%dma_start3A_1110, %dma_start3A_1111] : memref<2048x128xf32, #tpu.memory_space<hbm>> -> memref<2048x128xf32, #tpu.memory_space<hbm>>
    tpu.enqueue_indirect_dma source(%dma_start3A_1112 : memref<2048x128xf32, #tpu.memory_space<hbm>>) target(%dma_start3A_1107 : memref<128x128xf32, #tpu.memory_space<vmem>>) offsets(%dma_start3A_1109 : memref<128xi32, #tpu.memory_space<vmem>>) semaphore(%arg10 : memref<!tpu.dma_semaphore, #tpu.memory_space<semaphore_mem>>)
    %dma_start3A_1113 = arith.constant 0 : i32
    %dma_start3A_1114 = arith.constant 0 : i32
    %dma_start3A_1115 = arith.constant 0 : i32
    %dma_start3A_1116 = tpu.memref_slice %arg9[%dma_start3A_1113, %dma_start3A_1114, %dma_start3A_1115] : memref<2x128x128xf32, #tpu.memory_space<vmem>> -> memref<1x128x128xf32, #tpu.memory_space<vmem>>
    %dma_start3A_1117 = tpu.memref_squeeze %dma_start3A_1116 : memref<1x128x128xf32, #tpu.memory_space<vmem>> -> memref<128x128xf32, #tpu.memory_space<vmem>>
    %dma_start3A_1118 = arith.constant 1536 : i32
    %dma_start3A_1119 = tpu.memref_slice %arg7[%dma_start3A_1118] : memref<2048xi32, #tpu.memory_space<vmem>> -> memref<128xi32, #tpu.memory_space<vmem>>
    %dma_start3A_1120 = arith.constant 0 : i32
    %dma_start3A_1121 = arith.constant 0 : i32
    %dma_start3A_1122 = tpu.memref_slice %arg3[%dma_start3A_1120, %dma_start3A_1121] : memref<2048x128xf32, #tpu.memory_space<hbm>> -> memref<2048x128xf32, #tpu.memory_space<hbm>>
    tpu.enqueue_indirect_dma source(%dma_start3A_1122 : memref<2048x128xf32, #tpu.memory_space<hbm>>) target(%dma_start3A_1117 : memref<128x128xf32, #tpu.memory_space<vmem>>) offsets(%dma_start3A_1119 : memref<128xi32, #tpu.memory_space<vmem>>) semaphore(%arg10 : memref<!tpu.dma_semaphore, #tpu.memory_space<semaphore_mem>>)
    %add3A_1123 = arith.constant 1536 : i32
    %add3A_1124 = arith.addi %mul3A_2, %add3A_1123 : i32
    %dma_wait3A_1125 = arith.constant 0 : i32
    %dma_wait3A_1126 = arith.constant 0 : i32
    %dma_wait3A_1127 = arith.constant 0 : i32
    %dma_wait3A_1128 = tpu.memref_slice %arg8[%dma_wait3A_1125, %dma_wait3A_1126, %dma_wait3A_1127] : memref<2x128x128xf32, #tpu.memory_space<vmem>> -> memref<1x128x128xf32, #tpu.memory_space<vmem>>
    %dma_wait3A_1129 = tpu.memref_squeeze %dma_wait3A_1128 : memref<1x128x128xf32, #tpu.memory_space<vmem>> -> memref<128x128xf32, #tpu.memory_space<vmem>>
    %dma_wait3A_1130 = arith.constant 1536 : i32
    %dma_wait3A_1131 = tpu.memref_slice %arg7[%dma_wait3A_1130] : memref<2048xi32, #tpu.memory_space<vmem>> -> memref<128xi32, #tpu.memory_space<vmem>>
    %dma_wait3A_1132 = arith.constant 0 : i32
    %dma_wait3A_1133 = arith.constant 0 : i32
    %dma_wait3A_1134 = tpu.memref_slice %arg2[%dma_wait3A_1132, %dma_wait3A_1133] : memref<2048x128xf32, #tpu.memory_space<hbm>> -> memref<2048x128xf32, #tpu.memory_space<hbm>>
    tpu.wait_indirect_dma semaphore(%arg10 : memref<!tpu.dma_semaphore, #tpu.memory_space<semaphore_mem>>) src(%dma_wait3A_1134 : memref<2048x128xf32, #tpu.memory_space<hbm>>) dst(%dma_wait3A_1129 : memref<128x128xf32, #tpu.memory_space<vmem>>)
    %dma_start3A_1135 = arith.constant 0 : i32
    %dma_start3A_1136 = arith.constant 0 : i32
    %dma_start3A_1137 = arith.constant 0 : i32
    %dma_start3A_1138 = tpu.memref_slice %arg8[%dma_start3A_1135, %dma_start3A_1136, %dma_start3A_1137] : memref<2x128x128xf32, #tpu.memory_space<vmem>> -> memref<1x128x128xf32, #tpu.memory_space<vmem>>
    %dma_start3A_1139 = tpu.memref_squeeze %dma_start3A_1138 : memref<1x128x128xf32, #tpu.memory_space<vmem>> -> memref<128x128xf32, #tpu.memory_space<vmem>>
    %dma_start3A_1140 = arith.constant 0 : i32
    %dma_start3A_1141 = tpu.memref_slice %arg5[%add3A_1124, %dma_start3A_1140] : memref<65536x128xf32, #tpu.memory_space<hbm>> -> memref<128x128xf32, #tpu.memory_space<hbm>>
    %dma_start3A_1142 = arith.constant 0 : i32
    %dma_start3A_1143 = tpu.memref_slice %arg5[%add3A_1124, %dma_start3A_1142] : memref<65536x128xf32, #tpu.memory_space<hbm>> -> memref<128x128xf32, #tpu.memory_space<hbm>>
    %dma_start3A_1144 = arith.constant 0 : i32
    %dma_start3A_1145 = arith.constant 0 : i32
    %dma_start3A_1146 = tpu.memref_slice %arg8[%dma_start3A_1135, %dma_start3A_1144, %dma_start3A_1145] : memref<2x128x128xf32, #tpu.memory_space<vmem>> -> memref<1x128x128xf32, #tpu.memory_space<vmem>>
    %dma_start3A_1147 = tpu.memref_squeeze %dma_start3A_1146 : memref<1x128x128xf32, #tpu.memory_space<vmem>> -> memref<128x128xf32, #tpu.memory_space<vmem>>
    tpu.enqueue_dma source(%dma_start3A_1147 : memref<128x128xf32, #tpu.memory_space<vmem>>) target(%dma_start3A_1143 : memref<128x128xf32, #tpu.memory_space<hbm>>) target_semaphore(%arg11 : memref<!tpu.dma_semaphore, #tpu.memory_space<semaphore_mem>>)
    %dma_wait3A_1148 = arith.constant 0 : i32
    %dma_wait3A_1149 = arith.constant 0 : i32
    %dma_wait3A_1150 = arith.constant 0 : i32
    %dma_wait3A_1151 = tpu.memref_slice %arg9[%dma_wait3A_1148, %dma_wait3A_1149, %dma_wait3A_1150] : memref<2x128x128xf32, #tpu.memory_space<vmem>> -> memref<1x128x128xf32, #tpu.memory_space<vmem>>
    %dma_wait3A_1152 = tpu.memref_squeeze %dma_wait3A_1151 : memref<1x128x128xf32, #tpu.memory_space<vmem>> -> memref<128x128xf32, #tpu.memory_space<vmem>>
    %dma_wait3A_1153 = arith.constant 1536 : i32
    %dma_wait3A_1154 = tpu.memref_slice %arg7[%dma_wait3A_1153] : memref<2048xi32, #tpu.memory_space<vmem>> -> memref<128xi32, #tpu.memory_space<vmem>>
    %dma_wait3A_1155 = arith.constant 0 : i32
    %dma_wait3A_1156 = arith.constant 0 : i32
    %dma_wait3A_1157 = tpu.memref_slice %arg3[%dma_wait3A_1155, %dma_wait3A_1156] : memref<2048x128xf32, #tpu.memory_space<hbm>> -> memref<2048x128xf32, #tpu.memory_space<hbm>>
    tpu.wait_indirect_dma semaphore(%arg10 : memref<!tpu.dma_semaphore, #tpu.memory_space<semaphore_mem>>) src(%dma_wait3A_1157 : memref<2048x128xf32, #tpu.memory_space<hbm>>) dst(%dma_wait3A_1152 : memref<128x128xf32, #tpu.memory_space<vmem>>)
    %dma_start3A_1158 = arith.constant 0 : i32
    %dma_start3A_1159 = arith.constant 0 : i32
    %dma_start3A_1160 = arith.constant 0 : i32
    %dma_start3A_1161 = tpu.memref_slice %arg9[%dma_start3A_1158, %dma_start3A_1159, %dma_start3A_1160] : memref<2x128x128xf32, #tpu.memory_space<vmem>> -> memref<1x128x128xf32, #tpu.memory_space<vmem>>
    %dma_start3A_1162 = tpu.memref_squeeze %dma_start3A_1161 : memref<1x128x128xf32, #tpu.memory_space<vmem>> -> memref<128x128xf32, #tpu.memory_space<vmem>>
    %dma_start3A_1163 = arith.constant 0 : i32
    %dma_start3A_1164 = tpu.memref_slice %arg6[%add3A_1124, %dma_start3A_1163] : memref<65536x128xf32, #tpu.memory_space<hbm>> -> memref<128x128xf32, #tpu.memory_space<hbm>>
    %dma_start3A_1165 = arith.constant 0 : i32
    %dma_start3A_1166 = tpu.memref_slice %arg6[%add3A_1124, %dma_start3A_1165] : memref<65536x128xf32, #tpu.memory_space<hbm>> -> memref<128x128xf32, #tpu.memory_space<hbm>>
    %dma_start3A_1167 = arith.constant 0 : i32
    %dma_start3A_1168 = arith.constant 0 : i32
    %dma_start3A_1169 = tpu.memref_slice %arg9[%dma_start3A_1158, %dma_start3A_1167, %dma_start3A_1168] : memref<2x128x128xf32, #tpu.memory_space<vmem>> -> memref<1x128x128xf32, #tpu.memory_space<vmem>>
    %dma_start3A_1170 = tpu.memref_squeeze %dma_start3A_1169 : memref<1x128x128xf32, #tpu.memory_space<vmem>> -> memref<128x128xf32, #tpu.memory_space<vmem>>
    tpu.enqueue_dma source(%dma_start3A_1170 : memref<128x128xf32, #tpu.memory_space<vmem>>) target(%dma_start3A_1166 : memref<128x128xf32, #tpu.memory_space<hbm>>) target_semaphore(%arg11 : memref<!tpu.dma_semaphore, #tpu.memory_space<semaphore_mem>>)
    %dma_wait3A_1171 = arith.constant 1 : i32
    %dma_wait3A_1172 = arith.constant 0 : i32
    %dma_wait3A_1173 = arith.constant 0 : i32
    %dma_wait3A_1174 = tpu.memref_slice %arg8[%dma_wait3A_1171, %dma_wait3A_1172, %dma_wait3A_1173] : memref<2x128x128xf32, #tpu.memory_space<vmem>> -> memref<1x128x128xf32, #tpu.memory_space<vmem>>
    %dma_wait3A_1175 = tpu.memref_squeeze %dma_wait3A_1174 : memref<1x128x128xf32, #tpu.memory_space<vmem>> -> memref<128x128xf32, #tpu.memory_space<vmem>>
    %dma_wait3A_1176 = arith.constant 0 : i32
    %dma_wait3A_1177 = tpu.memref_slice %arg5[%add3A_1030, %dma_wait3A_1176] : memref<65536x128xf32, #tpu.memory_space<hbm>> -> memref<128x128xf32, #tpu.memory_space<hbm>>
    %dma_wait3A_1178 = arith.constant 0 : i32
    %dma_wait3A_1179 = tpu.memref_slice %arg5[%add3A_1030, %dma_wait3A_1178] : memref<65536x128xf32, #tpu.memory_space<hbm>> -> memref<128x128xf32, #tpu.memory_space<hbm>>
    %dma_wait3A_1180 = arith.constant 0 : i32
    %dma_wait3A_1181 = arith.constant 0 : i32
    %dma_wait3A_1182 = tpu.memref_slice %arg8[%dma_wait3A_1171, %dma_wait3A_1180, %dma_wait3A_1181] : memref<2x128x128xf32, #tpu.memory_space<vmem>> -> memref<1x128x128xf32, #tpu.memory_space<vmem>>
    %dma_wait3A_1183 = tpu.memref_squeeze %dma_wait3A_1182 : memref<1x128x128xf32, #tpu.memory_space<vmem>> -> memref<128x128xf32, #tpu.memory_space<vmem>>
    tpu.wait_dma2 semaphore(%arg13 : memref<!tpu.dma_semaphore, #tpu.memory_space<semaphore_mem>>) src(%dma_wait3A_1183 : memref<128x128xf32, #tpu.memory_space<vmem>>) dst(%dma_wait3A_1179 : memref<128x128xf32, #tpu.memory_space<hbm>>)
    %dma_wait3A_1184 = arith.constant 1 : i32
    %dma_wait3A_1185 = arith.constant 0 : i32
    %dma_wait3A_1186 = arith.constant 0 : i32
    %dma_wait3A_1187 = tpu.memref_slice %arg9[%dma_wait3A_1184, %dma_wait3A_1185, %dma_wait3A_1186] : memref<2x128x128xf32, #tpu.memory_space<vmem>> -> memref<1x128x128xf32, #tpu.memory_space<vmem>>
    %dma_wait3A_1188 = tpu.memref_squeeze %dma_wait3A_1187 : memref<1x128x128xf32, #tpu.memory_space<vmem>> -> memref<128x128xf32, #tpu.memory_space<vmem>>
    %dma_wait3A_1189 = arith.constant 0 : i32
    %dma_wait3A_1190 = tpu.memref_slice %arg6[%add3A_1030, %dma_wait3A_1189] : memref<65536x128xf32, #tpu.memory_space<hbm>> -> memref<128x128xf32, #tpu.memory_space<hbm>>
    %dma_wait3A_1191 = arith.constant 0 : i32
    %dma_wait3A_1192 = tpu.memref_slice %arg6[%add3A_1030, %dma_wait3A_1191] : memref<65536x128xf32, #tpu.memory_space<hbm>> -> memref<128x128xf32, #tpu.memory_space<hbm>>
    %dma_wait3A_1193 = arith.constant 0 : i32
    %dma_wait3A_1194 = arith.constant 0 : i32
    %dma_wait3A_1195 = tpu.memref_slice %arg9[%dma_wait3A_1184, %dma_wait3A_1193, %dma_wait3A_1194] : memref<2x128x128xf32, #tpu.memory_space<vmem>> -> memref<1x128x128xf32, #tpu.memory_space<vmem>>
    %dma_wait3A_1196 = tpu.memref_squeeze %dma_wait3A_1195 : memref<1x128x128xf32, #tpu.memory_space<vmem>> -> memref<128x128xf32, #tpu.memory_space<vmem>>
    tpu.wait_dma2 semaphore(%arg13 : memref<!tpu.dma_semaphore, #tpu.memory_space<semaphore_mem>>) src(%dma_wait3A_1196 : memref<128x128xf32, #tpu.memory_space<vmem>>) dst(%dma_wait3A_1192 : memref<128x128xf32, #tpu.memory_space<hbm>>)
    %dma_start3A_1197 = arith.constant 1 : i32
    %dma_start3A_1198 = arith.constant 0 : i32
    %dma_start3A_1199 = arith.constant 0 : i32
    %dma_start3A_1200 = tpu.memref_slice %arg8[%dma_start3A_1197, %dma_start3A_1198, %dma_start3A_1199] : memref<2x128x128xf32, #tpu.memory_space<vmem>> -> memref<1x128x128xf32, #tpu.memory_space<vmem>>
    %dma_start3A_1201 = tpu.memref_squeeze %dma_start3A_1200 : memref<1x128x128xf32, #tpu.memory_space<vmem>> -> memref<128x128xf32, #tpu.memory_space<vmem>>
    %dma_start3A_1202 = arith.constant 1664 : i32
    %dma_start3A_1203 = tpu.memref_slice %arg7[%dma_start3A_1202] : memref<2048xi32, #tpu.memory_space<vmem>> -> memref<128xi32, #tpu.memory_space<vmem>>
    %dma_start3A_1204 = arith.constant 0 : i32
    %dma_start3A_1205 = arith.constant 0 : i32
    %dma_start3A_1206 = tpu.memref_slice %arg2[%dma_start3A_1204, %dma_start3A_1205] : memref<2048x128xf32, #tpu.memory_space<hbm>> -> memref<2048x128xf32, #tpu.memory_space<hbm>>
    tpu.enqueue_indirect_dma source(%dma_start3A_1206 : memref<2048x128xf32, #tpu.memory_space<hbm>>) target(%dma_start3A_1201 : memref<128x128xf32, #tpu.memory_space<vmem>>) offsets(%dma_start3A_1203 : memref<128xi32, #tpu.memory_space<vmem>>) semaphore(%arg12 : memref<!tpu.dma_semaphore, #tpu.memory_space<semaphore_mem>>)
    %dma_start3A_1207 = arith.constant 1 : i32
    %dma_start3A_1208 = arith.constant 0 : i32
    %dma_start3A_1209 = arith.constant 0 : i32
    %dma_start3A_1210 = tpu.memref_slice %arg9[%dma_start3A_1207, %dma_start3A_1208, %dma_start3A_1209] : memref<2x128x128xf32, #tpu.memory_space<vmem>> -> memref<1x128x128xf32, #tpu.memory_space<vmem>>
    %dma_start3A_1211 = tpu.memref_squeeze %dma_start3A_1210 : memref<1x128x128xf32, #tpu.memory_space<vmem>> -> memref<128x128xf32, #tpu.memory_space<vmem>>
    %dma_start3A_1212 = arith.constant 1664 : i32
    %dma_start3A_1213 = tpu.memref_slice %arg7[%dma_start3A_1212] : memref<2048xi32, #tpu.memory_space<vmem>> -> memref<128xi32, #tpu.memory_space<vmem>>
    %dma_start3A_1214 = arith.constant 0 : i32
    %dma_start3A_1215 = arith.constant 0 : i32
    %dma_start3A_1216 = tpu.memref_slice %arg3[%dma_start3A_1214, %dma_start3A_1215] : memref<2048x128xf32, #tpu.memory_space<hbm>> -> memref<2048x128xf32, #tpu.memory_space<hbm>>
    tpu.enqueue_indirect_dma source(%dma_start3A_1216 : memref<2048x128xf32, #tpu.memory_space<hbm>>) target(%dma_start3A_1211 : memref<128x128xf32, #tpu.memory_space<vmem>>) offsets(%dma_start3A_1213 : memref<128xi32, #tpu.memory_space<vmem>>) semaphore(%arg12 : memref<!tpu.dma_semaphore, #tpu.memory_space<semaphore_mem>>)
    %add3A_1217 = arith.constant 1664 : i32
    %add3A_1218 = arith.addi %mul3A_2, %add3A_1217 : i32
    %dma_wait3A_1219 = arith.constant 1 : i32
    %dma_wait3A_1220 = arith.constant 0 : i32
    %dma_wait3A_1221 = arith.constant 0 : i32
    %dma_wait3A_1222 = tpu.memref_slice %arg8[%dma_wait3A_1219, %dma_wait3A_1220, %dma_wait3A_1221] : memref<2x128x128xf32, #tpu.memory_space<vmem>> -> memref<1x128x128xf32, #tpu.memory_space<vmem>>
    %dma_wait3A_1223 = tpu.memref_squeeze %dma_wait3A_1222 : memref<1x128x128xf32, #tpu.memory_space<vmem>> -> memref<128x128xf32, #tpu.memory_space<vmem>>
    %dma_wait3A_1224 = arith.constant 1664 : i32
    %dma_wait3A_1225 = tpu.memref_slice %arg7[%dma_wait3A_1224] : memref<2048xi32, #tpu.memory_space<vmem>> -> memref<128xi32, #tpu.memory_space<vmem>>
    %dma_wait3A_1226 = arith.constant 0 : i32
    %dma_wait3A_1227 = arith.constant 0 : i32
    %dma_wait3A_1228 = tpu.memref_slice %arg2[%dma_wait3A_1226, %dma_wait3A_1227] : memref<2048x128xf32, #tpu.memory_space<hbm>> -> memref<2048x128xf32, #tpu.memory_space<hbm>>
    tpu.wait_indirect_dma semaphore(%arg12 : memref<!tpu.dma_semaphore, #tpu.memory_space<semaphore_mem>>) src(%dma_wait3A_1228 : memref<2048x128xf32, #tpu.memory_space<hbm>>) dst(%dma_wait3A_1223 : memref<128x128xf32, #tpu.memory_space<vmem>>)
    %dma_start3A_1229 = arith.constant 1 : i32
    %dma_start3A_1230 = arith.constant 0 : i32
    %dma_start3A_1231 = arith.constant 0 : i32
    %dma_start3A_1232 = tpu.memref_slice %arg8[%dma_start3A_1229, %dma_start3A_1230, %dma_start3A_1231] : memref<2x128x128xf32, #tpu.memory_space<vmem>> -> memref<1x128x128xf32, #tpu.memory_space<vmem>>
    %dma_start3A_1233 = tpu.memref_squeeze %dma_start3A_1232 : memref<1x128x128xf32, #tpu.memory_space<vmem>> -> memref<128x128xf32, #tpu.memory_space<vmem>>
    %dma_start3A_1234 = arith.constant 0 : i32
    %dma_start3A_1235 = tpu.memref_slice %arg5[%add3A_1218, %dma_start3A_1234] : memref<65536x128xf32, #tpu.memory_space<hbm>> -> memref<128x128xf32, #tpu.memory_space<hbm>>
    %dma_start3A_1236 = arith.constant 0 : i32
    %dma_start3A_1237 = tpu.memref_slice %arg5[%add3A_1218, %dma_start3A_1236] : memref<65536x128xf32, #tpu.memory_space<hbm>> -> memref<128x128xf32, #tpu.memory_space<hbm>>
    %dma_start3A_1238 = arith.constant 0 : i32
    %dma_start3A_1239 = arith.constant 0 : i32
    %dma_start3A_1240 = tpu.memref_slice %arg8[%dma_start3A_1229, %dma_start3A_1238, %dma_start3A_1239] : memref<2x128x128xf32, #tpu.memory_space<vmem>> -> memref<1x128x128xf32, #tpu.memory_space<vmem>>
    %dma_start3A_1241 = tpu.memref_squeeze %dma_start3A_1240 : memref<1x128x128xf32, #tpu.memory_space<vmem>> -> memref<128x128xf32, #tpu.memory_space<vmem>>
    tpu.enqueue_dma source(%dma_start3A_1241 : memref<128x128xf32, #tpu.memory_space<vmem>>) target(%dma_start3A_1237 : memref<128x128xf32, #tpu.memory_space<hbm>>) target_semaphore(%arg13 : memref<!tpu.dma_semaphore, #tpu.memory_space<semaphore_mem>>)
    %dma_wait3A_1242 = arith.constant 1 : i32
    %dma_wait3A_1243 = arith.constant 0 : i32
    %dma_wait3A_1244 = arith.constant 0 : i32
    %dma_wait3A_1245 = tpu.memref_slice %arg9[%dma_wait3A_1242, %dma_wait3A_1243, %dma_wait3A_1244] : memref<2x128x128xf32, #tpu.memory_space<vmem>> -> memref<1x128x128xf32, #tpu.memory_space<vmem>>
    %dma_wait3A_1246 = tpu.memref_squeeze %dma_wait3A_1245 : memref<1x128x128xf32, #tpu.memory_space<vmem>> -> memref<128x128xf32, #tpu.memory_space<vmem>>
    %dma_wait3A_1247 = arith.constant 1664 : i32
    %dma_wait3A_1248 = tpu.memref_slice %arg7[%dma_wait3A_1247] : memref<2048xi32, #tpu.memory_space<vmem>> -> memref<128xi32, #tpu.memory_space<vmem>>
    %dma_wait3A_1249 = arith.constant 0 : i32
    %dma_wait3A_1250 = arith.constant 0 : i32
    %dma_wait3A_1251 = tpu.memref_slice %arg3[%dma_wait3A_1249, %dma_wait3A_1250] : memref<2048x128xf32, #tpu.memory_space<hbm>> -> memref<2048x128xf32, #tpu.memory_space<hbm>>
    tpu.wait_indirect_dma semaphore(%arg12 : memref<!tpu.dma_semaphore, #tpu.memory_space<semaphore_mem>>) src(%dma_wait3A_1251 : memref<2048x128xf32, #tpu.memory_space<hbm>>) dst(%dma_wait3A_1246 : memref<128x128xf32, #tpu.memory_space<vmem>>)
    %dma_start3A_1252 = arith.constant 1 : i32
    %dma_start3A_1253 = arith.constant 0 : i32
    %dma_start3A_1254 = arith.constant 0 : i32
    %dma_start3A_1255 = tpu.memref_slice %arg9[%dma_start3A_1252, %dma_start3A_1253, %dma_start3A_1254] : memref<2x128x128xf32, #tpu.memory_space<vmem>> -> memref<1x128x128xf32, #tpu.memory_space<vmem>>
    %dma_start3A_1256 = tpu.memref_squeeze %dma_start3A_1255 : memref<1x128x128xf32, #tpu.memory_space<vmem>> -> memref<128x128xf32, #tpu.memory_space<vmem>>
    %dma_start3A_1257 = arith.constant 0 : i32
    %dma_start3A_1258 = tpu.memref_slice %arg6[%add3A_1218, %dma_start3A_1257] : memref<65536x128xf32, #tpu.memory_space<hbm>> -> memref<128x128xf32, #tpu.memory_space<hbm>>
    %dma_start3A_1259 = arith.constant 0 : i32
    %dma_start3A_1260 = tpu.memref_slice %arg6[%add3A_1218, %dma_start3A_1259] : memref<65536x128xf32, #tpu.memory_space<hbm>> -> memref<128x128xf32, #tpu.memory_space<hbm>>
    %dma_start3A_1261 = arith.constant 0 : i32
    %dma_start3A_1262 = arith.constant 0 : i32
    %dma_start3A_1263 = tpu.memref_slice %arg9[%dma_start3A_1252, %dma_start3A_1261, %dma_start3A_1262] : memref<2x128x128xf32, #tpu.memory_space<vmem>> -> memref<1x128x128xf32, #tpu.memory_space<vmem>>
    %dma_start3A_1264 = tpu.memref_squeeze %dma_start3A_1263 : memref<1x128x128xf32, #tpu.memory_space<vmem>> -> memref<128x128xf32, #tpu.memory_space<vmem>>
    tpu.enqueue_dma source(%dma_start3A_1264 : memref<128x128xf32, #tpu.memory_space<vmem>>) target(%dma_start3A_1260 : memref<128x128xf32, #tpu.memory_space<hbm>>) target_semaphore(%arg13 : memref<!tpu.dma_semaphore, #tpu.memory_space<semaphore_mem>>)
    %dma_wait3A_1265 = arith.constant 0 : i32
    %dma_wait3A_1266 = arith.constant 0 : i32
    %dma_wait3A_1267 = arith.constant 0 : i32
    %dma_wait3A_1268 = tpu.memref_slice %arg8[%dma_wait3A_1265, %dma_wait3A_1266, %dma_wait3A_1267] : memref<2x128x128xf32, #tpu.memory_space<vmem>> -> memref<1x128x128xf32, #tpu.memory_space<vmem>>
    %dma_wait3A_1269 = tpu.memref_squeeze %dma_wait3A_1268 : memref<1x128x128xf32, #tpu.memory_space<vmem>> -> memref<128x128xf32, #tpu.memory_space<vmem>>
    %dma_wait3A_1270 = arith.constant 0 : i32
    %dma_wait3A_1271 = tpu.memref_slice %arg5[%add3A_1124, %dma_wait3A_1270] : memref<65536x128xf32, #tpu.memory_space<hbm>> -> memref<128x128xf32, #tpu.memory_space<hbm>>
    %dma_wait3A_1272 = arith.constant 0 : i32
    %dma_wait3A_1273 = tpu.memref_slice %arg5[%add3A_1124, %dma_wait3A_1272] : memref<65536x128xf32, #tpu.memory_space<hbm>> -> memref<128x128xf32, #tpu.memory_space<hbm>>
    %dma_wait3A_1274 = arith.constant 0 : i32
    %dma_wait3A_1275 = arith.constant 0 : i32
    %dma_wait3A_1276 = tpu.memref_slice %arg8[%dma_wait3A_1265, %dma_wait3A_1274, %dma_wait3A_1275] : memref<2x128x128xf32, #tpu.memory_space<vmem>> -> memref<1x128x128xf32, #tpu.memory_space<vmem>>
    %dma_wait3A_1277 = tpu.memref_squeeze %dma_wait3A_1276 : memref<1x128x128xf32, #tpu.memory_space<vmem>> -> memref<128x128xf32, #tpu.memory_space<vmem>>
    tpu.wait_dma2 semaphore(%arg11 : memref<!tpu.dma_semaphore, #tpu.memory_space<semaphore_mem>>) src(%dma_wait3A_1277 : memref<128x128xf32, #tpu.memory_space<vmem>>) dst(%dma_wait3A_1273 : memref<128x128xf32, #tpu.memory_space<hbm>>)
    %dma_wait3A_1278 = arith.constant 0 : i32
    %dma_wait3A_1279 = arith.constant 0 : i32
    %dma_wait3A_1280 = arith.constant 0 : i32
    %dma_wait3A_1281 = tpu.memref_slice %arg9[%dma_wait3A_1278, %dma_wait3A_1279, %dma_wait3A_1280] : memref<2x128x128xf32, #tpu.memory_space<vmem>> -> memref<1x128x128xf32, #tpu.memory_space<vmem>>
    %dma_wait3A_1282 = tpu.memref_squeeze %dma_wait3A_1281 : memref<1x128x128xf32, #tpu.memory_space<vmem>> -> memref<128x128xf32, #tpu.memory_space<vmem>>
    %dma_wait3A_1283 = arith.constant 0 : i32
    %dma_wait3A_1284 = tpu.memref_slice %arg6[%add3A_1124, %dma_wait3A_1283] : memref<65536x128xf32, #tpu.memory_space<hbm>> -> memref<128x128xf32, #tpu.memory_space<hbm>>
    %dma_wait3A_1285 = arith.constant 0 : i32
    %dma_wait3A_1286 = tpu.memref_slice %arg6[%add3A_1124, %dma_wait3A_1285] : memref<65536x128xf32, #tpu.memory_space<hbm>> -> memref<128x128xf32, #tpu.memory_space<hbm>>
    %dma_wait3A_1287 = arith.constant 0 : i32
    %dma_wait3A_1288 = arith.constant 0 : i32
    %dma_wait3A_1289 = tpu.memref_slice %arg9[%dma_wait3A_1278, %dma_wait3A_1287, %dma_wait3A_1288] : memref<2x128x128xf32, #tpu.memory_space<vmem>> -> memref<1x128x128xf32, #tpu.memory_space<vmem>>
    %dma_wait3A_1290 = tpu.memref_squeeze %dma_wait3A_1289 : memref<1x128x128xf32, #tpu.memory_space<vmem>> -> memref<128x128xf32, #tpu.memory_space<vmem>>
    tpu.wait_dma2 semaphore(%arg11 : memref<!tpu.dma_semaphore, #tpu.memory_space<semaphore_mem>>) src(%dma_wait3A_1290 : memref<128x128xf32, #tpu.memory_space<vmem>>) dst(%dma_wait3A_1286 : memref<128x128xf32, #tpu.memory_space<hbm>>)
    %dma_start3A_1291 = arith.constant 0 : i32
    %dma_start3A_1292 = arith.constant 0 : i32
    %dma_start3A_1293 = arith.constant 0 : i32
    %dma_start3A_1294 = tpu.memref_slice %arg8[%dma_start3A_1291, %dma_start3A_1292, %dma_start3A_1293] : memref<2x128x128xf32, #tpu.memory_space<vmem>> -> memref<1x128x128xf32, #tpu.memory_space<vmem>>
    %dma_start3A_1295 = tpu.memref_squeeze %dma_start3A_1294 : memref<1x128x128xf32, #tpu.memory_space<vmem>> -> memref<128x128xf32, #tpu.memory_space<vmem>>
    %dma_start3A_1296 = arith.constant 1792 : i32
    %dma_start3A_1297 = tpu.memref_slice %arg7[%dma_start3A_1296] : memref<2048xi32, #tpu.memory_space<vmem>> -> memref<128xi32, #tpu.memory_space<vmem>>
    %dma_start3A_1298 = arith.constant 0 : i32
    %dma_start3A_1299 = arith.constant 0 : i32
    %dma_start3A_1300 = tpu.memref_slice %arg2[%dma_start3A_1298, %dma_start3A_1299] : memref<2048x128xf32, #tpu.memory_space<hbm>> -> memref<2048x128xf32, #tpu.memory_space<hbm>>
    tpu.enqueue_indirect_dma source(%dma_start3A_1300 : memref<2048x128xf32, #tpu.memory_space<hbm>>) target(%dma_start3A_1295 : memref<128x128xf32, #tpu.memory_space<vmem>>) offsets(%dma_start3A_1297 : memref<128xi32, #tpu.memory_space<vmem>>) semaphore(%arg10 : memref<!tpu.dma_semaphore, #tpu.memory_space<semaphore_mem>>)
    %dma_start3A_1301 = arith.constant 0 : i32
    %dma_start3A_1302 = arith.constant 0 : i32
    %dma_start3A_1303 = arith.constant 0 : i32
    %dma_start3A_1304 = tpu.memref_slice %arg9[%dma_start3A_1301, %dma_start3A_1302, %dma_start3A_1303] : memref<2x128x128xf32, #tpu.memory_space<vmem>> -> memref<1x128x128xf32, #tpu.memory_space<vmem>>
    %dma_start3A_1305 = tpu.memref_squeeze %dma_start3A_1304 : memref<1x128x128xf32, #tpu.memory_space<vmem>> -> memref<128x128xf32, #tpu.memory_space<vmem>>
    %dma_start3A_1306 = arith.constant 1792 : i32
    %dma_start3A_1307 = tpu.memref_slice %arg7[%dma_start3A_1306] : memref<2048xi32, #tpu.memory_space<vmem>> -> memref<128xi32, #tpu.memory_space<vmem>>
    %dma_start3A_1308 = arith.constant 0 : i32
    %dma_start3A_1309 = arith.constant 0 : i32
    %dma_start3A_1310 = tpu.memref_slice %arg3[%dma_start3A_1308, %dma_start3A_1309] : memref<2048x128xf32, #tpu.memory_space<hbm>> -> memref<2048x128xf32, #tpu.memory_space<hbm>>
    tpu.enqueue_indirect_dma source(%dma_start3A_1310 : memref<2048x128xf32, #tpu.memory_space<hbm>>) target(%dma_start3A_1305 : memref<128x128xf32, #tpu.memory_space<vmem>>) offsets(%dma_start3A_1307 : memref<128xi32, #tpu.memory_space<vmem>>) semaphore(%arg10 : memref<!tpu.dma_semaphore, #tpu.memory_space<semaphore_mem>>)
    %add3A_1311 = arith.constant 1792 : i32
    %add3A_1312 = arith.addi %mul3A_2, %add3A_1311 : i32
    %dma_wait3A_1313 = arith.constant 0 : i32
    %dma_wait3A_1314 = arith.constant 0 : i32
    %dma_wait3A_1315 = arith.constant 0 : i32
    %dma_wait3A_1316 = tpu.memref_slice %arg8[%dma_wait3A_1313, %dma_wait3A_1314, %dma_wait3A_1315] : memref<2x128x128xf32, #tpu.memory_space<vmem>> -> memref<1x128x128xf32, #tpu.memory_space<vmem>>
    %dma_wait3A_1317 = tpu.memref_squeeze %dma_wait3A_1316 : memref<1x128x128xf32, #tpu.memory_space<vmem>> -> memref<128x128xf32, #tpu.memory_space<vmem>>
    %dma_wait3A_1318 = arith.constant 1792 : i32
    %dma_wait3A_1319 = tpu.memref_slice %arg7[%dma_wait3A_1318] : memref<2048xi32, #tpu.memory_space<vmem>> -> memref<128xi32, #tpu.memory_space<vmem>>
    %dma_wait3A_1320 = arith.constant 0 : i32
    %dma_wait3A_1321 = arith.constant 0 : i32
    %dma_wait3A_1322 = tpu.memref_slice %arg2[%dma_wait3A_1320, %dma_wait3A_1321] : memref<2048x128xf32, #tpu.memory_space<hbm>> -> memref<2048x128xf32, #tpu.memory_space<hbm>>
    tpu.wait_indirect_dma semaphore(%arg10 : memref<!tpu.dma_semaphore, #tpu.memory_space<semaphore_mem>>) src(%dma_wait3A_1322 : memref<2048x128xf32, #tpu.memory_space<hbm>>) dst(%dma_wait3A_1317 : memref<128x128xf32, #tpu.memory_space<vmem>>)
    %dma_start3A_1323 = arith.constant 0 : i32
    %dma_start3A_1324 = arith.constant 0 : i32
    %dma_start3A_1325 = arith.constant 0 : i32
    %dma_start3A_1326 = tpu.memref_slice %arg8[%dma_start3A_1323, %dma_start3A_1324, %dma_start3A_1325] : memref<2x128x128xf32, #tpu.memory_space<vmem>> -> memref<1x128x128xf32, #tpu.memory_space<vmem>>
    %dma_start3A_1327 = tpu.memref_squeeze %dma_start3A_1326 : memref<1x128x128xf32, #tpu.memory_space<vmem>> -> memref<128x128xf32, #tpu.memory_space<vmem>>
    %dma_start3A_1328 = arith.constant 0 : i32
    %dma_start3A_1329 = tpu.memref_slice %arg5[%add3A_1312, %dma_start3A_1328] : memref<65536x128xf32, #tpu.memory_space<hbm>> -> memref<128x128xf32, #tpu.memory_space<hbm>>
    %dma_start3A_1330 = arith.constant 0 : i32
    %dma_start3A_1331 = tpu.memref_slice %arg5[%add3A_1312, %dma_start3A_1330] : memref<65536x128xf32, #tpu.memory_space<hbm>> -> memref<128x128xf32, #tpu.memory_space<hbm>>
    %dma_start3A_1332 = arith.constant 0 : i32
    %dma_start3A_1333 = arith.constant 0 : i32
    %dma_start3A_1334 = tpu.memref_slice %arg8[%dma_start3A_1323, %dma_start3A_1332, %dma_start3A_1333] : memref<2x128x128xf32, #tpu.memory_space<vmem>> -> memref<1x128x128xf32, #tpu.memory_space<vmem>>
    %dma_start3A_1335 = tpu.memref_squeeze %dma_start3A_1334 : memref<1x128x128xf32, #tpu.memory_space<vmem>> -> memref<128x128xf32, #tpu.memory_space<vmem>>
    tpu.enqueue_dma source(%dma_start3A_1335 : memref<128x128xf32, #tpu.memory_space<vmem>>) target(%dma_start3A_1331 : memref<128x128xf32, #tpu.memory_space<hbm>>) target_semaphore(%arg11 : memref<!tpu.dma_semaphore, #tpu.memory_space<semaphore_mem>>)
    %dma_wait3A_1336 = arith.constant 0 : i32
    %dma_wait3A_1337 = arith.constant 0 : i32
    %dma_wait3A_1338 = arith.constant 0 : i32
    %dma_wait3A_1339 = tpu.memref_slice %arg9[%dma_wait3A_1336, %dma_wait3A_1337, %dma_wait3A_1338] : memref<2x128x128xf32, #tpu.memory_space<vmem>> -> memref<1x128x128xf32, #tpu.memory_space<vmem>>
    %dma_wait3A_1340 = tpu.memref_squeeze %dma_wait3A_1339 : memref<1x128x128xf32, #tpu.memory_space<vmem>> -> memref<128x128xf32, #tpu.memory_space<vmem>>
    %dma_wait3A_1341 = arith.constant 1792 : i32
    %dma_wait3A_1342 = tpu.memref_slice %arg7[%dma_wait3A_1341] : memref<2048xi32, #tpu.memory_space<vmem>> -> memref<128xi32, #tpu.memory_space<vmem>>
    %dma_wait3A_1343 = arith.constant 0 : i32
    %dma_wait3A_1344 = arith.constant 0 : i32
    %dma_wait3A_1345 = tpu.memref_slice %arg3[%dma_wait3A_1343, %dma_wait3A_1344] : memref<2048x128xf32, #tpu.memory_space<hbm>> -> memref<2048x128xf32, #tpu.memory_space<hbm>>
    tpu.wait_indirect_dma semaphore(%arg10 : memref<!tpu.dma_semaphore, #tpu.memory_space<semaphore_mem>>) src(%dma_wait3A_1345 : memref<2048x128xf32, #tpu.memory_space<hbm>>) dst(%dma_wait3A_1340 : memref<128x128xf32, #tpu.memory_space<vmem>>)
    %dma_start3A_1346 = arith.constant 0 : i32
    %dma_start3A_1347 = arith.constant 0 : i32
    %dma_start3A_1348 = arith.constant 0 : i32
    %dma_start3A_1349 = tpu.memref_slice %arg9[%dma_start3A_1346, %dma_start3A_1347, %dma_start3A_1348] : memref<2x128x128xf32, #tpu.memory_space<vmem>> -> memref<1x128x128xf32, #tpu.memory_space<vmem>>
    %dma_start3A_1350 = tpu.memref_squeeze %dma_start3A_1349 : memref<1x128x128xf32, #tpu.memory_space<vmem>> -> memref<128x128xf32, #tpu.memory_space<vmem>>
    %dma_start3A_1351 = arith.constant 0 : i32
    %dma_start3A_1352 = tpu.memref_slice %arg6[%add3A_1312, %dma_start3A_1351] : memref<65536x128xf32, #tpu.memory_space<hbm>> -> memref<128x128xf32, #tpu.memory_space<hbm>>
    %dma_start3A_1353 = arith.constant 0 : i32
    %dma_start3A_1354 = tpu.memref_slice %arg6[%add3A_1312, %dma_start3A_1353] : memref<65536x128xf32, #tpu.memory_space<hbm>> -> memref<128x128xf32, #tpu.memory_space<hbm>>
    %dma_start3A_1355 = arith.constant 0 : i32
    %dma_start3A_1356 = arith.constant 0 : i32
    %dma_start3A_1357 = tpu.memref_slice %arg9[%dma_start3A_1346, %dma_start3A_1355, %dma_start3A_1356] : memref<2x128x128xf32, #tpu.memory_space<vmem>> -> memref<1x128x128xf32, #tpu.memory_space<vmem>>
    %dma_start3A_1358 = tpu.memref_squeeze %dma_start3A_1357 : memref<1x128x128xf32, #tpu.memory_space<vmem>> -> memref<128x128xf32, #tpu.memory_space<vmem>>
    tpu.enqueue_dma source(%dma_start3A_1358 : memref<128x128xf32, #tpu.memory_space<vmem>>) target(%dma_start3A_1354 : memref<128x128xf32, #tpu.memory_space<hbm>>) target_semaphore(%arg11 : memref<!tpu.dma_semaphore, #tpu.memory_space<semaphore_mem>>)
    %dma_wait3A_1359 = arith.constant 1 : i32
    %dma_wait3A_1360 = arith.constant 0 : i32
    %dma_wait3A_1361 = arith.constant 0 : i32
    %dma_wait3A_1362 = tpu.memref_slice %arg8[%dma_wait3A_1359, %dma_wait3A_1360, %dma_wait3A_1361] : memref<2x128x128xf32, #tpu.memory_space<vmem>> -> memref<1x128x128xf32, #tpu.memory_space<vmem>>
    %dma_wait3A_1363 = tpu.memref_squeeze %dma_wait3A_1362 : memref<1x128x128xf32, #tpu.memory_space<vmem>> -> memref<128x128xf32, #tpu.memory_space<vmem>>
    %dma_wait3A_1364 = arith.constant 0 : i32
    %dma_wait3A_1365 = tpu.memref_slice %arg5[%add3A_1218, %dma_wait3A_1364] : memref<65536x128xf32, #tpu.memory_space<hbm>> -> memref<128x128xf32, #tpu.memory_space<hbm>>
    %dma_wait3A_1366 = arith.constant 0 : i32
    %dma_wait3A_1367 = tpu.memref_slice %arg5[%add3A_1218, %dma_wait3A_1366] : memref<65536x128xf32, #tpu.memory_space<hbm>> -> memref<128x128xf32, #tpu.memory_space<hbm>>
    %dma_wait3A_1368 = arith.constant 0 : i32
    %dma_wait3A_1369 = arith.constant 0 : i32
    %dma_wait3A_1370 = tpu.memref_slice %arg8[%dma_wait3A_1359, %dma_wait3A_1368, %dma_wait3A_1369] : memref<2x128x128xf32, #tpu.memory_space<vmem>> -> memref<1x128x128xf32, #tpu.memory_space<vmem>>
    %dma_wait3A_1371 = tpu.memref_squeeze %dma_wait3A_1370 : memref<1x128x128xf32, #tpu.memory_space<vmem>> -> memref<128x128xf32, #tpu.memory_space<vmem>>
    tpu.wait_dma2 semaphore(%arg13 : memref<!tpu.dma_semaphore, #tpu.memory_space<semaphore_mem>>) src(%dma_wait3A_1371 : memref<128x128xf32, #tpu.memory_space<vmem>>) dst(%dma_wait3A_1367 : memref<128x128xf32, #tpu.memory_space<hbm>>)
    %dma_wait3A_1372 = arith.constant 1 : i32
    %dma_wait3A_1373 = arith.constant 0 : i32
    %dma_wait3A_1374 = arith.constant 0 : i32
    %dma_wait3A_1375 = tpu.memref_slice %arg9[%dma_wait3A_1372, %dma_wait3A_1373, %dma_wait3A_1374] : memref<2x128x128xf32, #tpu.memory_space<vmem>> -> memref<1x128x128xf32, #tpu.memory_space<vmem>>
    %dma_wait3A_1376 = tpu.memref_squeeze %dma_wait3A_1375 : memref<1x128x128xf32, #tpu.memory_space<vmem>> -> memref<128x128xf32, #tpu.memory_space<vmem>>
    %dma_wait3A_1377 = arith.constant 0 : i32
    %dma_wait3A_1378 = tpu.memref_slice %arg6[%add3A_1218, %dma_wait3A_1377] : memref<65536x128xf32, #tpu.memory_space<hbm>> -> memref<128x128xf32, #tpu.memory_space<hbm>>
    %dma_wait3A_1379 = arith.constant 0 : i32
    %dma_wait3A_1380 = tpu.memref_slice %arg6[%add3A_1218, %dma_wait3A_1379] : memref<65536x128xf32, #tpu.memory_space<hbm>> -> memref<128x128xf32, #tpu.memory_space<hbm>>
    %dma_wait3A_1381 = arith.constant 0 : i32
    %dma_wait3A_1382 = arith.constant 0 : i32
    %dma_wait3A_1383 = tpu.memref_slice %arg9[%dma_wait3A_1372, %dma_wait3A_1381, %dma_wait3A_1382] : memref<2x128x128xf32, #tpu.memory_space<vmem>> -> memref<1x128x128xf32, #tpu.memory_space<vmem>>
    %dma_wait3A_1384 = tpu.memref_squeeze %dma_wait3A_1383 : memref<1x128x128xf32, #tpu.memory_space<vmem>> -> memref<128x128xf32, #tpu.memory_space<vmem>>
    tpu.wait_dma2 semaphore(%arg13 : memref<!tpu.dma_semaphore, #tpu.memory_space<semaphore_mem>>) src(%dma_wait3A_1384 : memref<128x128xf32, #tpu.memory_space<vmem>>) dst(%dma_wait3A_1380 : memref<128x128xf32, #tpu.memory_space<hbm>>)
    %dma_start3A_1385 = arith.constant 1 : i32
    %dma_start3A_1386 = arith.constant 0 : i32
    %dma_start3A_1387 = arith.constant 0 : i32
    %dma_start3A_1388 = tpu.memref_slice %arg8[%dma_start3A_1385, %dma_start3A_1386, %dma_start3A_1387] : memref<2x128x128xf32, #tpu.memory_space<vmem>> -> memref<1x128x128xf32, #tpu.memory_space<vmem>>
    %dma_start3A_1389 = tpu.memref_squeeze %dma_start3A_1388 : memref<1x128x128xf32, #tpu.memory_space<vmem>> -> memref<128x128xf32, #tpu.memory_space<vmem>>
    %dma_start3A_1390 = arith.constant 1920 : i32
    %dma_start3A_1391 = tpu.memref_slice %arg7[%dma_start3A_1390] : memref<2048xi32, #tpu.memory_space<vmem>> -> memref<128xi32, #tpu.memory_space<vmem>>
    %dma_start3A_1392 = arith.constant 0 : i32
    %dma_start3A_1393 = arith.constant 0 : i32
    %dma_start3A_1394 = tpu.memref_slice %arg2[%dma_start3A_1392, %dma_start3A_1393] : memref<2048x128xf32, #tpu.memory_space<hbm>> -> memref<2048x128xf32, #tpu.memory_space<hbm>>
    tpu.enqueue_indirect_dma source(%dma_start3A_1394 : memref<2048x128xf32, #tpu.memory_space<hbm>>) target(%dma_start3A_1389 : memref<128x128xf32, #tpu.memory_space<vmem>>) offsets(%dma_start3A_1391 : memref<128xi32, #tpu.memory_space<vmem>>) semaphore(%arg12 : memref<!tpu.dma_semaphore, #tpu.memory_space<semaphore_mem>>)
    %dma_start3A_1395 = arith.constant 1 : i32
    %dma_start3A_1396 = arith.constant 0 : i32
    %dma_start3A_1397 = arith.constant 0 : i32
    %dma_start3A_1398 = tpu.memref_slice %arg9[%dma_start3A_1395, %dma_start3A_1396, %dma_start3A_1397] : memref<2x128x128xf32, #tpu.memory_space<vmem>> -> memref<1x128x128xf32, #tpu.memory_space<vmem>>
    %dma_start3A_1399 = tpu.memref_squeeze %dma_start3A_1398 : memref<1x128x128xf32, #tpu.memory_space<vmem>> -> memref<128x128xf32, #tpu.memory_space<vmem>>
    %dma_start3A_1400 = arith.constant 1920 : i32
    %dma_start3A_1401 = tpu.memref_slice %arg7[%dma_start3A_1400] : memref<2048xi32, #tpu.memory_space<vmem>> -> memref<128xi32, #tpu.memory_space<vmem>>
    %dma_start3A_1402 = arith.constant 0 : i32
    %dma_start3A_1403 = arith.constant 0 : i32
    %dma_start3A_1404 = tpu.memref_slice %arg3[%dma_start3A_1402, %dma_start3A_1403] : memref<2048x128xf32, #tpu.memory_space<hbm>> -> memref<2048x128xf32, #tpu.memory_space<hbm>>
    tpu.enqueue_indirect_dma source(%dma_start3A_1404 : memref<2048x128xf32, #tpu.memory_space<hbm>>) target(%dma_start3A_1399 : memref<128x128xf32, #tpu.memory_space<vmem>>) offsets(%dma_start3A_1401 : memref<128xi32, #tpu.memory_space<vmem>>) semaphore(%arg12 : memref<!tpu.dma_semaphore, #tpu.memory_space<semaphore_mem>>)
    %add3A_1405 = arith.constant 1920 : i32
    %add3A_1406 = arith.addi %mul3A_2, %add3A_1405 : i32
    %dma_wait3A_1407 = arith.constant 1 : i32
    %dma_wait3A_1408 = arith.constant 0 : i32
    %dma_wait3A_1409 = arith.constant 0 : i32
    %dma_wait3A_1410 = tpu.memref_slice %arg8[%dma_wait3A_1407, %dma_wait3A_1408, %dma_wait3A_1409] : memref<2x128x128xf32, #tpu.memory_space<vmem>> -> memref<1x128x128xf32, #tpu.memory_space<vmem>>
    %dma_wait3A_1411 = tpu.memref_squeeze %dma_wait3A_1410 : memref<1x128x128xf32, #tpu.memory_space<vmem>> -> memref<128x128xf32, #tpu.memory_space<vmem>>
    %dma_wait3A_1412 = arith.constant 1920 : i32
    %dma_wait3A_1413 = tpu.memref_slice %arg7[%dma_wait3A_1412] : memref<2048xi32, #tpu.memory_space<vmem>> -> memref<128xi32, #tpu.memory_space<vmem>>
    %dma_wait3A_1414 = arith.constant 0 : i32
    %dma_wait3A_1415 = arith.constant 0 : i32
    %dma_wait3A_1416 = tpu.memref_slice %arg2[%dma_wait3A_1414, %dma_wait3A_1415] : memref<2048x128xf32, #tpu.memory_space<hbm>> -> memref<2048x128xf32, #tpu.memory_space<hbm>>
    tpu.wait_indirect_dma semaphore(%arg12 : memref<!tpu.dma_semaphore, #tpu.memory_space<semaphore_mem>>) src(%dma_wait3A_1416 : memref<2048x128xf32, #tpu.memory_space<hbm>>) dst(%dma_wait3A_1411 : memref<128x128xf32, #tpu.memory_space<vmem>>)
    %dma_start3A_1417 = arith.constant 1 : i32
    %dma_start3A_1418 = arith.constant 0 : i32
    %dma_start3A_1419 = arith.constant 0 : i32
    %dma_start3A_1420 = tpu.memref_slice %arg8[%dma_start3A_1417, %dma_start3A_1418, %dma_start3A_1419] : memref<2x128x128xf32, #tpu.memory_space<vmem>> -> memref<1x128x128xf32, #tpu.memory_space<vmem>>
    %dma_start3A_1421 = tpu.memref_squeeze %dma_start3A_1420 : memref<1x128x128xf32, #tpu.memory_space<vmem>> -> memref<128x128xf32, #tpu.memory_space<vmem>>
    %dma_start3A_1422 = arith.constant 0 : i32
    %dma_start3A_1423 = tpu.memref_slice %arg5[%add3A_1406, %dma_start3A_1422] : memref<65536x128xf32, #tpu.memory_space<hbm>> -> memref<128x128xf32, #tpu.memory_space<hbm>>
    %dma_start3A_1424 = arith.constant 0 : i32
    %dma_start3A_1425 = tpu.memref_slice %arg5[%add3A_1406, %dma_start3A_1424] : memref<65536x128xf32, #tpu.memory_space<hbm>> -> memref<128x128xf32, #tpu.memory_space<hbm>>
    %dma_start3A_1426 = arith.constant 0 : i32
    %dma_start3A_1427 = arith.constant 0 : i32
    %dma_start3A_1428 = tpu.memref_slice %arg8[%dma_start3A_1417, %dma_start3A_1426, %dma_start3A_1427] : memref<2x128x128xf32, #tpu.memory_space<vmem>> -> memref<1x128x128xf32, #tpu.memory_space<vmem>>
    %dma_start3A_1429 = tpu.memref_squeeze %dma_start3A_1428 : memref<1x128x128xf32, #tpu.memory_space<vmem>> -> memref<128x128xf32, #tpu.memory_space<vmem>>
    tpu.enqueue_dma source(%dma_start3A_1429 : memref<128x128xf32, #tpu.memory_space<vmem>>) target(%dma_start3A_1425 : memref<128x128xf32, #tpu.memory_space<hbm>>) target_semaphore(%arg13 : memref<!tpu.dma_semaphore, #tpu.memory_space<semaphore_mem>>)
    %dma_wait3A_1430 = arith.constant 1 : i32
    %dma_wait3A_1431 = arith.constant 0 : i32
    %dma_wait3A_1432 = arith.constant 0 : i32
    %dma_wait3A_1433 = tpu.memref_slice %arg9[%dma_wait3A_1430, %dma_wait3A_1431, %dma_wait3A_1432] : memref<2x128x128xf32, #tpu.memory_space<vmem>> -> memref<1x128x128xf32, #tpu.memory_space<vmem>>
    %dma_wait3A_1434 = tpu.memref_squeeze %dma_wait3A_1433 : memref<1x128x128xf32, #tpu.memory_space<vmem>> -> memref<128x128xf32, #tpu.memory_space<vmem>>
    %dma_wait3A_1435 = arith.constant 1920 : i32
    %dma_wait3A_1436 = tpu.memref_slice %arg7[%dma_wait3A_1435] : memref<2048xi32, #tpu.memory_space<vmem>> -> memref<128xi32, #tpu.memory_space<vmem>>
    %dma_wait3A_1437 = arith.constant 0 : i32
    %dma_wait3A_1438 = arith.constant 0 : i32
    %dma_wait3A_1439 = tpu.memref_slice %arg3[%dma_wait3A_1437, %dma_wait3A_1438] : memref<2048x128xf32, #tpu.memory_space<hbm>> -> memref<2048x128xf32, #tpu.memory_space<hbm>>
    tpu.wait_indirect_dma semaphore(%arg12 : memref<!tpu.dma_semaphore, #tpu.memory_space<semaphore_mem>>) src(%dma_wait3A_1439 : memref<2048x128xf32, #tpu.memory_space<hbm>>) dst(%dma_wait3A_1434 : memref<128x128xf32, #tpu.memory_space<vmem>>)
    %dma_start3A_1440 = arith.constant 1 : i32
    %dma_start3A_1441 = arith.constant 0 : i32
    %dma_start3A_1442 = arith.constant 0 : i32
    %dma_start3A_1443 = tpu.memref_slice %arg9[%dma_start3A_1440, %dma_start3A_1441, %dma_start3A_1442] : memref<2x128x128xf32, #tpu.memory_space<vmem>> -> memref<1x128x128xf32, #tpu.memory_space<vmem>>
    %dma_start3A_1444 = tpu.memref_squeeze %dma_start3A_1443 : memref<1x128x128xf32, #tpu.memory_space<vmem>> -> memref<128x128xf32, #tpu.memory_space<vmem>>
    %dma_start3A_1445 = arith.constant 0 : i32
    %dma_start3A_1446 = tpu.memref_slice %arg6[%add3A_1406, %dma_start3A_1445] : memref<65536x128xf32, #tpu.memory_space<hbm>> -> memref<128x128xf32, #tpu.memory_space<hbm>>
    %dma_start3A_1447 = arith.constant 0 : i32
    %dma_start3A_1448 = tpu.memref_slice %arg6[%add3A_1406, %dma_start3A_1447] : memref<65536x128xf32, #tpu.memory_space<hbm>> -> memref<128x128xf32, #tpu.memory_space<hbm>>
    %dma_start3A_1449 = arith.constant 0 : i32
    %dma_start3A_1450 = arith.constant 0 : i32
    %dma_start3A_1451 = tpu.memref_slice %arg9[%dma_start3A_1440, %dma_start3A_1449, %dma_start3A_1450] : memref<2x128x128xf32, #tpu.memory_space<vmem>> -> memref<1x128x128xf32, #tpu.memory_space<vmem>>
    %dma_start3A_1452 = tpu.memref_squeeze %dma_start3A_1451 : memref<1x128x128xf32, #tpu.memory_space<vmem>> -> memref<128x128xf32, #tpu.memory_space<vmem>>
    tpu.enqueue_dma source(%dma_start3A_1452 : memref<128x128xf32, #tpu.memory_space<vmem>>) target(%dma_start3A_1448 : memref<128x128xf32, #tpu.memory_space<hbm>>) target_semaphore(%arg13 : memref<!tpu.dma_semaphore, #tpu.memory_space<semaphore_mem>>)
    %dma_wait3A_1453 = arith.constant 0 : i32
    %dma_wait3A_1454 = arith.constant 0 : i32
    %dma_wait3A_1455 = arith.constant 0 : i32
    %dma_wait3A_1456 = tpu.memref_slice %arg8[%dma_wait3A_1453, %dma_wait3A_1454, %dma_wait3A_1455] : memref<2x128x128xf32, #tpu.memory_space<vmem>> -> memref<1x128x128xf32, #tpu.memory_space<vmem>>
    %dma_wait3A_1457 = tpu.memref_squeeze %dma_wait3A_1456 : memref<1x128x128xf32, #tpu.memory_space<vmem>> -> memref<128x128xf32, #tpu.memory_space<vmem>>
    %dma_wait3A_1458 = arith.constant 0 : i32
    %dma_wait3A_1459 = tpu.memref_slice %arg5[%add3A_1312, %dma_wait3A_1458] : memref<65536x128xf32, #tpu.memory_space<hbm>> -> memref<128x128xf32, #tpu.memory_space<hbm>>
    %dma_wait3A_1460 = arith.constant 0 : i32
    %dma_wait3A_1461 = tpu.memref_slice %arg5[%add3A_1312, %dma_wait3A_1460] : memref<65536x128xf32, #tpu.memory_space<hbm>> -> memref<128x128xf32, #tpu.memory_space<hbm>>
    %dma_wait3A_1462 = arith.constant 0 : i32
    %dma_wait3A_1463 = arith.constant 0 : i32
    %dma_wait3A_1464 = tpu.memref_slice %arg8[%dma_wait3A_1453, %dma_wait3A_1462, %dma_wait3A_1463] : memref<2x128x128xf32, #tpu.memory_space<vmem>> -> memref<1x128x128xf32, #tpu.memory_space<vmem>>
    %dma_wait3A_1465 = tpu.memref_squeeze %dma_wait3A_1464 : memref<1x128x128xf32, #tpu.memory_space<vmem>> -> memref<128x128xf32, #tpu.memory_space<vmem>>
    tpu.wait_dma2 semaphore(%arg11 : memref<!tpu.dma_semaphore, #tpu.memory_space<semaphore_mem>>) src(%dma_wait3A_1465 : memref<128x128xf32, #tpu.memory_space<vmem>>) dst(%dma_wait3A_1461 : memref<128x128xf32, #tpu.memory_space<hbm>>)
    %dma_wait3A_1466 = arith.constant 0 : i32
    %dma_wait3A_1467 = arith.constant 0 : i32
    %dma_wait3A_1468 = arith.constant 0 : i32
    %dma_wait3A_1469 = tpu.memref_slice %arg9[%dma_wait3A_1466, %dma_wait3A_1467, %dma_wait3A_1468] : memref<2x128x128xf32, #tpu.memory_space<vmem>> -> memref<1x128x128xf32, #tpu.memory_space<vmem>>
    %dma_wait3A_1470 = tpu.memref_squeeze %dma_wait3A_1469 : memref<1x128x128xf32, #tpu.memory_space<vmem>> -> memref<128x128xf32, #tpu.memory_space<vmem>>
    %dma_wait3A_1471 = arith.constant 0 : i32
    %dma_wait3A_1472 = tpu.memref_slice %arg6[%add3A_1312, %dma_wait3A_1471] : memref<65536x128xf32, #tpu.memory_space<hbm>> -> memref<128x128xf32, #tpu.memory_space<hbm>>
    %dma_wait3A_1473 = arith.constant 0 : i32
    %dma_wait3A_1474 = tpu.memref_slice %arg6[%add3A_1312, %dma_wait3A_1473] : memref<65536x128xf32, #tpu.memory_space<hbm>> -> memref<128x128xf32, #tpu.memory_space<hbm>>
    %dma_wait3A_1475 = arith.constant 0 : i32
    %dma_wait3A_1476 = arith.constant 0 : i32
    %dma_wait3A_1477 = tpu.memref_slice %arg9[%dma_wait3A_1466, %dma_wait3A_1475, %dma_wait3A_1476] : memref<2x128x128xf32, #tpu.memory_space<vmem>> -> memref<1x128x128xf32, #tpu.memory_space<vmem>>
    %dma_wait3A_1478 = tpu.memref_squeeze %dma_wait3A_1477 : memref<1x128x128xf32, #tpu.memory_space<vmem>> -> memref<128x128xf32, #tpu.memory_space<vmem>>
    tpu.wait_dma2 semaphore(%arg11 : memref<!tpu.dma_semaphore, #tpu.memory_space<semaphore_mem>>) src(%dma_wait3A_1478 : memref<128x128xf32, #tpu.memory_space<vmem>>) dst(%dma_wait3A_1474 : memref<128x128xf32, #tpu.memory_space<hbm>>)
    %dma_wait3A_1479 = arith.constant 1 : i32
    %dma_wait3A_1480 = arith.constant 0 : i32
    %dma_wait3A_1481 = arith.constant 0 : i32
    %dma_wait3A_1482 = tpu.memref_slice %arg8[%dma_wait3A_1479, %dma_wait3A_1480, %dma_wait3A_1481] : memref<2x128x128xf32, #tpu.memory_space<vmem>> -> memref<1x128x128xf32, #tpu.memory_space<vmem>>
    %dma_wait3A_1483 = tpu.memref_squeeze %dma_wait3A_1482 : memref<1x128x128xf32, #tpu.memory_space<vmem>> -> memref<128x128xf32, #tpu.memory_space<vmem>>
    %dma_wait3A_1484 = arith.constant 0 : i32
    %dma_wait3A_1485 = tpu.memref_slice %arg5[%add3A_1406, %dma_wait3A_1484] : memref<65536x128xf32, #tpu.memory_space<hbm>> -> memref<128x128xf32, #tpu.memory_space<hbm>>
    %dma_wait3A_1486 = arith.constant 0 : i32
    %dma_wait3A_1487 = tpu.memref_slice %arg5[%add3A_1406, %dma_wait3A_1486] : memref<65536x128xf32, #tpu.memory_space<hbm>> -> memref<128x128xf32, #tpu.memory_space<hbm>>
    %dma_wait3A_1488 = arith.constant 0 : i32
    %dma_wait3A_1489 = arith.constant 0 : i32
    %dma_wait3A_1490 = tpu.memref_slice %arg8[%dma_wait3A_1479, %dma_wait3A_1488, %dma_wait3A_1489] : memref<2x128x128xf32, #tpu.memory_space<vmem>> -> memref<1x128x128xf32, #tpu.memory_space<vmem>>
    %dma_wait3A_1491 = tpu.memref_squeeze %dma_wait3A_1490 : memref<1x128x128xf32, #tpu.memory_space<vmem>> -> memref<128x128xf32, #tpu.memory_space<vmem>>
    tpu.wait_dma2 semaphore(%arg13 : memref<!tpu.dma_semaphore, #tpu.memory_space<semaphore_mem>>) src(%dma_wait3A_1491 : memref<128x128xf32, #tpu.memory_space<vmem>>) dst(%dma_wait3A_1487 : memref<128x128xf32, #tpu.memory_space<hbm>>)
    %dma_wait3A_1492 = arith.constant 1 : i32
    %dma_wait3A_1493 = arith.constant 0 : i32
    %dma_wait3A_1494 = arith.constant 0 : i32
    %dma_wait3A_1495 = tpu.memref_slice %arg9[%dma_wait3A_1492, %dma_wait3A_1493, %dma_wait3A_1494] : memref<2x128x128xf32, #tpu.memory_space<vmem>> -> memref<1x128x128xf32, #tpu.memory_space<vmem>>
    %dma_wait3A_1496 = tpu.memref_squeeze %dma_wait3A_1495 : memref<1x128x128xf32, #tpu.memory_space<vmem>> -> memref<128x128xf32, #tpu.memory_space<vmem>>
    %dma_wait3A_1497 = arith.constant 0 : i32
    %dma_wait3A_1498 = tpu.memref_slice %arg6[%add3A_1406, %dma_wait3A_1497] : memref<65536x128xf32, #tpu.memory_space<hbm>> -> memref<128x128xf32, #tpu.memory_space<hbm>>
    %dma_wait3A_1499 = arith.constant 0 : i32
    %dma_wait3A_1500 = tpu.memref_slice %arg6[%add3A_1406, %dma_wait3A_1499] : memref<65536x128xf32, #tpu.memory_space<hbm>> -> memref<128x128xf32, #tpu.memory_space<hbm>>
    %dma_wait3A_1501 = arith.constant 0 : i32
    %dma_wait3A_1502 = arith.constant 0 : i32
    %dma_wait3A_1503 = tpu.memref_slice %arg9[%dma_wait3A_1492, %dma_wait3A_1501, %dma_wait3A_1502] : memref<2x128x128xf32, #tpu.memory_space<vmem>> -> memref<1x128x128xf32, #tpu.memory_space<vmem>>
    %dma_wait3A_1504 = tpu.memref_squeeze %dma_wait3A_1503 : memref<1x128x128xf32, #tpu.memory_space<vmem>> -> memref<128x128xf32, #tpu.memory_space<vmem>>
    tpu.wait_dma2 semaphore(%arg13 : memref<!tpu.dma_semaphore, #tpu.memory_space<semaphore_mem>>) src(%dma_wait3A_1504 : memref<128x128xf32, #tpu.memory_space<vmem>>) dst(%dma_wait3A_1500 : memref<128x128xf32, #tpu.memory_space<hbm>>)
    return
  }
}

module attributes {stable_mosaic.version = 14 : i64} {
  func.func @_stage1_body(%arg0: memref<2048x128xf32, #tpu.memory_space<vmem>>, %arg1: memref<2048x128xf32, #tpu.memory_space<vmem>>, %arg2: memref<2048x1xf32, #tpu.memory_space<vmem>>, %arg3: memref<128x128xf32, #tpu.memory_space<vmem>>, %arg4: memref<1x128xf32, #tpu.memory_space<vmem>>, %arg5: memref<128x128xf32, #tpu.memory_space<vmem>>, %arg6: memref<1x128xf32, #tpu.memory_space<vmem>>, %arg7: memref<128x128xf32, #tpu.memory_space<vmem>>, %arg8: memref<1x128xf32, #tpu.memory_space<vmem>>, %arg9: memref<128x1xf32, #tpu.memory_space<vmem>>, %arg10: memref<1x1xf32, #tpu.memory_space<vmem>>, %arg11: memref<128x128xf32, #tpu.memory_space<vmem>>, %arg12: memref<1x128xf32, #tpu.memory_space<vmem>>, %arg13: memref<128x128xf32, #tpu.memory_space<vmem>>, %arg14: memref<1x128xf32, #tpu.memory_space<vmem>>, %arg15: memref<128x128xf32, #tpu.memory_space<vmem>>, %arg16: memref<1x128xf32, #tpu.memory_space<vmem>>, %arg17: memref<128x128xf32, #tpu.memory_space<vmem>>, %arg18: memref<1x128xf32, #tpu.memory_space<vmem>>, %arg19: memref<2048x128xf32, #tpu.memory_space<vmem>>, %arg20: memref<2048x128xf32, #tpu.memory_space<vmem>>, %arg21: memref<2048x1xf32, #tpu.memory_space<vmem>>, %arg22: memref<2048x128xf32, #tpu.memory_space<vmem>>) attributes {dimension_semantics = [], scalar_prefetch = 0 : i64, scratch_operands = 0 : i64, tpu.core_type = #tpu.core_type<tc>} {
    %get3A = arith.constant 0 : index
    %get3A_0 = arith.constant 0 : index
    %get3A_1 = vector.load %arg0[%get3A, %get3A_0] : memref<2048x128xf32, #tpu.memory_space<vmem>>, vector<2048x128xf32>
    %get3A_2 = arith.constant 0 : index
    %get3A_3 = arith.constant 0 : index
    %get3A_4 = vector.load %arg3[%get3A_2, %get3A_3] : memref<128x128xf32, #tpu.memory_space<vmem>>, vector<128x128xf32>
    %get3A_5 = arith.constant 0 : index
    %get3A_6 = arith.constant 0 : index
    %get3A_7 = vector.load %arg4[%get3A_5, %get3A_6] : memref<1x128xf32, #tpu.memory_space<vmem>>, vector<1x128xf32>
    %get3A_8 = arith.constant 0 : index
    %get3A_9 = arith.constant 0 : index
    %get3A_10 = vector.load %arg5[%get3A_8, %get3A_9] : memref<128x128xf32, #tpu.memory_space<vmem>>, vector<128x128xf32>
    %get3A_11 = arith.constant 0 : index
    %get3A_12 = arith.constant 0 : index
    %get3A_13 = vector.load %arg6[%get3A_11, %get3A_12] : memref<1x128xf32, #tpu.memory_space<vmem>>, vector<1x128xf32>
    %dot_general3A = arith.constant dense<0.000000e+00> : vector<2048x128xf32>
    %dot_general3A_14 = tpu.matmul %get3A_1, %get3A_4, %dot_general3A {dimension_numbers = #tpu.dot_dimension_numbers<[1], [0], [0], [1], [0, 0, 1, 1], [], []>, transpose_lhs_hint = false} : vector<2048x128xf32>, vector<128x128xf32>, vector<2048x128xf32> -> vector<2048x128xf32>
    %add3A = vector.broadcast %get3A_7 : vector<1x128xf32> to vector<2048x128xf32>
    %add3A_15 = arith.addf %dot_general3A_14, %add3A : vector<2048x128xf32>
    %neg3A = arith.constant 0.000000e+00 : f32
    %neg3A_16 = vector.broadcast %neg3A : f32 to vector<2048x128xf32>
    %neg3A_17 = arith.subf %neg3A_16, %add3A_15 : vector<2048x128xf32>
    %exp3A = math.exp %neg3A_17 : vector<2048x128xf32>
    %add3A_18 = arith.constant 1.000000e+00 : f32
    %add3A_19 = vector.broadcast %add3A_18 : f32 to vector<2048x128xf32>
    %add3A_20 = arith.addf %add3A_19, %exp3A : vector<2048x128xf32>
    %div3A = arith.divf %add3A_15, %add3A_20 : vector<2048x128xf32>
    %dot_general3A_21 = arith.constant dense<0.000000e+00> : vector<2048x128xf32>
    %dot_general3A_22 = tpu.matmul %div3A, %get3A_10, %dot_general3A_21 {dimension_numbers = #tpu.dot_dimension_numbers<[1], [0], [0], [1], [0, 0, 1, 1], [], []>, transpose_lhs_hint = false} : vector<2048x128xf32>, vector<128x128xf32>, vector<2048x128xf32> -> vector<2048x128xf32>
    %add3A_23 = vector.broadcast %get3A_13 : vector<1x128xf32> to vector<2048x128xf32>
    %add3A_24 = arith.addf %dot_general3A_22, %add3A_23 : vector<2048x128xf32>
    %swap3A = arith.constant 0 : index
    %swap3A_25 = arith.constant 0 : index
    %swap3A_26 = vector.load %arg19[%swap3A, %swap3A_25] : memref<2048x128xf32, #tpu.memory_space<vmem>>, vector<2048x128xf32>
    tpu.vector_store %arg19[%swap3A, %swap3A_25], %add3A_24 {strides = array<i32>} : memref<2048x128xf32, #tpu.memory_space<vmem>>, vector<2048x128xf32>,
    %get3A_27 = arith.constant 0 : index
    %get3A_28 = arith.constant 0 : index
    %get3A_29 = vector.load %arg7[%get3A_27, %get3A_28] : memref<128x128xf32, #tpu.memory_space<vmem>>, vector<128x128xf32>
    %get3A_30 = arith.constant 0 : index
    %get3A_31 = arith.constant 0 : index
    %get3A_32 = vector.load %arg8[%get3A_30, %get3A_31] : memref<1x128xf32, #tpu.memory_space<vmem>>, vector<1x128xf32>
    %get3A_33 = arith.constant 0 : index
    %get3A_34 = arith.constant 0 : index
    %get3A_35 = vector.load %arg9[%get3A_33, %get3A_34] : memref<128x1xf32, #tpu.memory_space<vmem>>, vector<128x1xf32>
    %get3A_36 = arith.constant 0 : index
    %get3A_37 = arith.constant 0 : index
    %get3A_38 = vector.load %arg10[%get3A_36, %get3A_37] : memref<1x1xf32, #tpu.memory_space<vmem>>, vector<1x1xf32>
    %dot_general3A_39 = arith.constant dense<0.000000e+00> : vector<2048x128xf32>
    %dot_general3A_40 = tpu.matmul %get3A_1, %get3A_29, %dot_general3A_39 {dimension_numbers = #tpu.dot_dimension_numbers<[1], [0], [0], [1], [0, 0, 1, 1], [], []>, transpose_lhs_hint = false} : vector<2048x128xf32>, vector<128x128xf32>, vector<2048x128xf32> -> vector<2048x128xf32>
    %add3A_41 = vector.broadcast %get3A_32 : vector<1x128xf32> to vector<2048x128xf32>
    %add3A_42 = arith.addf %dot_general3A_40, %add3A_41 : vector<2048x128xf32>
    %neg3A_43 = arith.constant 0.000000e+00 : f32
    %neg3A_44 = vector.broadcast %neg3A_43 : f32 to vector<2048x128xf32>
    %neg3A_45 = arith.subf %neg3A_44, %add3A_42 : vector<2048x128xf32>
    %exp3A_46 = math.exp %neg3A_45 : vector<2048x128xf32>
    %add3A_47 = arith.constant 1.000000e+00 : f32
    %add3A_48 = vector.broadcast %add3A_47 : f32 to vector<2048x128xf32>
    %add3A_49 = arith.addf %add3A_48, %exp3A_46 : vector<2048x128xf32>
    %div3A_50 = arith.divf %add3A_42, %add3A_49 : vector<2048x128xf32>
    %dot_general3A_51 = arith.constant dense<0.000000e+00> : vector<2048x1xf32>
    %dot_general3A_52 = tpu.matmul %div3A_50, %get3A_35, %dot_general3A_51 {dimension_numbers = #tpu.dot_dimension_numbers<[1], [0], [0], [1], [0, 0, 1, 1], [], []>, transpose_lhs_hint = false} : vector<2048x128xf32>, vector<128x1xf32>, vector<2048x1xf32> -> vector<2048x1xf32>
    %add3A_53 = vector.broadcast %get3A_38 : vector<1x1xf32> to vector<2048x1xf32>
    %add3A_54 = arith.addf %dot_general3A_52, %add3A_53 : vector<2048x1xf32>
    %get3A_55 = arith.constant 0 : index
    %get3A_56 = arith.constant 0 : index
    %get3A_57 = vector.load %arg11[%get3A_55, %get3A_56] : memref<128x128xf32, #tpu.memory_space<vmem>>, vector<128x128xf32>
    %get3A_58 = arith.constant 0 : index
    %get3A_59 = arith.constant 0 : index
    %get3A_60 = vector.load %arg12[%get3A_58, %get3A_59] : memref<1x128xf32, #tpu.memory_space<vmem>>, vector<1x128xf32>
    %get3A_61 = arith.constant 0 : index
    %get3A_62 = arith.constant 0 : index
    %get3A_63 = vector.load %arg13[%get3A_61, %get3A_62] : memref<128x128xf32, #tpu.memory_space<vmem>>, vector<128x128xf32>
    %get3A_64 = arith.constant 0 : index
    %get3A_65 = arith.constant 0 : index
    %get3A_66 = vector.load %arg14[%get3A_64, %get3A_65] : memref<1x128xf32, #tpu.memory_space<vmem>>, vector<1x128xf32>
    %dot_general3A_67 = arith.constant dense<0.000000e+00> : vector<2048x128xf32>
    %dot_general3A_68 = tpu.matmul %get3A_1, %get3A_57, %dot_general3A_67 {dimension_numbers = #tpu.dot_dimension_numbers<[1], [0], [0], [1], [0, 0, 1, 1], [], []>, transpose_lhs_hint = false} : vector<2048x128xf32>, vector<128x128xf32>, vector<2048x128xf32> -> vector<2048x128xf32>
    %add3A_69 = vector.broadcast %get3A_60 : vector<1x128xf32> to vector<2048x128xf32>
    %add3A_70 = arith.addf %dot_general3A_68, %add3A_69 : vector<2048x128xf32>
    %neg3A_71 = arith.constant 0.000000e+00 : f32
    %neg3A_72 = vector.broadcast %neg3A_71 : f32 to vector<2048x128xf32>
    %neg3A_73 = arith.subf %neg3A_72, %add3A_70 : vector<2048x128xf32>
    %exp3A_74 = math.exp %neg3A_73 : vector<2048x128xf32>
    %add3A_75 = arith.constant 1.000000e+00 : f32
    %add3A_76 = vector.broadcast %add3A_75 : f32 to vector<2048x128xf32>
    %add3A_77 = arith.addf %add3A_76, %exp3A_74 : vector<2048x128xf32>
    %div3A_78 = arith.divf %add3A_70, %add3A_77 : vector<2048x128xf32>
    %dot_general3A_79 = arith.constant dense<0.000000e+00> : vector<2048x128xf32>
    %dot_general3A_80 = tpu.matmul %div3A_78, %get3A_63, %dot_general3A_79 {dimension_numbers = #tpu.dot_dimension_numbers<[1], [0], [0], [1], [0, 0, 1, 1], [], []>, transpose_lhs_hint = false} : vector<2048x128xf32>, vector<128x128xf32>, vector<2048x128xf32> -> vector<2048x128xf32>
    %add3A_81 = vector.broadcast %get3A_66 : vector<1x128xf32> to vector<2048x128xf32>
    %add3A_82 = arith.addf %dot_general3A_80, %add3A_81 : vector<2048x128xf32>
    %get3A_83 = arith.constant 0 : index
    %get3A_84 = arith.constant 0 : index
    %get3A_85 = vector.load %arg2[%get3A_83, %get3A_84] : memref<2048x1xf32, #tpu.memory_space<vmem>>, vector<2048x1xf32>
    %add3A_86 = arith.addf %get3A_85, %add3A_54 : vector<2048x1xf32>
    %swap3A_87 = arith.constant 0 : index
    %swap3A_88 = arith.constant 0 : index
    %swap3A_89 = vector.load %arg21[%swap3A_87, %swap3A_88] : memref<2048x1xf32, #tpu.memory_space<vmem>>, vector<2048x1xf32>
    tpu.vector_store %arg21[%swap3A_87, %swap3A_88], %add3A_86 {strides = array<i32>} : memref<2048x1xf32, #tpu.memory_space<vmem>>, vector<2048x1xf32>,
    %get3A_90 = arith.constant 0 : index
    %get3A_91 = arith.constant 0 : index
    %get3A_92 = vector.load %arg1[%get3A_90, %get3A_91] : memref<2048x128xf32, #tpu.memory_space<vmem>>, vector<2048x128xf32>
    %mul3A = vector.broadcast %add3A_54 : vector<2048x1xf32> to vector<2048x128xf32>
    %mul3A_93 = arith.mulf %mul3A, %add3A_82 : vector<2048x128xf32>
    %add3A_94 = arith.addf %get3A_92, %mul3A_93 : vector<2048x128xf32>
    %swap3A_95 = arith.constant 0 : index
    %swap3A_96 = arith.constant 0 : index
    %swap3A_97 = vector.load %arg20[%swap3A_95, %swap3A_96] : memref<2048x128xf32, #tpu.memory_space<vmem>>, vector<2048x128xf32>
    tpu.vector_store %arg20[%swap3A_95, %swap3A_96], %add3A_94 {strides = array<i32>} : memref<2048x128xf32, #tpu.memory_space<vmem>>, vector<2048x128xf32>,
    %get3A_98 = arith.constant 0 : index
    %get3A_99 = arith.constant 0 : index
    %get3A_100 = vector.load %arg15[%get3A_98, %get3A_99] : memref<128x128xf32, #tpu.memory_space<vmem>>, vector<128x128xf32>
    %get3A_101 = arith.constant 0 : index
    %get3A_102 = arith.constant 0 : index
    %get3A_103 = vector.load %arg16[%get3A_101, %get3A_102] : memref<1x128xf32, #tpu.memory_space<vmem>>, vector<1x128xf32>
    %get3A_104 = arith.constant 0 : index
    %get3A_105 = arith.constant 0 : index
    %get3A_106 = vector.load %arg17[%get3A_104, %get3A_105] : memref<128x128xf32, #tpu.memory_space<vmem>>, vector<128x128xf32>
    %get3A_107 = arith.constant 0 : index
    %get3A_108 = arith.constant 0 : index
    %get3A_109 = vector.load %arg18[%get3A_107, %get3A_108] : memref<1x128xf32, #tpu.memory_space<vmem>>, vector<1x128xf32>
    %dot_general3A_110 = arith.constant dense<0.000000e+00> : vector<2048x128xf32>
    %dot_general3A_111 = tpu.matmul %get3A_1, %get3A_100, %dot_general3A_110 {dimension_numbers = #tpu.dot_dimension_numbers<[1], [0], [0], [1], [0, 0, 1, 1], [], []>, transpose_lhs_hint = false} : vector<2048x128xf32>, vector<128x128xf32>, vector<2048x128xf32> -> vector<2048x128xf32>
    %add3A_112 = vector.broadcast %get3A_103 : vector<1x128xf32> to vector<2048x128xf32>
    %add3A_113 = arith.addf %dot_general3A_111, %add3A_112 : vector<2048x128xf32>
    %neg3A_114 = arith.constant 0.000000e+00 : f32
    %neg3A_115 = vector.broadcast %neg3A_114 : f32 to vector<2048x128xf32>
    %neg3A_116 = arith.subf %neg3A_115, %add3A_113 : vector<2048x128xf32>
    %exp3A_117 = math.exp %neg3A_116 : vector<2048x128xf32>
    %add3A_118 = arith.constant 1.000000e+00 : f32
    %add3A_119 = vector.broadcast %add3A_118 : f32 to vector<2048x128xf32>
    %add3A_120 = arith.addf %add3A_119, %exp3A_117 : vector<2048x128xf32>
    %div3A_121 = arith.divf %add3A_113, %add3A_120 : vector<2048x128xf32>
    %dot_general3A_122 = arith.constant dense<0.000000e+00> : vector<2048x128xf32>
    %dot_general3A_123 = tpu.matmul %div3A_121, %get3A_106, %dot_general3A_122 {dimension_numbers = #tpu.dot_dimension_numbers<[1], [0], [0], [1], [0, 0, 1, 1], [], []>, transpose_lhs_hint = false} : vector<2048x128xf32>, vector<128x128xf32>, vector<2048x128xf32> -> vector<2048x128xf32>
    %add3A_124 = vector.broadcast %get3A_109 : vector<1x128xf32> to vector<2048x128xf32>
    %add3A_125 = arith.addf %dot_general3A_123, %add3A_124 : vector<2048x128xf32>
    %swap3A_126 = arith.constant 0 : index
    %swap3A_127 = arith.constant 0 : index
    %swap3A_128 = vector.load %arg22[%swap3A_126, %swap3A_127] : memref<2048x128xf32, #tpu.memory_space<vmem>>, vector<2048x128xf32>
    tpu.vector_store %arg22[%swap3A_126, %swap3A_127], %add3A_125 {strides = array<i32>} : memref<2048x128xf32, #tpu.memory_space<vmem>>, vector<2048x128xf32>,
    return
  }
}

module attributes {stable_mosaic.version = 14 : i64} {
  func.func @_stage3_body(%arg0: i32, %arg1: i32, %arg2: memref<1x128x128xf32, #tpu.memory_space<vmem>>, %arg3: memref<128x128xf32, #tpu.memory_space<vmem>>, %arg4: memref<128x128xf32, #tpu.memory_space<vmem>>, %arg5: memref<1x128x128xf32, #tpu.memory_space<vmem>>, %arg6: memref<128x128xf32, #tpu.memory_space<vmem>>, %arg7: memref<4096x128xf32, #tpu.memory_space<vmem>>, %arg8: memref<4096x128xf32, #tpu.memory_space<vmem>>, %arg9: memref<1x20x32x128xf32, #tpu.memory_space<vmem>>, %arg10: memref<1x32x128xf32, #tpu.memory_space<vmem>>, %arg11: memref<1x128x32x128xf32, #tpu.memory_space<vmem>>, %arg12: memref<1x32x128xf32, #tpu.memory_space<vmem>>, %arg13: memref<20x128xf32, #tpu.memory_space<vmem>>, %arg14: memref<1x128xf32, #tpu.memory_space<vmem>>, %arg15: memref<128x128xf32, #tpu.memory_space<vmem>>, %arg16: memref<1x128xf32, #tpu.memory_space<vmem>>, %arg17: memref<128x1xf32, #tpu.memory_space<vmem>>, %arg18: memref<1x1xf32, #tpu.memory_space<vmem>>, %arg19: memref<128x128xf32, #tpu.memory_space<vmem>>, %arg20: memref<1x128xf32, #tpu.memory_space<vmem>>, %arg21: memref<128x128xf32, #tpu.memory_space<vmem>>, %arg22: memref<1x128xf32, #tpu.memory_space<vmem>>, %arg23: memref<1x128x128xf32, #tpu.memory_space<vmem>>, %arg24: memref<1x128x128xf32, #tpu.memory_space<vmem>>, %arg25: memref<1x128x32x128xf32, #tpu.memory_space<vmem>>, %arg26: memref<1x32x128xf32, #tpu.memory_space<vmem>>) attributes {dimension_semantics = [#tpu.dimension_semantics<arbitrary>, #tpu.dimension_semantics<arbitrary>], iteration_bounds = array<i64: 4, 4>, scalar_prefetch = 0 : i64, scratch_operands = 0 : i64, tpu.core_type = #tpu.core_type<tc>, window_params = [{transform_indices = @transform_0, window_bounds = array<i64: 1, 128, 128>}, {transform_indices = @transform_1, window_bounds = array<i64: 128, 128>}, {transform_indices = @transform_2, window_bounds = array<i64: 128, 128>}, {transform_indices = @transform_3, window_bounds = array<i64: 1, 128, 128>}, {transform_indices = @transform_4, window_bounds = array<i64: 128, 128>}, {transform_indices = @transform_5, window_bounds = array<i64: 4096, 128>}, {transform_indices = @transform_6, window_bounds = array<i64: 4096, 128>}, {transform_indices = @transform_7, window_bounds = array<i64: 1, 20, 32, 128>}, {transform_indices = @transform_8, window_bounds = array<i64: 1, 32, 128>}, {transform_indices = @transform_9, window_bounds = array<i64: 1, 128, 32, 128>}, {transform_indices = @transform_10, window_bounds = array<i64: 1, 32, 128>}, {pipeline_mode = #tpu.pipeline_mode<synchronous>, transform_indices = @transform_11, window_bounds = array<i64: 20, 128>}, {pipeline_mode = #tpu.pipeline_mode<synchronous>, transform_indices = @transform_12, window_bounds = array<i64: 1, 128>}, {pipeline_mode = #tpu.pipeline_mode<synchronous>, transform_indices = @transform_13, window_bounds = array<i64: 128, 128>}, {pipeline_mode = #tpu.pipeline_mode<synchronous>, transform_indices = @transform_14, window_bounds = array<i64: 1, 128>}, {pipeline_mode = #tpu.pipeline_mode<synchronous>, transform_indices = @transform_15, window_bounds = array<i64: 128, 1>}, {pipeline_mode = #tpu.pipeline_mode<synchronous>, transform_indices = @transform_16, window_bounds = array<i64: 1, 1>}, {pipeline_mode = #tpu.pipeline_mode<synchronous>, transform_indices = @transform_17, window_bounds = array<i64: 128, 128>}, {pipeline_mode = #tpu.pipeline_mode<synchronous>, transform_indices = @transform_18, window_bounds = array<i64: 1, 128>}, {pipeline_mode = #tpu.pipeline_mode<synchronous>, transform_indices = @transform_19, window_bounds = array<i64: 128, 128>}, {pipeline_mode = #tpu.pipeline_mode<synchronous>, transform_indices = @transform_20, window_bounds = array<i64: 1, 128>}, {transform_indices = @transform_21, window_bounds = array<i64: 1, 128, 128>}, {transform_indices = @transform_22, window_bounds = array<i64: 1, 128, 128>}, {transform_indices = @transform_23, window_bounds = array<i64: 1, 128, 32, 128>}, {transform_indices = @transform_24, window_bounds = array<i64: 1, 32, 128>}]} {
    %get3A = arith.constant 0 : index
    %get3A_0 = arith.constant 0 : index
    %get3A_1 = arith.constant 0 : index
    %get3A_2 = vector.load %arg10[%get3A, %get3A_0, %get3A_1] : memref<1x32x128xf32, #tpu.memory_space<vmem>>, vector<1x32x128xf32>
    %get3A_3 = vector.shape_cast %get3A_2 : vector<1x32x128xf32> to vector<32x128xf32>
    %transpose3A = tpu.transpose %get3A_3, [1, 0] : vector<32x128xf32> -> vector<128x32xf32>
    %mul3A = arith.constant 2.000000e-01 : f32
    %mul3A_4 = vector.broadcast %mul3A : f32 to vector<128x32xf32>
    %mul3A_5 = arith.mulf %transpose3A, %mul3A_4 : vector<128x32xf32>
    %mul3A_6 = arith.mulf %mul3A_5, %mul3A_5 : vector<128x32xf32>
    %mul3A_7 = arith.mulf %mul3A_6, %mul3A_6 : vector<128x32xf32>
    %mul3A_8 = arith.mulf %mul3A_7, %mul3A_7 : vector<128x32xf32>
    %mul3A_9 = arith.mulf %mul3A_8, %mul3A_5 : vector<128x32xf32>
    %mul3A_10 = arith.mulf %mul3A_9, %mul3A_5 : vector<128x32xf32>
    %mul3A_11 = arith.mulf %mul3A_10, %mul3A_5 : vector<128x32xf32>
    %mul3A_12 = arith.constant 5.500000e+01 : f32
    %mul3A_13 = vector.broadcast %mul3A_12 : f32 to vector<128x32xf32>
    %mul3A_14 = arith.mulf %mul3A_13, %mul3A_9 : vector<128x32xf32>
    %sub3A = arith.constant 1.000000e+00 : f32
    %sub3A_15 = vector.broadcast %sub3A : f32 to vector<128x32xf32>
    %sub3A_16 = arith.subf %sub3A_15, %mul3A_14 : vector<128x32xf32>
    %mul3A_17 = arith.constant 9.900000e+01 : f32
    %mul3A_18 = vector.broadcast %mul3A_17 : f32 to vector<128x32xf32>
    %mul3A_19 = arith.mulf %mul3A_18, %mul3A_10 : vector<128x32xf32>
    %add3A = arith.addf %sub3A_16, %mul3A_19 : vector<128x32xf32>
    %mul3A_20 = arith.constant 4.500000e+01 : f32
    %mul3A_21 = vector.broadcast %mul3A_20 : f32 to vector<128x32xf32>
    %mul3A_22 = arith.mulf %mul3A_21, %mul3A_11 : vector<128x32xf32>
    %sub3A_23 = arith.subf %add3A, %mul3A_22 : vector<128x32xf32>
    %lt3A = arith.constant 5.000000e+00 : f32
    %lt3A_24 = vector.broadcast %lt3A : f32 to vector<128x32xf32>
    %lt3A_25 = arith.cmpf olt, %transpose3A, %lt3A_24 : vector<128x32xf32>
    %convert_element_type3A = arith.extui %lt3A_25 : vector<128x32xi1> to vector<128x32xi32>
    %convert_element_type3A_26 = arith.sitofp %convert_element_type3A : vector<128x32xi32> to vector<128x32xf32>
    %mul3A_27 = arith.mulf %sub3A_23, %convert_element_type3A_26 : vector<128x32xf32>
    %broadcast_in_dim3A = vector.shape_cast %mul3A_27 : vector<128x32xf32> to vector<128x32x1xf32>
    %gt3A = arith.constant 0.000000e+00 : f32
    %gt3A_28 = vector.broadcast %gt3A : f32 to vector<128x32xf32>
    %gt3A_29 = arith.cmpf ogt, %transpose3A, %gt3A_28 : vector<128x32xf32>
    %div3A = arith.constant 1.000000e+00 : f32
    %div3A_30 = vector.broadcast %div3A : f32 to vector<128x32xf32>
    %div3A_31 = arith.divf %div3A_30, %transpose3A : vector<128x32xf32>
    %jit3A = arith.constant 0.000000e+00 : f32
    %broadcast_in_dim3A_32 = vector.broadcast %jit3A : f32 to vector<128x32xf32>
    %select_n3A = arith.select %gt3A_29, %div3A_31, %broadcast_in_dim3A_32 : vector<128x32xi1>, vector<128x32xf32>
    %broadcast_in_dim3A_33 = vector.shape_cast %select_n3A : vector<128x32xf32> to vector<128x32x1xf32>
    %get3A_34 = arith.constant 0 : index
    %get3A_35 = arith.constant 0 : index
    %get3A_36 = arith.constant 0 : index
    %get3A_37 = arith.constant 0 : index
    %get3A_38 = vector.load %arg9[%get3A_34, %get3A_35, %get3A_36, %get3A_37] : memref<1x20x32x128xf32, #tpu.memory_space<vmem>>, vector<1x20x32x128xf32>
    %get3A_39 = vector.shape_cast %get3A_38 : vector<1x20x32x128xf32> to vector<20x32x128xf32>
    %get3A_40 = arith.constant 0 : index
    %get3A_41 = arith.constant 0 : index
    %get3A_42 = vector.load %arg13[%get3A_40, %get3A_41] : memref<20x128xf32, #tpu.memory_space<vmem>>, vector<20x128xf32>
    %dot_general3A = arith.constant dense<0.000000e+00> : vector<32x128x128xf32>
    %dot_general3A_43 = tpu.matmul %get3A_39, %get3A_42, %dot_general3A {dimension_numbers = #tpu.dot_dimension_numbers<[0], [0], [1, 2], [1], [0, 1, 0, 2, 1, 1], [], []>, transpose_lhs_hint = false} : vector<20x32x128xf32>, vector<20x128xf32>, vector<32x128x128xf32> -> vector<32x128x128xf32>
    %transpose3A_44 = tpu.transpose %dot_general3A_43, [1, 0, 2] : vector<32x128x128xf32> -> vector<128x32x128xf32>
    %get3A_45 = arith.constant 0 : index
    %get3A_46 = arith.constant 0 : index
    %get3A_47 = vector.load %arg14[%get3A_45, %get3A_46] : memref<1x128xf32, #tpu.memory_space<vmem>>, vector<1x128xf32>
    %broadcast_in_dim3A_48 = vector.shape_cast %get3A_47 : vector<1x128xf32> to vector<1x1x128xf32>
    %add3A_49 = vector.broadcast %broadcast_in_dim3A_48 : vector<1x1x128xf32> to vector<128x32x128xf32>
    %add3A_50 = arith.addf %transpose3A_44, %add3A_49 : vector<128x32x128xf32>
    %get3A_51 = arith.constant 0 : index
    %get3A_52 = arith.constant 0 : index
    %get3A_53 = vector.load %arg6[%get3A_51, %get3A_52] : memref<128x128xf32, #tpu.memory_space<vmem>>, vector<128x128xf32>
    %reshape3A = vector.shape_cast %get3A_53 : vector<128x128xf32> to vector<128x1x128xf32>
    %get3A_54 = arith.constant 0 : index
    %get3A_55 = arith.constant 0 : index
    %get3A_56 = vector.load %arg7[%get3A_54, %get3A_55] : memref<4096x128xf32, #tpu.memory_space<vmem>>, vector<4096x128xf32>
    %reshape3A_57 = vector.shape_cast %get3A_56 : vector<4096x128xf32> to vector<128x32x128xf32>
    %mul3A_58 = vector.broadcast %reshape3A : vector<128x1x128xf32> to vector<128x32x128xf32>
    %mul3A_59 = arith.mulf %mul3A_58, %reshape3A_57 : vector<128x32x128xf32>
    %mul3A_60 = vector.broadcast %broadcast_in_dim3A : vector<128x32x1xf32> to vector<128x32x128xf32>
    %mul3A_61 = arith.mulf %add3A_50, %mul3A_60 : vector<128x32x128xf32>
    %mul3A_62 = arith.mulf %mul3A_59, %mul3A_61 : vector<128x32x128xf32>
    %reshape3A_63 = vector.shape_cast %mul3A_62 : vector<128x32x128xf32> to vector<4096x128xf32>
    %get3A_64 = arith.constant 0 : index
    %get3A_65 = arith.constant 0 : index
    %get3A_66 = vector.load %arg15[%get3A_64, %get3A_65] : memref<128x128xf32, #tpu.memory_space<vmem>>, vector<128x128xf32>
    %dot_general3A_67 = arith.constant dense<0.000000e+00> : vector<4096x128xf32>
    %dot_general3A_68 = tpu.matmul %reshape3A_63, %get3A_66, %dot_general3A_67 {dimension_numbers = #tpu.dot_dimension_numbers<[1], [0], [0], [1], [0, 0, 1, 1], [], []>, transpose_lhs_hint = false} : vector<4096x128xf32>, vector<128x128xf32>, vector<4096x128xf32> -> vector<4096x128xf32>
    %get3A_69 = arith.constant 0 : index
    %get3A_70 = arith.constant 0 : index
    %get3A_71 = vector.load %arg16[%get3A_69, %get3A_70] : memref<1x128xf32, #tpu.memory_space<vmem>>, vector<1x128xf32>
    %add3A_72 = vector.broadcast %get3A_71 : vector<1x128xf32> to vector<4096x128xf32>
    %add3A_73 = arith.addf %dot_general3A_68, %add3A_72 : vector<4096x128xf32>
    %neg3A = arith.constant 0.000000e+00 : f32
    %neg3A_74 = vector.broadcast %neg3A : f32 to vector<4096x128xf32>
    %neg3A_75 = arith.subf %neg3A_74, %add3A_73 : vector<4096x128xf32>
    %exp3A = math.exp %neg3A_75 : vector<4096x128xf32>
    %add3A_76 = arith.constant 1.000000e+00 : f32
    %add3A_77 = vector.broadcast %add3A_76 : f32 to vector<4096x128xf32>
    %add3A_78 = arith.addf %add3A_77, %exp3A : vector<4096x128xf32>
    %div3A_79 = arith.divf %add3A_73, %add3A_78 : vector<4096x128xf32>
    %get3A_80 = arith.constant 0 : index
    %get3A_81 = arith.constant 0 : index
    %get3A_82 = vector.load %arg17[%get3A_80, %get3A_81] : memref<128x1xf32, #tpu.memory_space<vmem>>, vector<128x1xf32>
    %dot_general3A_83 = arith.constant dense<0.000000e+00> : vector<4096x1xf32>
    %dot_general3A_84 = tpu.matmul %div3A_79, %get3A_82, %dot_general3A_83 {dimension_numbers = #tpu.dot_dimension_numbers<[1], [0], [0], [1], [0, 0, 1, 1], [], []>, transpose_lhs_hint = false} : vector<4096x128xf32>, vector<128x1xf32>, vector<4096x1xf32> -> vector<4096x1xf32>
    %get3A_85 = arith.constant 0 : index
    %get3A_86 = arith.constant 0 : index
    %get3A_87 = vector.load %arg18[%get3A_85, %get3A_86] : memref<1x1xf32, #tpu.memory_space<vmem>>, vector<1x1xf32>
    %add3A_88 = vector.broadcast %get3A_87 : vector<1x1xf32> to vector<4096x1xf32>
    %add3A_89 = arith.addf %dot_general3A_84, %add3A_88 : vector<4096x1xf32>
    %get3A_90 = arith.constant 0 : index
    %get3A_91 = arith.constant 0 : index
    %get3A_92 = vector.load %arg19[%get3A_90, %get3A_91] : memref<128x128xf32, #tpu.memory_space<vmem>>, vector<128x128xf32>
    %dot_general3A_93 = arith.constant dense<0.000000e+00> : vector<4096x128xf32>
    %dot_general3A_94 = tpu.matmul %reshape3A_63, %get3A_92, %dot_general3A_93 {dimension_numbers = #tpu.dot_dimension_numbers<[1], [0], [0], [1], [0, 0, 1, 1], [], []>, transpose_lhs_hint = false} : vector<4096x128xf32>, vector<128x128xf32>, vector<4096x128xf32> -> vector<4096x128xf32>
    %get3A_95 = arith.constant 0 : index
    %get3A_96 = arith.constant 0 : index
    %get3A_97 = vector.load %arg20[%get3A_95, %get3A_96] : memref<1x128xf32, #tpu.memory_space<vmem>>, vector<1x128xf32>
    %add3A_98 = vector.broadcast %get3A_97 : vector<1x128xf32> to vector<4096x128xf32>
    %add3A_99 = arith.addf %dot_general3A_94, %add3A_98 : vector<4096x128xf32>
    %neg3A_100 = arith.constant 0.000000e+00 : f32
    %neg3A_101 = vector.broadcast %neg3A_100 : f32 to vector<4096x128xf32>
    %neg3A_102 = arith.subf %neg3A_101, %add3A_99 : vector<4096x128xf32>
    %exp3A_103 = math.exp %neg3A_102 : vector<4096x128xf32>
    %add3A_104 = arith.constant 1.000000e+00 : f32
    %add3A_105 = vector.broadcast %add3A_104 : f32 to vector<4096x128xf32>
    %add3A_106 = arith.addf %add3A_105, %exp3A_103 : vector<4096x128xf32>
    %div3A_107 = arith.divf %add3A_99, %add3A_106 : vector<4096x128xf32>
    %get3A_108 = arith.constant 0 : index
    %get3A_109 = arith.constant 0 : index
    %get3A_110 = vector.load %arg21[%get3A_108, %get3A_109] : memref<128x128xf32, #tpu.memory_space<vmem>>, vector<128x128xf32>
    %dot_general3A_111 = arith.constant dense<0.000000e+00> : vector<4096x128xf32>
    %dot_general3A_112 = tpu.matmul %div3A_107, %get3A_110, %dot_general3A_111 {dimension_numbers = #tpu.dot_dimension_numbers<[1], [0], [0], [1], [0, 0, 1, 1], [], []>, transpose_lhs_hint = false} : vector<4096x128xf32>, vector<128x128xf32>, vector<4096x128xf32> -> vector<4096x128xf32>
    %get3A_113 = arith.constant 0 : index
    %get3A_114 = arith.constant 0 : index
    %get3A_115 = vector.load %arg22[%get3A_113, %get3A_114] : memref<1x128xf32, #tpu.memory_space<vmem>>, vector<1x128xf32>
    %add3A_116 = vector.broadcast %get3A_115 : vector<1x128xf32> to vector<4096x128xf32>
    %add3A_117 = arith.addf %dot_general3A_112, %add3A_116 : vector<4096x128xf32>
    %get3A_118 = arith.constant 0 : index
    %get3A_119 = arith.constant 0 : index
    %get3A_120 = arith.constant 0 : index
    %get3A_121 = arith.constant 0 : index
    %get3A_122 = vector.load %arg11[%get3A_118, %get3A_119, %get3A_120, %get3A_121] : memref<1x128x32x128xf32, #tpu.memory_space<vmem>>, vector<1x128x32x128xf32>
    %get3A_123 = vector.shape_cast %get3A_122 : vector<1x128x32x128xf32> to vector<128x32x128xf32>
    %mul3A_124 = vector.broadcast %add3A_89 : vector<4096x1xf32> to vector<4096x128xf32>
    %mul3A_125 = arith.mulf %mul3A_124, %add3A_117 : vector<4096x128xf32>
    %reshape3A_126 = vector.shape_cast %mul3A_125 : vector<4096x128xf32> to vector<128x32x128xf32>
    %add3A_127 = arith.addf %get3A_123, %reshape3A_126 : vector<128x32x128xf32>
    %swap3A = arith.constant 0 : index
    %swap3A_128 = arith.constant 0 : index
    %swap3A_129 = arith.constant 0 : index
    %swap3A_130 = arith.constant 0 : index
    %swap3A_131 = vector.load %arg25[%swap3A, %swap3A_128, %swap3A_129, %swap3A_130] : memref<1x128x32x128xf32, #tpu.memory_space<vmem>>, vector<1x128x32x128xf32>
    %swap3A_132 = vector.shape_cast %swap3A_131 : vector<1x128x32x128xf32> to vector<128x32x128xf32>
    %swap3A_133 = vector.shape_cast %add3A_127 : vector<128x32x128xf32> to vector<1x128x32x128xf32>
    tpu.vector_store %arg25[%swap3A, %swap3A_128, %swap3A_129, %swap3A_130], %swap3A_133 {strides = array<i32>} : memref<1x128x32x128xf32, #tpu.memory_space<vmem>>, vector<1x128x32x128xf32>,
    %get3A_134 = arith.constant 0 : index
    %get3A_135 = arith.constant 0 : index
    %get3A_136 = arith.constant 0 : index
    %get3A_137 = vector.load %arg12[%get3A_134, %get3A_135, %get3A_136] : memref<1x32x128xf32, #tpu.memory_space<vmem>>, vector<1x32x128xf32>
    %get3A_138 = vector.shape_cast %get3A_137 : vector<1x32x128xf32> to vector<32x128xf32>
    %reshape3A_139 = vector.shape_cast %add3A_89 : vector<4096x1xf32> to vector<128x32xf32>
    %transpose3A_140 = tpu.transpose %reshape3A_139, [1, 0] : vector<128x32xf32> -> vector<32x128xf32>
    %add3A_141 = arith.addf %get3A_138, %transpose3A_140 : vector<32x128xf32>
    %swap3A_142 = arith.constant 0 : index
    %swap3A_143 = arith.constant 0 : index
    %swap3A_144 = arith.constant 0 : index
    %swap3A_145 = vector.load %arg26[%swap3A_142, %swap3A_143, %swap3A_144] : memref<1x32x128xf32, #tpu.memory_space<vmem>>, vector<1x32x128xf32>
    %swap3A_146 = vector.shape_cast %swap3A_145 : vector<1x32x128xf32> to vector<32x128xf32>
    %swap3A_147 = vector.shape_cast %add3A_141 : vector<32x128xf32> to vector<1x32x128xf32>
    tpu.vector_store %arg26[%swap3A_142, %swap3A_143, %swap3A_144], %swap3A_147 {strides = array<i32>} : memref<1x32x128xf32, #tpu.memory_space<vmem>>, vector<1x32x128xf32>,
    %get3A_148 = arith.constant 0 : index
    %get3A_149 = arith.constant 0 : index
    %get3A_150 = vector.load %arg3[%get3A_148, %get3A_149] : memref<128x128xf32, #tpu.memory_space<vmem>>, vector<128x128xf32>
    %reshape3A_151 = vector.shape_cast %get3A_150 : vector<128x128xf32> to vector<128x1x128xf32>
    %get3A_152 = arith.constant 0 : index
    %get3A_153 = arith.constant 0 : index
    %get3A_154 = vector.load %arg8[%get3A_152, %get3A_153] : memref<4096x128xf32, #tpu.memory_space<vmem>>, vector<4096x128xf32>
    %reshape3A_155 = vector.shape_cast %get3A_154 : vector<4096x128xf32> to vector<128x32x128xf32>
    %mul3A_156 = vector.broadcast %reshape3A_151 : vector<128x1x128xf32> to vector<128x32x128xf32>
    %mul3A_157 = arith.mulf %mul3A_156, %reshape3A_155 : vector<128x32x128xf32>
    %sub3A_158 = arith.subf %mul3A_157, %add3A_127 : vector<128x32x128xf32>
    %mul3A_159 = vector.broadcast %broadcast_in_dim3A_33 : vector<128x32x1xf32> to vector<128x32x128xf32>
    %mul3A_160 = arith.mulf %sub3A_158, %mul3A_159 : vector<128x32x128xf32>
    %reduce_sum3A = arith.constant dense<0.000000e+00> : vector<128x128xf32>
    %reduce_sum3A_161 = vector.multi_reduction <add>, %mul3A_160, %reduce_sum3A [1] : vector<128x32x128xf32> to vector<128x128xf32>
    %get3A_162 = arith.constant 0 : index
    %get3A_163 = arith.constant 0 : index
    %get3A_164 = vector.load %arg4[%get3A_162, %get3A_163] : memref<128x128xf32, #tpu.memory_space<vmem>>, vector<128x128xf32>
    %mul3A_165 = arith.mulf %get3A_164, %reduce_sum3A_161 : vector<128x128xf32>
    %get3A_166 = arith.constant 0 : index
    %get3A_167 = arith.constant 0 : index
    %get3A_168 = arith.constant 0 : index
    %get3A_169 = vector.load %arg2[%get3A_166, %get3A_167, %get3A_168] : memref<1x128x128xf32, #tpu.memory_space<vmem>>, vector<1x128x128xf32>
    %get3A_170 = vector.shape_cast %get3A_169 : vector<1x128x128xf32> to vector<128x128xf32>
    %add3A_171 = arith.addf %get3A_170, %mul3A_165 : vector<128x128xf32>
    %swap3A_172 = arith.constant 0 : index
    %swap3A_173 = arith.constant 0 : index
    %swap3A_174 = arith.constant 0 : index
    %swap3A_175 = vector.load %arg23[%swap3A_172, %swap3A_173, %swap3A_174] : memref<1x128x128xf32, #tpu.memory_space<vmem>>, vector<1x128x128xf32>
    %swap3A_176 = vector.shape_cast %swap3A_175 : vector<1x128x128xf32> to vector<128x128xf32>
    %swap3A_177 = vector.shape_cast %add3A_171 : vector<128x128xf32> to vector<1x128x128xf32>
    tpu.vector_store %arg23[%swap3A_172, %swap3A_173, %swap3A_174], %swap3A_177 {strides = array<i32>} : memref<1x128x128xf32, #tpu.memory_space<vmem>>, vector<1x128x128xf32>,
    %get3A_178 = arith.constant 0 : index
    %get3A_179 = arith.constant 0 : index
    %get3A_180 = arith.constant 0 : index
    %get3A_181 = vector.load %arg5[%get3A_178, %get3A_179, %get3A_180] : memref<1x128x128xf32, #tpu.memory_space<vmem>>, vector<1x128x128xf32>
    %get3A_182 = vector.shape_cast %get3A_181 : vector<1x128x128xf32> to vector<128x128xf32>
    %add3A_183 = arith.addf %get3A_182, %mul3A_165 : vector<128x128xf32>
    %swap3A_184 = arith.constant 0 : index
    %swap3A_185 = arith.constant 0 : index
    %swap3A_186 = arith.constant 0 : index
    %swap3A_187 = vector.load %arg24[%swap3A_184, %swap3A_185, %swap3A_186] : memref<1x128x128xf32, #tpu.memory_space<vmem>>, vector<1x128x128xf32>
    %swap3A_188 = vector.shape_cast %swap3A_187 : vector<1x128x128xf32> to vector<128x128xf32>
    %swap3A_189 = vector.shape_cast %add3A_183 : vector<128x128xf32> to vector<1x128x128xf32>
    tpu.vector_store %arg24[%swap3A_184, %swap3A_185, %swap3A_186], %swap3A_189 {strides = array<i32>} : memref<1x128x128xf32, #tpu.memory_space<vmem>>, vector<1x128x128xf32>,
    return
  }
  func.func @transform_0(%arg0: i32, %arg1: i32) -> (i32, i32, i32) {
    %c0_i32 = arith.constant 0 : i32
    %c0_i32_0 = arith.constant 0 : i32
    return %arg0, %arg1, %c0_i32 : i32, i32, i32
  }
  func.func @transform_1(%arg0: i32, %arg1: i32) -> (i32, i32) {
    %mul3A = arith.constant 4 : i32
    %mul3A_0 = arith.muli %arg0, %mul3A : i32
    %add3A = arith.addi %mul3A_0, %arg1 : i32
    %c0_i32 = arith.constant 0 : i32
    %c0_i32_1 = arith.constant 0 : i32
    return %add3A, %c0_i32 : i32, i32
  }
  func.func @transform_2(%arg0: i32, %arg1: i32) -> (i32, i32) {
    %mul3A = arith.constant 4 : i32
    %mul3A_0 = arith.muli %arg0, %mul3A : i32
    %add3A = arith.addi %mul3A_0, %arg1 : i32
    %c0_i32 = arith.constant 0 : i32
    %c0_i32_1 = arith.constant 0 : i32
    return %add3A, %c0_i32 : i32, i32
  }
  func.func @transform_3(%arg0: i32, %arg1: i32) -> (i32, i32, i32) {
    %c0_i32 = arith.constant 0 : i32
    %c0_i32_0 = arith.constant 0 : i32
    return %arg0, %arg1, %c0_i32 : i32, i32, i32
  }
  func.func @transform_4(%arg0: i32, %arg1: i32) -> (i32, i32) {
    %mul3A = arith.constant 4 : i32
    %mul3A_0 = arith.muli %arg0, %mul3A : i32
    %add3A = arith.addi %mul3A_0, %arg1 : i32
    %c0_i32 = arith.constant 0 : i32
    %c0_i32_1 = arith.constant 0 : i32
    return %add3A, %c0_i32 : i32, i32
  }
  func.func @transform_5(%arg0: i32, %arg1: i32) -> (i32, i32) {
    %mul3A = arith.constant 4 : i32
    %mul3A_0 = arith.muli %arg0, %mul3A : i32
    %add3A = arith.addi %mul3A_0, %arg1 : i32
    %c0_i32 = arith.constant 0 : i32
    %c0_i32_1 = arith.constant 0 : i32
    return %add3A, %c0_i32 : i32, i32
  }
  func.func @transform_6(%arg0: i32, %arg1: i32) -> (i32, i32) {
    %mul3A = arith.constant 4 : i32
    %mul3A_0 = arith.muli %arg0, %mul3A : i32
    %add3A = arith.addi %mul3A_0, %arg1 : i32
    %c0_i32 = arith.constant 0 : i32
    %c0_i32_1 = arith.constant 0 : i32
    return %add3A, %c0_i32 : i32, i32
  }
  func.func @transform_7(%arg0: i32, %arg1: i32) -> (i32, i32, i32, i32) {
    %c0_i32 = arith.constant 0 : i32
    %c0_i32_0 = arith.constant 0 : i32
    %c0_i32_1 = arith.constant 0 : i32
    return %arg0, %c0_i32, %c0_i32_0, %arg1 : i32, i32, i32, i32
  }
  func.func @transform_8(%arg0: i32, %arg1: i32) -> (i32, i32, i32) {
    %c0_i32 = arith.constant 0 : i32
    %c0_i32_0 = arith.constant 0 : i32
    return %arg0, %c0_i32, %arg1 : i32, i32, i32
  }
  func.func @transform_9(%arg0: i32, %arg1: i32) -> (i32, i32, i32, i32) {
    %c0_i32 = arith.constant 0 : i32
    %c0_i32_0 = arith.constant 0 : i32
    %c0_i32_1 = arith.constant 0 : i32
    return %arg0, %arg1, %c0_i32, %c0_i32_0 : i32, i32, i32, i32
  }
  func.func @transform_10(%arg0: i32, %arg1: i32) -> (i32, i32, i32) {
    %c0_i32 = arith.constant 0 : i32
    %c0_i32_0 = arith.constant 0 : i32
    return %arg0, %c0_i32, %arg1 : i32, i32, i32
  }
  func.func @transform_11(%arg0: i32, %arg1: i32) -> (i32, i32) {
    %c0_i32 = arith.constant 0 : i32
    %c0_i32_0 = arith.constant 0 : i32
    %c0_i32_1 = arith.constant 0 : i32
    return %c0_i32, %c0_i32_0 : i32, i32
  }
  func.func @transform_12(%arg0: i32, %arg1: i32) -> (i32, i32) {
    %c0_i32 = arith.constant 0 : i32
    %c0_i32_0 = arith.constant 0 : i32
    %c0_i32_1 = arith.constant 0 : i32
    return %c0_i32, %c0_i32_0 : i32, i32
  }
  func.func @transform_13(%arg0: i32, %arg1: i32) -> (i32, i32) {
    %c0_i32 = arith.constant 0 : i32
    %c0_i32_0 = arith.constant 0 : i32
    %c0_i32_1 = arith.constant 0 : i32
    return %c0_i32, %c0_i32_0 : i32, i32
  }
  func.func @transform_14(%arg0: i32, %arg1: i32) -> (i32, i32) {
    %c0_i32 = arith.constant 0 : i32
    %c0_i32_0 = arith.constant 0 : i32
    %c0_i32_1 = arith.constant 0 : i32
    return %c0_i32, %c0_i32_0 : i32, i32
  }
  func.func @transform_15(%arg0: i32, %arg1: i32) -> (i32, i32) {
    %c0_i32 = arith.constant 0 : i32
    %c0_i32_0 = arith.constant 0 : i32
    %c0_i32_1 = arith.constant 0 : i32
    return %c0_i32, %c0_i32_0 : i32, i32
  }
  func.func @transform_16(%arg0: i32, %arg1: i32) -> (i32, i32) {
    %c0_i32 = arith.constant 0 : i32
    %c0_i32_0 = arith.constant 0 : i32
    %c0_i32_1 = arith.constant 0 : i32
    return %c0_i32, %c0_i32_0 : i32, i32
  }
  func.func @transform_17(%arg0: i32, %arg1: i32) -> (i32, i32) {
    %c0_i32 = arith.constant 0 : i32
    %c0_i32_0 = arith.constant 0 : i32
    %c0_i32_1 = arith.constant 0 : i32
    return %c0_i32, %c0_i32_0 : i32, i32
  }
  func.func @transform_18(%arg0: i32, %arg1: i32) -> (i32, i32) {
    %c0_i32 = arith.constant 0 : i32
    %c0_i32_0 = arith.constant 0 : i32
    %c0_i32_1 = arith.constant 0 : i32
    return %c0_i32, %c0_i32_0 : i32, i32
  }
  func.func @transform_19(%arg0: i32, %arg1: i32) -> (i32, i32) {
    %c0_i32 = arith.constant 0 : i32
    %c0_i32_0 = arith.constant 0 : i32
    %c0_i32_1 = arith.constant 0 : i32
    return %c0_i32, %c0_i32_0 : i32, i32
  }
  func.func @transform_20(%arg0: i32, %arg1: i32) -> (i32, i32) {
    %c0_i32 = arith.constant 0 : i32
    %c0_i32_0 = arith.constant 0 : i32
    %c0_i32_1 = arith.constant 0 : i32
    return %c0_i32, %c0_i32_0 : i32, i32
  }
  func.func @transform_21(%arg0: i32, %arg1: i32) -> (i32, i32, i32) {
    %c0_i32 = arith.constant 0 : i32
    %c0_i32_0 = arith.constant 0 : i32
    return %arg0, %arg1, %c0_i32 : i32, i32, i32
  }
  func.func @transform_22(%arg0: i32, %arg1: i32) -> (i32, i32, i32) {
    %c0_i32 = arith.constant 0 : i32
    %c0_i32_0 = arith.constant 0 : i32
    return %arg0, %arg1, %c0_i32 : i32, i32, i32
  }
  func.func @transform_23(%arg0: i32, %arg1: i32) -> (i32, i32, i32, i32) {
    %c0_i32 = arith.constant 0 : i32
    %c0_i32_0 = arith.constant 0 : i32
    %c0_i32_1 = arith.constant 0 : i32
    return %arg0, %arg1, %c0_i32, %c0_i32_0 : i32, i32, i32, i32
  }
  func.func @transform_24(%arg0: i32, %arg1: i32) -> (i32, i32, i32) {
    %c0_i32 = arith.constant 0 : i32
    %c0_i32_0 = arith.constant 0 : i32
    return %arg0, %c0_i32, %arg1 : i32, i32, i32
  }
}

</mosaic_0001>

<sc_bundles>
// kernel: kernel.5.cloned.1.call-start
scs
__scs_entry_jumppad:
0x0: {  	(pc) =	sbr.rel $0x88, $3  }
0x1: {  	(tag) =	ssettag $0x0;
	lr =	simm.s32 $0x1  }
0x2: {  	[smem:$0x3F7E] =	sst lr;
	_ =	strace $0xD0000000  }
0x3: {  	_ = 	snop  }
0x4: {  	_ = 	snop  }
0x5: {  	_ = 	snop  }
0x6: {  	_ = 	snop  }
0x7: {  	_ = 	snop  }
__scs_overlays_trampoline_lowered:
0x8: {  	[smem:$0x3F8D] =	sst s0  }
0x9: {  	[smem:$0x3F8E] =	sst s1  }
0xa: {  	[smem:$0x3F8F] =	sst s2  }
0xb: {  	[smem:$0x3F90] =	sst s3  }
0xc: {  	[smem:$0x3F91] =	sst s4  }
0xd: {  	[smem:$0x3F92] =	sst s5  }
0xe: {  	[smem:$0x3F93] =	sst s6  }
0xf: {  	[smem:$0x3F94] =	sst s7  }
0x10: {  	[smem:$0x3F95] =	sst s8  }
0x11: {  	[smem:$0x3F96] =	sst s9;
	s0 =	simm.s32 @!p0 $0x0  }
0x12: {  	s1 =	sld [smem:$0x3F7C];
	s0 =	simm.s32 @p0 $0x1  }
0x13: {  	[smem:$0x3F97] =	sst s0;
	s0 =	simm.s32 @!p1 $0x0  }
0x14: {  	s2 =	sld [smem:$0x3F7B];
	s0 =	simm.s32 @p1 $0x1  }
0x15: {  	[smem:$0x3F98] =	sst s0;
	s0 =	simm.s32 @!p2 $0x0  }
0x16: {  	s3 =	sld [smem:$0x3FDB];
	s0 =	simm.s32 @p2 $0x1  }
0x17: {  	s4 =	simm.s32 $0x1BF5;
	[smem:$0x3F9A] =	sst s0  }
0x18: {  	s0 =	sld [smem:$0x3F7D];
	_ =	swait.ge [sflag:s4], $0x0  }
0x19: {  	s7 =	sld [smem:$0x3F7E]  }
0x1a: {  	s8 =	sadd.s32 $0xFFFFE003, lr  }
0x1b: {  	s9 =	sadd.s32 $0xFFFFFEF7, lr;
	s5 =	simm.s32 $0xFFFFFFFF;
	p2 =	slt.u32 s8, $0xFFFFF086  }
0x1c: {  	p1 =	slt.u32 s9, $0xF7A;
	s5 =	simm.s32 @!p2 $0x0  }
0x1d: {  	s5 =	simm.s32 @p1 $0x1;
	p0 =	seq.s32 s7, s2  }
0x1e: {  	s7 =	smul.u32 @!p0 $0xF7A, s2;
	p2 =	seq.s32 @!p0 s5, $0x0  }
0x1f: {  	s9 =	smul.u32 $0xF7A, s1;
	s8 =	simm.s32 @!p0 $0x1BF5;
	p2 =	por !p2, p0  }
0x20: {  	[sflag:s8] =	ssyncset.s32 @!p0 $0xFFFFF086;
	s6 =	sadd.s32 @!p0 s3, s7;
	s7 =	simm.s32 @!p0 $0x108  }
0x21: {  	s3 =	sadd.s32 s3, s9;
	s6 =	sadd.s32 @!p0 $0x88, s6;
	s7 =	simm.s32 @p2 $0x1082  }
0x22: {  	[simem:s7], [sflag:s8] =	dma.local @!p0 [hbm:s6], $0xF7A  }
0x23: {  	s9 =	sor.u32 $0xD0000000, s2;
	s6 =	simm.s32 $0x108;
	_ =	swait.ge @!p0 [sflag:s8], $0x0  }
0x24: {  	s3 =	sadd.s32 $0x88, s3;
	s6 =	simm.s32 @!p1 $0x1082;
	[sflag:s4] =	ssyncset.s32 $0xFFFFF086  }
0x25: {  	[simem:s6], [sflag:s4] =	dma.local [hbm:s3], $0xF7A  }
0x26: {  	[smem:$0x3F7E] =	sst s1;
	(tag) =	ssettag s2;
	_ =	strace s9  }
0x27: {  	s1 =	sld [smem:$0x3F8E]  }
0x28: {  	s2 =	sld [smem:$0x3F8F]  }
0x29: {  	s4 =	sld [smem:$0x3F91]  }
0x2a: {  	p0 =	seq.s32 s5, $0x0;
	s5 =	sld [smem:$0x3F92]  }
0x2b: {  	s6 =	sld [smem:$0x3F93]  }
0x2c: {  	s7 =	sld [smem:$0x3F94]  }
0x2d: {  	s3 =	simm.s32 $0x108;
	s8 =	sld [smem:$0x3F95]  }
0x2e: {  	s3 =	simm.s32 @!p0 $0x1082;
	s9 =	sld [smem:$0x3F96]  }
0x2f: {  	lr =	sadd.s32 s0, s3;
	s0 =	sld [smem:$0x3F8D]  }
0x30: {  	s3 =	sld [smem:$0x3F90]  }
0x31: {  	[smem:$0x3F99] =	sst s10  }
0x32: {  	s10 =	sld [smem:$0x3F97];
	_ =	sdelay $0x3  }
0x33: {  	p0 =	seq.s32 s10, $0x1;
	s10 =	sld [smem:$0x3F99];
	_ =	sdelay $0x3  }
0x34: {  	[smem:$0x3F99] =	sst s10  }
0x35: {  	s10 =	sld [smem:$0x3F98];
	_ =	sdelay $0x3  }
0x36: {  	p1 =	seq.s32 s10, $0x1;
	s10 =	sld [smem:$0x3F99];
	_ =	sdelay $0x3  }
0x37: {  	[smem:$0x3F99] =	sst s10  }
0x38: {  	s10 =	sld [smem:$0x3F9A]  }
0x39: {  	_ = 	snop;
	(pc) =	sbr.ind lr, $3  }
0x3a: {  	_ = 	snop  }
0x3b: {  	_ = 	snop  }
0x3c: {  	p2 =	seq.s32 s10, $0x1;
	s10 =	sld [smem:$0x3F99]  }
0x3d: {  	_ =	shalt  }
0x3e: {  	_ =	shalt  }
0x3f: {  	_ =	shalt  }
0x40: {  	_ =	shalt  }
0x41: {  	_ =	shalt  }
0x42: {  	_ =	shalt  }
0x43: {  	_ =	shalt  }
0x44: {  	_ =	shalt  }
0x45: {  	_ =	shalt  }
0x46: {  	_ =	shalt  }
0x47: {  	_ =	shalt  }
0x48: {  	_ =	shalt  }
0x49: {  	_ =	shalt  }
0x4a: {  	_ =	shalt  }
0x4b: {  	_ =	shalt  }
0x4c: {  	_ =	shalt  }
0x4d: {  	_ =	shalt  }
0x4e: {  	_ =	shalt  }
0x4f: {  	_ =	shalt  }
0x50: {  	_ =	shalt  }
0x51: {  	_ =	shalt  }
0x52: {  	_ =	shalt  }
0x53: {  	_ =	shalt  }
0x54: {  	_ =	shalt  }
0x55: {  	_ =	shalt  }
0x56: {  	_ =	shalt  }
0x57: {  	_ =	shalt  }
0x58: {  	_ =	shalt  }
0x59: {  	_ =	shalt  }
0x5a: {  	_ =	shalt  }
0x5b: {  	_ =	shalt  }
0x5c: {  	_ =	shalt  }
0x5d: {  	_ =	shalt  }
0x5e: {  	_ =	shalt  }
0x5f: {  	_ =	shalt  }
0x60: {  	_ =	shalt  }
0x61: {  	_ =	shalt  }
0x62: {  	_ =	shalt  }
0x63: {  	_ =	shalt  }
0x64: {  	_ =	shalt  }
0x65: {  	_ =	shalt  }
0x66: {  	_ =	shalt  }
0x67: {  	_ =	shalt  }
0x68: {  	_ =	shalt  }
0x69: {  	_ =	shalt  }
0x6a: {  	_ =	shalt  }
0x6b: {  	_ =	shalt  }
0x6c: {  	_ =	shalt  }
0x6d: {  	_ =	shalt  }
0x6e: {  	_ =	shalt  }
0x6f: {  	_ =	shalt  }
0x70: {  	_ =	shalt  }
0x71: {  	_ =	shalt  }
0x72: {  	_ =	shalt  }
0x73: {  	_ =	shalt  }
0x74: {  	_ =	shalt  }
0x75: {  	_ =	shalt  }
0x76: {  	_ =	shalt  }
0x77: {  	_ =	shalt  }
0x78: {  	_ =	shalt  }
0x79: {  	_ =	shalt  }
0x7a: {  	_ =	shalt  }
0x7b: {  	_ =	shalt  }
0x7c: {  	_ =	shalt  }
0x7d: {  	_ =	shalt  }
0x7e: {  	_ =	shalt  }
0x7f: {  	_ =	shalt  }
0x80: {  	_ =	shalt  }
0x81: {  	_ =	shalt  }
0x82: {  	_ =	shalt  }
0x83: {  	_ =	shalt  }
0x84: {  	_ =	shalt  }
0x85: {  	_ =	shalt  }
0x86: {  	_ =	shalt  }
0x87: {  	_ =	shalt  }
.Lfunc_end0:
.L_simem_size_0:
called_computation_lowered:
.L_overlay_start_0:
0x88: {  	s2 =	sld [smem:$0x3FD9]  }
0x89: {  	s3 =	sld [smem:$0x3FFE];
	_ =	sdelay $0x1  }
0x8a: {  	s1 =	srdreg.scid  }
0x8b: {  	s0 =	sand.u32 $0x1, s1  }
0x8c: {  	s14 =	sshll.u32 s0, $0xA;
	s2 =	sadd.s32 s3, s2  }
0x8d: {  	s2 =	sadd.s32 s2, s14  }
0x8e: {  	[smem:$0x3FA5] =	sst s2  }
0x8f: {  	_ = 	snop  }
0x90: {  	s2 =	sld [smem:$0x3FD0];
	_ =	sdelay $0x2  }
0x91: {  	s15 =	simm.s32 $0xA;
	s4 =	simm.s32 $0x10  }
0x92: {  	[smem:s4], [sflag:s15] =	dma.local [hbm:s2], $0x1  }
0x93: {  	_ =	swait.eq [sflag:s15], $0x1  }
0x94: {  	s16 =	sld [smem:$0x11];
	[sflag:s15] =	ssyncset.done $0x0  }
0x95: {  	s17 =	sld [smem:$0x13];
	[sflag:s15] =	ssyncadd.s32 $0xFFFFFFFF  }
0x96: {  	s18 =	sld [smem:$0x15];
	(tm) =	ssettm $0x1  }
0x97: {  	s5 =	sld [smem:$0x3FFB];
	_ =	sdelay $0x3  }
0x98: {  	_ =	strace s5  }
0x99: {  	s5 =	sld [smem:$0x3FFC];
	_ =	sdelay $0x3  }
0x9a: {  	_ =	strace s5  }
0x9b: {  	s5 =	sld [smem:$0x3FFD];
	_ =	sdelay $0x3  }
0x9c: {  	_ =	strace s5  }
0x9d: {  	_ =	strace $0x8FFFFFFF  }
0x9e: {  	s19 =	sld [smem:$0x3FDB];
	_ =	sdelay $0x1  }
0x9f: {  	s6 =	simm.s32 $_scs_section_size  }
0xa0: {  	s7 =	simm.s32 $_size__tile_overlayer_lowered;
	s8 =	simm.s32 $_tile_overlayer_lowered  }
0xa1: {  	s22 =	simm.s32 $0x1BFF;
	s21 =	sshll.u32 s8, $0x1;
	s5 =	sadd.s32 s6, s19  }
0xa2: {  	s9 =	simm.s32 $0x0;
	s20 =	sshll.u32 s7, $0x1;
	s7 =	sadd.s32 s21, s5  }
0xa3: {  	[timem:s9], [sflag:s22] =	dma.local [hbm:s7], s20  }
0xa4: {  	_ =	swait.ge [sflag:s22], s20  }
0xa5: {  	s6 =	ssub.s32 $0x0, s20;
	[sflag:s22] =	ssyncset.done $0x0  }
0xa6: {  	[sflag:s22] =	ssyncadd.s32 s6;
	_ =	sdelay $0x1  }
0xa7: {  	s23 =	simm.s32 $0x1B8B  }
0xa8: {  	_ =	swait.ge [sflag:s23], $0x1  }
0xa9: {  	[sflag:s23] =	ssyncset.done $0x0  }
0xaa: {  	s25 =	simm.s32 $0x1B8E;
	s24 =	sld [smem:$0x3FFE];
	[sflag:s23] =	ssyncadd.s32 $0xFFFFFFFF  }
0xab: {  	s26 =	simm.s32 $execute0_lowered;
	[smem:$0x3FD2] =	sst s25  }
0xac: {  	s7 =	sshll.u32 s26, $0x1;
	_ =	strace $0x80000046;
	[dreg:$0x1] =	wrdreg $0xFFFFFFFF  }
0xad: {  	s28 =	simm.s32 $_size_execute0_lowered;
	s5 =	sadd.s32 s5, s7;
	[dreg:$0x0] =	wrdreg $0x0  }
0xae: {  	s7 =	sshll.u32 s28, $0x1;
	[dreg:$0x2] =	wrdreg s5  }
0xaf: {  	[dreg:$0x3] =	wrdreg s7  }
0xb0: {  	[dreg:$0x4] =	wrdreg $0xC0  }
0xb1: {  	_ =	task [dreg:s9], $0x5FFFF  }
0xb2: {  	[dreg:$0x1] =	wrdreg $0xFFFFFFFF  }
0xb3: {  	[dreg:$0x0] =	wrdreg $0x60  }
0xb4: {  	[dreg:$0x2] =	wrdreg s17  }
0xb5: {  	[dreg:$0x3] =	wrdreg s16  }
0xb6: {  	[dreg:$0x4] =	wrdreg s18  }
0xb7: {  	[dreg:$0x5] =	wrdreg s24  }
0xb8: {  	[dreg:$0x6] =	wrdreg $0x9  }
0xb9: {  	_ =	task.clear_ibuf [dreg:s9], $0x7FFFF;
	_ =	strace $0x90000046  }
0xba: {  	s29 =	simm.s32 $0x9;
	_ =	strace $0x80000048  }
0xbb: {  	_ =	swait.ge [sflag:s29], $0x1  }
0xbc: {  	[sflag:s29] =	ssyncadd.s32 $0xFFFFFFFF  }
0xbd: {  	_ =	strace $0x90000048  }
0xbe: {  	_ =	sfence  }
0xbf: {  	s30 =	sld [smem:$0x0];
	_ =	sdelay $0x2  }
0xc0: {  	s31 =	sshll.u32 s1, $0xD;
	s1 =	sshrl.u32 s1, $0x2  }
0xc1: {  	s3 =	sand.u32 $0x4000, s31;
	s1 =	sadd.s32 s1, s30  }
0xc2: {  	s0 =	sor.u32 s3, s0;
	s1 =	sshll.u32 s1, $0x11  }
0xc3: {  	s0 =	sor.u32 s1, s0  }
0xc4: {  	s0 =	sadd.s32 $0x8F2B, s0  }
0xc5: {  	[sflag:s0] =	ssyncadd.remote.s32 $0x1  }
0xc6: {  	_ =	sfence.sel $0xFFFF  }
0xc7: {  	[dreg:$0x0] =	wrdreg $0xFFFFFFFF;
	(pc) =	sbr.abs _section_cstart, $3  }
0xc8: {  	[dreg:$0x1] =	wrdreg $0xFFFFFFFF  }
0xc9: {  	_ =	task.clear_ibuf [dreg:s9], $0x2FFFF;
	_ =	strace $0x9FFFFFFF  }
0xca: {  	(tm) =	ssettm $0x7FFFFFFF  }
0xcb: {  	_ =	shalt  }
tec
execute0_lowered:
.L_overlay_start_1:
0x0: {  	(tag) =	ssettag $0x1  }
0x1: {  	s3 =	rddreg [dreg:$0x0];
	s0 =	srdreg.scid  }
0x2: {  	s4 =	rddreg [dreg:$0x1];
	s6 =	stileid.u32;
	s7 =	sand.u32 $0x1, s0  }
0x3: {  	s1 =	rddreg [dreg:$0x2];
	s10 =	sshll.u32 s6, $0xC;
	s11 =	sshll.u32 s7, $0xB  }
0x4: {  	s5 =	rddreg [dreg:$0x3];
	s2 =	simm.s32 $0x0;
	s6 =	sor.u32 s11, s10  }
0x5: {  	[smem:$0x7FF] =	sst s2;
	s0 =	sadd.s32 $0x4800, s5;
	s8 =	sshrl.u32 s6, $0x3  }
0x6: {  	s5 =	sadd.s32 $0x104800, s5;
	s6 =	sshll.u32 s6, $0x4;
	s1 =	sadd.s32 s1, s8  }
0x7: {  	_ =	strace $0x80000047;
	s12 =	sadd.s32 s0, s6;
	[dreg:$0x5] =	wrdreg s1  }
0x8: {  	s13 =	sadd.s32 s5, s6;
	s14 =	sor.u32 $0x800, s6;
	[dreg:$0x6] =	wrdreg s12  }
0x9: {  	[dreg:$0x7] =	wrdreg s13;
	s15 =	sadd.s32 s0, s14  }
0xa: {  	s17 =	sor.u32 $0x1000, s6;
	s16 =	sadd.s32 s5, s14;
	[dreg:$0x8] =	wrdreg s15  }
0xb: {  	s18 =	sadd.s32 s0, s17;
	[dreg:$0x9] =	wrdreg s16  }
0xc: {  	s20 =	sor.u32 $0x1800, s6;
	s19 =	sadd.s32 s5, s17;
	[dreg:$0xa] =	wrdreg s18  }
0xd: {  	s31 =	simm.s32 $0x5;
	s21 =	sadd.s32 s0, s20;
	[dreg:$0xb] =	wrdreg s19  }
0xe: {  	s23 =	sor.u32 $0x2000, s6;
	s22 =	sadd.s32 s5, s20;
	[dreg:$0xc] =	wrdreg s21  }
0xf: {  	s30 =	simm.s32 $0x100;
	s24 =	sadd.s32 s0, s23;
	[dreg:$0xd] =	wrdreg s22  }
0x10: {  	s26 =	sor.u32 $0x2800, s6;
	s25 =	sadd.s32 s5, s23;
	[dreg:$0xe] =	wrdreg s24  }
0x11: {  	s29 =	simm.s32 $0x180;
	s9 =	sadd.s32 s0, s26;
	[dreg:$0xf] =	wrdreg s25  }
0x12: {  	s11 =	sor.u32 $0x3000, s6;
	s10 =	sadd.s32 s5, s26;
	[dreg:$0x10] =	wrdreg s9  }
0x13: {  	s28 =	simm.s32 $0x200;
	s12 =	sadd.s32 s0, s11;
	[dreg:$0x11] =	wrdreg s10  }
0x14: {  	p0 =	por $0x0, $0x0;
	s13 =	sadd.s32 s5, s11;
	[dreg:$0x12] =	wrdreg s12  }
0x15: {  	s7 =	ssub.s32 $0x2, s7;
	s14 =	sor.u32 $0x3800, s6;
	[dreg:$0x13] =	wrdreg s13  }
0x16: {  	s8 =	simm.s32 $0x2;
	s15 =	sadd.s32 s0, s14;
	s1 =	rddreg [dreg:$0x5]  }
0x17: {  	s17 =	sor.u32 $0x4000, s6;
	s16 =	sadd.s32 s5, s14;
	[dreg:$0x14] =	wrdreg s15  }
0x18: {  	s20 =	sor.u32 $0x4800, s6;
	s18 =	sadd.s32 s0, s17;
	[dreg:$0x15] =	wrdreg s16  }
0x19: {  	s23 =	sor.u32 $0x5000, s6;
	s19 =	sadd.s32 s5, s17;
	[dreg:$0x16] =	wrdreg s18  }
0x1a: {  	s26 =	sor.u32 $0x5800, s6;
	s21 =	sadd.s32 s0, s20;
	[dreg:$0x17] =	wrdreg s19  }
0x1b: {  	s11 =	sor.u32 $0x6000, s6;
	s22 =	sadd.s32 s5, s20;
	[dreg:$0x18] =	wrdreg s21  }
0x1c: {  	s24 =	sadd.s32 s0, s23;
	s25 =	sadd.s32 s5, s23;
	[dreg:$0x19] =	wrdreg s22  }
0x1d: {  	s9 =	sadd.s32 s0, s26;
	s10 =	sadd.s32 s5, s26;
	[dreg:$0x1a] =	wrdreg s24  }
0x1e: {  	s12 =	sadd.s32 s0, s11;
	s13 =	sadd.s32 s5, s11;
	[dreg:$0x1b] =	wrdreg s25  }
0x1f: {  	s14 =	sor.u32 $0x6800, s6;
	s17 =	sor.u32 $0x7000, s6;
	[dreg:$0x1c] =	wrdreg s9  }
0x20: {  	s6 =	sor.u32 $0x7800, s6;
	s11 =	simm.s32 $0x80;
	[dreg:$0x1d] =	wrdreg s10  }
0x21: {  	s26 =	simm.s32 $0x280;
	s23 =	simm.s32 $0x400;
	[dreg:$0x1e] =	wrdreg s12  }
0x22: {  	[dreg:$0x1f] =	wrdreg s13;
	s15 =	sadd.s32 s0, s14;
	s16 =	sadd.s32 s5, s14  }
0x23: {  	s9 =	sshrl.u32 s7, $0x1;
	s18 =	sadd.s32 s0, s17;
	s19 =	sadd.s32 s5, s17  }
0x24: {  	s5 =	sadd.s32 s5, s6;
	s13 =	simm.s32 $0x8800;
	s14 =	simm.s32 $0x1  }
0x25: {  	s12 =	simm.s32 $0x4800;
	s10 =	simm.s32 $0x3;
	s20 =	ssub.s32 s7, s9  }
0x26: {  	s25 =	simm.s32 $0x300;
	[smem:$0x7FA] =	sst s15;
	s21 =	smax.u32 s20, $0x1  }
0x27: {  	s24 =	simm.s32 $0x380;
	[smem:$0x7FB] =	sst s16;
	p1 =	sne.s32 s21, $0x1  }
.Ltmp0:
0x28: {  	s22 =	simm.s32 $0x480;
	[smem:$0x7FC] =	sst s18;
	(pc) =	sbr.rel @!p1 .LBB2_3-.Ltmp0, $4  }
0x29: {  	s17 =	simm.s32 $0x700;
	[smem:$0x7FD] =	sst s19;
	s7 =	sadd.s32 s0, s6  }
0x2a: {  	s15 =	simm.s32 $0x800;
	s9 =	simm.s32 $0xC800;
	s6 =	simm.s32 $0x4  }
0x2b: {  	s19 =	simm.s32 $0x600;
	s18 =	simm.s32 $0x680;
	s16 =	simm.s32 $0x780  }
0x2c: {  	s20 =	simm.s32 $0x580;
	s0 =	sadd.s32 $0xFFFFFFFF, s21;
	s21 =	simm.s32 $0x500  }
0x2d: {  	[tilespmem:s2], [sflag:$0x5] =	stream.linear.gather [hbm4b:s1+s2], $0x800, $0x38;
	[tilespmem:$0x10800] =	vst v63  }
0x2e: {  	_ =	swait.ge [sflag:s31], $0x800  }
0x2f: {  	[sflag:s31] =	ssyncset.done $0x0  }
0x30: {  	[sflag:s31] =	ssyncadd.s32 $0xFFFFF800  }
0x31: {  	[tilespmem:s15], [sflag:$0x1] =	stream.indirect.gather [hbm4b:s3+s11], $0x80, s2, s11, $0xb8;
	[tilespmem:$0x10800] =	vst v63  }
0x32: {  	_ = 	snop  }
0x33: {  	[tilespmem:s13], [sflag:$0x1] =	stream.indirect.gather [hbm4b:s4+s11], $0x80, s2, s11, $0xb8;
	[tilespmem:$0x10800] =	vst v63  }
0x34: {  	_ =	swait.ge [sflag:s14], $0x4000  }
0x35: {  	[sflag:s14] =	ssyncset.done $0x0  }
0x36: {  	s1 =	rddreg [dreg:$0x6];
	[sflag:s14] =	ssyncadd.s32 $0xFFFFC000  }
0x37: {  	[hbm4b:s1+s2] =	stream.linear.scatter [tilespmem:s15], [sflag:$0x2], $0x4000, $0x38;
	[tilespmem:$0x10800] =	vst v63  }
0x38: {  	_ =	swait.ge [sflag:s14], $0x4000  }
0x39: {  	[sflag:s14] =	ssyncset.done $0x0  }
0x3a: {  	s1 =	rddreg [dreg:$0x7];
	[sflag:s14] =	ssyncadd.s32 $0xFFFFC000  }
0x3b: {  	[hbm4b:s1+s2] =	stream.linear.scatter [tilespmem:s13], [sflag:$0x2], $0x4000, $0x38;
	[tilespmem:$0x10800] =	vst v63  }
0x3c: {  	_ = 	snop  }
0x3d: {  	[tilespmem:s12], [sflag:$0x3] =	stream.indirect.gather [hbm4b:s3+s11], $0x80, s11, s11, $0xb8;
	[tilespmem:$0x10800] =	vst v63  }
0x3e: {  	_ = 	snop  }
0x3f: {  	[tilespmem:s9], [sflag:$0x3] =	stream.indirect.gather [hbm4b:s4+s11], $0x80, s11, s11, $0xb8;
	[tilespmem:$0x10800] =	vst v63  }
0x40: {  	_ =	swait.ge [sflag:s10], $0x4000  }
0x41: {  	[sflag:s10] =	ssyncset.done $0x0  }
0x42: {  	s1 =	rddreg [dreg:$0x8];
	[sflag:s10] =	ssyncadd.s32 $0xFFFFC000  }
0x43: {  	[hbm4b:s1+s2] =	stream.linear.scatter [tilespmem:s12], [sflag:$0x4], $0x4000, $0x38;
	[tilespmem:$0x10800] =	vst v63  }
0x44: {  	_ =	swait.ge [sflag:s10], $0x4000  }
0x45: {  	[sflag:s10] =	ssyncset.done $0x0  }
0x46: {  	s1 =	rddreg [dreg:$0x9];
	[sflag:s10] =	ssyncadd.s32 $0xFFFFC000  }
0x47: {  	[hbm4b:s1+s2] =	stream.linear.scatter [tilespmem:s9], [sflag:$0x4], $0x4000, $0x38;
	[tilespmem:$0x10800] =	vst v63  }
0x48: {  	_ =	swait.ge [sflag:s8], $0x4000  }
0x49: {  	[sflag:s8] =	ssyncset.done $0x0  }
0x4a: {  	[sflag:s8] =	ssyncadd.s32 $0xFFFFC000  }
0x4b: {  	_ =	swait.ge [sflag:s8], $0x4000  }
0x4c: {  	[sflag:s8] =	ssyncset.done $0x0  }
0x4d: {  	[sflag:s8] =	ssyncadd.s32 $0xFFFFC000  }
0x4e: {  	[tilespmem:s15], [sflag:$0x1] =	stream.indirect.gather [hbm4b:s3+s11], $0x80, s30, s11, $0xb8;
	[tilespmem:$0x10800] =	vst v63  }
0x4f: {  	_ = 	snop  }
0x50: {  	[tilespmem:s13], [sflag:$0x1] =	stream.indirect.gather [hbm4b:s4+s11], $0x80, s30, s11, $0xb8;
	[tilespmem:$0x10800] =	vst v63  }
0x51: {  	_ =	swait.ge [sflag:s14], $0x4000  }
0x52: {  	[sflag:s14] =	ssyncset.done $0x0  }
0x53: {  	s1 =	rddreg [dreg:$0xa];
	[sflag:s14] =	ssyncadd.s32 $0xFFFFC000  }
0x54: {  	[hbm4b:s1+s2] =	stream.linear.scatter [tilespmem:s15], [sflag:$0x2], $0x4000, $0x38;
	[tilespmem:$0x10800] =	vst v63  }
0x55: {  	_ =	swait.ge [sflag:s14], $0x4000  }
0x56: {  	[sflag:s14] =	ssyncset.done $0x0  }
0x57: {  	s1 =	rddreg [dreg:$0xb];
	[sflag:s14] =	ssyncadd.s32 $0xFFFFC000  }
0x58: {  	[hbm4b:s1+s2] =	stream.linear.scatter [tilespmem:s13], [sflag:$0x2], $0x4000, $0x38;
	[tilespmem:$0x10800] =	vst v63  }
0x59: {  	_ =	swait.ge [sflag:s6], $0x4000  }
0x5a: {  	[sflag:s6] =	ssyncset.done $0x0  }
0x5b: {  	[sflag:s6] =	ssyncadd.s32 $0xFFFFC000  }
0x5c: {  	_ =	swait.ge [sflag:s6], $0x4000  }
0x5d: {  	[sflag:s6] =	ssyncset.done $0x0  }
0x5e: {  	[sflag:s6] =	ssyncadd.s32 $0xFFFFC000  }
0x5f: {  	[tilespmem:s12], [sflag:$0x3] =	stream.indirect.gather [hbm4b:s3+s11], $0x80, s29, s11, $0xb8;
	[tilespmem:$0x10800] =	vst v63  }
0x60: {  	_ = 	snop  }
0x61: {  	[tilespmem:s9], [sflag:$0x3] =	stream.indirect.gather [hbm4b:s4+s11], $0x80, s29, s11, $0xb8;
	[tilespmem:$0x10800] =	vst v63  }
0x62: {  	_ =	swait.ge [sflag:s10], $0x4000  }
0x63: {  	[sflag:s10] =	ssyncset.done $0x0  }
0x64: {  	s1 =	rddreg [dreg:$0xc];
	[sflag:s10] =	ssyncadd.s32 $0xFFFFC000  }
0x65: {  	[hbm4b:s1+s2] =	stream.linear.scatter [tilespmem:s12], [sflag:$0x4], $0x4000, $0x38;
	[tilespmem:$0x10800] =	vst v63  }
0x66: {  	_ =	swait.ge [sflag:s10], $0x4000  }
0x67: {  	[sflag:s10] =	ssyncset.done $0x0  }
0x68: {  	s1 =	rddreg [dreg:$0xd];
	[sflag:s10] =	ssyncadd.s32 $0xFFFFC000  }
0x69: {  	[hbm4b:s1+s2] =	stream.linear.scatter [tilespmem:s9], [sflag:$0x4], $0x4000, $0x38;
	[tilespmem:$0x10800] =	vst v63  }
0x6a: {  	_ =	swait.ge [sflag:s8], $0x4000  }
0x6b: {  	[sflag:s8] =	ssyncset.done $0x0  }
0x6c: {  	[sflag:s8] =	ssyncadd.s32 $0xFFFFC000  }
0x6d: {  	_ =	swait.ge [sflag:s8], $0x4000  }
0x6e: {  	[sflag:s8] =	ssyncset.done $0x0  }
0x6f: {  	[sflag:s8] =	ssyncadd.s32 $0xFFFFC000  }
0x70: {  	[tilespmem:s15], [sflag:$0x1] =	stream.indirect.gather [hbm4b:s3+s11], $0x80, s28, s11, $0xb8;
	[tilespmem:$0x10800] =	vst v63  }
0x71: {  	_ = 	snop  }
0x72: {  	[tilespmem:s13], [sflag:$0x1] =	stream.indirect.gather [hbm4b:s4+s11], $0x80, s28, s11, $0xb8;
	[tilespmem:$0x10800] =	vst v63  }
0x73: {  	_ =	swait.ge [sflag:s14], $0x4000  }
0x74: {  	[sflag:s14] =	ssyncset.done $0x0  }
0x75: {  	s1 =	rddreg [dreg:$0xe];
	[sflag:s14] =	ssyncadd.s32 $0xFFFFC000  }
0x76: {  	[hbm4b:s1+s2] =	stream.linear.scatter [tilespmem:s15], [sflag:$0x2], $0x4000, $0x38;
	[tilespmem:$0x10800] =	vst v63  }
0x77: {  	_ =	swait.ge [sflag:s14], $0x4000  }
0x78: {  	[sflag:s14] =	ssyncset.done $0x0  }
0x79: {  	s1 =	rddreg [dreg:$0xf];
	[sflag:s14] =	ssyncadd.s32 $0xFFFFC000  }
0x7a: {  	[hbm4b:s1+s2] =	stream.linear.scatter [tilespmem:s13], [sflag:$0x2], $0x4000, $0x38;
	[tilespmem:$0x10800] =	vst v63  }
0x7b: {  	_ =	swait.ge [sflag:s6], $0x4000  }
0x7c: {  	[sflag:s6] =	ssyncset.done $0x0  }
0x7d: {  	[sflag:s6] =	ssyncadd.s32 $0xFFFFC000  }
0x7e: {  	_ =	swait.ge [sflag:s6], $0x4000  }
0x7f: {  	[sflag:s6] =	ssyncset.done $0x0  }
0x80: {  	[sflag:s6] =	ssyncadd.s32 $0xFFFFC000  }
0x81: {  	[tilespmem:s12], [sflag:$0x3] =	stream.indirect.gather [hbm4b:s3+s11], $0x80, s26, s11, $0xb8;
	[tilespmem:$0x10800] =	vst v63  }
0x82: {  	_ = 	snop  }
0x83: {  	[tilespmem:s9], [sflag:$0x3] =	stream.indirect.gather [hbm4b:s4+s11], $0x80, s26, s11, $0xb8;
	[tilespmem:$0x10800] =	vst v63  }
0x84: {  	_ =	swait.ge [sflag:s10], $0x4000  }
0x85: {  	[sflag:s10] =	ssyncset.done $0x0  }
0x86: {  	s1 =	rddreg [dreg:$0x10];
	[sflag:s10] =	ssyncadd.s32 $0xFFFFC000  }
0x87: {  	[hbm4b:s1+s2] =	stream.linear.scatter [tilespmem:s12], [sflag:$0x4], $0x4000, $0x38;
	[tilespmem:$0x10800] =	vst v63  }
0x88: {  	_ =	swait.ge [sflag:s10], $0x4000  }
0x89: {  	[sflag:s10] =	ssyncset.done $0x0  }
0x8a: {  	s1 =	rddreg [dreg:$0x11];
	[sflag:s10] =	ssyncadd.s32 $0xFFFFC000  }
0x8b: {  	[hbm4b:s1+s2] =	stream.linear.scatter [tilespmem:s9], [sflag:$0x4], $0x4000, $0x38;
	[tilespmem:$0x10800] =	vst v63  }
0x8c: {  	_ =	swait.ge [sflag:s8], $0x4000  }
0x8d: {  	[sflag:s8] =	ssyncset.done $0x0  }
0x8e: {  	[sflag:s8] =	ssyncadd.s32 $0xFFFFC000  }
0x8f: {  	_ =	swait.ge [sflag:s8], $0x4000  }
0x90: {  	[sflag:s8] =	ssyncset.done $0x0  }
0x91: {  	[sflag:s8] =	ssyncadd.s32 $0xFFFFC000  }
0x92: {  	[tilespmem:s15], [sflag:$0x1] =	stream.indirect.gather [hbm4b:s3+s11], $0x80, s25, s11, $0xb8;
	[tilespmem:$0x10800] =	vst v63  }
0x93: {  	_ = 	snop  }
0x94: {  	[tilespmem:s13], [sflag:$0x1] =	stream.indirect.gather [hbm4b:s4+s11], $0x80, s25, s11, $0xb8;
	[tilespmem:$0x10800] =	vst v63  }
0x95: {  	_ =	swait.ge [sflag:s14], $0x4000  }
0x96: {  	[sflag:s14] =	ssyncset.done $0x0  }
0x97: {  	s1 =	rddreg [dreg:$0x12];
	[sflag:s14] =	ssyncadd.s32 $0xFFFFC000  }
0x98: {  	[hbm4b:s1+s2] =	stream.linear.scatter [tilespmem:s15], [sflag:$0x2], $0x4000, $0x38;
	[tilespmem:$0x10800] =	vst v63  }
0x99: {  	_ =	swait.ge [sflag:s14], $0x4000  }
0x9a: {  	[sflag:s14] =	ssyncset.done $0x0  }
0x9b: {  	s1 =	rddreg [dreg:$0x13];
	[sflag:s14] =	ssyncadd.s32 $0xFFFFC000  }
0x9c: {  	[hbm4b:s1+s2] =	stream.linear.scatter [tilespmem:s13], [sflag:$0x2], $0x4000, $0x38;
	[tilespmem:$0x10800] =	vst v63  }
0x9d: {  	_ =	swait.ge [sflag:s6], $0x4000  }
0x9e: {  	[sflag:s6] =	ssyncset.done $0x0  }
0x9f: {  	[sflag:s6] =	ssyncadd.s32 $0xFFFFC000  }
0xa0: {  	_ =	swait.ge [sflag:s6], $0x4000  }
0xa1: {  	[sflag:s6] =	ssyncset.done $0x0  }
0xa2: {  	[sflag:s6] =	ssyncadd.s32 $0xFFFFC000  }
0xa3: {  	[tilespmem:s12], [sflag:$0x3] =	stream.indirect.gather [hbm4b:s3+s11], $0x80, s24, s11, $0xb8;
	[tilespmem:$0x10800] =	vst v63  }
0xa4: {  	_ = 	snop  }
0xa5: {  	[tilespmem:s9], [sflag:$0x3] =	stream.indirect.gather [hbm4b:s4+s11], $0x80, s24, s11, $0xb8;
	[tilespmem:$0x10800] =	vst v63  }
0xa6: {  	_ =	swait.ge [sflag:s10], $0x4000  }
0xa7: {  	[sflag:s10] =	ssyncset.done $0x0  }
0xa8: {  	s1 =	rddreg [dreg:$0x14];
	[sflag:s10] =	ssyncadd.s32 $0xFFFFC000  }
0xa9: {  	[hbm4b:s1+s2] =	stream.linear.scatter [tilespmem:s12], [sflag:$0x4], $0x4000, $0x38;
	[tilespmem:$0x10800] =	vst v63  }
0xaa: {  	_ =	swait.ge [sflag:s10], $0x4000  }
0xab: {  	[sflag:s10] =	ssyncset.done $0x0  }
0xac: {  	s1 =	rddreg [dreg:$0x15];
	[sflag:s10] =	ssyncadd.s32 $0xFFFFC000  }
0xad: {  	[hbm4b:s1+s2] =	stream.linear.scatter [tilespmem:s9], [sflag:$0x4], $0x4000, $0x38;
	[tilespmem:$0x10800] =	vst v63  }
0xae: {  	_ =	swait.ge [sflag:s8], $0x4000  }
0xaf: {  	[sflag:s8] =	ssyncset.done $0x0  }
0xb0: {  	[sflag:s8] =	ssyncadd.s32 $0xFFFFC000  }
0xb1: {  	_ =	swait.ge [sflag:s8], $0x4000  }
0xb2: {  	[sflag:s8] =	ssyncset.done $0x0  }
0xb3: {  	[sflag:s8] =	ssyncadd.s32 $0xFFFFC000  }
0xb4: {  	[tilespmem:s15], [sflag:$0x1] =	stream.indirect.gather [hbm4b:s3+s11], $0x80, s23, s11, $0xb8;
	[tilespmem:$0x10800] =	vst v63  }
0xb5: {  	_ = 	snop  }
0xb6: {  	[tilespmem:s13], [sflag:$0x1] =	stream.indirect.gather [hbm4b:s4+s11], $0x80, s23, s11, $0xb8;
	[tilespmem:$0x10800] =	vst v63  }
0xb7: {  	_ =	swait.ge [sflag:s14], $0x4000  }
0xb8: {  	[sflag:s14] =	ssyncset.done $0x0  }
0xb9: {  	s1 =	rddreg [dreg:$0x16];
	[sflag:s14] =	ssyncadd.s32 $0xFFFFC000  }
0xba: {  	[hbm4b:s1+s2] =	stream.linear.scatter [tilespmem:s15], [sflag:$0x2], $0x4000, $0x38;
	[tilespmem:$0x10800] =	vst v63  }
0xbb: {  	_ =	swait.ge [sflag:s14], $0x4000  }
0xbc: {  	[sflag:s14] =	ssyncset.done $0x0  }
0xbd: {  	s1 =	rddreg [dreg:$0x17];
	[sflag:s14] =	ssyncadd.s32 $0xFFFFC000  }
0xbe: {  	[hbm4b:s1+s2] =	stream.linear.scatter [tilespmem:s13], [sflag:$0x2], $0x4000, $0x38;
	[tilespmem:$0x10800] =	vst v63  }
0xbf: {  	_ =	swait.ge [sflag:s6], $0x4000  }
0xc0: {  	[sflag:s6] =	ssyncset.done $0x0  }
0xc1: {  	[sflag:s6] =	ssyncadd.s32 $0xFFFFC000  }
0xc2: {  	_ =	swait.ge [sflag:s6], $0x4000  }
0xc3: {  	[sflag:s6] =	ssyncset.done $0x0  }
0xc4: {  	[sflag:s6] =	ssyncadd.s32 $0xFFFFC000  }
0xc5: {  	[tilespmem:s12], [sflag:$0x3] =	stream.indirect.gather [hbm4b:s3+s11], $0x80, s22, s11, $0xb8;
	[tilespmem:$0x10800] =	vst v63  }
0xc6: {  	_ = 	snop  }
0xc7: {  	[tilespmem:s9], [sflag:$0x3] =	stream.indirect.gather [hbm4b:s4+s11], $0x80, s22, s11, $0xb8;
	[tilespmem:$0x10800] =	vst v63  }
0xc8: {  	_ =	swait.ge [sflag:s10], $0x4000  }
0xc9: {  	[sflag:s10] =	ssyncset.done $0x0  }
0xca: {  	s1 =	rddreg [dreg:$0x18];
	[sflag:s10] =	ssyncadd.s32 $0xFFFFC000  }
0xcb: {  	[hbm4b:s1+s2] =	stream.linear.scatter [tilespmem:s12], [sflag:$0x4], $0x4000, $0x38;
	[tilespmem:$0x10800] =	vst v63  }
0xcc: {  	_ =	swait.ge [sflag:s10], $0x4000  }
0xcd: {  	[sflag:s10] =	ssyncset.done $0x0  }
0xce: {  	s1 =	rddreg [dreg:$0x19];
	[sflag:s10] =	ssyncadd.s32 $0xFFFFC000  }
0xcf: {  	[hbm4b:s1+s2] =	stream.linear.scatter [tilespmem:s9], [sflag:$0x4], $0x4000, $0x38;
	[tilespmem:$0x10800] =	vst v63  }
0xd0: {  	_ =	swait.ge [sflag:s8], $0x4000  }
0xd1: {  	[sflag:s8] =	ssyncset.done $0x0  }
0xd2: {  	[sflag:s8] =	ssyncadd.s32 $0xFFFFC000  }
0xd3: {  	_ =	swait.ge [sflag:s8], $0x4000  }
0xd4: {  	[sflag:s8] =	ssyncset.done $0x0  }
0xd5: {  	[sflag:s8] =	ssyncadd.s32 $0xFFFFC000  }
0xd6: {  	[tilespmem:s15], [sflag:$0x1] =	stream.indirect.gather [hbm4b:s3+s11], $0x80, s21, s11, $0xb8;
	[tilespmem:$0x10800] =	vst v63  }
0xd7: {  	_ = 	snop  }
0xd8: {  	[tilespmem:s13], [sflag:$0x1] =	stream.indirect.gather [hbm4b:s4+s11], $0x80, s21, s11, $0xb8;
	[tilespmem:$0x10800] =	vst v63  }
0xd9: {  	_ =	swait.ge [sflag:s14], $0x4000  }
0xda: {  	[sflag:s14] =	ssyncset.done $0x0  }
0xdb: {  	s1 =	rddreg [dreg:$0x1a];
	[sflag:s14] =	ssyncadd.s32 $0xFFFFC000  }
0xdc: {  	[hbm4b:s1+s2] =	stream.linear.scatter [tilespmem:s15], [sflag:$0x2], $0x4000, $0x38;
	[tilespmem:$0x10800] =	vst v63  }
0xdd: {  	_ =	swait.ge [sflag:s14], $0x4000  }
0xde: {  	[sflag:s14] =	ssyncset.done $0x0  }
0xdf: {  	s1 =	rddreg [dreg:$0x1b];
	[sflag:s14] =	ssyncadd.s32 $0xFFFFC000  }
0xe0: {  	[hbm4b:s1+s2] =	stream.linear.scatter [tilespmem:s13], [sflag:$0x2], $0x4000, $0x38;
	[tilespmem:$0x10800] =	vst v63  }
0xe1: {  	_ =	swait.ge [sflag:s6], $0x4000  }
0xe2: {  	[sflag:s6] =	ssyncset.done $0x0  }
0xe3: {  	[sflag:s6] =	ssyncadd.s32 $0xFFFFC000  }
0xe4: {  	_ =	swait.ge [sflag:s6], $0x4000  }
0xe5: {  	[sflag:s6] =	ssyncset.done $0x0  }
0xe6: {  	[sflag:s6] =	ssyncadd.s32 $0xFFFFC000  }
0xe7: {  	[tilespmem:s12], [sflag:$0x3] =	stream.indirect.gather [hbm4b:s3+s11], $0x80, s20, s11, $0xb8;
	[tilespmem:$0x10800] =	vst v63  }
0xe8: {  	_ = 	snop  }
0xe9: {  	[tilespmem:s9], [sflag:$0x3] =	stream.indirect.gather [hbm4b:s4+s11], $0x80, s20, s11, $0xb8;
	[tilespmem:$0x10800] =	vst v63  }
0xea: {  	_ =	swait.ge [sflag:s10], $0x4000  }
0xeb: {  	[sflag:s10] =	ssyncset.done $0x0  }
0xec: {  	s1 =	rddreg [dreg:$0x1c];
	[sflag:s10] =	ssyncadd.s32 $0xFFFFC000  }
0xed: {  	[hbm4b:s1+s2] =	stream.linear.scatter [tilespmem:s12], [sflag:$0x4], $0x4000, $0x38;
	[tilespmem:$0x10800] =	vst v63  }
0xee: {  	_ =	swait.ge [sflag:s10], $0x4000  }
0xef: {  	[sflag:s10] =	ssyncset.done $0x0  }
0xf0: {  	s1 =	rddreg [dreg:$0x1d];
	[sflag:s10] =	ssyncadd.s32 $0xFFFFC000  }
0xf1: {  	[hbm4b:s1+s2] =	stream.linear.scatter [tilespmem:s9], [sflag:$0x4], $0x4000, $0x38;
	[tilespmem:$0x10800] =	vst v63  }
0xf2: {  	_ =	swait.ge [sflag:s8], $0x4000  }
0xf3: {  	[sflag:s8] =	ssyncset.done $0x0  }
0xf4: {  	[sflag:s8] =	ssyncadd.s32 $0xFFFFC000  }
0xf5: {  	_ =	swait.ge [sflag:s8], $0x4000  }
0xf6: {  	[sflag:s8] =	ssyncset.done $0x0  }
0xf7: {  	[sflag:s8] =	ssyncadd.s32 $0xFFFFC000  }
0xf8: {  	[tilespmem:s15], [sflag:$0x1] =	stream.indirect.gather [hbm4b:s3+s11], $0x80, s19, s11, $0xb8;
	[tilespmem:$0x10800] =	vst v63  }
0xf9: {  	_ = 	snop  }
0xfa: {  	[tilespmem:s13], [sflag:$0x1] =	stream.indirect.gather [hbm4b:s4+s11], $0x80, s19, s11, $0xb8;
	[tilespmem:$0x10800] =	vst v63  }
0xfb: {  	_ =	swait.ge [sflag:s14], $0x4000  }
0xfc: {  	[sflag:s14] =	ssyncset.done $0x0  }
0xfd: {  	s1 =	rddreg [dreg:$0x1e];
	[sflag:s14] =	ssyncadd.s32 $0xFFFFC000  }
0xfe: {  	[hbm4b:s1+s2] =	stream.linear.scatter [tilespmem:s15], [sflag:$0x2], $0x4000, $0x38;
	[tilespmem:$0x10800] =	vst v63  }
0xff: {  	_ =	swait.ge [sflag:s14], $0x4000  }
0x100: {  	[sflag:s14] =	ssyncset.done $0x0  }
0x101: {  	s1 =	rddreg [dreg:$0x1f];
	[sflag:s14] =	ssyncadd.s32 $0xFFFFC000  }
0x102: {  	[hbm4b:s1+s2] =	stream.linear.scatter [tilespmem:s13], [sflag:$0x2], $0x4000, $0x38;
	[tilespmem:$0x10800] =	vst v63  }
0x103: {  	_ =	swait.ge [sflag:s6], $0x4000  }
0x104: {  	[sflag:s6] =	ssyncset.done $0x0  }
0x105: {  	[sflag:s6] =	ssyncadd.s32 $0xFFFFC000  }
0x106: {  	_ =	swait.ge [sflag:s6], $0x4000  }
0x107: {  	[sflag:s6] =	ssyncset.done $0x0  }
0x108: {  	[sflag:s6] =	ssyncadd.s32 $0xFFFFC000  }
0x109: {  	[tilespmem:s12], [sflag:$0x3] =	stream.indirect.gather [hbm4b:s3+s11], $0x80, s18, s11, $0xb8;
	[tilespmem:$0x10800] =	vst v63  }
0x10a: {  	_ = 	snop  }
0x10b: {  	[tilespmem:s9], [sflag:$0x3] =	stream.indirect.gather [hbm4b:s4+s11], $0x80, s18, s11, $0xb8;
	[tilespmem:$0x10800] =	vst v63  }
0x10c: {  	_ =	swait.ge [sflag:s10], $0x4000  }
0x10d: {  	s1 =	sld [smem:$0x7FA]  }
0x10e: {  	[sflag:s10] =	ssyncset.done $0x0  }
0x10f: {  	[sflag:s10] =	ssyncadd.s32 $0xFFFFC000  }
0x110: {  	[hbm4b:s1+s2] =	stream.linear.scatter [tilespmem:s12], [sflag:$0x4], $0x4000, $0x38;
	[tilespmem:$0x10800] =	vst v63  }
0x111: {  	_ =	swait.ge [sflag:s10], $0x4000  }
0x112: {  	s1 =	sld [smem:$0x7FB]  }
0x113: {  	[sflag:s10] =	ssyncset.done $0x0  }
0x114: {  	[sflag:s10] =	ssyncadd.s32 $0xFFFFC000  }
0x115: {  	[hbm4b:s1+s2] =	stream.linear.scatter [tilespmem:s9], [sflag:$0x4], $0x4000, $0x38;
	[tilespmem:$0x10800] =	vst v63  }
0x116: {  	_ =	swait.ge [sflag:s8], $0x4000  }
0x117: {  	[sflag:s8] =	ssyncset.done $0x0  }
0x118: {  	[sflag:s8] =	ssyncadd.s32 $0xFFFFC000  }
0x119: {  	_ =	swait.ge [sflag:s8], $0x4000  }
0x11a: {  	[sflag:s8] =	ssyncset.done $0x0  }
0x11b: {  	[sflag:s8] =	ssyncadd.s32 $0xFFFFC000  }
0x11c: {  	[tilespmem:s15], [sflag:$0x1] =	stream.indirect.gather [hbm4b:s3+s11], $0x80, s17, s11, $0xb8;
	[tilespmem:$0x10800] =	vst v63  }
0x11d: {  	_ = 	snop  }
0x11e: {  	[tilespmem:s13], [sflag:$0x1] =	stream.indirect.gather [hbm4b:s4+s11], $0x80, s17, s11, $0xb8;
	[tilespmem:$0x10800] =	vst v63  }
0x11f: {  	_ =	swait.ge [sflag:s14], $0x4000  }
0x120: {  	s1 =	sld [smem:$0x7FC]  }
0x121: {  	[sflag:s14] =	ssyncset.done $0x0  }
0x122: {  	[sflag:s14] =	ssyncadd.s32 $0xFFFFC000  }
0x123: {  	[hbm4b:s1+s2] =	stream.linear.scatter [tilespmem:s15], [sflag:$0x2], $0x4000, $0x38;
	[tilespmem:$0x10800] =	vst v63  }
0x124: {  	_ =	swait.ge [sflag:s14], $0x4000  }
0x125: {  	s1 =	sld [smem:$0x7FD]  }
0x126: {  	[sflag:s14] =	ssyncset.done $0x0  }
0x127: {  	[sflag:s14] =	ssyncadd.s32 $0xFFFFC000  }
0x128: {  	[hbm4b:s1+s2] =	stream.linear.scatter [tilespmem:s13], [sflag:$0x2], $0x4000, $0x38;
	[tilespmem:$0x10800] =	vst v63  }
0x129: {  	_ =	swait.ge [sflag:s6], $0x4000  }
0x12a: {  	[sflag:s6] =	ssyncset.done $0x0  }
0x12b: {  	[sflag:s6] =	ssyncadd.s32 $0xFFFFC000  }
0x12c: {  	_ =	swait.ge [sflag:s6], $0x4000  }
0x12d: {  	[sflag:s6] =	ssyncset.done $0x0  }
0x12e: {  	[sflag:s6] =	ssyncadd.s32 $0xFFFFC000  }
0x12f: {  	[tilespmem:s12], [sflag:$0x3] =	stream.indirect.gather [hbm4b:s3+s11], $0x80, s16, s11, $0xb8;
	[tilespmem:$0x10800] =	vst v63  }
0x130: {  	_ = 	snop  }
0x131: {  	[tilespmem:s9], [sflag:$0x3] =	stream.indirect.gather [hbm4b:s4+s11], $0x80, s16, s11, $0xb8;
	[tilespmem:$0x10800] =	vst v63  }
0x132: {  	_ =	swait.ge [sflag:s10], $0x4000  }
0x133: {  	[sflag:s10] =	ssyncset.done $0x0  }
0x134: {  	[sflag:s10] =	ssyncadd.s32 $0xFFFFC000  }
0x135: {  	[hbm4b:s7+s2] =	stream.linear.scatter [tilespmem:s12], [sflag:$0x4], $0x4000, $0x38;
	[tilespmem:$0x10800] =	vst v63  }
0x136: {  	_ =	swait.ge [sflag:s10], $0x4000  }
0x137: {  	[sflag:s10] =	ssyncset.done $0x0  }
0x138: {  	[sflag:s10] =	ssyncadd.s32 $0xFFFFC000  }
0x139: {  	[hbm4b:s5+s2] =	stream.linear.scatter [tilespmem:s9], [sflag:$0x4], $0x4000, $0x38;
	[tilespmem:$0x10800] =	vst v63  }
0x13a: {  	_ =	swait.ge [sflag:s8], $0x4000  }
0x13b: {  	[sflag:s8] =	ssyncset.done $0x0  }
0x13c: {  	[sflag:s8] =	ssyncadd.s32 $0xFFFFC000  }
0x13d: {  	_ =	swait.ge [sflag:s8], $0x4000  }
0x13e: {  	[sflag:s8] =	ssyncset.done $0x0  }
0x13f: {  	p1 =	sne.s32 s0, $0x1;
	[sflag:s8] =	ssyncadd.s32 $0xFFFFC000  }
.Ltmp1:
0x140: {  	_ =	swait.ge [sflag:s6], $0x4000;
	(pc) =	sbr.rel @!p1 .LBB2_3-.Ltmp1, $4  }
0x141: {  	[sflag:s6] =	ssyncset.done $0x0  }
0x142: {  	[sflag:s6] =	ssyncadd.s32 $0xFFFFC000  }
0x143: {  	s0 =	sadd.s32 $0xFFFFFFFF, s0;
	_ =	swait.ge [sflag:s6], $0x4000  }
0x144: {  	p0 =	por $0x1, $0x1;
	s1 =	rddreg [dreg:$0x5];
	[sflag:s6] =	ssyncset.done $0x0  }
.LBB2_2:
0x145: {  	[sflag:s6] =	ssyncadd.s32 $0xFFFFC000  }
0x146: {  	[tilespmem:s2], [sflag:$0x5] =	stream.linear.gather [hbm4b:s1+s2], $0x800, $0x38;
	[tilespmem:$0x10800] =	vst v63  }
0x147: {  	_ =	swait.ge [sflag:s31], $0x800  }
0x148: {  	[sflag:s31] =	ssyncset.done $0x0  }
0x149: {  	[sflag:s31] =	ssyncadd.s32 $0xFFFFF800  }
0x14a: {  	[tilespmem:s15], [sflag:$0x1] =	stream.indirect.gather [hbm4b:s3+s11], $0x80, s2, s11, $0xb8;
	[tilespmem:$0x10800] =	vst v63  }
0x14b: {  	_ = 	snop  }
0x14c: {  	[tilespmem:s13], [sflag:$0x1] =	stream.indirect.gather [hbm4b:s4+s11], $0x80, s2, s11, $0xb8;
	[tilespmem:$0x10800] =	vst v63  }
0x14d: {  	_ =	swait.ge [sflag:s14], $0x4000  }
0x14e: {  	[sflag:s14] =	ssyncset.done $0x0  }
0x14f: {  	s1 =	rddreg [dreg:$0x6];
	[sflag:s14] =	ssyncadd.s32 $0xFFFFC000  }
0x150: {  	[hbm4b:s1+s2] =	stream.linear.scatter [tilespmem:s15], [sflag:$0x2], $0x4000, $0x38;
	[tilespmem:$0x10800] =	vst v63  }
0x151: {  	_ =	swait.ge [sflag:s14], $0x4000  }
0x152: {  	[sflag:s14] =	ssyncset.done $0x0  }
0x153: {  	s1 =	rddreg [dreg:$0x7];
	[sflag:s14] =	ssyncadd.s32 $0xFFFFC000  }
0x154: {  	[hbm4b:s1+s2] =	stream.linear.scatter [tilespmem:s13], [sflag:$0x2], $0x4000, $0x38;
	[tilespmem:$0x10800] =	vst v63  }
0x155: {  	_ = 	snop  }
0x156: {  	[tilespmem:s12], [sflag:$0x3] =	stream.indirect.gather [hbm4b:s3+s11], $0x80, s11, s11, $0xb8;
	[tilespmem:$0x10800] =	vst v63  }
0x157: {  	_ = 	snop  }
0x158: {  	[tilespmem:s9], [sflag:$0x3] =	stream.indirect.gather [hbm4b:s4+s11], $0x80, s11, s11, $0xb8;
	[tilespmem:$0x10800] =	vst v63  }
0x159: {  	_ =	swait.ge [sflag:s10], $0x4000  }
0x15a: {  	[sflag:s10] =	ssyncset.done $0x0  }
0x15b: {  	s1 =	rddreg [dreg:$0x8];
	[sflag:s10] =	ssyncadd.s32 $0xFFFFC000  }
0x15c: {  	[hbm4b:s1+s2] =	stream.linear.scatter [tilespmem:s12], [sflag:$0x4], $0x4000, $0x38;
	[tilespmem:$0x10800] =	vst v63  }
0x15d: {  	_ =	swait.ge [sflag:s10], $0x4000  }
0x15e: {  	[sflag:s10] =	ssyncset.done $0x0  }
0x15f: {  	s1 =	rddreg [dreg:$0x9];
	[sflag:s10] =	ssyncadd.s32 $0xFFFFC000  }
0x160: {  	[hbm4b:s1+s2] =	stream.linear.scatter [tilespmem:s9], [sflag:$0x4], $0x4000, $0x38;
	[tilespmem:$0x10800] =	vst v63  }
0x161: {  	_ =	swait.ge [sflag:s8], $0x4000  }
0x162: {  	[sflag:s8] =	ssyncset.done $0x0  }
0x163: {  	[sflag:s8] =	ssyncadd.s32 $0xFFFFC000  }
0x164: {  	_ =	swait.ge [sflag:s8], $0x4000  }
0x165: {  	[sflag:s8] =	ssyncset.done $0x0  }
0x166: {  	[sflag:s8] =	ssyncadd.s32 $0xFFFFC000  }
0x167: {  	[tilespmem:s15], [sflag:$0x1] =	stream.indirect.gather [hbm4b:s3+s11], $0x80, s30, s11, $0xb8;
	[tilespmem:$0x10800] =	vst v63  }
0x168: {  	_ = 	snop  }
0x169: {  	[tilespmem:s13], [sflag:$0x1] =	stream.indirect.gather [hbm4b:s4+s11], $0x80, s30, s11, $0xb8;
	[tilespmem:$0x10800] =	vst v63  }
0x16a: {  	_ =	swait.ge [sflag:s14], $0x4000  }
0x16b: {  	[sflag:s14] =	ssyncset.done $0x0  }
0x16c: {  	s1 =	rddreg [dreg:$0xa];
	[sflag:s14] =	ssyncadd.s32 $0xFFFFC000  }
0x16d: {  	[hbm4b:s1+s2] =	stream.linear.scatter [tilespmem:s15], [sflag:$0x2], $0x4000, $0x38;
	[tilespmem:$0x10800] =	vst v63  }
0x16e: {  	_ =	swait.ge [sflag:s14], $0x4000  }
0x16f: {  	[sflag:s14] =	ssyncset.done $0x0  }
0x170: {  	s1 =	rddreg [dreg:$0xb];
	[sflag:s14] =	ssyncadd.s32 $0xFFFFC000  }
0x171: {  	[hbm4b:s1+s2] =	stream.linear.scatter [tilespmem:s13], [sflag:$0x2], $0x4000, $0x38;
	[tilespmem:$0x10800] =	vst v63  }
0x172: {  	_ =	swait.ge [sflag:s6], $0x4000  }
0x173: {  	[sflag:s6] =	ssyncset.done $0x0  }
0x174: {  	[sflag:s6] =	ssyncadd.s32 $0xFFFFC000  }
0x175: {  	_ =	swait.ge [sflag:s6], $0x4000  }
0x176: {  	[sflag:s6] =	ssyncset.done $0x0  }
0x177: {  	[sflag:s6] =	ssyncadd.s32 $0xFFFFC000  }
0x178: {  	[tilespmem:s12], [sflag:$0x3] =	stream.indirect.gather [hbm4b:s3+s11], $0x80, s29, s11, $0xb8;
	[tilespmem:$0x10800] =	vst v63  }
0x179: {  	_ = 	snop  }
0x17a: {  	[tilespmem:s9], [sflag:$0x3] =	stream.indirect.gather [hbm4b:s4+s11], $0x80, s29, s11, $0xb8;
	[tilespmem:$0x10800] =	vst v63  }
0x17b: {  	_ =	swait.ge [sflag:s10], $0x4000  }
0x17c: {  	[sflag:s10] =	ssyncset.done $0x0  }
0x17d: {  	s1 =	rddreg [dreg:$0xc];
	[sflag:s10] =	ssyncadd.s32 $0xFFFFC000  }
0x17e: {  	[hbm4b:s1+s2] =	stream.linear.scatter [tilespmem:s12], [sflag:$0x4], $0x4000, $0x38;
	[tilespmem:$0x10800] =	vst v63  }
0x17f: {  	_ =	swait.ge [sflag:s10], $0x4000  }
0x180: {  	[sflag:s10] =	ssyncset.done $0x0  }
0x181: {  	s1 =	rddreg [dreg:$0xd];
	[sflag:s10] =	ssyncadd.s32 $0xFFFFC000  }
0x182: {  	[hbm4b:s1+s2] =	stream.linear.scatter [tilespmem:s9], [sflag:$0x4], $0x4000, $0x38;
	[tilespmem:$0x10800] =	vst v63  }
0x183: {  	_ =	swait.ge [sflag:s8], $0x4000  }
0x184: {  	[sflag:s8] =	ssyncset.done $0x0  }
0x185: {  	[sflag:s8] =	ssyncadd.s32 $0xFFFFC000  }
0x186: {  	_ =	swait.ge [sflag:s8], $0x4000  }
0x187: {  	[sflag:s8] =	ssyncset.done $0x0  }
0x188: {  	[sflag:s8] =	ssyncadd.s32 $0xFFFFC000  }
0x189: {  	[tilespmem:s15], [sflag:$0x1] =	stream.indirect.gather [hbm4b:s3+s11], $0x80, s28, s11, $0xb8;
	[tilespmem:$0x10800] =	vst v63  }
0x18a: {  	_ = 	snop  }
0x18b: {  	[tilespmem:s13], [sflag:$0x1] =	stream.indirect.gather [hbm4b:s4+s11], $0x80, s28, s11, $0xb8;
	[tilespmem:$0x10800] =	vst v63  }
0x18c: {  	_ =	swait.ge [sflag:s14], $0x4000  }
0x18d: {  	[sflag:s14] =	ssyncset.done $0x0  }
0x18e: {  	s1 =	rddreg [dreg:$0xe];
	[sflag:s14] =	ssyncadd.s32 $0xFFFFC000  }
0x18f: {  	[hbm4b:s1+s2] =	stream.linear.scatter [tilespmem:s15], [sflag:$0x2], $0x4000, $0x38;
	[tilespmem:$0x10800] =	vst v63  }
0x190: {  	_ =	swait.ge [sflag:s14], $0x4000  }
0x191: {  	[sflag:s14] =	ssyncset.done $0x0  }
0x192: {  	s1 =	rddreg [dreg:$0xf];
	[sflag:s14] =	ssyncadd.s32 $0xFFFFC000  }
0x193: {  	[hbm4b:s1+s2] =	stream.linear.scatter [tilespmem:s13], [sflag:$0x2], $0x4000, $0x38;
	[tilespmem:$0x10800] =	vst v63  }
0x194: {  	_ =	swait.ge [sflag:s6], $0x4000  }
0x195: {  	[sflag:s6] =	ssyncset.done $0x0  }
0x196: {  	[sflag:s6] =	ssyncadd.s32 $0xFFFFC000  }
0x197: {  	_ =	swait.ge [sflag:s6], $0x4000  }
0x198: {  	[sflag:s6] =	ssyncset.done $0x0  }
0x199: {  	[sflag:s6] =	ssyncadd.s32 $0xFFFFC000  }
0x19a: {  	[tilespmem:s12], [sflag:$0x3] =	stream.indirect.gather [hbm4b:s3+s11], $0x80, s26, s11, $0xb8;
	[tilespmem:$0x10800] =	vst v63  }
0x19b: {  	_ = 	snop  }
0x19c: {  	[tilespmem:s9], [sflag:$0x3] =	stream.indirect.gather [hbm4b:s4+s11], $0x80, s26, s11, $0xb8;
	[tilespmem:$0x10800] =	vst v63  }
0x19d: {  	_ =	swait.ge [sflag:s10], $0x4000  }
0x19e: {  	[sflag:s10] =	ssyncset.done $0x0  }
0x19f: {  	s1 =	rddreg [dreg:$0x10];
	[sflag:s10] =	ssyncadd.s32 $0xFFFFC000  }
0x1a0: {  	[hbm4b:s1+s2] =	stream.linear.scatter [tilespmem:s12], [sflag:$0x4], $0x4000, $0x38;
	[tilespmem:$0x10800] =	vst v63  }
0x1a1: {  	_ =	swait.ge [sflag:s10], $0x4000  }
0x1a2: {  	[sflag:s10] =	ssyncset.done $0x0  }
0x1a3: {  	s1 =	rddreg [dreg:$0x11];
	[sflag:s10] =	ssyncadd.s32 $0xFFFFC000  }
0x1a4: {  	[hbm4b:s1+s2] =	stream.linear.scatter [tilespmem:s9], [sflag:$0x4], $0x4000, $0x38;
	[tilespmem:$0x10800] =	vst v63  }
0x1a5: {  	_ =	swait.ge [sflag:s8], $0x4000  }
0x1a6: {  	[sflag:s8] =	ssyncset.done $0x0  }
0x1a7: {  	[sflag:s8] =	ssyncadd.s32 $0xFFFFC000  }
0x1a8: {  	_ =	swait.ge [sflag:s8], $0x4000  }
0x1a9: {  	[sflag:s8] =	ssyncset.done $0x0  }
0x1aa: {  	[sflag:s8] =	ssyncadd.s32 $0xFFFFC000  }
0x1ab: {  	[tilespmem:s15], [sflag:$0x1] =	stream.indirect.gather [hbm4b:s3+s11], $0x80, s25, s11, $0xb8;
	[tilespmem:$0x10800] =	vst v63  }
0x1ac: {  	_ = 	snop  }
0x1ad: {  	[tilespmem:s13], [sflag:$0x1] =	stream.indirect.gather [hbm4b:s4+s11], $0x80, s25, s11, $0xb8;
	[tilespmem:$0x10800] =	vst v63  }
0x1ae: {  	_ =	swait.ge [sflag:s14], $0x4000  }
0x1af: {  	[sflag:s14] =	ssyncset.done $0x0  }
0x1b0: {  	s1 =	rddreg [dreg:$0x12];
	[sflag:s14] =	ssyncadd.s32 $0xFFFFC000  }
0x1b1: {  	[hbm4b:s1+s2] =	stream.linear.scatter [tilespmem:s15], [sflag:$0x2], $0x4000, $0x38;
	[tilespmem:$0x10800] =	vst v63  }
0x1b2: {  	_ =	swait.ge [sflag:s14], $0x4000  }
0x1b3: {  	[sflag:s14] =	ssyncset.done $0x0  }
0x1b4: {  	s1 =	rddreg [dreg:$0x13];
	[sflag:s14] =	ssyncadd.s32 $0xFFFFC000  }
0x1b5: {  	[hbm4b:s1+s2] =	stream.linear.scatter [tilespmem:s13], [sflag:$0x2], $0x4000, $0x38;
	[tilespmem:$0x10800] =	vst v63  }
0x1b6: {  	_ =	swait.ge [sflag:s6], $0x4000  }
0x1b7: {  	[sflag:s6] =	ssyncset.done $0x0  }
0x1b8: {  	[sflag:s6] =	ssyncadd.s32 $0xFFFFC000  }
0x1b9: {  	_ =	swait.ge [sflag:s6], $0x4000  }
0x1ba: {  	[sflag:s6] =	ssyncset.done $0x0  }
0x1bb: {  	[sflag:s6] =	ssyncadd.s32 $0xFFFFC000  }
0x1bc: {  	[tilespmem:s12], [sflag:$0x3] =	stream.indirect.gather [hbm4b:s3+s11], $0x80, s24, s11, $0xb8;
	[tilespmem:$0x10800] =	vst v63  }
0x1bd: {  	_ = 	snop  }
0x1be: {  	[tilespmem:s9], [sflag:$0x3] =	stream.indirect.gather [hbm4b:s4+s11], $0x80, s24, s11, $0xb8;
	[tilespmem:$0x10800] =	vst v63  }
0x1bf: {  	_ =	swait.ge [sflag:s10], $0x4000  }
0x1c0: {  	[sflag:s10] =	ssyncset.done $0x0  }
0x1c1: {  	s1 =	rddreg [dreg:$0x14];
	[sflag:s10] =	ssyncadd.s32 $0xFFFFC000  }
0x1c2: {  	[hbm4b:s1+s2] =	stream.linear.scatter [tilespmem:s12], [sflag:$0x4], $0x4000, $0x38;
	[tilespmem:$0x10800] =	vst v63  }
0x1c3: {  	_ =	swait.ge [sflag:s10], $0x4000  }
0x1c4: {  	[sflag:s10] =	ssyncset.done $0x0  }
0x1c5: {  	s1 =	rddreg [dreg:$0x15];
	[sflag:s10] =	ssyncadd.s32 $0xFFFFC000  }
0x1c6: {  	[hbm4b:s1+s2] =	stream.linear.scatter [tilespmem:s9], [sflag:$0x4], $0x4000, $0x38;
	[tilespmem:$0x10800] =	vst v63  }
0x1c7: {  	_ =	swait.ge [sflag:s8], $0x4000  }
0x1c8: {  	[sflag:s8] =	ssyncset.done $0x0  }
0x1c9: {  	[sflag:s8] =	ssyncadd.s32 $0xFFFFC000  }
0x1ca: {  	_ =	swait.ge [sflag:s8], $0x4000  }
0x1cb: {  	[sflag:s8] =	ssyncset.done $0x0  }
0x1cc: {  	[sflag:s8] =	ssyncadd.s32 $0xFFFFC000  }
0x1cd: {  	[tilespmem:s15], [sflag:$0x1] =	stream.indirect.gather [hbm4b:s3+s11], $0x80, s23, s11, $0xb8;
	[tilespmem:$0x10800] =	vst v63  }
0x1ce: {  	_ = 	snop  }
0x1cf: {  	[tilespmem:s13], [sflag:$0x1] =	stream.indirect.gather [hbm4b:s4+s11], $0x80, s23, s11, $0xb8;
	[tilespmem:$0x10800] =	vst v63  }
0x1d0: {  	_ =	swait.ge [sflag:s14], $0x4000  }
0x1d1: {  	[sflag:s14] =	ssyncset.done $0x0  }
0x1d2: {  	s1 =	rddreg [dreg:$0x16];
	[sflag:s14] =	ssyncadd.s32 $0xFFFFC000  }
0x1d3: {  	[hbm4b:s1+s2] =	stream.linear.scatter [tilespmem:s15], [sflag:$0x2], $0x4000, $0x38;
	[tilespmem:$0x10800] =	vst v63  }
0x1d4: {  	_ =	swait.ge [sflag:s14], $0x4000  }
0x1d5: {  	[sflag:s14] =	ssyncset.done $0x0  }
0x1d6: {  	s1 =	rddreg [dreg:$0x17];
	[sflag:s14] =	ssyncadd.s32 $0xFFFFC000  }
0x1d7: {  	[hbm4b:s1+s2] =	stream.linear.scatter [tilespmem:s13], [sflag:$0x2], $0x4000, $0x38;
	[tilespmem:$0x10800] =	vst v63  }
0x1d8: {  	_ =	swait.ge [sflag:s6], $0x4000  }
0x1d9: {  	[sflag:s6] =	ssyncset.done $0x0  }
0x1da: {  	[sflag:s6] =	ssyncadd.s32 $0xFFFFC000  }
0x1db: {  	_ =	swait.ge [sflag:s6], $0x4000  }
0x1dc: {  	[sflag:s6] =	ssyncset.done $0x0  }
0x1dd: {  	[sflag:s6] =	ssyncadd.s32 $0xFFFFC000  }
0x1de: {  	[tilespmem:s12], [sflag:$0x3] =	stream.indirect.gather [hbm4b:s3+s11], $0x80, s22, s11, $0xb8;
	[tilespmem:$0x10800] =	vst v63  }
0x1df: {  	_ = 	snop  }
0x1e0: {  	[tilespmem:s9], [sflag:$0x3] =	stream.indirect.gather [hbm4b:s4+s11], $0x80, s22, s11, $0xb8;
	[tilespmem:$0x10800] =	vst v63  }
0x1e1: {  	_ =	swait.ge [sflag:s10], $0x4000  }
0x1e2: {  	[sflag:s10] =	ssyncset.done $0x0  }
0x1e3: {  	s1 =	rddreg [dreg:$0x18];
	[sflag:s10] =	ssyncadd.s32 $0xFFFFC000  }
0x1e4: {  	[hbm4b:s1+s2] =	stream.linear.scatter [tilespmem:s12], [sflag:$0x4], $0x4000, $0x38;
	[tilespmem:$0x10800] =	vst v63  }
0x1e5: {  	_ =	swait.ge [sflag:s10], $0x4000  }
0x1e6: {  	[sflag:s10] =	ssyncset.done $0x0  }
0x1e7: {  	s1 =	rddreg [dreg:$0x19];
	[sflag:s10] =	ssyncadd.s32 $0xFFFFC000  }
0x1e8: {  	[hbm4b:s1+s2] =	stream.linear.scatter [tilespmem:s9], [sflag:$0x4], $0x4000, $0x38;
	[tilespmem:$0x10800] =	vst v63  }
0x1e9: {  	_ =	swait.ge [sflag:s8], $0x4000  }
0x1ea: {  	[sflag:s8] =	ssyncset.done $0x0  }
0x1eb: {  	[sflag:s8] =	ssyncadd.s32 $0xFFFFC000  }
0x1ec: {  	_ =	swait.ge [sflag:s8], $0x4000  }
0x1ed: {  	[sflag:s8] =	ssyncset.done $0x0  }
0x1ee: {  	[sflag:s8] =	ssyncadd.s32 $0xFFFFC000  }
0x1ef: {  	[tilespmem:s15], [sflag:$0x1] =	stream.indirect.gather [hbm4b:s3+s11], $0x80, s21, s11, $0xb8;
	[tilespmem:$0x10800] =	vst v63  }
0x1f0: {  	_ = 	snop  }
0x1f1: {  	[tilespmem:s13], [sflag:$0x1] =	stream.indirect.gather [hbm4b:s4+s11], $0x80, s21, s11, $0xb8;
	[tilespmem:$0x10800] =	vst v63  }
0x1f2: {  	_ =	swait.ge [sflag:s14], $0x4000  }
0x1f3: {  	[sflag:s14] =	ssyncset.done $0x0  }
0x1f4: {  	s1 =	rddreg [dreg:$0x1a];
	[sflag:s14] =	ssyncadd.s32 $0xFFFFC000  }
0x1f5: {  	[hbm4b:s1+s2] =	stream.linear.scatter [tilespmem:s15], [sflag:$0x2], $0x4000, $0x38;
	[tilespmem:$0x10800] =	vst v63  }
0x1f6: {  	_ =	swait.ge [sflag:s14], $0x4000  }
0x1f7: {  	[sflag:s14] =	ssyncset.done $0x0  }
0x1f8: {  	s1 =	rddreg [dreg:$0x1b];
	[sflag:s14] =	ssyncadd.s32 $0xFFFFC000  }
0x1f9: {  	[hbm4b:s1+s2] =	stream.linear.scatter [tilespmem:s13], [sflag:$0x2], $0x4000, $0x38;
	[tilespmem:$0x10800] =	vst v63  }
0x1fa: {  	_ =	swait.ge [sflag:s6], $0x4000  }
0x1fb: {  	[sflag:s6] =	ssyncset.done $0x0  }
0x1fc: {  	[sflag:s6] =	ssyncadd.s32 $0xFFFFC000  }
0x1fd: {  	_ =	swait.ge [sflag:s6], $0x4000  }
0x1fe: {  	[sflag:s6] =	ssyncset.done $0x0  }
0x1ff: {  	[sflag:s6] =	ssyncadd.s32 $0xFFFFC000  }
0x200: {  	[tilespmem:s12], [sflag:$0x3] =	stream.indirect.gather [hbm4b:s3+s11], $0x80, s20, s11, $0xb8;
	[tilespmem:$0x10800] =	vst v63  }
0x201: {  	_ = 	snop  }
0x202: {  	[tilespmem:s9], [sflag:$0x3] =	stream.indirect.gather [hbm4b:s4+s11], $0x80, s20, s11, $0xb8;
	[tilespmem:$0x10800] =	vst v63  }
0x203: {  	_ =	swait.ge [sflag:s10], $0x4000  }
0x204: {  	[sflag:s10] =	ssyncset.done $0x0  }
0x205: {  	s1 =	rddreg [dreg:$0x1c];
	[sflag:s10] =	ssyncadd.s32 $0xFFFFC000  }
0x206: {  	[hbm4b:s1+s2] =	stream.linear.scatter [tilespmem:s12], [sflag:$0x4], $0x4000, $0x38;
	[tilespmem:$0x10800] =	vst v63  }
0x207: {  	_ =	swait.ge [sflag:s10], $0x4000  }
0x208: {  	[sflag:s10] =	ssyncset.done $0x0  }
0x209: {  	s1 =	rddreg [dreg:$0x1d];
	[sflag:s10] =	ssyncadd.s32 $0xFFFFC000  }
0x20a: {  	[hbm4b:s1+s2] =	stream.linear.scatter [tilespmem:s9], [sflag:$0x4], $0x4000, $0x38;
	[tilespmem:$0x10800] =	vst v63  }
0x20b: {  	_ =	swait.ge [sflag:s8], $0x4000  }
0x20c: {  	[sflag:s8] =	ssyncset.done $0x0  }
0x20d: {  	[sflag:s8] =	ssyncadd.s32 $0xFFFFC000  }
0x20e: {  	_ =	swait.ge [sflag:s8], $0x4000  }
0x20f: {  	[sflag:s8] =	ssyncset.done $0x0  }
0x210: {  	[sflag:s8] =	ssyncadd.s32 $0xFFFFC000  }
0x211: {  	[tilespmem:s15], [sflag:$0x1] =	stream.indirect.gather [hbm4b:s3+s11], $0x80, s19, s11, $0xb8;
	[tilespmem:$0x10800] =	vst v63  }
0x212: {  	_ = 	snop  }
0x213: {  	[tilespmem:s13], [sflag:$0x1] =	stream.indirect.gather [hbm4b:s4+s11], $0x80, s19, s11, $0xb8;
	[tilespmem:$0x10800] =	vst v63  }
0x214: {  	_ =	swait.ge [sflag:s14], $0x4000  }
0x215: {  	[sflag:s14] =	ssyncset.done $0x0  }
0x216: {  	s1 =	rddreg [dreg:$0x1e];
	[sflag:s14] =	ssyncadd.s32 $0xFFFFC000  }
0x217: {  	[hbm4b:s1+s2] =	stream.linear.scatter [tilespmem:s15], [sflag:$0x2], $0x4000, $0x38;
	[tilespmem:$0x10800] =	vst v63  }
0x218: {  	_ =	swait.ge [sflag:s14], $0x4000  }
0x219: {  	[sflag:s14] =	ssyncset.done $0x0  }
0x21a: {  	s1 =	rddreg [dreg:$0x1f];
	[sflag:s14] =	ssyncadd.s32 $0xFFFFC000  }
0x21b: {  	[hbm4b:s1+s2] =	stream.linear.scatter [tilespmem:s13], [sflag:$0x2], $0x4000, $0x38;
	[tilespmem:$0x10800] =	vst v63  }
0x21c: {  	_ =	swait.ge [sflag:s6], $0x4000  }
0x21d: {  	[sflag:s6] =	ssyncset.done $0x0  }
0x21e: {  	[sflag:s6] =	ssyncadd.s32 $0xFFFFC000  }
0x21f: {  	_ =	swait.ge [sflag:s6], $0x4000  }
0x220: {  	[sflag:s6] =	ssyncset.done $0x0  }
0x221: {  	[sflag:s6] =	ssyncadd.s32 $0xFFFFC000  }
0x222: {  	[tilespmem:s12], [sflag:$0x3] =	stream.indirect.gather [hbm4b:s3+s11], $0x80, s18, s11, $0xb8;
	[tilespmem:$0x10800] =	vst v63  }
0x223: {  	_ = 	snop  }
0x224: {  	[tilespmem:s9], [sflag:$0x3] =	stream.indirect.gather [hbm4b:s4+s11], $0x80, s18, s11, $0xb8;
	[tilespmem:$0x10800] =	vst v63  }
0x225: {  	_ =	swait.ge [sflag:s10], $0x4000  }
0x226: {  	s1 =	sld [smem:$0x7FA]  }
0x227: {  	[sflag:s10] =	ssyncset.done $0x0  }
0x228: {  	[sflag:s10] =	ssyncadd.s32 $0xFFFFC000  }
0x229: {  	[hbm4b:s1+s2] =	stream.linear.scatter [tilespmem:s12], [sflag:$0x4], $0x4000, $0x38;
	[tilespmem:$0x10800] =	vst v63  }
0x22a: {  	_ =	swait.ge [sflag:s10], $0x4000  }
0x22b: {  	s1 =	sld [smem:$0x7FB]  }
0x22c: {  	[sflag:s10] =	ssyncset.done $0x0  }
0x22d: {  	[sflag:s10] =	ssyncadd.s32 $0xFFFFC000  }
0x22e: {  	[hbm4b:s1+s2] =	stream.linear.scatter [tilespmem:s9], [sflag:$0x4], $0x4000, $0x38;
	[tilespmem:$0x10800] =	vst v63  }
0x22f: {  	_ =	swait.ge [sflag:s8], $0x4000  }
0x230: {  	[sflag:s8] =	ssyncset.done $0x0  }
0x231: {  	[sflag:s8] =	ssyncadd.s32 $0xFFFFC000  }
0x232: {  	_ =	swait.ge [sflag:s8], $0x4000  }
0x233: {  	[sflag:s8] =	ssyncset.done $0x0  }
0x234: {  	[sflag:s8] =	ssyncadd.s32 $0xFFFFC000  }
0x235: {  	[tilespmem:s15], [sflag:$0x1] =	stream.indirect.gather [hbm4b:s3+s11], $0x80, s17, s11, $0xb8;
	[tilespmem:$0x10800] =	vst v63  }
0x236: {  	_ = 	snop  }
0x237: {  	[tilespmem:s13], [sflag:$0x1] =	stream.indirect.gather [hbm4b:s4+s11], $0x80, s17, s11, $0xb8;
	[tilespmem:$0x10800] =	vst v63  }
0x238: {  	_ =	swait.ge [sflag:s14], $0x4000  }
0x239: {  	s1 =	sld [smem:$0x7FC]  }
0x23a: {  	[sflag:s14] =	ssyncset.done $0x0  }
0x23b: {  	[sflag:s14] =	ssyncadd.s32 $0xFFFFC000  }
0x23c: {  	[hbm4b:s1+s2] =	stream.linear.scatter [tilespmem:s15], [sflag:$0x2], $0x4000, $0x38;
	[tilespmem:$0x10800] =	vst v63  }
0x23d: {  	_ =	swait.ge [sflag:s14], $0x4000  }
0x23e: {  	s1 =	sld [smem:$0x7FD]  }
0x23f: {  	[sflag:s14] =	ssyncset.done $0x0  }
0x240: {  	[sflag:s14] =	ssyncadd.s32 $0xFFFFC000  }
0x241: {  	[hbm4b:s1+s2] =	stream.linear.scatter [tilespmem:s13], [sflag:$0x2], $0x4000, $0x38;
	[tilespmem:$0x10800] =	vst v63  }
0x242: {  	_ =	swait.ge [sflag:s6], $0x4000  }
0x243: {  	[sflag:s6] =	ssyncset.done $0x0  }
0x244: {  	[sflag:s6] =	ssyncadd.s32 $0xFFFFC000  }
0x245: {  	_ =	swait.ge [sflag:s6], $0x4000  }
0x246: {  	[sflag:s6] =	ssyncset.done $0x0  }
0x247: {  	[sflag:s6] =	ssyncadd.s32 $0xFFFFC000  }
0x248: {  	[tilespmem:s12], [sflag:$0x3] =	stream.indirect.gather [hbm4b:s3+s11], $0x80, s16, s11, $0xb8;
	[tilespmem:$0x10800] =	vst v63  }
0x249: {  	_ = 	snop  }
0x24a: {  	[tilespmem:s9], [sflag:$0x3] =	stream.indirect.gather [hbm4b:s4+s11], $0x80, s16, s11, $0xb8;
	[tilespmem:$0x10800] =	vst v63  }
0x24b: {  	_ =	swait.ge [sflag:s10], $0x4000  }
0x24c: {  	[sflag:s10] =	ssyncset.done $0x0  }
0x24d: {  	[sflag:s10] =	ssyncadd.s32 $0xFFFFC000  }
0x24e: {  	[hbm4b:s7+s2] =	stream.linear.scatter [tilespmem:s12], [sflag:$0x4], $0x4000, $0x38;
	[tilespmem:$0x10800] =	vst v63  }
0x24f: {  	_ =	swait.ge [sflag:s10], $0x4000  }
0x250: {  	[sflag:s10] =	ssyncset.done $0x0  }
0x251: {  	[sflag:s10] =	ssyncadd.s32 $0xFFFFC000  }
0x252: {  	[hbm4b:s5+s2] =	stream.linear.scatter [tilespmem:s9], [sflag:$0x4], $0x4000, $0x38;
	[tilespmem:$0x10800] =	vst v63  }
0x253: {  	_ =	swait.ge [sflag:s8], $0x4000  }
0x254: {  	[sflag:s8] =	ssyncset.done $0x0  }
0x255: {  	[sflag:s8] =	ssyncadd.s32 $0xFFFFC000  }
0x256: {  	_ =	swait.ge [sflag:s8], $0x4000  }
0x257: {  	[sflag:s8] =	ssyncset.done $0x0  }
0x258: {  	p1 =	sne.s32 s0, $0x1;
	[sflag:s8] =	ssyncadd.s32 $0xFFFFC000  }
.Ltmp2:
0x259: {  	_ =	swait.ge [sflag:s6], $0x4000;
	(pc) =	sbr.rel @p1 .LBB2_2-.Ltmp2, $4  }
0x25a: {  	[sflag:s6] =	ssyncset.done $0x0  }
0x25b: {  	[sflag:s6] =	ssyncadd.s32 $0xFFFFC000  }
0x25c: {  	_ =	swait.ge [sflag:s6], $0x4000  }
0x25d: {  	s0 =	sadd.s32 $0xFFFFFFFF, s0;
	s1 =	rddreg [dreg:$0x5];
	[sflag:s6] =	ssyncset.done $0x0  }
.LBB2_3:
0x25e: {  	[sflag:s6] =	ssyncadd.s32 @p0 $0xFFFFC000  }
0x25f: {  	[tilespmem:s2], [sflag:$0x5] =	stream.linear.gather [hbm4b:s1+s2], $0x800, $0x38;
	[tilespmem:$0x10800] =	vst v63  }
0x260: {  	_ =	swait.ge [sflag:s31], $0x800  }
0x261: {  	[sflag:s31] =	ssyncset.done $0x0  }
0x262: {  	[sflag:s31] =	ssyncadd.s32 $0xFFFFF800  }
0x263: {  	[tilespmem:s15], [sflag:$0x1] =	stream.indirect.gather [hbm4b:s3+s11], $0x80, s2, s11, $0xb8;
	[tilespmem:$0x10800] =	vst v63  }
0x264: {  	_ = 	snop  }
0x265: {  	[tilespmem:s13], [sflag:$0x1] =	stream.indirect.gather [hbm4b:s4+s11], $0x80, s2, s11, $0xb8;
	[tilespmem:$0x10800] =	vst v63  }
0x266: {  	_ =	swait.ge [sflag:s14], $0x4000  }
0x267: {  	[sflag:s14] =	ssyncset.done $0x0  }
0x268: {  	s0 =	rddreg [dreg:$0x6];
	[sflag:s14] =	ssyncadd.s32 $0xFFFFC000  }
0x269: {  	[hbm4b:s0+s2] =	stream.linear.scatter [tilespmem:s15], [sflag:$0x2], $0x4000, $0x38;
	[tilespmem:$0x10800] =	vst v63  }
0x26a: {  	_ =	swait.ge [sflag:s14], $0x4000  }
0x26b: {  	[sflag:s14] =	ssyncset.done $0x0  }
0x26c: {  	s1 =	rddreg [dreg:$0x7];
	[sflag:s14] =	ssyncadd.s32 $0xFFFFC000  }
0x26d: {  	[hbm4b:s1+s2] =	stream.linear.scatter [tilespmem:s13], [sflag:$0x2], $0x4000, $0x38;
	[tilespmem:$0x10800] =	vst v63  }
0x26e: {  	_ = 	snop  }
0x26f: {  	[tilespmem:s12], [sflag:$0x3] =	stream.indirect.gather [hbm4b:s3+s11], $0x80, s11, s11, $0xb8;
	[tilespmem:$0x10800] =	vst v63  }
0x270: {  	_ = 	snop  }
0x271: {  	[tilespmem:s9], [sflag:$0x3] =	stream.indirect.gather [hbm4b:s4+s11], $0x80, s11, s11, $0xb8;
	[tilespmem:$0x10800] =	vst v63  }
0x272: {  	_ =	swait.ge [sflag:s10], $0x4000  }
0x273: {  	[sflag:s10] =	ssyncset.done $0x0  }
0x274: {  	s31 =	rddreg [dreg:$0x8];
	[sflag:s10] =	ssyncadd.s32 $0xFFFFC000  }
0x275: {  	[hbm4b:s31+s2] =	stream.linear.scatter [tilespmem:s12], [sflag:$0x4], $0x4000, $0x38;
	[tilespmem:$0x10800] =	vst v63  }
0x276: {  	_ =	swait.ge [sflag:s10], $0x4000  }
0x277: {  	[sflag:s10] =	ssyncset.done $0x0  }
0x278: {  	s1 =	rddreg [dreg:$0x9];
	[sflag:s10] =	ssyncadd.s32 $0xFFFFC000  }
0x279: {  	[hbm4b:s1+s2] =	stream.linear.scatter [tilespmem:s9], [sflag:$0x4], $0x4000, $0x38;
	[tilespmem:$0x10800] =	vst v63  }
0x27a: {  	_ =	swait.ge [sflag:s8], $0x4000  }
0x27b: {  	[sflag:s8] =	ssyncset.done $0x0  }
0x27c: {  	[sflag:s8] =	ssyncadd.s32 $0xFFFFC000  }
0x27d: {  	_ =	swait.ge [sflag:s8], $0x4000  }
0x27e: {  	[sflag:s8] =	ssyncset.done $0x0  }
0x27f: {  	[sflag:s8] =	ssyncadd.s32 $0xFFFFC000  }
0x280: {  	[tilespmem:s15], [sflag:$0x1] =	stream.indirect.gather [hbm4b:s3+s11], $0x80, s30, s11, $0xb8;
	[tilespmem:$0x10800] =	vst v63  }
0x281: {  	_ = 	snop  }
0x282: {  	[tilespmem:s13], [sflag:$0x1] =	stream.indirect.gather [hbm4b:s4+s11], $0x80, s30, s11, $0xb8;
	[tilespmem:$0x10800] =	vst v63  }
0x283: {  	_ =	swait.ge [sflag:s14], $0x4000  }
0x284: {  	[sflag:s14] =	ssyncset.done $0x0  }
0x285: {  	s31 =	rddreg [dreg:$0xa];
	[sflag:s14] =	ssyncadd.s32 $0xFFFFC000  }
0x286: {  	[hbm4b:s31+s2] =	stream.linear.scatter [tilespmem:s15], [sflag:$0x2], $0x4000, $0x38;
	[tilespmem:$0x10800] =	vst v63  }
0x287: {  	_ =	swait.ge [sflag:s14], $0x4000  }
0x288: {  	[sflag:s14] =	ssyncset.done $0x0  }
0x289: {  	s1 =	rddreg [dreg:$0xb];
	[sflag:s14] =	ssyncadd.s32 $0xFFFFC000  }
0x28a: {  	[hbm4b:s1+s2] =	stream.linear.scatter [tilespmem:s13], [sflag:$0x2], $0x4000, $0x38;
	[tilespmem:$0x10800] =	vst v63  }
0x28b: {  	_ =	swait.ge [sflag:s6], $0x4000  }
0x28c: {  	[sflag:s6] =	ssyncset.done $0x0  }
0x28d: {  	[sflag:s6] =	ssyncadd.s32 $0xFFFFC000  }
0x28e: {  	_ =	swait.ge [sflag:s6], $0x4000  }
0x28f: {  	[sflag:s6] =	ssyncset.done $0x0  }
0x290: {  	[sflag:s6] =	ssyncadd.s32 $0xFFFFC000  }
0x291: {  	[tilespmem:s12], [sflag:$0x3] =	stream.indirect.gather [hbm4b:s3+s11], $0x80, s29, s11, $0xb8;
	[tilespmem:$0x10800] =	vst v63  }
0x292: {  	_ = 	snop  }
0x293: {  	[tilespmem:s9], [sflag:$0x3] =	stream.indirect.gather [hbm4b:s4+s11], $0x80, s29, s11, $0xb8;
	[tilespmem:$0x10800] =	vst v63  }
0x294: {  	_ =	swait.ge [sflag:s10], $0x4000  }
0x295: {  	[sflag:s10] =	ssyncset.done $0x0  }
0x296: {  	s30 =	rddreg [dreg:$0xc];
	[sflag:s10] =	ssyncadd.s32 $0xFFFFC000  }
0x297: {  	[hbm4b:s30+s2] =	stream.linear.scatter [tilespmem:s12], [sflag:$0x4], $0x4000, $0x38;
	[tilespmem:$0x10800] =	vst v63  }
0x298: {  	_ =	swait.ge [sflag:s10], $0x4000  }
0x299: {  	[sflag:s10] =	ssyncset.done $0x0  }
0x29a: {  	s31 =	rddreg [dreg:$0xd];
	[sflag:s10] =	ssyncadd.s32 $0xFFFFC000  }
0x29b: {  	[hbm4b:s31+s2] =	stream.linear.scatter [tilespmem:s9], [sflag:$0x4], $0x4000, $0x38;
	[tilespmem:$0x10800] =	vst v63  }
0x29c: {  	_ =	swait.ge [sflag:s8], $0x4000  }
0x29d: {  	[sflag:s8] =	ssyncset.done $0x0  }
0x29e: {  	[sflag:s8] =	ssyncadd.s32 $0xFFFFC000  }
0x29f: {  	_ =	swait.ge [sflag:s8], $0x4000  }
0x2a0: {  	[sflag:s8] =	ssyncset.done $0x0  }
0x2a1: {  	[sflag:s8] =	ssyncadd.s32 $0xFFFFC000  }
0x2a2: {  	[tilespmem:s15], [sflag:$0x1] =	stream.indirect.gather [hbm4b:s3+s11], $0x80, s28, s11, $0xb8;
	[tilespmem:$0x10800] =	vst v63  }
0x2a3: {  	_ = 	snop  }
0x2a4: {  	[tilespmem:s13], [sflag:$0x1] =	stream.indirect.gather [hbm4b:s4+s11], $0x80, s28, s11, $0xb8;
	[tilespmem:$0x10800] =	vst v63  }
0x2a5: {  	_ =	swait.ge [sflag:s14], $0x4000  }
0x2a6: {  	[sflag:s14] =	ssyncset.done $0x0  }
0x2a7: {  	s1 =	rddreg [dreg:$0xe];
	[sflag:s14] =	ssyncadd.s32 $0xFFFFC000  }
0x2a8: {  	[hbm4b:s1+s2] =	stream.linear.scatter [tilespmem:s15], [sflag:$0x2], $0x4000, $0x38;
	[tilespmem:$0x10800] =	vst v63  }
0x2a9: {  	_ =	swait.ge [sflag:s14], $0x4000  }
0x2aa: {  	[sflag:s14] =	ssyncset.done $0x0  }
0x2ab: {  	s28 =	rddreg [dreg:$0xf];
	[sflag:s14] =	ssyncadd.s32 $0xFFFFC000  }
0x2ac: {  	[hbm4b:s28+s2] =	stream.linear.scatter [tilespmem:s13], [sflag:$0x2], $0x4000, $0x38;
	[tilespmem:$0x10800] =	vst v63  }
0x2ad: {  	_ =	swait.ge [sflag:s6], $0x4000  }
0x2ae: {  	[sflag:s6] =	ssyncset.done $0x0  }
0x2af: {  	[sflag:s6] =	ssyncadd.s32 $0xFFFFC000  }
0x2b0: {  	_ =	swait.ge [sflag:s6], $0x4000  }
0x2b1: {  	[sflag:s6] =	ssyncset.done $0x0  }
0x2b2: {  	[sflag:s6] =	ssyncadd.s32 $0xFFFFC000  }
0x2b3: {  	[tilespmem:s12], [sflag:$0x3] =	stream.indirect.gather [hbm4b:s3+s11], $0x80, s26, s11, $0xb8;
	[tilespmem:$0x10800] =	vst v63  }
0x2b4: {  	_ = 	snop  }
0x2b5: {  	[tilespmem:s9], [sflag:$0x3] =	stream.indirect.gather [hbm4b:s4+s11], $0x80, s26, s11, $0xb8;
	[tilespmem:$0x10800] =	vst v63  }
0x2b6: {  	_ =	swait.ge [sflag:s10], $0x4000  }
0x2b7: {  	[sflag:s10] =	ssyncset.done $0x0  }
0x2b8: {  	s29 =	rddreg [dreg:$0x10];
	[sflag:s10] =	ssyncadd.s32 $0xFFFFC000  }
0x2b9: {  	[hbm4b:s29+s2] =	stream.linear.scatter [tilespmem:s12], [sflag:$0x4], $0x4000, $0x38;
	[tilespmem:$0x10800] =	vst v63  }
0x2ba: {  	_ =	swait.ge [sflag:s10], $0x4000  }
0x2bb: {  	[sflag:s10] =	ssyncset.done $0x0  }
0x2bc: {  	s30 =	rddreg [dreg:$0x11];
	[sflag:s10] =	ssyncadd.s32 $0xFFFFC000  }
0x2bd: {  	[hbm4b:s30+s2] =	stream.linear.scatter [tilespmem:s9], [sflag:$0x4], $0x4000, $0x38;
	[tilespmem:$0x10800] =	vst v63  }
0x2be: {  	_ =	swait.ge [sflag:s8], $0x4000  }
0x2bf: {  	[sflag:s8] =	ssyncset.done $0x0  }
0x2c0: {  	[sflag:s8] =	ssyncadd.s32 $0xFFFFC000  }
0x2c1: {  	_ =	swait.ge [sflag:s8], $0x4000  }
0x2c2: {  	[sflag:s8] =	ssyncset.done $0x0  }
0x2c3: {  	[sflag:s8] =	ssyncadd.s32 $0xFFFFC000  }
0x2c4: {  	[tilespmem:s15], [sflag:$0x1] =	stream.indirect.gather [hbm4b:s3+s11], $0x80, s25, s11, $0xb8;
	[tilespmem:$0x10800] =	vst v63  }
0x2c5: {  	_ = 	snop  }
0x2c6: {  	[tilespmem:s13], [sflag:$0x1] =	stream.indirect.gather [hbm4b:s4+s11], $0x80, s25, s11, $0xb8;
	[tilespmem:$0x10800] =	vst v63  }
0x2c7: {  	_ =	swait.ge [sflag:s14], $0x4000  }
0x2c8: {  	[sflag:s14] =	ssyncset.done $0x0  }
0x2c9: {  	s31 =	rddreg [dreg:$0x12];
	[sflag:s14] =	ssyncadd.s32 $0xFFFFC000  }
0x2ca: {  	[hbm4b:s31+s2] =	stream.linear.scatter [tilespmem:s15], [sflag:$0x2], $0x4000, $0x38;
	[tilespmem:$0x10800] =	vst v63  }
0x2cb: {  	_ =	swait.ge [sflag:s14], $0x4000  }
0x2cc: {  	[sflag:s14] =	ssyncset.done $0x0  }
0x2cd: {  	s1 =	rddreg [dreg:$0x13];
	[sflag:s14] =	ssyncadd.s32 $0xFFFFC000  }
0x2ce: {  	[hbm4b:s1+s2] =	stream.linear.scatter [tilespmem:s13], [sflag:$0x2], $0x4000, $0x38;
	[tilespmem:$0x10800] =	vst v63  }
0x2cf: {  	_ =	swait.ge [sflag:s6], $0x4000  }
0x2d0: {  	[sflag:s6] =	ssyncset.done $0x0  }
0x2d1: {  	[sflag:s6] =	ssyncadd.s32 $0xFFFFC000  }
0x2d2: {  	_ =	swait.ge [sflag:s6], $0x4000  }
0x2d3: {  	[sflag:s6] =	ssyncset.done $0x0  }
0x2d4: {  	[sflag:s6] =	ssyncadd.s32 $0xFFFFC000  }
0x2d5: {  	[tilespmem:s12], [sflag:$0x3] =	stream.indirect.gather [hbm4b:s3+s11], $0x80, s24, s11, $0xb8;
	[tilespmem:$0x10800] =	vst v63  }
0x2d6: {  	_ = 	snop  }
0x2d7: {  	[tilespmem:s9], [sflag:$0x3] =	stream.indirect.gather [hbm4b:s4+s11], $0x80, s24, s11, $0xb8;
	[tilespmem:$0x10800] =	vst v63  }
0x2d8: {  	_ =	swait.ge [sflag:s10], $0x4000  }
0x2d9: {  	[sflag:s10] =	ssyncset.done $0x0  }
0x2da: {  	s25 =	rddreg [dreg:$0x14];
	[sflag:s10] =	ssyncadd.s32 $0xFFFFC000  }
0x2db: {  	[hbm4b:s25+s2] =	stream.linear.scatter [tilespmem:s12], [sflag:$0x4], $0x4000, $0x38;
	[tilespmem:$0x10800] =	vst v63  }
0x2dc: {  	_ =	swait.ge [sflag:s10], $0x4000  }
0x2dd: {  	[sflag:s10] =	ssyncset.done $0x0  }
0x2de: {  	s26 =	rddreg [dreg:$0x15];
	[sflag:s10] =	ssyncadd.s32 $0xFFFFC000  }
0x2df: {  	[hbm4b:s26+s2] =	stream.linear.scatter [tilespmem:s9], [sflag:$0x4], $0x4000, $0x38;
	[tilespmem:$0x10800] =	vst v63  }
0x2e0: {  	_ =	swait.ge [sflag:s8], $0x4000  }
0x2e1: {  	[sflag:s8] =	ssyncset.done $0x0  }
0x2e2: {  	[sflag:s8] =	ssyncadd.s32 $0xFFFFC000  }
0x2e3: {  	_ =	swait.ge [sflag:s8], $0x4000  }
0x2e4: {  	[sflag:s8] =	ssyncset.done $0x0  }
0x2e5: {  	[sflag:s8] =	ssyncadd.s32 $0xFFFFC000  }
0x2e6: {  	[tilespmem:s15], [sflag:$0x1] =	stream.indirect.gather [hbm4b:s3+s11], $0x80, s23, s11, $0xb8;
	[tilespmem:$0x10800] =	vst v63  }
0x2e7: {  	_ = 	snop  }
0x2e8: {  	[tilespmem:s13], [sflag:$0x1] =	stream.indirect.gather [hbm4b:s4+s11], $0x80, s23, s11, $0xb8;
	[tilespmem:$0x10800] =	vst v63  }
0x2e9: {  	_ =	swait.ge [sflag:s14], $0x4000  }
0x2ea: {  	[sflag:s14] =	ssyncset.done $0x0  }
0x2eb: {  	s28 =	rddreg [dreg:$0x16];
	[sflag:s14] =	ssyncadd.s32 $0xFFFFC000  }
0x2ec: {  	[hbm4b:s28+s2] =	stream.linear.scatter [tilespmem:s15], [sflag:$0x2], $0x4000, $0x38;
	[tilespmem:$0x10800] =	vst v63  }
0x2ed: {  	_ =	swait.ge [sflag:s14], $0x4000  }
0x2ee: {  	[sflag:s14] =	ssyncset.done $0x0  }
0x2ef: {  	s29 =	rddreg [dreg:$0x17];
	[sflag:s14] =	ssyncadd.s32 $0xFFFFC000  }
0x2f0: {  	[hbm4b:s29+s2] =	stream.linear.scatter [tilespmem:s13], [sflag:$0x2], $0x4000, $0x38;
	[tilespmem:$0x10800] =	vst v63  }
0x2f1: {  	_ =	swait.ge [sflag:s6], $0x4000  }
0x2f2: {  	[sflag:s6] =	ssyncset.done $0x0  }
0x2f3: {  	[sflag:s6] =	ssyncadd.s32 $0xFFFFC000  }
0x2f4: {  	_ =	swait.ge [sflag:s6], $0x4000  }
0x2f5: {  	[sflag:s6] =	ssyncset.done $0x0  }
0x2f6: {  	[sflag:s6] =	ssyncadd.s32 $0xFFFFC000  }
0x2f7: {  	[tilespmem:s12], [sflag:$0x3] =	stream.indirect.gather [hbm4b:s3+s11], $0x80, s22, s11, $0xb8;
	[tilespmem:$0x10800] =	vst v63  }
0x2f8: {  	_ = 	snop  }
0x2f9: {  	[tilespmem:s9], [sflag:$0x3] =	stream.indirect.gather [hbm4b:s4+s11], $0x80, s22, s11, $0xb8;
	[tilespmem:$0x10800] =	vst v63  }
0x2fa: {  	_ =	swait.ge [sflag:s10], $0x4000  }
0x2fb: {  	[sflag:s10] =	ssyncset.done $0x0  }
0x2fc: {  	s30 =	rddreg [dreg:$0x18];
	[sflag:s10] =	ssyncadd.s32 $0xFFFFC000  }
0x2fd: {  	[hbm4b:s30+s2] =	stream.linear.scatter [tilespmem:s12], [sflag:$0x4], $0x4000, $0x38;
	[tilespmem:$0x10800] =	vst v63  }
0x2fe: {  	_ =	swait.ge [sflag:s10], $0x4000  }
0x2ff: {  	[sflag:s10] =	ssyncset.done $0x0  }
0x300: {  	s31 =	rddreg [dreg:$0x19];
	[sflag:s10] =	ssyncadd.s32 $0xFFFFC000  }
0x301: {  	[hbm4b:s31+s2] =	stream.linear.scatter [tilespmem:s9], [sflag:$0x4], $0x4000, $0x38;
	[tilespmem:$0x10800] =	vst v63  }
0x302: {  	_ =	swait.ge [sflag:s8], $0x4000  }
0x303: {  	[sflag:s8] =	ssyncset.done $0x0  }
0x304: {  	[sflag:s8] =	ssyncadd.s32 $0xFFFFC000  }
0x305: {  	_ =	swait.ge [sflag:s8], $0x4000  }
0x306: {  	[sflag:s8] =	ssyncset.done $0x0  }
0x307: {  	[sflag:s8] =	ssyncadd.s32 $0xFFFFC000  }
0x308: {  	[tilespmem:s15], [sflag:$0x1] =	stream.indirect.gather [hbm4b:s3+s11], $0x80, s21, s11, $0xb8;
	[tilespmem:$0x10800] =	vst v63  }
0x309: {  	_ = 	snop  }
0x30a: {  	[tilespmem:s13], [sflag:$0x1] =	stream.indirect.gather [hbm4b:s4+s11], $0x80, s21, s11, $0xb8;
	[tilespmem:$0x10800] =	vst v63  }
0x30b: {  	_ =	swait.ge [sflag:s14], $0x4000  }
0x30c: {  	[sflag:s14] =	ssyncset.done $0x0  }
0x30d: {  	s1 =	rddreg [dreg:$0x1a];
	[sflag:s14] =	ssyncadd.s32 $0xFFFFC000  }
0x30e: {  	[hbm4b:s1+s2] =	stream.linear.scatter [tilespmem:s15], [sflag:$0x2], $0x4000, $0x38;
	[tilespmem:$0x10800] =	vst v63  }
0x30f: {  	_ =	swait.ge [sflag:s14], $0x4000  }
0x310: {  	[sflag:s14] =	ssyncset.done $0x0  }
0x311: {  	s21 =	rddreg [dreg:$0x1b];
	[sflag:s14] =	ssyncadd.s32 $0xFFFFC000  }
0x312: {  	[hbm4b:s21+s2] =	stream.linear.scatter [tilespmem:s13], [sflag:$0x2], $0x4000, $0x38;
	[tilespmem:$0x10800] =	vst v63  }
0x313: {  	_ =	swait.ge [sflag:s6], $0x4000  }
0x314: {  	[sflag:s6] =	ssyncset.done $0x0  }
0x315: {  	[sflag:s6] =	ssyncadd.s32 $0xFFFFC000  }
0x316: {  	_ =	swait.ge [sflag:s6], $0x4000  }
0x317: {  	[sflag:s6] =	ssyncset.done $0x0  }
0x318: {  	[sflag:s6] =	ssyncadd.s32 $0xFFFFC000  }
0x319: {  	[tilespmem:s12], [sflag:$0x3] =	stream.indirect.gather [hbm4b:s3+s11], $0x80, s20, s11, $0xb8;
	[tilespmem:$0x10800] =	vst v63  }
0x31a: {  	_ = 	snop  }
0x31b: {  	[tilespmem:s9], [sflag:$0x3] =	stream.indirect.gather [hbm4b:s4+s11], $0x80, s20, s11, $0xb8;
	[tilespmem:$0x10800] =	vst v63  }
0x31c: {  	_ =	swait.ge [sflag:s10], $0x4000  }
0x31d: {  	[sflag:s10] =	ssyncset.done $0x0  }
0x31e: {  	s22 =	rddreg [dreg:$0x1c];
	[sflag:s10] =	ssyncadd.s32 $0xFFFFC000  }
0x31f: {  	[hbm4b:s22+s2] =	stream.linear.scatter [tilespmem:s12], [sflag:$0x4], $0x4000, $0x38;
	[tilespmem:$0x10800] =	vst v63  }
0x320: {  	_ =	swait.ge [sflag:s10], $0x4000  }
0x321: {  	[sflag:s10] =	ssyncset.done $0x0  }
0x322: {  	s23 =	rddreg [dreg:$0x1d];
	[sflag:s10] =	ssyncadd.s32 $0xFFFFC000  }
0x323: {  	[hbm4b:s23+s2] =	stream.linear.scatter [tilespmem:s9], [sflag:$0x4], $0x4000, $0x38;
	[tilespmem:$0x10800] =	vst v63  }
0x324: {  	_ =	swait.ge [sflag:s8], $0x4000  }
0x325: {  	[sflag:s8] =	ssyncset.done $0x0  }
0x326: {  	[sflag:s8] =	ssyncadd.s32 $0xFFFFC000  }
0x327: {  	_ =	swait.ge [sflag:s8], $0x4000  }
0x328: {  	[sflag:s8] =	ssyncset.done $0x0  }
0x329: {  	[sflag:s8] =	ssyncadd.s32 $0xFFFFC000  }
0x32a: {  	[tilespmem:s15], [sflag:$0x1] =	stream.indirect.gather [hbm4b:s3+s11], $0x80, s19, s11, $0xb8;
	[tilespmem:$0x10800] =	vst v63  }
0x32b: {  	_ = 	snop  }
0x32c: {  	[tilespmem:s13], [sflag:$0x1] =	stream.indirect.gather [hbm4b:s4+s11], $0x80, s19, s11, $0xb8;
	[tilespmem:$0x10800] =	vst v63  }
0x32d: {  	_ =	swait.ge [sflag:s14], $0x4000  }
0x32e: {  	[sflag:s14] =	ssyncset.done $0x0  }
0x32f: {  	s24 =	rddreg [dreg:$0x1e];
	[sflag:s14] =	ssyncadd.s32 $0xFFFFC000  }
0x330: {  	[hbm4b:s24+s2] =	stream.linear.scatter [tilespmem:s15], [sflag:$0x2], $0x4000, $0x38;
	[tilespmem:$0x10800] =	vst v63  }
0x331: {  	_ =	swait.ge [sflag:s14], $0x4000  }
0x332: {  	[sflag:s14] =	ssyncset.done $0x0  }
0x333: {  	s25 =	rddreg [dreg:$0x1f];
	[sflag:s14] =	ssyncadd.s32 $0xFFFFC000  }
0x334: {  	[hbm4b:s25+s2] =	stream.linear.scatter [tilespmem:s13], [sflag:$0x2], $0x4000, $0x38;
	[tilespmem:$0x10800] =	vst v63  }
0x335: {  	_ =	swait.ge [sflag:s6], $0x4000  }
0x336: {  	[sflag:s6] =	ssyncset.done $0x0  }
0x337: {  	[sflag:s6] =	ssyncadd.s32 $0xFFFFC000  }
0x338: {  	_ =	swait.ge [sflag:s6], $0x4000  }
0x339: {  	[sflag:s6] =	ssyncset.done $0x0  }
0x33a: {  	[sflag:s6] =	ssyncadd.s32 $0xFFFFC000  }
0x33b: {  	[tilespmem:s12], [sflag:$0x3] =	stream.indirect.gather [hbm4b:s3+s11], $0x80, s18, s11, $0xb8;
	[tilespmem:$0x10800] =	vst v63  }
0x33c: {  	_ = 	snop  }
0x33d: {  	[tilespmem:s9], [sflag:$0x3] =	stream.indirect.gather [hbm4b:s4+s11], $0x80, s18, s11, $0xb8;
	[tilespmem:$0x10800] =	vst v63  }
0x33e: {  	_ =	swait.ge [sflag:s10], $0x4000  }
0x33f: {  	s26 =	sld [smem:$0x7FA]  }
0x340: {  	[sflag:s10] =	ssyncset.done $0x0  }
0x341: {  	[sflag:s10] =	ssyncadd.s32 $0xFFFFC000  }
0x342: {  	[hbm4b:s26+s2] =	stream.linear.scatter [tilespmem:s12], [sflag:$0x4], $0x4000, $0x38;
	[tilespmem:$0x10800] =	vst v63  }
0x343: {  	_ =	swait.ge [sflag:s10], $0x4000  }
0x344: {  	s28 =	sld [smem:$0x7FB]  }
0x345: {  	[sflag:s10] =	ssyncset.done $0x0  }
0x346: {  	[sflag:s10] =	ssyncadd.s32 $0xFFFFC000  }
0x347: {  	[hbm4b:s28+s2] =	stream.linear.scatter [tilespmem:s9], [sflag:$0x4], $0x4000, $0x38;
	[tilespmem:$0x10800] =	vst v63  }
0x348: {  	_ =	swait.ge [sflag:s8], $0x4000  }
0x349: {  	[sflag:s8] =	ssyncset.done $0x0  }
0x34a: {  	[sflag:s8] =	ssyncadd.s32 $0xFFFFC000  }
0x34b: {  	_ =	swait.ge [sflag:s8], $0x4000  }
0x34c: {  	[sflag:s8] =	ssyncset.done $0x0  }
0x34d: {  	[sflag:s8] =	ssyncadd.s32 $0xFFFFC000  }
0x34e: {  	[tilespmem:s15], [sflag:$0x1] =	stream.indirect.gather [hbm4b:s3+s11], $0x80, s17, s11, $0xb8;
	[tilespmem:$0x10800] =	vst v63  }
0x34f: {  	_ = 	snop  }
0x350: {  	[tilespmem:s13], [sflag:$0x1] =	stream.indirect.gather [hbm4b:s4+s11], $0x80, s17, s11, $0xb8;
	[tilespmem:$0x10800] =	vst v63  }
0x351: {  	_ =	swait.ge [sflag:s14], $0x4000  }
0x352: {  	s29 =	sld [smem:$0x7FC]  }
0x353: {  	[sflag:s14] =	ssyncset.done $0x0  }
0x354: {  	[sflag:s14] =	ssyncadd.s32 $0xFFFFC000  }
0x355: {  	[hbm4b:s29+s2] =	stream.linear.scatter [tilespmem:s15], [sflag:$0x2], $0x4000, $0x38;
	[tilespmem:$0x10800] =	vst v63  }
0x356: {  	_ =	swait.ge [sflag:s14], $0x4000  }
0x357: {  	s30 =	sld [smem:$0x7FD]  }
0x358: {  	[sflag:s14] =	ssyncset.done $0x0  }
0x359: {  	[sflag:s14] =	ssyncadd.s32 $0xFFFFC000  }
0x35a: {  	[hbm4b:s30+s2] =	stream.linear.scatter [tilespmem:s13], [sflag:$0x2], $0x4000, $0x38;
	[tilespmem:$0x10800] =	vst v63  }
0x35b: {  	_ =	swait.ge [sflag:s6], $0x4000  }
0x35c: {  	[sflag:s6] =	ssyncset.done $0x0  }
0x35d: {  	[sflag:s6] =	ssyncadd.s32 $0xFFFFC000  }
0x35e: {  	_ =	swait.ge [sflag:s6], $0x4000  }
0x35f: {  	[sflag:s6] =	ssyncset.done $0x0  }
0x360: {  	[sflag:s6] =	ssyncadd.s32 $0xFFFFC000  }
0x361: {  	[tilespmem:s12], [sflag:$0x3] =	stream.indirect.gather [hbm4b:s3+s11], $0x80, s16, s11, $0xb8;
	[tilespmem:$0x10800] =	vst v63  }
0x362: {  	_ = 	snop  }
0x363: {  	[tilespmem:s9], [sflag:$0x3] =	stream.indirect.gather [hbm4b:s4+s11], $0x80, s16, s11, $0xb8;
	[tilespmem:$0x10800] =	vst v63  }
0x364: {  	_ =	swait.ge [sflag:s10], $0x4000  }
0x365: {  	[sflag:s10] =	ssyncset.done $0x0  }
0x366: {  	[sflag:s10] =	ssyncadd.s32 $0xFFFFC000  }
0x367: {  	[hbm4b:s7+s2] =	stream.linear.scatter [tilespmem:s12], [sflag:$0x4], $0x4000, $0x38;
	[tilespmem:$0x10800] =	vst v63  }
0x368: {  	_ =	swait.ge [sflag:s10], $0x4000  }
0x369: {  	[sflag:s10] =	ssyncset.done $0x0  }
0x36a: {  	[sflag:s10] =	ssyncadd.s32 $0xFFFFC000  }
0x36b: {  	[hbm4b:s5+s2] =	stream.linear.scatter [tilespmem:s9], [sflag:$0x4], $0x4000, $0x38;
	[tilespmem:$0x10800] =	vst v63  }
0x36c: {  	_ =	swait.ge [sflag:s8], $0x4000  }
0x36d: {  	[sflag:s8] =	ssyncset.done $0x0  }
0x36e: {  	[sflag:s8] =	ssyncadd.s32 $0xFFFFC000  }
0x36f: {  	_ =	swait.ge [sflag:s8], $0x4000  }
0x370: {  	[sflag:s8] =	ssyncset.done $0x0  }
0x371: {  	[sflag:s8] =	ssyncadd.s32 $0xFFFFC000  }
0x372: {  	_ =	swait.ge [sflag:s6], $0x4000  }
0x373: {  	[sflag:s6] =	ssyncset.done $0x0  }
0x374: {  	[sflag:s6] =	ssyncadd.s32 $0xFFFFC000  }
0x375: {  	_ =	swait.ge [sflag:s6], $0x4000  }
0x376: {  	[sflag:s6] =	ssyncset.done $0x0  }
0x377: {  	[sflag:s6] =	ssyncadd.s32 $0xFFFFC000  }
0x378: {  	_ =	sfence.sel $0x180000  }
0x379: {  	[bflag:$0x0] =	sbarrier.arrive $0xFFFF  }
0x37a: {  	_ =	strace $0x90000047  }
0x37b: {  	s31 =	stileid.u32;
	[bflag:$0x2] =	sbarrier.arrive $0xFFFF  }
0x37c: {  	p0 =	sne.s32 s31, $0x0;
	s0 =	rddreg [dreg:$0x4]  }
0x37d: {  	s0 =	sadd.s32 @!p0 $0x100000, s0  }
0x37e: {  	[sflag:s0] =	ssyncadd.tile.s32 @!p0 $0x1;
	_ =	shalt  }
.Lfunc_end2:
_tile_overlayer_lowered:
.L_overlay_start_2:
0x37f: {  	(tag) =	ssettag $0x2  }
0x380: {  	s0 =	rddreg [dreg:$0x0];
	s2 =	stileid.u32  }
0x381: {  	s1 =	rddreg [dreg:$0x1];
	p0 =	sne.s32 s2, $0x0  }
0x382: {  	s3 =	rddreg [dreg:$0x2];
	[bflag:$0x3] =	sbarrier.arrive $0xFFFF;
	s2 =	simm.s32 @!p0 $0x1C05  }
0x383: {  	[timem:s3], [sflag:s2] =	dma.local @!p0 [hbm:s0], s1  }
0x384: {  	s0 =	simm.s32 @!p0 $0x5  }
0x385: {  	_ =	swait.ge @!p0 [sflag:s0], s1  }
0x386: {  	s1 =	ssub.s32 @!p0 $0x0, s1;
	[sflag:s0] =	ssyncset.done @!p0 $0x0  }
0x387: {  	[sflag:s0] =	ssyncadd.s32 @!p0 s1  }
0x388: {  	[bflag:$0x3] =	sbarrier.arrive $0xFFFF  }
0x389: {  	_ =	shalt  }

</sc_bundles>
